<compile_context>
chip_gen: v7x
topology: tpu7x:2x2x1
jax: 0.10.2.dev20260603
libtpu: 0.0.44.dev20260713+nightly
codegen_flags: <defaults>
</compile_context>

<pallas_src>
import functools

import jax
import jax.numpy as jnp
from jax import lax
from jax.experimental import pallas as pl
from jax.experimental.pallas import tpu as pltpu
from jax.experimental.pallas import tpu_sc as plsc

EMBED_D = 64
SLAB_B = 128
SCH = 4


def _sc_gather(idx_t, table_flat):
    n_seq, n_batch = idx_t.shape
    n_table = table_flat.shape[0]
    info = plsc.get_sparse_core_info()
    nc, ns = info.num_cores, info.num_subcores
    nw = nc * ns
    slabs_per_w = n_batch // SLAB_B // nw
    n_chunks = n_seq // SCH
    n_pairs = n_chunks // 2

    mesh = plsc.VectorSubcoreMesh(core_axis_name="c", subcore_axis_name="s")

    @functools.partial(
        pl.kernel,
        mesh=mesh,
        out_type=jax.ShapeDtypeStruct((n_seq, EMBED_D, n_batch), jnp.float32),
        scratch_types=[
            pltpu.VMEM((n_table,), jnp.float32),
            pltpu.VMEM((n_seq, SLAB_B), jnp.int32),
            pltpu.VMEM((SCH, EMBED_D, SLAB_B), jnp.float32),
            pltpu.VMEM((SCH, EMBED_D, SLAB_B), jnp.float32),
            pltpu.SemaphoreType.DMA,
            pltpu.SemaphoreType.DMA,
        ],
        compiler_params=pltpu.CompilerParams(
            use_tc_tiling_on_sc=True,
            needs_layout_passes=False,
            disable_bounds_checks=True,
        ),
    )
    def k(table_hbm, idx_hbm, out_hbm, table_v, idx_sl, rows_v0, rows_v1, sem0, sem1):
        pltpu.sync_copy(table_hbm, table_v)
        wid = lax.axis_index("s") * nc + lax.axis_index("c")
        lane = lax.iota(jnp.int32, 16)

        def process(g, s0, bg, slot_rows, sem):
            @pl.when(g >= 2)
            def _():
                pltpu.make_async_copy(
                    slot_rows,
                    out_hbm.at[pl.ds(0, SCH), :, pl.ds(0, SLAB_B)],
                    sem,
                ).wait()

            @plsc.parallel_loop(0, SCH * (SLAB_B // 16), unroll=4)
            def group(t):
                s_l = t // (SLAB_B // 16)
                b0 = (t % (SLAB_B // 16)) * 16
                b_vec = b0 + lane
                r_vec = idx_sl[s0 + s_l, pl.ds(b0, 16)]
                src_base = r_vec * EMBED_D
                sl_vec = jnp.full((16,), s_l, jnp.int32)
                for j in range(EMBED_D):
                    c = lane ^ j
                    w = plsc.load_gather(table_v, [src_base + c])
                    plsc.store_scatter(slot_rows, [sl_vec, c, b_vec], w)

            pltpu.async_copy(
                slot_rows,
                out_hbm.at[pl.ds(s0, SCH), :, pl.ds(bg, SLAB_B)],
                sem,
            )

        def slab_body(kslab, carry):
            bg = (wid * slabs_per_w + kslab) * SLAB_B
            pltpu.sync_copy(idx_hbm.at[:, pl.ds(bg, SLAB_B)], idx_sl)

            def pair(p, c2):
                g = kslab * n_chunks + 2 * p
                process(g, (2 * p) * SCH, bg, rows_v0, sem0)
                process(g + 1, (2 * p + 1) * SCH, bg, rows_v1, sem1)
                return c2

            lax.fori_loop(0, n_pairs, pair, 0)
            return carry

        lax.fori_loop(0, slabs_per_w, slab_body, 0)

        pltpu.make_async_copy(
            rows_v0, out_hbm.at[pl.ds(0, SCH), :, pl.ds(0, SLAB_B)], sem0
        ).wait()
        pltpu.make_async_copy(
            rows_v1, out_hbm.at[pl.ds(0, SCH), :, pl.ds(0, SLAB_B)], sem1
        ).wait()

    return k(table_flat, idx_t)


def kernel(time_idx, table):
    out_t = _sc_gather(time_idx.T, table.reshape(-1))
    return jnp.transpose(out_t, (2, 0, 1))

# --- scband reference (transcript-rebuilt; emitter-appended) ---
"""Pipeline reference for scband-time-embeddings-66099546685523 (READ-ONLY COPY).

The authoritative reference and input builder live on the scoring server;
editing this copy changes nothing except your own understanding.
"""

import jax, jax.numpy as jnp
import numpy as np

EMBED_DIM = 64
NUM_EMB = 24 * 7

def setup_inputs(seed: int = 0) -> dict:
    key = jax.random.key(seed)
    k1, k2 = jax.random.split(key)
    time_idx = jax.random.randint(k1, (16384, 200), 0, NUM_EMB, dtype=jnp.int64 if jax.config.jax_enable_x64 else jnp.int32).astype(jnp.int32)
    table = jax.random.normal(k2, (NUM_EMB, EMBED_DIM), dtype=jnp.float32)
    return {"time_idx": time_idx, "table": table}

def reference(time_idx, table):
    # nn.Embedding forward: row gather from the embedding table
    return jnp.take(table, time_idx, axis=0)

if __name__ == "__main__":
    import jax
    _d = setup_inputs()
    print(jax.jit(kernel)(*tuple(_d.values())))

</pallas_src>

<mosaic_0001>
#map = affine_map<(d0, d1) -> (0)>
#map1 = affine_map<(d0, d1) -> (0, 0)>
#map2 = affine_map<(d0, d1) -> (0, 0, 0)>
module attributes {stable_mosaic.version = 14 : i64} {
  func.func @k(%arg0: i32, %arg1: i32, %arg2: memref<10752xf32, #tpu.memory_space<hbm>>, %arg3: memref<200x16384xi32, #tpu.memory_space<hbm>>, %arg4: memref<200x64x16384xf32, #tpu.memory_space<hbm>>, %arg5: memref<10752xf32, #tpu.memory_space<vmem>>, %arg6: memref<200x128xi32, #tpu.memory_space<vmem>>, %arg7: memref<4x64x128xf32, #tpu.memory_space<vmem>>, %arg8: memref<4x64x128xf32, #tpu.memory_space<vmem>>, %arg9: memref<!tpu.dma_semaphore, #tpu.memory_space<semaphore_mem>>, %arg10: memref<!tpu.dma_semaphore, #tpu.memory_space<semaphore_mem>>) attributes {dimension_semantics = [#tpu.dimension_semantics<core_parallel>, #tpu.dimension_semantics<subcore_parallel>], iteration_bounds = array<i64: 2, 16>, scalar_prefetch = 0 : i64, scratch_operands = 6 : i64, tpu.core_type = #tpu.core_type<sc_vector_subcore>, window_params = [{transform_indices = #map}, {transform_indices = #map1}, {transform_indices = #map2}]} {
    "tpu.region"() ({
      %run_scoped3A = tpu.sem_alloc : memref<!tpu.dma_semaphore, #tpu.memory_space<semaphore_mem>>
      tpu.enqueue_dma source(%arg2 : memref<10752xf32, #tpu.memory_space<hbm>>) target(%arg5 : memref<10752xf32, #tpu.memory_space<vmem>>) target_semaphore(%run_scoped3A : memref<!tpu.dma_semaphore, #tpu.memory_space<semaphore_mem>>)
      tpu.wait_dma2 semaphore(%run_scoped3A : memref<!tpu.dma_semaphore, #tpu.memory_space<semaphore_mem>>) src(%arg2 : memref<10752xf32, #tpu.memory_space<hbm>>) dst(%arg5 : memref<10752xf32, #tpu.memory_space<vmem>>)
      tpu.yield
    }) : () -> ()
    %mul3A = arith.constant 2 : i32
    %mul3A_0 = arith.muli %arg1, %mul3A : i32
    %add3A = arith.addi %mul3A_0, %arg0 : i32
    %iota3A = tpu.iota {dimensions = array<i32: 0>} : vector<16xi32>
    %scan3A = arith.constant 0 : i32
    %scan3A_1 = arith.constant 0 : i32
    %scan3A_2 = arith.constant 4 : i32
    %scan3A_3 = arith.addi %scan3A_1, %scan3A_2 : i32
    %scan3A_4 = arith.constant 1 : i32
    scf.for %scan3A_21 = %scan3A_1 to %scan3A_3 step %scan3A_4  : i32 {
      %mul3A_22 = arith.constant 4 : i32
      %mul3A_23 = arith.muli %add3A, %mul3A_22 : i32
      %add3A_24 = arith.addi %mul3A_23, %scan3A_21 : i32
      %mul3A_25 = arith.constant 128 : i32
      %mul3A_26 = arith.muli %add3A_24, %mul3A_25 : i32
      "tpu.region"() ({
        %run_scoped3A = tpu.sem_alloc : memref<!tpu.dma_semaphore, #tpu.memory_space<semaphore_mem>>
        %dma_start3A = arith.constant 0 : i32
        %dma_start3A_33 = tpu.memref_slice %arg3[%dma_start3A, %mul3A_26] : memref<200x16384xi32, #tpu.memory_space<hbm>> -> memref<200x128xi32, #tpu.memory_space<hbm>>
        %dma_start3A_34 = arith.constant 0 : i32
        %dma_start3A_35 = tpu.memref_slice %arg3[%dma_start3A_34, %mul3A_26] : memref<200x16384xi32, #tpu.memory_space<hbm>> -> memref<200x128xi32, #tpu.memory_space<hbm>>
        tpu.enqueue_dma source(%dma_start3A_35 : memref<200x128xi32, #tpu.memory_space<hbm>>) target(%arg6 : memref<200x128xi32, #tpu.memory_space<vmem>>) target_semaphore(%run_scoped3A : memref<!tpu.dma_semaphore, #tpu.memory_space<semaphore_mem>>)
        %dma_wait3A_36 = arith.constant 0 : i32
        %dma_wait3A_37 = tpu.memref_slice %arg3[%dma_wait3A_36, %mul3A_26] : memref<200x16384xi32, #tpu.memory_space<hbm>> -> memref<200x128xi32, #tpu.memory_space<hbm>>
        %dma_wait3A_38 = arith.constant 0 : i32
        %dma_wait3A_39 = tpu.memref_slice %arg3[%dma_wait3A_38, %mul3A_26] : memref<200x16384xi32, #tpu.memory_space<hbm>> -> memref<200x128xi32, #tpu.memory_space<hbm>>
        tpu.wait_dma2 semaphore(%run_scoped3A : memref<!tpu.dma_semaphore, #tpu.memory_space<semaphore_mem>>) src(%dma_wait3A_39 : memref<200x128xi32, #tpu.memory_space<hbm>>) dst(%arg6 : memref<200x128xi32, #tpu.memory_space<vmem>>)
        tpu.yield
      }) : () -> ()
      %scan3A_27 = arith.constant 0 : i32
      %scan3A_28 = arith.constant 0 : i32
      %scan3A_29 = arith.constant 25 : i32
      %scan3A_30 = arith.addi %scan3A_28, %scan3A_29 : i32
      %scan3A_31 = arith.constant 1 : i32
      scf.for %scan3A_33 = %scan3A_28 to %scan3A_30 step %scan3A_31  : i32 {
        %mul3A_34 = arith.constant 50 : i32
        %mul3A_35 = arith.muli %scan3A_21, %mul3A_34 : i32
        %mul3A_36 = arith.constant 2 : i32
        %mul3A_37 = arith.muli %mul3A_36, %scan3A_33 : i32
        %add3A_38 = arith.addi %mul3A_35, %mul3A_37 : i32
        %mul3A_39 = arith.constant 2 : i32
        %mul3A_40 = arith.muli %mul3A_39, %scan3A_33 : i32
        %mul3A_41 = arith.constant 4 : i32
        %mul3A_42 = arith.muli %mul3A_40, %mul3A_41 : i32
        %ge3A = arith.constant 2 : i32
        %ge3A_43 = arith.cmpi sge, %add3A_38, %ge3A : i32
        %convert_element_type3A = arith.extui %ge3A_43 : i1 to i32
        %cond3A = arith.constant 0 : i32
        %cond3A_44 = arith.cmpi ne, %convert_element_type3A, %cond3A : i32
        scf.if %cond3A_44 {
          %dma_wait3A_70 = arith.constant 0 : i32
          %dma_wait3A_71 = arith.constant 0 : i32
          %dma_wait3A_72 = arith.constant 0 : i32
          %dma_wait3A_73 = tpu.memref_slice %arg4[%dma_wait3A_70, %dma_wait3A_71, %dma_wait3A_72] : memref<200x64x16384xf32, #tpu.memory_space<hbm>> -> memref<4x64x128xf32, #tpu.memory_space<hbm>>
          %dma_wait3A_74 = arith.constant 0 : i32
          %dma_wait3A_75 = arith.constant 0 : i32
          %dma_wait3A_76 = arith.constant 0 : i32
          %dma_wait3A_77 = tpu.memref_slice %arg4[%dma_wait3A_74, %dma_wait3A_75, %dma_wait3A_76] : memref<200x64x16384xf32, #tpu.memory_space<hbm>> -> memref<4x64x128xf32, #tpu.memory_space<hbm>>
          tpu.wait_dma2 semaphore(%arg9 : memref<!tpu.dma_semaphore, #tpu.memory_space<semaphore_mem>>) src(%arg7 : memref<4x64x128xf32, #tpu.memory_space<vmem>>) dst(%dma_wait3A_77 : memref<4x64x128xf32, #tpu.memory_space<hbm>>)
        } else {
        }
        %parallel_loop3A = arith.constant 0 : i32
        %parallel_loop3A_45 = arith.constant 32 : i32
        %parallel_loop3A_46 = arith.constant 1 : i32
        scf.for %parallel_loop3A_70 = %parallel_loop3A to %parallel_loop3A_45 step %parallel_loop3A_46  : i32 {
          %parallel_loop3A_71 = arith.constant 8 : i32
          %parallel_loop3A_72 = arith.divsi %parallel_loop3A_70, %parallel_loop3A_71 : i32
          %parallel_loop3A_73 = arith.constant 0 : i32
          %parallel_loop3A_74 = arith.cmpi sgt, %parallel_loop3A_70, %parallel_loop3A_73 : i32
          %parallel_loop3A_75 = arith.extui %parallel_loop3A_74 : i1 to i32
          %parallel_loop3A_76 = arith.constant 0 : i32
          %parallel_loop3A_77 = arith.cmpi slt, %parallel_loop3A_70, %parallel_loop3A_76 : i32
          %parallel_loop3A_78 = arith.extui %parallel_loop3A_77 : i1 to i32
          %parallel_loop3A_79 = arith.subi %parallel_loop3A_75, %parallel_loop3A_78 : i32
          %parallel_loop3A_80 = arith.constant 0 : i32
          %parallel_loop3A_81 = arith.cmpi sgt, %parallel_loop3A_71, %parallel_loop3A_80 : i32
          %parallel_loop3A_82 = arith.extui %parallel_loop3A_81 : i1 to i32
          %parallel_loop3A_83 = arith.constant 0 : i32
          %parallel_loop3A_84 = arith.cmpi slt, %parallel_loop3A_71, %parallel_loop3A_83 : i32
          %parallel_loop3A_85 = arith.extui %parallel_loop3A_84 : i1 to i32
          %parallel_loop3A_86 = arith.subi %parallel_loop3A_82, %parallel_loop3A_85 : i32
          %parallel_loop3A_87 = arith.cmpi ne, %parallel_loop3A_79, %parallel_loop3A_86 : i32
          %parallel_loop3A_88 = arith.remsi %parallel_loop3A_70, %parallel_loop3A_71 : i32
          %parallel_loop3A_89 = arith.constant 0 : i32
          %parallel_loop3A_90 = arith.cmpi ne, %parallel_loop3A_88, %parallel_loop3A_89 : i32
          %parallel_loop3A_91 = arith.andi %parallel_loop3A_87, %parallel_loop3A_90 : i1
          %parallel_loop3A_92 = arith.constant 1 : i32
          %parallel_loop3A_93 = arith.subi %parallel_loop3A_72, %parallel_loop3A_92 : i32
          %parallel_loop3A_94 = arith.select %parallel_loop3A_91, %parallel_loop3A_93, %parallel_loop3A_72 : i32
          %parallel_loop3A_95 = arith.constant 8 : i32
          %parallel_loop3A_96 = arith.constant 0 : i32
          %parallel_loop3A_97 = arith.cmpi eq, %parallel_loop3A_95, %parallel_loop3A_96 : i32
          %parallel_loop3A_98 = arith.constant 1 : i32
          %parallel_loop3A_99 = arith.select %parallel_loop3A_97, %parallel_loop3A_98, %parallel_loop3A_95 : i32
          %parallel_loop3A_100 = arith.remsi %parallel_loop3A_70, %parallel_loop3A_99 : i32
          %parallel_loop3A_101 = arith.constant 0 : i32
          %parallel_loop3A_102 = arith.cmpi ne, %parallel_loop3A_100, %parallel_loop3A_101 : i32
          %parallel_loop3A_103 = arith.constant 0 : i32
          %parallel_loop3A_104 = arith.cmpi slt, %parallel_loop3A_100, %parallel_loop3A_103 : i32
          %parallel_loop3A_105 = arith.constant 0 : i32
          %parallel_loop3A_106 = arith.cmpi slt, %parallel_loop3A_99, %parallel_loop3A_105 : i32
          %parallel_loop3A_107 = arith.xori %parallel_loop3A_104, %parallel_loop3A_106 : i1
          %parallel_loop3A_108 = arith.andi %parallel_loop3A_107, %parallel_loop3A_102 : i1
          %parallel_loop3A_109 = arith.addi %parallel_loop3A_100, %parallel_loop3A_99 : i32
          %parallel_loop3A_110 = arith.select %parallel_loop3A_108, %parallel_loop3A_109, %parallel_loop3A_100 : i32
          %parallel_loop3A_111 = arith.constant 16 : i32
          %parallel_loop3A_112 = arith.muli %parallel_loop3A_110, %parallel_loop3A_111 : i32
          %parallel_loop3A_113 = vector.broadcast %parallel_loop3A_112 : i32 to vector<16xi32>
          %parallel_loop3A_114 = arith.addi %parallel_loop3A_113, %iota3A : vector<16xi32>
          %parallel_loop3A_115 = arith.addi %mul3A_42, %parallel_loop3A_94 : i32
          %parallel_loop3A_116 = arith.index_cast %parallel_loop3A_115 : i32 to index
          %parallel_loop3A_117 = arith.index_cast %parallel_loop3A_112 : i32 to index
          %parallel_loop3A_118 = tpu.vector_load %arg6[%parallel_loop3A_116, %parallel_loop3A_117] {strides = array<i32>} : memref<200x128xi32, #tpu.memory_space<vmem>>, vector<16xi32>,
          %parallel_loop3A_119 = arith.constant 64 : i32
          %parallel_loop3A_120 = vector.broadcast %parallel_loop3A_119 : i32 to vector<16xi32>
          %parallel_loop3A_121 = arith.muli %parallel_loop3A_118, %parallel_loop3A_120 : vector<16xi32>
          %parallel_loop3A_122 = vector.broadcast %parallel_loop3A_94 : i32 to vector<16xi32>
          %parallel_loop3A_123 = arith.constant 0 : i32
          %parallel_loop3A_124 = vector.broadcast %parallel_loop3A_123 : i32 to vector<16xi32>
          %parallel_loop3A_125 = arith.xori %iota3A, %parallel_loop3A_124 : vector<16xi32>
          %parallel_loop3A_126 = arith.addi %parallel_loop3A_121, %parallel_loop3A_125 : vector<16xi32>
          %parallel_loop3A_127 = tpu.vector_load_idx %arg5[%parallel_loop3A_126] : memref<10752xf32, #tpu.memory_space<vmem>>[vector<16xi32>], vector<16xf32>,
          tpu.vector_store_idx %arg7[%parallel_loop3A_122, %parallel_loop3A_125, %parallel_loop3A_114], %parallel_loop3A_127 : memref<4x64x128xf32, #tpu.memory_space<vmem>>[vector<16xi32>, vector<16xi32>, vector<16xi32>], vector<16xf32>,
          %parallel_loop3A_128 = arith.constant 1 : i32
          %parallel_loop3A_129 = vector.broadcast %parallel_loop3A_128 : i32 to vector<16xi32>
          %parallel_loop3A_130 = arith.xori %iota3A, %parallel_loop3A_129 : vector<16xi32>
          %parallel_loop3A_131 = arith.addi %parallel_loop3A_121, %parallel_loop3A_130 : vector<16xi32>
          %parallel_loop3A_132 = tpu.vector_load_idx %arg5[%parallel_loop3A_131] : memref<10752xf32, #tpu.memory_space<vmem>>[vector<16xi32>], vector<16xf32>,
          tpu.vector_store_idx %arg7[%parallel_loop3A_122, %parallel_loop3A_130, %parallel_loop3A_114], %parallel_loop3A_132 : memref<4x64x128xf32, #tpu.memory_space<vmem>>[vector<16xi32>, vector<16xi32>, vector<16xi32>], vector<16xf32>,
          %parallel_loop3A_133 = arith.constant 2 : i32
          %parallel_loop3A_134 = vector.broadcast %parallel_loop3A_133 : i32 to vector<16xi32>
          %parallel_loop3A_135 = arith.xori %iota3A, %parallel_loop3A_134 : vector<16xi32>
          %parallel_loop3A_136 = arith.addi %parallel_loop3A_121, %parallel_loop3A_135 : vector<16xi32>
          %parallel_loop3A_137 = tpu.vector_load_idx %arg5[%parallel_loop3A_136] : memref<10752xf32, #tpu.memory_space<vmem>>[vector<16xi32>], vector<16xf32>,
          tpu.vector_store_idx %arg7[%parallel_loop3A_122, %parallel_loop3A_135, %parallel_loop3A_114], %parallel_loop3A_137 : memref<4x64x128xf32, #tpu.memory_space<vmem>>[vector<16xi32>, vector<16xi32>, vector<16xi32>], vector<16xf32>,
          %parallel_loop3A_138 = arith.constant 3 : i32
          %parallel_loop3A_139 = vector.broadcast %parallel_loop3A_138 : i32 to vector<16xi32>
          %parallel_loop3A_140 = arith.xori %iota3A, %parallel_loop3A_139 : vector<16xi32>
          %parallel_loop3A_141 = arith.addi %parallel_loop3A_121, %parallel_loop3A_140 : vector<16xi32>
          %parallel_loop3A_142 = tpu.vector_load_idx %arg5[%parallel_loop3A_141] : memref<10752xf32, #tpu.memory_space<vmem>>[vector<16xi32>], vector<16xf32>,
          tpu.vector_store_idx %arg7[%parallel_loop3A_122, %parallel_loop3A_140, %parallel_loop3A_114], %parallel_loop3A_142 : memref<4x64x128xf32, #tpu.memory_space<vmem>>[vector<16xi32>, vector<16xi32>, vector<16xi32>], vector<16xf32>,
          %parallel_loop3A_143 = arith.constant 4 : i32
          %parallel_loop3A_144 = vector.broadcast %parallel_loop3A_143 : i32 to vector<16xi32>
          %parallel_loop3A_145 = arith.xori %iota3A, %parallel_loop3A_144 : vector<16xi32>
          %parallel_loop3A_146 = arith.addi %parallel_loop3A_121, %parallel_loop3A_145 : vector<16xi32>
          %parallel_loop3A_147 = tpu.vector_load_idx %arg5[%parallel_loop3A_146] : memref<10752xf32, #tpu.memory_space<vmem>>[vector<16xi32>], vector<16xf32>,
          tpu.vector_store_idx %arg7[%parallel_loop3A_122, %parallel_loop3A_145, %parallel_loop3A_114], %parallel_loop3A_147 : memref<4x64x128xf32, #tpu.memory_space<vmem>>[vector<16xi32>, vector<16xi32>, vector<16xi32>], vector<16xf32>,
          %parallel_loop3A_148 = arith.constant 5 : i32
          %parallel_loop3A_149 = vector.broadcast %parallel_loop3A_148 : i32 to vector<16xi32>
          %parallel_loop3A_150 = arith.xori %iota3A, %parallel_loop3A_149 : vector<16xi32>
          %parallel_loop3A_151 = arith.addi %parallel_loop3A_121, %parallel_loop3A_150 : vector<16xi32>
          %parallel_loop3A_152 = tpu.vector_load_idx %arg5[%parallel_loop3A_151] : memref<10752xf32, #tpu.memory_space<vmem>>[vector<16xi32>], vector<16xf32>,
          tpu.vector_store_idx %arg7[%parallel_loop3A_122, %parallel_loop3A_150, %parallel_loop3A_114], %parallel_loop3A_152 : memref<4x64x128xf32, #tpu.memory_space<vmem>>[vector<16xi32>, vector<16xi32>, vector<16xi32>], vector<16xf32>,
          %parallel_loop3A_153 = arith.constant 6 : i32
          %parallel_loop3A_154 = vector.broadcast %parallel_loop3A_153 : i32 to vector<16xi32>
          %parallel_loop3A_155 = arith.xori %iota3A, %parallel_loop3A_154 : vector<16xi32>
          %parallel_loop3A_156 = arith.addi %parallel_loop3A_121, %parallel_loop3A_155 : vector<16xi32>
          %parallel_loop3A_157 = tpu.vector_load_idx %arg5[%parallel_loop3A_156] : memref<10752xf32, #tpu.memory_space<vmem>>[vector<16xi32>], vector<16xf32>,
          tpu.vector_store_idx %arg7[%parallel_loop3A_122, %parallel_loop3A_155, %parallel_loop3A_114], %parallel_loop3A_157 : memref<4x64x128xf32, #tpu.memory_space<vmem>>[vector<16xi32>, vector<16xi32>, vector<16xi32>], vector<16xf32>,
          %parallel_loop3A_158 = arith.constant 7 : i32
          %parallel_loop3A_159 = vector.broadcast %parallel_loop3A_158 : i32 to vector<16xi32>
          %parallel_loop3A_160 = arith.xori %iota3A, %parallel_loop3A_159 : vector<16xi32>
          %parallel_loop3A_161 = arith.addi %parallel_loop3A_121, %parallel_loop3A_160 : vector<16xi32>
          %parallel_loop3A_162 = tpu.vector_load_idx %arg5[%parallel_loop3A_161] : memref<10752xf32, #tpu.memory_space<vmem>>[vector<16xi32>], vector<16xf32>,
          tpu.vector_store_idx %arg7[%parallel_loop3A_122, %parallel_loop3A_160, %parallel_loop3A_114], %parallel_loop3A_162 : memref<4x64x128xf32, #tpu.memory_space<vmem>>[vector<16xi32>, vector<16xi32>, vector<16xi32>], vector<16xf32>,
          %parallel_loop3A_163 = arith.constant 8 : i32
          %parallel_loop3A_164 = vector.broadcast %parallel_loop3A_163 : i32 to vector<16xi32>
          %parallel_loop3A_165 = arith.xori %iota3A, %parallel_loop3A_164 : vector<16xi32>
          %parallel_loop3A_166 = arith.addi %parallel_loop3A_121, %parallel_loop3A_165 : vector<16xi32>
          %parallel_loop3A_167 = tpu.vector_load_idx %arg5[%parallel_loop3A_166] : memref<10752xf32, #tpu.memory_space<vmem>>[vector<16xi32>], vector<16xf32>,
          tpu.vector_store_idx %arg7[%parallel_loop3A_122, %parallel_loop3A_165, %parallel_loop3A_114], %parallel_loop3A_167 : memref<4x64x128xf32, #tpu.memory_space<vmem>>[vector<16xi32>, vector<16xi32>, vector<16xi32>], vector<16xf32>,
          %parallel_loop3A_168 = arith.constant 9 : i32
          %parallel_loop3A_169 = vector.broadcast %parallel_loop3A_168 : i32 to vector<16xi32>
          %parallel_loop3A_170 = arith.xori %iota3A, %parallel_loop3A_169 : vector<16xi32>
          %parallel_loop3A_171 = arith.addi %parallel_loop3A_121, %parallel_loop3A_170 : vector<16xi32>
          %parallel_loop3A_172 = tpu.vector_load_idx %arg5[%parallel_loop3A_171] : memref<10752xf32, #tpu.memory_space<vmem>>[vector<16xi32>], vector<16xf32>,
          tpu.vector_store_idx %arg7[%parallel_loop3A_122, %parallel_loop3A_170, %parallel_loop3A_114], %parallel_loop3A_172 : memref<4x64x128xf32, #tpu.memory_space<vmem>>[vector<16xi32>, vector<16xi32>, vector<16xi32>], vector<16xf32>,
          %parallel_loop3A_173 = arith.constant 10 : i32
          %parallel_loop3A_174 = vector.broadcast %parallel_loop3A_173 : i32 to vector<16xi32>
          %parallel_loop3A_175 = arith.xori %iota3A, %parallel_loop3A_174 : vector<16xi32>
          %parallel_loop3A_176 = arith.addi %parallel_loop3A_121, %parallel_loop3A_175 : vector<16xi32>
          %parallel_loop3A_177 = tpu.vector_load_idx %arg5[%parallel_loop3A_176] : memref<10752xf32, #tpu.memory_space<vmem>>[vector<16xi32>], vector<16xf32>,
          tpu.vector_store_idx %arg7[%parallel_loop3A_122, %parallel_loop3A_175, %parallel_loop3A_114], %parallel_loop3A_177 : memref<4x64x128xf32, #tpu.memory_space<vmem>>[vector<16xi32>, vector<16xi32>, vector<16xi32>], vector<16xf32>,
          %parallel_loop3A_178 = arith.constant 11 : i32
          %parallel_loop3A_179 = vector.broadcast %parallel_loop3A_178 : i32 to vector<16xi32>
          %parallel_loop3A_180 = arith.xori %iota3A, %parallel_loop3A_179 : vector<16xi32>
          %parallel_loop3A_181 = arith.addi %parallel_loop3A_121, %parallel_loop3A_180 : vector<16xi32>
          %parallel_loop3A_182 = tpu.vector_load_idx %arg5[%parallel_loop3A_181] : memref<10752xf32, #tpu.memory_space<vmem>>[vector<16xi32>], vector<16xf32>,
          tpu.vector_store_idx %arg7[%parallel_loop3A_122, %parallel_loop3A_180, %parallel_loop3A_114], %parallel_loop3A_182 : memref<4x64x128xf32, #tpu.memory_space<vmem>>[vector<16xi32>, vector<16xi32>, vector<16xi32>], vector<16xf32>,
          %parallel_loop3A_183 = arith.constant 12 : i32
          %parallel_loop3A_184 = vector.broadcast %parallel_loop3A_183 : i32 to vector<16xi32>
          %parallel_loop3A_185 = arith.xori %iota3A, %parallel_loop3A_184 : vector<16xi32>
          %parallel_loop3A_186 = arith.addi %parallel_loop3A_121, %parallel_loop3A_185 : vector<16xi32>
          %parallel_loop3A_187 = tpu.vector_load_idx %arg5[%parallel_loop3A_186] : memref<10752xf32, #tpu.memory_space<vmem>>[vector<16xi32>], vector<16xf32>,
          tpu.vector_store_idx %arg7[%parallel_loop3A_122, %parallel_loop3A_185, %parallel_loop3A_114], %parallel_loop3A_187 : memref<4x64x128xf32, #tpu.memory_space<vmem>>[vector<16xi32>, vector<16xi32>, vector<16xi32>], vector<16xf32>,
          %parallel_loop3A_188 = arith.constant 13 : i32
          %parallel_loop3A_189 = vector.broadcast %parallel_loop3A_188 : i32 to vector<16xi32>
          %parallel_loop3A_190 = arith.xori %iota3A, %parallel_loop3A_189 : vector<16xi32>
          %parallel_loop3A_191 = arith.addi %parallel_loop3A_121, %parallel_loop3A_190 : vector<16xi32>
          %parallel_loop3A_192 = tpu.vector_load_idx %arg5[%parallel_loop3A_191] : memref<10752xf32, #tpu.memory_space<vmem>>[vector<16xi32>], vector<16xf32>,
          tpu.vector_store_idx %arg7[%parallel_loop3A_122, %parallel_loop3A_190, %parallel_loop3A_114], %parallel_loop3A_192 : memref<4x64x128xf32, #tpu.memory_space<vmem>>[vector<16xi32>, vector<16xi32>, vector<16xi32>], vector<16xf32>,
          %parallel_loop3A_193 = arith.constant 14 : i32
          %parallel_loop3A_194 = vector.broadcast %parallel_loop3A_193 : i32 to vector<16xi32>
          %parallel_loop3A_195 = arith.xori %iota3A, %parallel_loop3A_194 : vector<16xi32>
          %parallel_loop3A_196 = arith.addi %parallel_loop3A_121, %parallel_loop3A_195 : vector<16xi32>
          %parallel_loop3A_197 = tpu.vector_load_idx %arg5[%parallel_loop3A_196] : memref<10752xf32, #tpu.memory_space<vmem>>[vector<16xi32>], vector<16xf32>,
          tpu.vector_store_idx %arg7[%parallel_loop3A_122, %parallel_loop3A_195, %parallel_loop3A_114], %parallel_loop3A_197 : memref<4x64x128xf32, #tpu.memory_space<vmem>>[vector<16xi32>, vector<16xi32>, vector<16xi32>], vector<16xf32>,
          %parallel_loop3A_198 = arith.constant 15 : i32
          %parallel_loop3A_199 = vector.broadcast %parallel_loop3A_198 : i32 to vector<16xi32>
          %parallel_loop3A_200 = arith.xori %iota3A, %parallel_loop3A_199 : vector<16xi32>
          %parallel_loop3A_201 = arith.addi %parallel_loop3A_121, %parallel_loop3A_200 : vector<16xi32>
          %parallel_loop3A_202 = tpu.vector_load_idx %arg5[%parallel_loop3A_201] : memref<10752xf32, #tpu.memory_space<vmem>>[vector<16xi32>], vector<16xf32>,
          tpu.vector_store_idx %arg7[%parallel_loop3A_122, %parallel_loop3A_200, %parallel_loop3A_114], %parallel_loop3A_202 : memref<4x64x128xf32, #tpu.memory_space<vmem>>[vector<16xi32>, vector<16xi32>, vector<16xi32>], vector<16xf32>,
          %parallel_loop3A_203 = arith.constant 16 : i32
          %parallel_loop3A_204 = vector.broadcast %parallel_loop3A_203 : i32 to vector<16xi32>
          %parallel_loop3A_205 = arith.xori %iota3A, %parallel_loop3A_204 : vector<16xi32>
          %parallel_loop3A_206 = arith.addi %parallel_loop3A_121, %parallel_loop3A_205 : vector<16xi32>
          %parallel_loop3A_207 = tpu.vector_load_idx %arg5[%parallel_loop3A_206] : memref<10752xf32, #tpu.memory_space<vmem>>[vector<16xi32>], vector<16xf32>,
          tpu.vector_store_idx %arg7[%parallel_loop3A_122, %parallel_loop3A_205, %parallel_loop3A_114], %parallel_loop3A_207 : memref<4x64x128xf32, #tpu.memory_space<vmem>>[vector<16xi32>, vector<16xi32>, vector<16xi32>], vector<16xf32>,
          %parallel_loop3A_208 = arith.constant 17 : i32
          %parallel_loop3A_209 = vector.broadcast %parallel_loop3A_208 : i32 to vector<16xi32>
          %parallel_loop3A_210 = arith.xori %iota3A, %parallel_loop3A_209 : vector<16xi32>
          %parallel_loop3A_211 = arith.addi %parallel_loop3A_121, %parallel_loop3A_210 : vector<16xi32>
          %parallel_loop3A_212 = tpu.vector_load_idx %arg5[%parallel_loop3A_211] : memref<10752xf32, #tpu.memory_space<vmem>>[vector<16xi32>], vector<16xf32>,
          tpu.vector_store_idx %arg7[%parallel_loop3A_122, %parallel_loop3A_210, %parallel_loop3A_114], %parallel_loop3A_212 : memref<4x64x128xf32, #tpu.memory_space<vmem>>[vector<16xi32>, vector<16xi32>, vector<16xi32>], vector<16xf32>,
          %parallel_loop3A_213 = arith.constant 18 : i32
          %parallel_loop3A_214 = vector.broadcast %parallel_loop3A_213 : i32 to vector<16xi32>
          %parallel_loop3A_215 = arith.xori %iota3A, %parallel_loop3A_214 : vector<16xi32>
          %parallel_loop3A_216 = arith.addi %parallel_loop3A_121, %parallel_loop3A_215 : vector<16xi32>
          %parallel_loop3A_217 = tpu.vector_load_idx %arg5[%parallel_loop3A_216] : memref<10752xf32, #tpu.memory_space<vmem>>[vector<16xi32>], vector<16xf32>,
          tpu.vector_store_idx %arg7[%parallel_loop3A_122, %parallel_loop3A_215, %parallel_loop3A_114], %parallel_loop3A_217 : memref<4x64x128xf32, #tpu.memory_space<vmem>>[vector<16xi32>, vector<16xi32>, vector<16xi32>], vector<16xf32>,
          %parallel_loop3A_218 = arith.constant 19 : i32
          %parallel_loop3A_219 = vector.broadcast %parallel_loop3A_218 : i32 to vector<16xi32>
          %parallel_loop3A_220 = arith.xori %iota3A, %parallel_loop3A_219 : vector<16xi32>
          %parallel_loop3A_221 = arith.addi %parallel_loop3A_121, %parallel_loop3A_220 : vector<16xi32>
          %parallel_loop3A_222 = tpu.vector_load_idx %arg5[%parallel_loop3A_221] : memref<10752xf32, #tpu.memory_space<vmem>>[vector<16xi32>], vector<16xf32>,
          tpu.vector_store_idx %arg7[%parallel_loop3A_122, %parallel_loop3A_220, %parallel_loop3A_114], %parallel_loop3A_222 : memref<4x64x128xf32, #tpu.memory_space<vmem>>[vector<16xi32>, vector<16xi32>, vector<16xi32>], vector<16xf32>,
          %parallel_loop3A_223 = arith.constant 20 : i32
          %parallel_loop3A_224 = vector.broadcast %parallel_loop3A_223 : i32 to vector<16xi32>
          %parallel_loop3A_225 = arith.xori %iota3A, %parallel_loop3A_224 : vector<16xi32>
          %parallel_loop3A_226 = arith.addi %parallel_loop3A_121, %parallel_loop3A_225 : vector<16xi32>
          %parallel_loop3A_227 = tpu.vector_load_idx %arg5[%parallel_loop3A_226] : memref<10752xf32, #tpu.memory_space<vmem>>[vector<16xi32>], vector<16xf32>,
          tpu.vector_store_idx %arg7[%parallel_loop3A_122, %parallel_loop3A_225, %parallel_loop3A_114], %parallel_loop3A_227 : memref<4x64x128xf32, #tpu.memory_space<vmem>>[vector<16xi32>, vector<16xi32>, vector<16xi32>], vector<16xf32>,
          %parallel_loop3A_228 = arith.constant 21 : i32
          %parallel_loop3A_229 = vector.broadcast %parallel_loop3A_228 : i32 to vector<16xi32>
          %parallel_loop3A_230 = arith.xori %iota3A, %parallel_loop3A_229 : vector<16xi32>
          %parallel_loop3A_231 = arith.addi %parallel_loop3A_121, %parallel_loop3A_230 : vector<16xi32>
          %parallel_loop3A_232 = tpu.vector_load_idx %arg5[%parallel_loop3A_231] : memref<10752xf32, #tpu.memory_space<vmem>>[vector<16xi32>], vector<16xf32>,
          tpu.vector_store_idx %arg7[%parallel_loop3A_122, %parallel_loop3A_230, %parallel_loop3A_114], %parallel_loop3A_232 : memref<4x64x128xf32, #tpu.memory_space<vmem>>[vector<16xi32>, vector<16xi32>, vector<16xi32>], vector<16xf32>,
          %parallel_loop3A_233 = arith.constant 22 : i32
          %parallel_loop3A_234 = vector.broadcast %parallel_loop3A_233 : i32 to vector<16xi32>
          %parallel_loop3A_235 = arith.xori %iota3A, %parallel_loop3A_234 : vector<16xi32>
          %parallel_loop3A_236 = arith.addi %parallel_loop3A_121, %parallel_loop3A_235 : vector<16xi32>
          %parallel_loop3A_237 = tpu.vector_load_idx %arg5[%parallel_loop3A_236] : memref<10752xf32, #tpu.memory_space<vmem>>[vector<16xi32>], vector<16xf32>,
          tpu.vector_store_idx %arg7[%parallel_loop3A_122, %parallel_loop3A_235, %parallel_loop3A_114], %parallel_loop3A_237 : memref<4x64x128xf32, #tpu.memory_space<vmem>>[vector<16xi32>, vector<16xi32>, vector<16xi32>], vector<16xf32>,
          %parallel_loop3A_238 = arith.constant 23 : i32
          %parallel_loop3A_239 = vector.broadcast %parallel_loop3A_238 : i32 to vector<16xi32>
          %parallel_loop3A_240 = arith.xori %iota3A, %parallel_loop3A_239 : vector<16xi32>
          %parallel_loop3A_241 = arith.addi %parallel_loop3A_121, %parallel_loop3A_240 : vector<16xi32>
          %parallel_loop3A_242 = tpu.vector_load_idx %arg5[%parallel_loop3A_241] : memref<10752xf32, #tpu.memory_space<vmem>>[vector<16xi32>], vector<16xf32>,
          tpu.vector_store_idx %arg7[%parallel_loop3A_122, %parallel_loop3A_240, %parallel_loop3A_114], %parallel_loop3A_242 : memref<4x64x128xf32, #tpu.memory_space<vmem>>[vector<16xi32>, vector<16xi32>, vector<16xi32>], vector<16xf32>,
          %parallel_loop3A_243 = arith.constant 24 : i32
          %parallel_loop3A_244 = vector.broadcast %parallel_loop3A_243 : i32 to vector<16xi32>
          %parallel_loop3A_245 = arith.xori %iota3A, %parallel_loop3A_244 : vector<16xi32>
          %parallel_loop3A_246 = arith.addi %parallel_loop3A_121, %parallel_loop3A_245 : vector<16xi32>
          %parallel_loop3A_247 = tpu.vector_load_idx %arg5[%parallel_loop3A_246] : memref<10752xf32, #tpu.memory_space<vmem>>[vector<16xi32>], vector<16xf32>,
          tpu.vector_store_idx %arg7[%parallel_loop3A_122, %parallel_loop3A_245, %parallel_loop3A_114], %parallel_loop3A_247 : memref<4x64x128xf32, #tpu.memory_space<vmem>>[vector<16xi32>, vector<16xi32>, vector<16xi32>], vector<16xf32>,
          %parallel_loop3A_248 = arith.constant 25 : i32
          %parallel_loop3A_249 = vector.broadcast %parallel_loop3A_248 : i32 to vector<16xi32>
          %parallel_loop3A_250 = arith.xori %iota3A, %parallel_loop3A_249 : vector<16xi32>
          %parallel_loop3A_251 = arith.addi %parallel_loop3A_121, %parallel_loop3A_250 : vector<16xi32>
          %parallel_loop3A_252 = tpu.vector_load_idx %arg5[%parallel_loop3A_251] : memref<10752xf32, #tpu.memory_space<vmem>>[vector<16xi32>], vector<16xf32>,
          tpu.vector_store_idx %arg7[%parallel_loop3A_122, %parallel_loop3A_250, %parallel_loop3A_114], %parallel_loop3A_252 : memref<4x64x128xf32, #tpu.memory_space<vmem>>[vector<16xi32>, vector<16xi32>, vector<16xi32>], vector<16xf32>,
          %parallel_loop3A_253 = arith.constant 26 : i32
          %parallel_loop3A_254 = vector.broadcast %parallel_loop3A_253 : i32 to vector<16xi32>
          %parallel_loop3A_255 = arith.xori %iota3A, %parallel_loop3A_254 : vector<16xi32>
          %parallel_loop3A_256 = arith.addi %parallel_loop3A_121, %parallel_loop3A_255 : vector<16xi32>
          %parallel_loop3A_257 = tpu.vector_load_idx %arg5[%parallel_loop3A_256] : memref<10752xf32, #tpu.memory_space<vmem>>[vector<16xi32>], vector<16xf32>,
          tpu.vector_store_idx %arg7[%parallel_loop3A_122, %parallel_loop3A_255, %parallel_loop3A_114], %parallel_loop3A_257 : memref<4x64x128xf32, #tpu.memory_space<vmem>>[vector<16xi32>, vector<16xi32>, vector<16xi32>], vector<16xf32>,
          %parallel_loop3A_258 = arith.constant 27 : i32
          %parallel_loop3A_259 = vector.broadcast %parallel_loop3A_258 : i32 to vector<16xi32>
          %parallel_loop3A_260 = arith.xori %iota3A, %parallel_loop3A_259 : vector<16xi32>
          %parallel_loop3A_261 = arith.addi %parallel_loop3A_121, %parallel_loop3A_260 : vector<16xi32>
          %parallel_loop3A_262 = tpu.vector_load_idx %arg5[%parallel_loop3A_261] : memref<10752xf32, #tpu.memory_space<vmem>>[vector<16xi32>], vector<16xf32>,
          tpu.vector_store_idx %arg7[%parallel_loop3A_122, %parallel_loop3A_260, %parallel_loop3A_114], %parallel_loop3A_262 : memref<4x64x128xf32, #tpu.memory_space<vmem>>[vector<16xi32>, vector<16xi32>, vector<16xi32>], vector<16xf32>,
          %parallel_loop3A_263 = arith.constant 28 : i32
          %parallel_loop3A_264 = vector.broadcast %parallel_loop3A_263 : i32 to vector<16xi32>
          %parallel_loop3A_265 = arith.xori %iota3A, %parallel_loop3A_264 : vector<16xi32>
          %parallel_loop3A_266 = arith.addi %parallel_loop3A_121, %parallel_loop3A_265 : vector<16xi32>
          %parallel_loop3A_267 = tpu.vector_load_idx %arg5[%parallel_loop3A_266] : memref<10752xf32, #tpu.memory_space<vmem>>[vector<16xi32>], vector<16xf32>,
          tpu.vector_store_idx %arg7[%parallel_loop3A_122, %parallel_loop3A_265, %parallel_loop3A_114], %parallel_loop3A_267 : memref<4x64x128xf32, #tpu.memory_space<vmem>>[vector<16xi32>, vector<16xi32>, vector<16xi32>], vector<16xf32>,
          %parallel_loop3A_268 = arith.constant 29 : i32
          %parallel_loop3A_269 = vector.broadcast %parallel_loop3A_268 : i32 to vector<16xi32>
          %parallel_loop3A_270 = arith.xori %iota3A, %parallel_loop3A_269 : vector<16xi32>
          %parallel_loop3A_271 = arith.addi %parallel_loop3A_121, %parallel_loop3A_270 : vector<16xi32>
          %parallel_loop3A_272 = tpu.vector_load_idx %arg5[%parallel_loop3A_271] : memref<10752xf32, #tpu.memory_space<vmem>>[vector<16xi32>], vector<16xf32>,
          tpu.vector_store_idx %arg7[%parallel_loop3A_122, %parallel_loop3A_270, %parallel_loop3A_114], %parallel_loop3A_272 : memref<4x64x128xf32, #tpu.memory_space<vmem>>[vector<16xi32>, vector<16xi32>, vector<16xi32>], vector<16xf32>,
          %parallel_loop3A_273 = arith.constant 30 : i32
          %parallel_loop3A_274 = vector.broadcast %parallel_loop3A_273 : i32 to vector<16xi32>
          %parallel_loop3A_275 = arith.xori %iota3A, %parallel_loop3A_274 : vector<16xi32>
          %parallel_loop3A_276 = arith.addi %parallel_loop3A_121, %parallel_loop3A_275 : vector<16xi32>
          %parallel_loop3A_277 = tpu.vector_load_idx %arg5[%parallel_loop3A_276] : memref<10752xf32, #tpu.memory_space<vmem>>[vector<16xi32>], vector<16xf32>,
          tpu.vector_store_idx %arg7[%parallel_loop3A_122, %parallel_loop3A_275, %parallel_loop3A_114], %parallel_loop3A_277 : memref<4x64x128xf32, #tpu.memory_space<vmem>>[vector<16xi32>, vector<16xi32>, vector<16xi32>], vector<16xf32>,
          %parallel_loop3A_278 = arith.constant 31 : i32
          %parallel_loop3A_279 = vector.broadcast %parallel_loop3A_278 : i32 to vector<16xi32>
          %parallel_loop3A_280 = arith.xori %iota3A, %parallel_loop3A_279 : vector<16xi32>
          %parallel_loop3A_281 = arith.addi %parallel_loop3A_121, %parallel_loop3A_280 : vector<16xi32>
          %parallel_loop3A_282 = tpu.vector_load_idx %arg5[%parallel_loop3A_281] : memref<10752xf32, #tpu.memory_space<vmem>>[vector<16xi32>], vector<16xf32>,
          tpu.vector_store_idx %arg7[%parallel_loop3A_122, %parallel_loop3A_280, %parallel_loop3A_114], %parallel_loop3A_282 : memref<4x64x128xf32, #tpu.memory_space<vmem>>[vector<16xi32>, vector<16xi32>, vector<16xi32>], vector<16xf32>,
          %parallel_loop3A_283 = arith.constant 32 : i32
          %parallel_loop3A_284 = vector.broadcast %parallel_loop3A_283 : i32 to vector<16xi32>
          %parallel_loop3A_285 = arith.xori %iota3A, %parallel_loop3A_284 : vector<16xi32>
          %parallel_loop3A_286 = arith.addi %parallel_loop3A_121, %parallel_loop3A_285 : vector<16xi32>
          %parallel_loop3A_287 = tpu.vector_load_idx %arg5[%parallel_loop3A_286] : memref<10752xf32, #tpu.memory_space<vmem>>[vector<16xi32>], vector<16xf32>,
          tpu.vector_store_idx %arg7[%parallel_loop3A_122, %parallel_loop3A_285, %parallel_loop3A_114], %parallel_loop3A_287 : memref<4x64x128xf32, #tpu.memory_space<vmem>>[vector<16xi32>, vector<16xi32>, vector<16xi32>], vector<16xf32>,
          %parallel_loop3A_288 = arith.constant 33 : i32
          %parallel_loop3A_289 = vector.broadcast %parallel_loop3A_288 : i32 to vector<16xi32>
          %parallel_loop3A_290 = arith.xori %iota3A, %parallel_loop3A_289 : vector<16xi32>
          %parallel_loop3A_291 = arith.addi %parallel_loop3A_121, %parallel_loop3A_290 : vector<16xi32>
          %parallel_loop3A_292 = tpu.vector_load_idx %arg5[%parallel_loop3A_291] : memref<10752xf32, #tpu.memory_space<vmem>>[vector<16xi32>], vector<16xf32>,
          tpu.vector_store_idx %arg7[%parallel_loop3A_122, %parallel_loop3A_290, %parallel_loop3A_114], %parallel_loop3A_292 : memref<4x64x128xf32, #tpu.memory_space<vmem>>[vector<16xi32>, vector<16xi32>, vector<16xi32>], vector<16xf32>,
          %parallel_loop3A_293 = arith.constant 34 : i32
          %parallel_loop3A_294 = vector.broadcast %parallel_loop3A_293 : i32 to vector<16xi32>
          %parallel_loop3A_295 = arith.xori %iota3A, %parallel_loop3A_294 : vector<16xi32>
          %parallel_loop3A_296 = arith.addi %parallel_loop3A_121, %parallel_loop3A_295 : vector<16xi32>
          %parallel_loop3A_297 = tpu.vector_load_idx %arg5[%parallel_loop3A_296] : memref<10752xf32, #tpu.memory_space<vmem>>[vector<16xi32>], vector<16xf32>,
          tpu.vector_store_idx %arg7[%parallel_loop3A_122, %parallel_loop3A_295, %parallel_loop3A_114], %parallel_loop3A_297 : memref<4x64x128xf32, #tpu.memory_space<vmem>>[vector<16xi32>, vector<16xi32>, vector<16xi32>], vector<16xf32>,
          %parallel_loop3A_298 = arith.constant 35 : i32
          %parallel_loop3A_299 = vector.broadcast %parallel_loop3A_298 : i32 to vector<16xi32>
          %parallel_loop3A_300 = arith.xori %iota3A, %parallel_loop3A_299 : vector<16xi32>
          %parallel_loop3A_301 = arith.addi %parallel_loop3A_121, %parallel_loop3A_300 : vector<16xi32>
          %parallel_loop3A_302 = tpu.vector_load_idx %arg5[%parallel_loop3A_301] : memref<10752xf32, #tpu.memory_space<vmem>>[vector<16xi32>], vector<16xf32>,
          tpu.vector_store_idx %arg7[%parallel_loop3A_122, %parallel_loop3A_300, %parallel_loop3A_114], %parallel_loop3A_302 : memref<4x64x128xf32, #tpu.memory_space<vmem>>[vector<16xi32>, vector<16xi32>, vector<16xi32>], vector<16xf32>,
          %parallel_loop3A_303 = arith.constant 36 : i32
          %parallel_loop3A_304 = vector.broadcast %parallel_loop3A_303 : i32 to vector<16xi32>
          %parallel_loop3A_305 = arith.xori %iota3A, %parallel_loop3A_304 : vector<16xi32>
          %parallel_loop3A_306 = arith.addi %parallel_loop3A_121, %parallel_loop3A_305 : vector<16xi32>
          %parallel_loop3A_307 = tpu.vector_load_idx %arg5[%parallel_loop3A_306] : memref<10752xf32, #tpu.memory_space<vmem>>[vector<16xi32>], vector<16xf32>,
          tpu.vector_store_idx %arg7[%parallel_loop3A_122, %parallel_loop3A_305, %parallel_loop3A_114], %parallel_loop3A_307 : memref<4x64x128xf32, #tpu.memory_space<vmem>>[vector<16xi32>, vector<16xi32>, vector<16xi32>], vector<16xf32>,
          %parallel_loop3A_308 = arith.constant 37 : i32
          %parallel_loop3A_309 = vector.broadcast %parallel_loop3A_308 : i32 to vector<16xi32>
          %parallel_loop3A_310 = arith.xori %iota3A, %parallel_loop3A_309 : vector<16xi32>
          %parallel_loop3A_311 = arith.addi %parallel_loop3A_121, %parallel_loop3A_310 : vector<16xi32>
          %parallel_loop3A_312 = tpu.vector_load_idx %arg5[%parallel_loop3A_311] : memref<10752xf32, #tpu.memory_space<vmem>>[vector<16xi32>], vector<16xf32>,
          tpu.vector_store_idx %arg7[%parallel_loop3A_122, %parallel_loop3A_310, %parallel_loop3A_114], %parallel_loop3A_312 : memref<4x64x128xf32, #tpu.memory_space<vmem>>[vector<16xi32>, vector<16xi32>, vector<16xi32>], vector<16xf32>,
          %parallel_loop3A_313 = arith.constant 38 : i32
          %parallel_loop3A_314 = vector.broadcast %parallel_loop3A_313 : i32 to vector<16xi32>
          %parallel_loop3A_315 = arith.xori %iota3A, %parallel_loop3A_314 : vector<16xi32>
          %parallel_loop3A_316 = arith.addi %parallel_loop3A_121, %parallel_loop3A_315 : vector<16xi32>
          %parallel_loop3A_317 = tpu.vector_load_idx %arg5[%parallel_loop3A_316] : memref<10752xf32, #tpu.memory_space<vmem>>[vector<16xi32>], vector<16xf32>,
          tpu.vector_store_idx %arg7[%parallel_loop3A_122, %parallel_loop3A_315, %parallel_loop3A_114], %parallel_loop3A_317 : memref<4x64x128xf32, #tpu.memory_space<vmem>>[vector<16xi32>, vector<16xi32>, vector<16xi32>], vector<16xf32>,
          %parallel_loop3A_318 = arith.constant 39 : i32
          %parallel_loop3A_319 = vector.broadcast %parallel_loop3A_318 : i32 to vector<16xi32>
          %parallel_loop3A_320 = arith.xori %iota3A, %parallel_loop3A_319 : vector<16xi32>
          %parallel_loop3A_321 = arith.addi %parallel_loop3A_121, %parallel_loop3A_320 : vector<16xi32>
          %parallel_loop3A_322 = tpu.vector_load_idx %arg5[%parallel_loop3A_321] : memref<10752xf32, #tpu.memory_space<vmem>>[vector<16xi32>], vector<16xf32>,
          tpu.vector_store_idx %arg7[%parallel_loop3A_122, %parallel_loop3A_320, %parallel_loop3A_114], %parallel_loop3A_322 : memref<4x64x128xf32, #tpu.memory_space<vmem>>[vector<16xi32>, vector<16xi32>, vector<16xi32>], vector<16xf32>,
          %parallel_loop3A_323 = arith.constant 40 : i32
          %parallel_loop3A_324 = vector.broadcast %parallel_loop3A_323 : i32 to vector<16xi32>
          %parallel_loop3A_325 = arith.xori %iota3A, %parallel_loop3A_324 : vector<16xi32>
          %parallel_loop3A_326 = arith.addi %parallel_loop3A_121, %parallel_loop3A_325 : vector<16xi32>
          %parallel_loop3A_327 = tpu.vector_load_idx %arg5[%parallel_loop3A_326] : memref<10752xf32, #tpu.memory_space<vmem>>[vector<16xi32>], vector<16xf32>,
          tpu.vector_store_idx %arg7[%parallel_loop3A_122, %parallel_loop3A_325, %parallel_loop3A_114], %parallel_loop3A_327 : memref<4x64x128xf32, #tpu.memory_space<vmem>>[vector<16xi32>, vector<16xi32>, vector<16xi32>], vector<16xf32>,
          %parallel_loop3A_328 = arith.constant 41 : i32
          %parallel_loop3A_329 = vector.broadcast %parallel_loop3A_328 : i32 to vector<16xi32>
          %parallel_loop3A_330 = arith.xori %iota3A, %parallel_loop3A_329 : vector<16xi32>
          %parallel_loop3A_331 = arith.addi %parallel_loop3A_121, %parallel_loop3A_330 : vector<16xi32>
          %parallel_loop3A_332 = tpu.vector_load_idx %arg5[%parallel_loop3A_331] : memref<10752xf32, #tpu.memory_space<vmem>>[vector<16xi32>], vector<16xf32>,
          tpu.vector_store_idx %arg7[%parallel_loop3A_122, %parallel_loop3A_330, %parallel_loop3A_114], %parallel_loop3A_332 : memref<4x64x128xf32, #tpu.memory_space<vmem>>[vector<16xi32>, vector<16xi32>, vector<16xi32>], vector<16xf32>,
          %parallel_loop3A_333 = arith.constant 42 : i32
          %parallel_loop3A_334 = vector.broadcast %parallel_loop3A_333 : i32 to vector<16xi32>
          %parallel_loop3A_335 = arith.xori %iota3A, %parallel_loop3A_334 : vector<16xi32>
          %parallel_loop3A_336 = arith.addi %parallel_loop3A_121, %parallel_loop3A_335 : vector<16xi32>
          %parallel_loop3A_337 = tpu.vector_load_idx %arg5[%parallel_loop3A_336] : memref<10752xf32, #tpu.memory_space<vmem>>[vector<16xi32>], vector<16xf32>,
          tpu.vector_store_idx %arg7[%parallel_loop3A_122, %parallel_loop3A_335, %parallel_loop3A_114], %parallel_loop3A_337 : memref<4x64x128xf32, #tpu.memory_space<vmem>>[vector<16xi32>, vector<16xi32>, vector<16xi32>], vector<16xf32>,
          %parallel_loop3A_338 = arith.constant 43 : i32
          %parallel_loop3A_339 = vector.broadcast %parallel_loop3A_338 : i32 to vector<16xi32>
          %parallel_loop3A_340 = arith.xori %iota3A, %parallel_loop3A_339 : vector<16xi32>
          %parallel_loop3A_341 = arith.addi %parallel_loop3A_121, %parallel_loop3A_340 : vector<16xi32>
          %parallel_loop3A_342 = tpu.vector_load_idx %arg5[%parallel_loop3A_341] : memref<10752xf32, #tpu.memory_space<vmem>>[vector<16xi32>], vector<16xf32>,
          tpu.vector_store_idx %arg7[%parallel_loop3A_122, %parallel_loop3A_340, %parallel_loop3A_114], %parallel_loop3A_342 : memref<4x64x128xf32, #tpu.memory_space<vmem>>[vector<16xi32>, vector<16xi32>, vector<16xi32>], vector<16xf32>,
          %parallel_loop3A_343 = arith.constant 44 : i32
          %parallel_loop3A_344 = vector.broadcast %parallel_loop3A_343 : i32 to vector<16xi32>
          %parallel_loop3A_345 = arith.xori %iota3A, %parallel_loop3A_344 : vector<16xi32>
          %parallel_loop3A_346 = arith.addi %parallel_loop3A_121, %parallel_loop3A_345 : vector<16xi32>
          %parallel_loop3A_347 = tpu.vector_load_idx %arg5[%parallel_loop3A_346] : memref<10752xf32, #tpu.memory_space<vmem>>[vector<16xi32>], vector<16xf32>,
          tpu.vector_store_idx %arg7[%parallel_loop3A_122, %parallel_loop3A_345, %parallel_loop3A_114], %parallel_loop3A_347 : memref<4x64x128xf32, #tpu.memory_space<vmem>>[vector<16xi32>, vector<16xi32>, vector<16xi32>], vector<16xf32>,
          %parallel_loop3A_348 = arith.constant 45 : i32
          %parallel_loop3A_349 = vector.broadcast %parallel_loop3A_348 : i32 to vector<16xi32>
          %parallel_loop3A_350 = arith.xori %iota3A, %parallel_loop3A_349 : vector<16xi32>
          %parallel_loop3A_351 = arith.addi %parallel_loop3A_121, %parallel_loop3A_350 : vector<16xi32>
          %parallel_loop3A_352 = tpu.vector_load_idx %arg5[%parallel_loop3A_351] : memref<10752xf32, #tpu.memory_space<vmem>>[vector<16xi32>], vector<16xf32>,
          tpu.vector_store_idx %arg7[%parallel_loop3A_122, %parallel_loop3A_350, %parallel_loop3A_114], %parallel_loop3A_352 : memref<4x64x128xf32, #tpu.memory_space<vmem>>[vector<16xi32>, vector<16xi32>, vector<16xi32>], vector<16xf32>,
          %parallel_loop3A_353 = arith.constant 46 : i32
          %parallel_loop3A_354 = vector.broadcast %parallel_loop3A_353 : i32 to vector<16xi32>
          %parallel_loop3A_355 = arith.xori %iota3A, %parallel_loop3A_354 : vector<16xi32>
          %parallel_loop3A_356 = arith.addi %parallel_loop3A_121, %parallel_loop3A_355 : vector<16xi32>
          %parallel_loop3A_357 = tpu.vector_load_idx %arg5[%parallel_loop3A_356] : memref<10752xf32, #tpu.memory_space<vmem>>[vector<16xi32>], vector<16xf32>,
          tpu.vector_store_idx %arg7[%parallel_loop3A_122, %parallel_loop3A_355, %parallel_loop3A_114], %parallel_loop3A_357 : memref<4x64x128xf32, #tpu.memory_space<vmem>>[vector<16xi32>, vector<16xi32>, vector<16xi32>], vector<16xf32>,
          %parallel_loop3A_358 = arith.constant 47 : i32
          %parallel_loop3A_359 = vector.broadcast %parallel_loop3A_358 : i32 to vector<16xi32>
          %parallel_loop3A_360 = arith.xori %iota3A, %parallel_loop3A_359 : vector<16xi32>
          %parallel_loop3A_361 = arith.addi %parallel_loop3A_121, %parallel_loop3A_360 : vector<16xi32>
          %parallel_loop3A_362 = tpu.vector_load_idx %arg5[%parallel_loop3A_361] : memref<10752xf32, #tpu.memory_space<vmem>>[vector<16xi32>], vector<16xf32>,
          tpu.vector_store_idx %arg7[%parallel_loop3A_122, %parallel_loop3A_360, %parallel_loop3A_114], %parallel_loop3A_362 : memref<4x64x128xf32, #tpu.memory_space<vmem>>[vector<16xi32>, vector<16xi32>, vector<16xi32>], vector<16xf32>,
          %parallel_loop3A_363 = arith.constant 48 : i32
          %parallel_loop3A_364 = vector.broadcast %parallel_loop3A_363 : i32 to vector<16xi32>
          %parallel_loop3A_365 = arith.xori %iota3A, %parallel_loop3A_364 : vector<16xi32>
          %parallel_loop3A_366 = arith.addi %parallel_loop3A_121, %parallel_loop3A_365 : vector<16xi32>
          %parallel_loop3A_367 = tpu.vector_load_idx %arg5[%parallel_loop3A_366] : memref<10752xf32, #tpu.memory_space<vmem>>[vector<16xi32>], vector<16xf32>,
          tpu.vector_store_idx %arg7[%parallel_loop3A_122, %parallel_loop3A_365, %parallel_loop3A_114], %parallel_loop3A_367 : memref<4x64x128xf32, #tpu.memory_space<vmem>>[vector<16xi32>, vector<16xi32>, vector<16xi32>], vector<16xf32>,
          %parallel_loop3A_368 = arith.constant 49 : i32
          %parallel_loop3A_369 = vector.broadcast %parallel_loop3A_368 : i32 to vector<16xi32>
          %parallel_loop3A_370 = arith.xori %iota3A, %parallel_loop3A_369 : vector<16xi32>
          %parallel_loop3A_371 = arith.addi %parallel_loop3A_121, %parallel_loop3A_370 : vector<16xi32>
          %parallel_loop3A_372 = tpu.vector_load_idx %arg5[%parallel_loop3A_371] : memref<10752xf32, #tpu.memory_space<vmem>>[vector<16xi32>], vector<16xf32>,
          tpu.vector_store_idx %arg7[%parallel_loop3A_122, %parallel_loop3A_370, %parallel_loop3A_114], %parallel_loop3A_372 : memref<4x64x128xf32, #tpu.memory_space<vmem>>[vector<16xi32>, vector<16xi32>, vector<16xi32>], vector<16xf32>,
          %parallel_loop3A_373 = arith.constant 50 : i32
          %parallel_loop3A_374 = vector.broadcast %parallel_loop3A_373 : i32 to vector<16xi32>
          %parallel_loop3A_375 = arith.xori %iota3A, %parallel_loop3A_374 : vector<16xi32>
          %parallel_loop3A_376 = arith.addi %parallel_loop3A_121, %parallel_loop3A_375 : vector<16xi32>
          %parallel_loop3A_377 = tpu.vector_load_idx %arg5[%parallel_loop3A_376] : memref<10752xf32, #tpu.memory_space<vmem>>[vector<16xi32>], vector<16xf32>,
          tpu.vector_store_idx %arg7[%parallel_loop3A_122, %parallel_loop3A_375, %parallel_loop3A_114], %parallel_loop3A_377 : memref<4x64x128xf32, #tpu.memory_space<vmem>>[vector<16xi32>, vector<16xi32>, vector<16xi32>], vector<16xf32>,
          %parallel_loop3A_378 = arith.constant 51 : i32
          %parallel_loop3A_379 = vector.broadcast %parallel_loop3A_378 : i32 to vector<16xi32>
          %parallel_loop3A_380 = arith.xori %iota3A, %parallel_loop3A_379 : vector<16xi32>
          %parallel_loop3A_381 = arith.addi %parallel_loop3A_121, %parallel_loop3A_380 : vector<16xi32>
          %parallel_loop3A_382 = tpu.vector_load_idx %arg5[%parallel_loop3A_381] : memref<10752xf32, #tpu.memory_space<vmem>>[vector<16xi32>], vector<16xf32>,
          tpu.vector_store_idx %arg7[%parallel_loop3A_122, %parallel_loop3A_380, %parallel_loop3A_114], %parallel_loop3A_382 : memref<4x64x128xf32, #tpu.memory_space<vmem>>[vector<16xi32>, vector<16xi32>, vector<16xi32>], vector<16xf32>,
          %parallel_loop3A_383 = arith.constant 52 : i32
          %parallel_loop3A_384 = vector.broadcast %parallel_loop3A_383 : i32 to vector<16xi32>
          %parallel_loop3A_385 = arith.xori %iota3A, %parallel_loop3A_384 : vector<16xi32>
          %parallel_loop3A_386 = arith.addi %parallel_loop3A_121, %parallel_loop3A_385 : vector<16xi32>
          %parallel_loop3A_387 = tpu.vector_load_idx %arg5[%parallel_loop3A_386] : memref<10752xf32, #tpu.memory_space<vmem>>[vector<16xi32>], vector<16xf32>,
          tpu.vector_store_idx %arg7[%parallel_loop3A_122, %parallel_loop3A_385, %parallel_loop3A_114], %parallel_loop3A_387 : memref<4x64x128xf32, #tpu.memory_space<vmem>>[vector<16xi32>, vector<16xi32>, vector<16xi32>], vector<16xf32>,
          %parallel_loop3A_388 = arith.constant 53 : i32
          %parallel_loop3A_389 = vector.broadcast %parallel_loop3A_388 : i32 to vector<16xi32>
          %parallel_loop3A_390 = arith.xori %iota3A, %parallel_loop3A_389 : vector<16xi32>
          %parallel_loop3A_391 = arith.addi %parallel_loop3A_121, %parallel_loop3A_390 : vector<16xi32>
          %parallel_loop3A_392 = tpu.vector_load_idx %arg5[%parallel_loop3A_391] : memref<10752xf32, #tpu.memory_space<vmem>>[vector<16xi32>], vector<16xf32>,
          tpu.vector_store_idx %arg7[%parallel_loop3A_122, %parallel_loop3A_390, %parallel_loop3A_114], %parallel_loop3A_392 : memref<4x64x128xf32, #tpu.memory_space<vmem>>[vector<16xi32>, vector<16xi32>, vector<16xi32>], vector<16xf32>,
          %parallel_loop3A_393 = arith.constant 54 : i32
          %parallel_loop3A_394 = vector.broadcast %parallel_loop3A_393 : i32 to vector<16xi32>
          %parallel_loop3A_395 = arith.xori %iota3A, %parallel_loop3A_394 : vector<16xi32>
          %parallel_loop3A_396 = arith.addi %parallel_loop3A_121, %parallel_loop3A_395 : vector<16xi32>
          %parallel_loop3A_397 = tpu.vector_load_idx %arg5[%parallel_loop3A_396] : memref<10752xf32, #tpu.memory_space<vmem>>[vector<16xi32>], vector<16xf32>,
          tpu.vector_store_idx %arg7[%parallel_loop3A_122, %parallel_loop3A_395, %parallel_loop3A_114], %parallel_loop3A_397 : memref<4x64x128xf32, #tpu.memory_space<vmem>>[vector<16xi32>, vector<16xi32>, vector<16xi32>], vector<16xf32>,
          %parallel_loop3A_398 = arith.constant 55 : i32
          %parallel_loop3A_399 = vector.broadcast %parallel_loop3A_398 : i32 to vector<16xi32>
          %parallel_loop3A_400 = arith.xori %iota3A, %parallel_loop3A_399 : vector<16xi32>
          %parallel_loop3A_401 = arith.addi %parallel_loop3A_121, %parallel_loop3A_400 : vector<16xi32>
          %parallel_loop3A_402 = tpu.vector_load_idx %arg5[%parallel_loop3A_401] : memref<10752xf32, #tpu.memory_space<vmem>>[vector<16xi32>], vector<16xf32>,
          tpu.vector_store_idx %arg7[%parallel_loop3A_122, %parallel_loop3A_400, %parallel_loop3A_114], %parallel_loop3A_402 : memref<4x64x128xf32, #tpu.memory_space<vmem>>[vector<16xi32>, vector<16xi32>, vector<16xi32>], vector<16xf32>,
          %parallel_loop3A_403 = arith.constant 56 : i32
          %parallel_loop3A_404 = vector.broadcast %parallel_loop3A_403 : i32 to vector<16xi32>
          %parallel_loop3A_405 = arith.xori %iota3A, %parallel_loop3A_404 : vector<16xi32>
          %parallel_loop3A_406 = arith.addi %parallel_loop3A_121, %parallel_loop3A_405 : vector<16xi32>
          %parallel_loop3A_407 = tpu.vector_load_idx %arg5[%parallel_loop3A_406] : memref<10752xf32, #tpu.memory_space<vmem>>[vector<16xi32>], vector<16xf32>,
          tpu.vector_store_idx %arg7[%parallel_loop3A_122, %parallel_loop3A_405, %parallel_loop3A_114], %parallel_loop3A_407 : memref<4x64x128xf32, #tpu.memory_space<vmem>>[vector<16xi32>, vector<16xi32>, vector<16xi32>], vector<16xf32>,
          %parallel_loop3A_408 = arith.constant 57 : i32
          %parallel_loop3A_409 = vector.broadcast %parallel_loop3A_408 : i32 to vector<16xi32>
          %parallel_loop3A_410 = arith.xori %iota3A, %parallel_loop3A_409 : vector<16xi32>
          %parallel_loop3A_411 = arith.addi %parallel_loop3A_121, %parallel_loop3A_410 : vector<16xi32>
          %parallel_loop3A_412 = tpu.vector_load_idx %arg5[%parallel_loop3A_411] : memref<10752xf32, #tpu.memory_space<vmem>>[vector<16xi32>], vector<16xf32>,
          tpu.vector_store_idx %arg7[%parallel_loop3A_122, %parallel_loop3A_410, %parallel_loop3A_114], %parallel_loop3A_412 : memref<4x64x128xf32, #tpu.memory_space<vmem>>[vector<16xi32>, vector<16xi32>, vector<16xi32>], vector<16xf32>,
          %parallel_loop3A_413 = arith.constant 58 : i32
          %parallel_loop3A_414 = vector.broadcast %parallel_loop3A_413 : i32 to vector<16xi32>
          %parallel_loop3A_415 = arith.xori %iota3A, %parallel_loop3A_414 : vector<16xi32>
          %parallel_loop3A_416 = arith.addi %parallel_loop3A_121, %parallel_loop3A_415 : vector<16xi32>
          %parallel_loop3A_417 = tpu.vector_load_idx %arg5[%parallel_loop3A_416] : memref<10752xf32, #tpu.memory_space<vmem>>[vector<16xi32>], vector<16xf32>,
          tpu.vector_store_idx %arg7[%parallel_loop3A_122, %parallel_loop3A_415, %parallel_loop3A_114], %parallel_loop3A_417 : memref<4x64x128xf32, #tpu.memory_space<vmem>>[vector<16xi32>, vector<16xi32>, vector<16xi32>], vector<16xf32>,
          %parallel_loop3A_418 = arith.constant 59 : i32
          %parallel_loop3A_419 = vector.broadcast %parallel_loop3A_418 : i32 to vector<16xi32>
          %parallel_loop3A_420 = arith.xori %iota3A, %parallel_loop3A_419 : vector<16xi32>
          %parallel_loop3A_421 = arith.addi %parallel_loop3A_121, %parallel_loop3A_420 : vector<16xi32>
          %parallel_loop3A_422 = tpu.vector_load_idx %arg5[%parallel_loop3A_421] : memref<10752xf32, #tpu.memory_space<vmem>>[vector<16xi32>], vector<16xf32>,
          tpu.vector_store_idx %arg7[%parallel_loop3A_122, %parallel_loop3A_420, %parallel_loop3A_114], %parallel_loop3A_422 : memref<4x64x128xf32, #tpu.memory_space<vmem>>[vector<16xi32>, vector<16xi32>, vector<16xi32>], vector<16xf32>,
          %parallel_loop3A_423 = arith.constant 60 : i32
          %parallel_loop3A_424 = vector.broadcast %parallel_loop3A_423 : i32 to vector<16xi32>
          %parallel_loop3A_425 = arith.xori %iota3A, %parallel_loop3A_424 : vector<16xi32>
          %parallel_loop3A_426 = arith.addi %parallel_loop3A_121, %parallel_loop3A_425 : vector<16xi32>
          %parallel_loop3A_427 = tpu.vector_load_idx %arg5[%parallel_loop3A_426] : memref<10752xf32, #tpu.memory_space<vmem>>[vector<16xi32>], vector<16xf32>,
          tpu.vector_store_idx %arg7[%parallel_loop3A_122, %parallel_loop3A_425, %parallel_loop3A_114], %parallel_loop3A_427 : memref<4x64x128xf32, #tpu.memory_space<vmem>>[vector<16xi32>, vector<16xi32>, vector<16xi32>], vector<16xf32>,
          %parallel_loop3A_428 = arith.constant 61 : i32
          %parallel_loop3A_429 = vector.broadcast %parallel_loop3A_428 : i32 to vector<16xi32>
          %parallel_loop3A_430 = arith.xori %iota3A, %parallel_loop3A_429 : vector<16xi32>
          %parallel_loop3A_431 = arith.addi %parallel_loop3A_121, %parallel_loop3A_430 : vector<16xi32>
          %parallel_loop3A_432 = tpu.vector_load_idx %arg5[%parallel_loop3A_431] : memref<10752xf32, #tpu.memory_space<vmem>>[vector<16xi32>], vector<16xf32>,
          tpu.vector_store_idx %arg7[%parallel_loop3A_122, %parallel_loop3A_430, %parallel_loop3A_114], %parallel_loop3A_432 : memref<4x64x128xf32, #tpu.memory_space<vmem>>[vector<16xi32>, vector<16xi32>, vector<16xi32>], vector<16xf32>,
          %parallel_loop3A_433 = arith.constant 62 : i32
          %parallel_loop3A_434 = vector.broadcast %parallel_loop3A_433 : i32 to vector<16xi32>
          %parallel_loop3A_435 = arith.xori %iota3A, %parallel_loop3A_434 : vector<16xi32>
          %parallel_loop3A_436 = arith.addi %parallel_loop3A_121, %parallel_loop3A_435 : vector<16xi32>
          %parallel_loop3A_437 = tpu.vector_load_idx %arg5[%parallel_loop3A_436] : memref<10752xf32, #tpu.memory_space<vmem>>[vector<16xi32>], vector<16xf32>,
          tpu.vector_store_idx %arg7[%parallel_loop3A_122, %parallel_loop3A_435, %parallel_loop3A_114], %parallel_loop3A_437 : memref<4x64x128xf32, #tpu.memory_space<vmem>>[vector<16xi32>, vector<16xi32>, vector<16xi32>], vector<16xf32>,
          %parallel_loop3A_438 = arith.constant 63 : i32
          %parallel_loop3A_439 = vector.broadcast %parallel_loop3A_438 : i32 to vector<16xi32>
          %parallel_loop3A_440 = arith.xori %iota3A, %parallel_loop3A_439 : vector<16xi32>
          %parallel_loop3A_441 = arith.addi %parallel_loop3A_121, %parallel_loop3A_440 : vector<16xi32>
          %parallel_loop3A_442 = tpu.vector_load_idx %arg5[%parallel_loop3A_441] : memref<10752xf32, #tpu.memory_space<vmem>>[vector<16xi32>], vector<16xf32>,
          tpu.vector_store_idx %arg7[%parallel_loop3A_122, %parallel_loop3A_440, %parallel_loop3A_114], %parallel_loop3A_442 : memref<4x64x128xf32, #tpu.memory_space<vmem>>[vector<16xi32>, vector<16xi32>, vector<16xi32>], vector<16xf32>,
        } {sc.loop_unroll_factor = 4 : i64, sc.parallel_access}
        %dma_start3A = arith.constant 0 : i32
        %dma_start3A_47 = tpu.memref_slice %arg4[%mul3A_42, %dma_start3A, %mul3A_26] : memref<200x64x16384xf32, #tpu.memory_space<hbm>> -> memref<4x64x128xf32, #tpu.memory_space<hbm>>
        %dma_start3A_48 = arith.constant 0 : i32
        %dma_start3A_49 = tpu.memref_slice %arg4[%mul3A_42, %dma_start3A_48, %mul3A_26] : memref<200x64x16384xf32, #tpu.memory_space<hbm>> -> memref<4x64x128xf32, #tpu.memory_space<hbm>>
        tpu.enqueue_dma source(%arg7 : memref<4x64x128xf32, #tpu.memory_space<vmem>>) target(%dma_start3A_49 : memref<4x64x128xf32, #tpu.memory_space<hbm>>) target_semaphore(%arg9 : memref<!tpu.dma_semaphore, #tpu.memory_space<semaphore_mem>>)
        %add3A_50 = arith.constant 1 : i32
        %add3A_51 = arith.addi %add3A_38, %add3A_50 : i32
        %mul3A_52 = arith.constant 2 : i32
        %mul3A_53 = arith.muli %mul3A_52, %scan3A_33 : i32
        %add3A_54 = arith.constant 1 : i32
        %add3A_55 = arith.addi %mul3A_53, %add3A_54 : i32
        %mul3A_56 = arith.constant 4 : i32
        %mul3A_57 = arith.muli %add3A_55, %mul3A_56 : i32
        %ge3A_58 = arith.constant 2 : i32
        %ge3A_59 = arith.cmpi sge, %add3A_51, %ge3A_58 : i32
        %convert_element_type3A_60 = arith.extui %ge3A_59 : i1 to i32
        %cond3A_61 = arith.constant 0 : i32
        %cond3A_62 = arith.cmpi ne, %convert_element_type3A_60, %cond3A_61 : i32
        scf.if %cond3A_62 {
          %dma_wait3A_70 = arith.constant 0 : i32
          %dma_wait3A_71 = arith.constant 0 : i32
          %dma_wait3A_72 = arith.constant 0 : i32
          %dma_wait3A_73 = tpu.memref_slice %arg4[%dma_wait3A_70, %dma_wait3A_71, %dma_wait3A_72] : memref<200x64x16384xf32, #tpu.memory_space<hbm>> -> memref<4x64x128xf32, #tpu.memory_space<hbm>>
          %dma_wait3A_74 = arith.constant 0 : i32
          %dma_wait3A_75 = arith.constant 0 : i32
          %dma_wait3A_76 = arith.constant 0 : i32
          %dma_wait3A_77 = tpu.memref_slice %arg4[%dma_wait3A_74, %dma_wait3A_75, %dma_wait3A_76] : memref<200x64x16384xf32, #tpu.memory_space<hbm>> -> memref<4x64x128xf32, #tpu.memory_space<hbm>>
          tpu.wait_dma2 semaphore(%arg10 : memref<!tpu.dma_semaphore, #tpu.memory_space<semaphore_mem>>) src(%arg8 : memref<4x64x128xf32, #tpu.memory_space<vmem>>) dst(%dma_wait3A_77 : memref<4x64x128xf32, #tpu.memory_space<hbm>>)
        } else {
        }
        %parallel_loop3A_63 = arith.constant 0 : i32
        %parallel_loop3A_64 = arith.constant 32 : i32
        %parallel_loop3A_65 = arith.constant 1 : i32
        scf.for %parallel_loop3A_70 = %parallel_loop3A_63 to %parallel_loop3A_64 step %parallel_loop3A_65  : i32 {
          %parallel_loop3A_71 = arith.constant 8 : i32
          %parallel_loop3A_72 = arith.divsi %parallel_loop3A_70, %parallel_loop3A_71 : i32
          %parallel_loop3A_73 = arith.constant 0 : i32
          %parallel_loop3A_74 = arith.cmpi sgt, %parallel_loop3A_70, %parallel_loop3A_73 : i32
          %parallel_loop3A_75 = arith.extui %parallel_loop3A_74 : i1 to i32
          %parallel_loop3A_76 = arith.constant 0 : i32
          %parallel_loop3A_77 = arith.cmpi slt, %parallel_loop3A_70, %parallel_loop3A_76 : i32
          %parallel_loop3A_78 = arith.extui %parallel_loop3A_77 : i1 to i32
          %parallel_loop3A_79 = arith.subi %parallel_loop3A_75, %parallel_loop3A_78 : i32
          %parallel_loop3A_80 = arith.constant 0 : i32
          %parallel_loop3A_81 = arith.cmpi sgt, %parallel_loop3A_71, %parallel_loop3A_80 : i32
          %parallel_loop3A_82 = arith.extui %parallel_loop3A_81 : i1 to i32
          %parallel_loop3A_83 = arith.constant 0 : i32
          %parallel_loop3A_84 = arith.cmpi slt, %parallel_loop3A_71, %parallel_loop3A_83 : i32
          %parallel_loop3A_85 = arith.extui %parallel_loop3A_84 : i1 to i32
          %parallel_loop3A_86 = arith.subi %parallel_loop3A_82, %parallel_loop3A_85 : i32
          %parallel_loop3A_87 = arith.cmpi ne, %parallel_loop3A_79, %parallel_loop3A_86 : i32
          %parallel_loop3A_88 = arith.remsi %parallel_loop3A_70, %parallel_loop3A_71 : i32
          %parallel_loop3A_89 = arith.constant 0 : i32
          %parallel_loop3A_90 = arith.cmpi ne, %parallel_loop3A_88, %parallel_loop3A_89 : i32
          %parallel_loop3A_91 = arith.andi %parallel_loop3A_87, %parallel_loop3A_90 : i1
          %parallel_loop3A_92 = arith.constant 1 : i32
          %parallel_loop3A_93 = arith.subi %parallel_loop3A_72, %parallel_loop3A_92 : i32
          %parallel_loop3A_94 = arith.select %parallel_loop3A_91, %parallel_loop3A_93, %parallel_loop3A_72 : i32
          %parallel_loop3A_95 = arith.constant 8 : i32
          %parallel_loop3A_96 = arith.constant 0 : i32
          %parallel_loop3A_97 = arith.cmpi eq, %parallel_loop3A_95, %parallel_loop3A_96 : i32
          %parallel_loop3A_98 = arith.constant 1 : i32
          %parallel_loop3A_99 = arith.select %parallel_loop3A_97, %parallel_loop3A_98, %parallel_loop3A_95 : i32
          %parallel_loop3A_100 = arith.remsi %parallel_loop3A_70, %parallel_loop3A_99 : i32
          %parallel_loop3A_101 = arith.constant 0 : i32
          %parallel_loop3A_102 = arith.cmpi ne, %parallel_loop3A_100, %parallel_loop3A_101 : i32
          %parallel_loop3A_103 = arith.constant 0 : i32
          %parallel_loop3A_104 = arith.cmpi slt, %parallel_loop3A_100, %parallel_loop3A_103 : i32
          %parallel_loop3A_105 = arith.constant 0 : i32
          %parallel_loop3A_106 = arith.cmpi slt, %parallel_loop3A_99, %parallel_loop3A_105 : i32
          %parallel_loop3A_107 = arith.xori %parallel_loop3A_104, %parallel_loop3A_106 : i1
          %parallel_loop3A_108 = arith.andi %parallel_loop3A_107, %parallel_loop3A_102 : i1
          %parallel_loop3A_109 = arith.addi %parallel_loop3A_100, %parallel_loop3A_99 : i32
          %parallel_loop3A_110 = arith.select %parallel_loop3A_108, %parallel_loop3A_109, %parallel_loop3A_100 : i32
          %parallel_loop3A_111 = arith.constant 16 : i32
          %parallel_loop3A_112 = arith.muli %parallel_loop3A_110, %parallel_loop3A_111 : i32
          %parallel_loop3A_113 = vector.broadcast %parallel_loop3A_112 : i32 to vector<16xi32>
          %parallel_loop3A_114 = arith.addi %parallel_loop3A_113, %iota3A : vector<16xi32>
          %parallel_loop3A_115 = arith.addi %mul3A_57, %parallel_loop3A_94 : i32
          %parallel_loop3A_116 = arith.index_cast %parallel_loop3A_115 : i32 to index
          %parallel_loop3A_117 = arith.index_cast %parallel_loop3A_112 : i32 to index
          %parallel_loop3A_118 = tpu.vector_load %arg6[%parallel_loop3A_116, %parallel_loop3A_117] {strides = array<i32>} : memref<200x128xi32, #tpu.memory_space<vmem>>, vector<16xi32>,
          %parallel_loop3A_119 = arith.constant 64 : i32
          %parallel_loop3A_120 = vector.broadcast %parallel_loop3A_119 : i32 to vector<16xi32>
          %parallel_loop3A_121 = arith.muli %parallel_loop3A_118, %parallel_loop3A_120 : vector<16xi32>
          %parallel_loop3A_122 = vector.broadcast %parallel_loop3A_94 : i32 to vector<16xi32>
          %parallel_loop3A_123 = arith.constant 0 : i32
          %parallel_loop3A_124 = vector.broadcast %parallel_loop3A_123 : i32 to vector<16xi32>
          %parallel_loop3A_125 = arith.xori %iota3A, %parallel_loop3A_124 : vector<16xi32>
          %parallel_loop3A_126 = arith.addi %parallel_loop3A_121, %parallel_loop3A_125 : vector<16xi32>
          %parallel_loop3A_127 = tpu.vector_load_idx %arg5[%parallel_loop3A_126] : memref<10752xf32, #tpu.memory_space<vmem>>[vector<16xi32>], vector<16xf32>,
          tpu.vector_store_idx %arg8[%parallel_loop3A_122, %parallel_loop3A_125, %parallel_loop3A_114], %parallel_loop3A_127 : memref<4x64x128xf32, #tpu.memory_space<vmem>>[vector<16xi32>, vector<16xi32>, vector<16xi32>], vector<16xf32>,
          %parallel_loop3A_128 = arith.constant 1 : i32
          %parallel_loop3A_129 = vector.broadcast %parallel_loop3A_128 : i32 to vector<16xi32>
          %parallel_loop3A_130 = arith.xori %iota3A, %parallel_loop3A_129 : vector<16xi32>
          %parallel_loop3A_131 = arith.addi %parallel_loop3A_121, %parallel_loop3A_130 : vector<16xi32>
          %parallel_loop3A_132 = tpu.vector_load_idx %arg5[%parallel_loop3A_131] : memref<10752xf32, #tpu.memory_space<vmem>>[vector<16xi32>], vector<16xf32>,
          tpu.vector_store_idx %arg8[%parallel_loop3A_122, %parallel_loop3A_130, %parallel_loop3A_114], %parallel_loop3A_132 : memref<4x64x128xf32, #tpu.memory_space<vmem>>[vector<16xi32>, vector<16xi32>, vector<16xi32>], vector<16xf32>,
          %parallel_loop3A_133 = arith.constant 2 : i32
          %parallel_loop3A_134 = vector.broadcast %parallel_loop3A_133 : i32 to vector<16xi32>
          %parallel_loop3A_135 = arith.xori %iota3A, %parallel_loop3A_134 : vector<16xi32>
          %parallel_loop3A_136 = arith.addi %parallel_loop3A_121, %parallel_loop3A_135 : vector<16xi32>
          %parallel_loop3A_137 = tpu.vector_load_idx %arg5[%parallel_loop3A_136] : memref<10752xf32, #tpu.memory_space<vmem>>[vector<16xi32>], vector<16xf32>,
          tpu.vector_store_idx %arg8[%parallel_loop3A_122, %parallel_loop3A_135, %parallel_loop3A_114], %parallel_loop3A_137 : memref<4x64x128xf32, #tpu.memory_space<vmem>>[vector<16xi32>, vector<16xi32>, vector<16xi32>], vector<16xf32>,
          %parallel_loop3A_138 = arith.constant 3 : i32
          %parallel_loop3A_139 = vector.broadcast %parallel_loop3A_138 : i32 to vector<16xi32>
          %parallel_loop3A_140 = arith.xori %iota3A, %parallel_loop3A_139 : vector<16xi32>
          %parallel_loop3A_141 = arith.addi %parallel_loop3A_121, %parallel_loop3A_140 : vector<16xi32>
          %parallel_loop3A_142 = tpu.vector_load_idx %arg5[%parallel_loop3A_141] : memref<10752xf32, #tpu.memory_space<vmem>>[vector<16xi32>], vector<16xf32>,
          tpu.vector_store_idx %arg8[%parallel_loop3A_122, %parallel_loop3A_140, %parallel_loop3A_114], %parallel_loop3A_142 : memref<4x64x128xf32, #tpu.memory_space<vmem>>[vector<16xi32>, vector<16xi32>, vector<16xi32>], vector<16xf32>,
          %parallel_loop3A_143 = arith.constant 4 : i32
          %parallel_loop3A_144 = vector.broadcast %parallel_loop3A_143 : i32 to vector<16xi32>
          %parallel_loop3A_145 = arith.xori %iota3A, %parallel_loop3A_144 : vector<16xi32>
          %parallel_loop3A_146 = arith.addi %parallel_loop3A_121, %parallel_loop3A_145 : vector<16xi32>
          %parallel_loop3A_147 = tpu.vector_load_idx %arg5[%parallel_loop3A_146] : memref<10752xf32, #tpu.memory_space<vmem>>[vector<16xi32>], vector<16xf32>,
          tpu.vector_store_idx %arg8[%parallel_loop3A_122, %parallel_loop3A_145, %parallel_loop3A_114], %parallel_loop3A_147 : memref<4x64x128xf32, #tpu.memory_space<vmem>>[vector<16xi32>, vector<16xi32>, vector<16xi32>], vector<16xf32>,
          %parallel_loop3A_148 = arith.constant 5 : i32
          %parallel_loop3A_149 = vector.broadcast %parallel_loop3A_148 : i32 to vector<16xi32>
          %parallel_loop3A_150 = arith.xori %iota3A, %parallel_loop3A_149 : vector<16xi32>
          %parallel_loop3A_151 = arith.addi %parallel_loop3A_121, %parallel_loop3A_150 : vector<16xi32>
          %parallel_loop3A_152 = tpu.vector_load_idx %arg5[%parallel_loop3A_151] : memref<10752xf32, #tpu.memory_space<vmem>>[vector<16xi32>], vector<16xf32>,
          tpu.vector_store_idx %arg8[%parallel_loop3A_122, %parallel_loop3A_150, %parallel_loop3A_114], %parallel_loop3A_152 : memref<4x64x128xf32, #tpu.memory_space<vmem>>[vector<16xi32>, vector<16xi32>, vector<16xi32>], vector<16xf32>,
          %parallel_loop3A_153 = arith.constant 6 : i32
          %parallel_loop3A_154 = vector.broadcast %parallel_loop3A_153 : i32 to vector<16xi32>
          %parallel_loop3A_155 = arith.xori %iota3A, %parallel_loop3A_154 : vector<16xi32>
          %parallel_loop3A_156 = arith.addi %parallel_loop3A_121, %parallel_loop3A_155 : vector<16xi32>
          %parallel_loop3A_157 = tpu.vector_load_idx %arg5[%parallel_loop3A_156] : memref<10752xf32, #tpu.memory_space<vmem>>[vector<16xi32>], vector<16xf32>,
          tpu.vector_store_idx %arg8[%parallel_loop3A_122, %parallel_loop3A_155, %parallel_loop3A_114], %parallel_loop3A_157 : memref<4x64x128xf32, #tpu.memory_space<vmem>>[vector<16xi32>, vector<16xi32>, vector<16xi32>], vector<16xf32>,
          %parallel_loop3A_158 = arith.constant 7 : i32
          %parallel_loop3A_159 = vector.broadcast %parallel_loop3A_158 : i32 to vector<16xi32>
          %parallel_loop3A_160 = arith.xori %iota3A, %parallel_loop3A_159 : vector<16xi32>
          %parallel_loop3A_161 = arith.addi %parallel_loop3A_121, %parallel_loop3A_160 : vector<16xi32>
          %parallel_loop3A_162 = tpu.vector_load_idx %arg5[%parallel_loop3A_161] : memref<10752xf32, #tpu.memory_space<vmem>>[vector<16xi32>], vector<16xf32>,
          tpu.vector_store_idx %arg8[%parallel_loop3A_122, %parallel_loop3A_160, %parallel_loop3A_114], %parallel_loop3A_162 : memref<4x64x128xf32, #tpu.memory_space<vmem>>[vector<16xi32>, vector<16xi32>, vector<16xi32>], vector<16xf32>,
          %parallel_loop3A_163 = arith.constant 8 : i32
          %parallel_loop3A_164 = vector.broadcast %parallel_loop3A_163 : i32 to vector<16xi32>
          %parallel_loop3A_165 = arith.xori %iota3A, %parallel_loop3A_164 : vector<16xi32>
          %parallel_loop3A_166 = arith.addi %parallel_loop3A_121, %parallel_loop3A_165 : vector<16xi32>
          %parallel_loop3A_167 = tpu.vector_load_idx %arg5[%parallel_loop3A_166] : memref<10752xf32, #tpu.memory_space<vmem>>[vector<16xi32>], vector<16xf32>,
          tpu.vector_store_idx %arg8[%parallel_loop3A_122, %parallel_loop3A_165, %parallel_loop3A_114], %parallel_loop3A_167 : memref<4x64x128xf32, #tpu.memory_space<vmem>>[vector<16xi32>, vector<16xi32>, vector<16xi32>], vector<16xf32>,
          %parallel_loop3A_168 = arith.constant 9 : i32
          %parallel_loop3A_169 = vector.broadcast %parallel_loop3A_168 : i32 to vector<16xi32>
          %parallel_loop3A_170 = arith.xori %iota3A, %parallel_loop3A_169 : vector<16xi32>
          %parallel_loop3A_171 = arith.addi %parallel_loop3A_121, %parallel_loop3A_170 : vector<16xi32>
          %parallel_loop3A_172 = tpu.vector_load_idx %arg5[%parallel_loop3A_171] : memref<10752xf32, #tpu.memory_space<vmem>>[vector<16xi32>], vector<16xf32>,
          tpu.vector_store_idx %arg8[%parallel_loop3A_122, %parallel_loop3A_170, %parallel_loop3A_114], %parallel_loop3A_172 : memref<4x64x128xf32, #tpu.memory_space<vmem>>[vector<16xi32>, vector<16xi32>, vector<16xi32>], vector<16xf32>,
          %parallel_loop3A_173 = arith.constant 10 : i32
          %parallel_loop3A_174 = vector.broadcast %parallel_loop3A_173 : i32 to vector<16xi32>
          %parallel_loop3A_175 = arith.xori %iota3A, %parallel_loop3A_174 : vector<16xi32>
          %parallel_loop3A_176 = arith.addi %parallel_loop3A_121, %parallel_loop3A_175 : vector<16xi32>
          %parallel_loop3A_177 = tpu.vector_load_idx %arg5[%parallel_loop3A_176] : memref<10752xf32, #tpu.memory_space<vmem>>[vector<16xi32>], vector<16xf32>,
          tpu.vector_store_idx %arg8[%parallel_loop3A_122, %parallel_loop3A_175, %parallel_loop3A_114], %parallel_loop3A_177 : memref<4x64x128xf32, #tpu.memory_space<vmem>>[vector<16xi32>, vector<16xi32>, vector<16xi32>], vector<16xf32>,
          %parallel_loop3A_178 = arith.constant 11 : i32
          %parallel_loop3A_179 = vector.broadcast %parallel_loop3A_178 : i32 to vector<16xi32>
          %parallel_loop3A_180 = arith.xori %iota3A, %parallel_loop3A_179 : vector<16xi32>
          %parallel_loop3A_181 = arith.addi %parallel_loop3A_121, %parallel_loop3A_180 : vector<16xi32>
          %parallel_loop3A_182 = tpu.vector_load_idx %arg5[%parallel_loop3A_181] : memref<10752xf32, #tpu.memory_space<vmem>>[vector<16xi32>], vector<16xf32>,
          tpu.vector_store_idx %arg8[%parallel_loop3A_122, %parallel_loop3A_180, %parallel_loop3A_114], %parallel_loop3A_182 : memref<4x64x128xf32, #tpu.memory_space<vmem>>[vector<16xi32>, vector<16xi32>, vector<16xi32>], vector<16xf32>,
          %parallel_loop3A_183 = arith.constant 12 : i32
          %parallel_loop3A_184 = vector.broadcast %parallel_loop3A_183 : i32 to vector<16xi32>
          %parallel_loop3A_185 = arith.xori %iota3A, %parallel_loop3A_184 : vector<16xi32>
          %parallel_loop3A_186 = arith.addi %parallel_loop3A_121, %parallel_loop3A_185 : vector<16xi32>
          %parallel_loop3A_187 = tpu.vector_load_idx %arg5[%parallel_loop3A_186] : memref<10752xf32, #tpu.memory_space<vmem>>[vector<16xi32>], vector<16xf32>,
          tpu.vector_store_idx %arg8[%parallel_loop3A_122, %parallel_loop3A_185, %parallel_loop3A_114], %parallel_loop3A_187 : memref<4x64x128xf32, #tpu.memory_space<vmem>>[vector<16xi32>, vector<16xi32>, vector<16xi32>], vector<16xf32>,
          %parallel_loop3A_188 = arith.constant 13 : i32
          %parallel_loop3A_189 = vector.broadcast %parallel_loop3A_188 : i32 to vector<16xi32>
          %parallel_loop3A_190 = arith.xori %iota3A, %parallel_loop3A_189 : vector<16xi32>
          %parallel_loop3A_191 = arith.addi %parallel_loop3A_121, %parallel_loop3A_190 : vector<16xi32>
          %parallel_loop3A_192 = tpu.vector_load_idx %arg5[%parallel_loop3A_191] : memref<10752xf32, #tpu.memory_space<vmem>>[vector<16xi32>], vector<16xf32>,
          tpu.vector_store_idx %arg8[%parallel_loop3A_122, %parallel_loop3A_190, %parallel_loop3A_114], %parallel_loop3A_192 : memref<4x64x128xf32, #tpu.memory_space<vmem>>[vector<16xi32>, vector<16xi32>, vector<16xi32>], vector<16xf32>,
          %parallel_loop3A_193 = arith.constant 14 : i32
          %parallel_loop3A_194 = vector.broadcast %parallel_loop3A_193 : i32 to vector<16xi32>
          %parallel_loop3A_195 = arith.xori %iota3A, %parallel_loop3A_194 : vector<16xi32>
          %parallel_loop3A_196 = arith.addi %parallel_loop3A_121, %parallel_loop3A_195 : vector<16xi32>
          %parallel_loop3A_197 = tpu.vector_load_idx %arg5[%parallel_loop3A_196] : memref<10752xf32, #tpu.memory_space<vmem>>[vector<16xi32>], vector<16xf32>,
          tpu.vector_store_idx %arg8[%parallel_loop3A_122, %parallel_loop3A_195, %parallel_loop3A_114], %parallel_loop3A_197 : memref<4x64x128xf32, #tpu.memory_space<vmem>>[vector<16xi32>, vector<16xi32>, vector<16xi32>], vector<16xf32>,
          %parallel_loop3A_198 = arith.constant 15 : i32
          %parallel_loop3A_199 = vector.broadcast %parallel_loop3A_198 : i32 to vector<16xi32>
          %parallel_loop3A_200 = arith.xori %iota3A, %parallel_loop3A_199 : vector<16xi32>
          %parallel_loop3A_201 = arith.addi %parallel_loop3A_121, %parallel_loop3A_200 : vector<16xi32>
          %parallel_loop3A_202 = tpu.vector_load_idx %arg5[%parallel_loop3A_201] : memref<10752xf32, #tpu.memory_space<vmem>>[vector<16xi32>], vector<16xf32>,
          tpu.vector_store_idx %arg8[%parallel_loop3A_122, %parallel_loop3A_200, %parallel_loop3A_114], %parallel_loop3A_202 : memref<4x64x128xf32, #tpu.memory_space<vmem>>[vector<16xi32>, vector<16xi32>, vector<16xi32>], vector<16xf32>,
          %parallel_loop3A_203 = arith.constant 16 : i32
          %parallel_loop3A_204 = vector.broadcast %parallel_loop3A_203 : i32 to vector<16xi32>
          %parallel_loop3A_205 = arith.xori %iota3A, %parallel_loop3A_204 : vector<16xi32>
          %parallel_loop3A_206 = arith.addi %parallel_loop3A_121, %parallel_loop3A_205 : vector<16xi32>
          %parallel_loop3A_207 = tpu.vector_load_idx %arg5[%parallel_loop3A_206] : memref<10752xf32, #tpu.memory_space<vmem>>[vector<16xi32>], vector<16xf32>,
          tpu.vector_store_idx %arg8[%parallel_loop3A_122, %parallel_loop3A_205, %parallel_loop3A_114], %parallel_loop3A_207 : memref<4x64x128xf32, #tpu.memory_space<vmem>>[vector<16xi32>, vector<16xi32>, vector<16xi32>], vector<16xf32>,
          %parallel_loop3A_208 = arith.constant 17 : i32
          %parallel_loop3A_209 = vector.broadcast %parallel_loop3A_208 : i32 to vector<16xi32>
          %parallel_loop3A_210 = arith.xori %iota3A, %parallel_loop3A_209 : vector<16xi32>
          %parallel_loop3A_211 = arith.addi %parallel_loop3A_121, %parallel_loop3A_210 : vector<16xi32>
          %parallel_loop3A_212 = tpu.vector_load_idx %arg5[%parallel_loop3A_211] : memref<10752xf32, #tpu.memory_space<vmem>>[vector<16xi32>], vector<16xf32>,
          tpu.vector_store_idx %arg8[%parallel_loop3A_122, %parallel_loop3A_210, %parallel_loop3A_114], %parallel_loop3A_212 : memref<4x64x128xf32, #tpu.memory_space<vmem>>[vector<16xi32>, vector<16xi32>, vector<16xi32>], vector<16xf32>,
          %parallel_loop3A_213 = arith.constant 18 : i32
          %parallel_loop3A_214 = vector.broadcast %parallel_loop3A_213 : i32 to vector<16xi32>
          %parallel_loop3A_215 = arith.xori %iota3A, %parallel_loop3A_214 : vector<16xi32>
          %parallel_loop3A_216 = arith.addi %parallel_loop3A_121, %parallel_loop3A_215 : vector<16xi32>
          %parallel_loop3A_217 = tpu.vector_load_idx %arg5[%parallel_loop3A_216] : memref<10752xf32, #tpu.memory_space<vmem>>[vector<16xi32>], vector<16xf32>,
          tpu.vector_store_idx %arg8[%parallel_loop3A_122, %parallel_loop3A_215, %parallel_loop3A_114], %parallel_loop3A_217 : memref<4x64x128xf32, #tpu.memory_space<vmem>>[vector<16xi32>, vector<16xi32>, vector<16xi32>], vector<16xf32>,
          %parallel_loop3A_218 = arith.constant 19 : i32
          %parallel_loop3A_219 = vector.broadcast %parallel_loop3A_218 : i32 to vector<16xi32>
          %parallel_loop3A_220 = arith.xori %iota3A, %parallel_loop3A_219 : vector<16xi32>
          %parallel_loop3A_221 = arith.addi %parallel_loop3A_121, %parallel_loop3A_220 : vector<16xi32>
          %parallel_loop3A_222 = tpu.vector_load_idx %arg5[%parallel_loop3A_221] : memref<10752xf32, #tpu.memory_space<vmem>>[vector<16xi32>], vector<16xf32>,
          tpu.vector_store_idx %arg8[%parallel_loop3A_122, %parallel_loop3A_220, %parallel_loop3A_114], %parallel_loop3A_222 : memref<4x64x128xf32, #tpu.memory_space<vmem>>[vector<16xi32>, vector<16xi32>, vector<16xi32>], vector<16xf32>,
          %parallel_loop3A_223 = arith.constant 20 : i32
          %parallel_loop3A_224 = vector.broadcast %parallel_loop3A_223 : i32 to vector<16xi32>
          %parallel_loop3A_225 = arith.xori %iota3A, %parallel_loop3A_224 : vector<16xi32>
          %parallel_loop3A_226 = arith.addi %parallel_loop3A_121, %parallel_loop3A_225 : vector<16xi32>
          %parallel_loop3A_227 = tpu.vector_load_idx %arg5[%parallel_loop3A_226] : memref<10752xf32, #tpu.memory_space<vmem>>[vector<16xi32>], vector<16xf32>,
          tpu.vector_store_idx %arg8[%parallel_loop3A_122, %parallel_loop3A_225, %parallel_loop3A_114], %parallel_loop3A_227 : memref<4x64x128xf32, #tpu.memory_space<vmem>>[vector<16xi32>, vector<16xi32>, vector<16xi32>], vector<16xf32>,
          %parallel_loop3A_228 = arith.constant 21 : i32
          %parallel_loop3A_229 = vector.broadcast %parallel_loop3A_228 : i32 to vector<16xi32>
          %parallel_loop3A_230 = arith.xori %iota3A, %parallel_loop3A_229 : vector<16xi32>
          %parallel_loop3A_231 = arith.addi %parallel_loop3A_121, %parallel_loop3A_230 : vector<16xi32>
          %parallel_loop3A_232 = tpu.vector_load_idx %arg5[%parallel_loop3A_231] : memref<10752xf32, #tpu.memory_space<vmem>>[vector<16xi32>], vector<16xf32>,
          tpu.vector_store_idx %arg8[%parallel_loop3A_122, %parallel_loop3A_230, %parallel_loop3A_114], %parallel_loop3A_232 : memref<4x64x128xf32, #tpu.memory_space<vmem>>[vector<16xi32>, vector<16xi32>, vector<16xi32>], vector<16xf32>,
          %parallel_loop3A_233 = arith.constant 22 : i32
          %parallel_loop3A_234 = vector.broadcast %parallel_loop3A_233 : i32 to vector<16xi32>
          %parallel_loop3A_235 = arith.xori %iota3A, %parallel_loop3A_234 : vector<16xi32>
          %parallel_loop3A_236 = arith.addi %parallel_loop3A_121, %parallel_loop3A_235 : vector<16xi32>
          %parallel_loop3A_237 = tpu.vector_load_idx %arg5[%parallel_loop3A_236] : memref<10752xf32, #tpu.memory_space<vmem>>[vector<16xi32>], vector<16xf32>,
          tpu.vector_store_idx %arg8[%parallel_loop3A_122, %parallel_loop3A_235, %parallel_loop3A_114], %parallel_loop3A_237 : memref<4x64x128xf32, #tpu.memory_space<vmem>>[vector<16xi32>, vector<16xi32>, vector<16xi32>], vector<16xf32>,
          %parallel_loop3A_238 = arith.constant 23 : i32
          %parallel_loop3A_239 = vector.broadcast %parallel_loop3A_238 : i32 to vector<16xi32>
          %parallel_loop3A_240 = arith.xori %iota3A, %parallel_loop3A_239 : vector<16xi32>
          %parallel_loop3A_241 = arith.addi %parallel_loop3A_121, %parallel_loop3A_240 : vector<16xi32>
          %parallel_loop3A_242 = tpu.vector_load_idx %arg5[%parallel_loop3A_241] : memref<10752xf32, #tpu.memory_space<vmem>>[vector<16xi32>], vector<16xf32>,
          tpu.vector_store_idx %arg8[%parallel_loop3A_122, %parallel_loop3A_240, %parallel_loop3A_114], %parallel_loop3A_242 : memref<4x64x128xf32, #tpu.memory_space<vmem>>[vector<16xi32>, vector<16xi32>, vector<16xi32>], vector<16xf32>,
          %parallel_loop3A_243 = arith.constant 24 : i32
          %parallel_loop3A_244 = vector.broadcast %parallel_loop3A_243 : i32 to vector<16xi32>
          %parallel_loop3A_245 = arith.xori %iota3A, %parallel_loop3A_244 : vector<16xi32>
          %parallel_loop3A_246 = arith.addi %parallel_loop3A_121, %parallel_loop3A_245 : vector<16xi32>
          %parallel_loop3A_247 = tpu.vector_load_idx %arg5[%parallel_loop3A_246] : memref<10752xf32, #tpu.memory_space<vmem>>[vector<16xi32>], vector<16xf32>,
          tpu.vector_store_idx %arg8[%parallel_loop3A_122, %parallel_loop3A_245, %parallel_loop3A_114], %parallel_loop3A_247 : memref<4x64x128xf32, #tpu.memory_space<vmem>>[vector<16xi32>, vector<16xi32>, vector<16xi32>], vector<16xf32>,
          %parallel_loop3A_248 = arith.constant 25 : i32
          %parallel_loop3A_249 = vector.broadcast %parallel_loop3A_248 : i32 to vector<16xi32>
          %parallel_loop3A_250 = arith.xori %iota3A, %parallel_loop3A_249 : vector<16xi32>
          %parallel_loop3A_251 = arith.addi %parallel_loop3A_121, %parallel_loop3A_250 : vector<16xi32>
          %parallel_loop3A_252 = tpu.vector_load_idx %arg5[%parallel_loop3A_251] : memref<10752xf32, #tpu.memory_space<vmem>>[vector<16xi32>], vector<16xf32>,
          tpu.vector_store_idx %arg8[%parallel_loop3A_122, %parallel_loop3A_250, %parallel_loop3A_114], %parallel_loop3A_252 : memref<4x64x128xf32, #tpu.memory_space<vmem>>[vector<16xi32>, vector<16xi32>, vector<16xi32>], vector<16xf32>,
          %parallel_loop3A_253 = arith.constant 26 : i32
          %parallel_loop3A_254 = vector.broadcast %parallel_loop3A_253 : i32 to vector<16xi32>
          %parallel_loop3A_255 = arith.xori %iota3A, %parallel_loop3A_254 : vector<16xi32>
          %parallel_loop3A_256 = arith.addi %parallel_loop3A_121, %parallel_loop3A_255 : vector<16xi32>
          %parallel_loop3A_257 = tpu.vector_load_idx %arg5[%parallel_loop3A_256] : memref<10752xf32, #tpu.memory_space<vmem>>[vector<16xi32>], vector<16xf32>,
          tpu.vector_store_idx %arg8[%parallel_loop3A_122, %parallel_loop3A_255, %parallel_loop3A_114], %parallel_loop3A_257 : memref<4x64x128xf32, #tpu.memory_space<vmem>>[vector<16xi32>, vector<16xi32>, vector<16xi32>], vector<16xf32>,
          %parallel_loop3A_258 = arith.constant 27 : i32
          %parallel_loop3A_259 = vector.broadcast %parallel_loop3A_258 : i32 to vector<16xi32>
          %parallel_loop3A_260 = arith.xori %iota3A, %parallel_loop3A_259 : vector<16xi32>
          %parallel_loop3A_261 = arith.addi %parallel_loop3A_121, %parallel_loop3A_260 : vector<16xi32>
          %parallel_loop3A_262 = tpu.vector_load_idx %arg5[%parallel_loop3A_261] : memref<10752xf32, #tpu.memory_space<vmem>>[vector<16xi32>], vector<16xf32>,
          tpu.vector_store_idx %arg8[%parallel_loop3A_122, %parallel_loop3A_260, %parallel_loop3A_114], %parallel_loop3A_262 : memref<4x64x128xf32, #tpu.memory_space<vmem>>[vector<16xi32>, vector<16xi32>, vector<16xi32>], vector<16xf32>,
          %parallel_loop3A_263 = arith.constant 28 : i32
          %parallel_loop3A_264 = vector.broadcast %parallel_loop3A_263 : i32 to vector<16xi32>
          %parallel_loop3A_265 = arith.xori %iota3A, %parallel_loop3A_264 : vector<16xi32>
          %parallel_loop3A_266 = arith.addi %parallel_loop3A_121, %parallel_loop3A_265 : vector<16xi32>
          %parallel_loop3A_267 = tpu.vector_load_idx %arg5[%parallel_loop3A_266] : memref<10752xf32, #tpu.memory_space<vmem>>[vector<16xi32>], vector<16xf32>,
          tpu.vector_store_idx %arg8[%parallel_loop3A_122, %parallel_loop3A_265, %parallel_loop3A_114], %parallel_loop3A_267 : memref<4x64x128xf32, #tpu.memory_space<vmem>>[vector<16xi32>, vector<16xi32>, vector<16xi32>], vector<16xf32>,
          %parallel_loop3A_268 = arith.constant 29 : i32
          %parallel_loop3A_269 = vector.broadcast %parallel_loop3A_268 : i32 to vector<16xi32>
          %parallel_loop3A_270 = arith.xori %iota3A, %parallel_loop3A_269 : vector<16xi32>
          %parallel_loop3A_271 = arith.addi %parallel_loop3A_121, %parallel_loop3A_270 : vector<16xi32>
          %parallel_loop3A_272 = tpu.vector_load_idx %arg5[%parallel_loop3A_271] : memref<10752xf32, #tpu.memory_space<vmem>>[vector<16xi32>], vector<16xf32>,
          tpu.vector_store_idx %arg8[%parallel_loop3A_122, %parallel_loop3A_270, %parallel_loop3A_114], %parallel_loop3A_272 : memref<4x64x128xf32, #tpu.memory_space<vmem>>[vector<16xi32>, vector<16xi32>, vector<16xi32>], vector<16xf32>,
          %parallel_loop3A_273 = arith.constant 30 : i32
          %parallel_loop3A_274 = vector.broadcast %parallel_loop3A_273 : i32 to vector<16xi32>
          %parallel_loop3A_275 = arith.xori %iota3A, %parallel_loop3A_274 : vector<16xi32>
          %parallel_loop3A_276 = arith.addi %parallel_loop3A_121, %parallel_loop3A_275 : vector<16xi32>
          %parallel_loop3A_277 = tpu.vector_load_idx %arg5[%parallel_loop3A_276] : memref<10752xf32, #tpu.memory_space<vmem>>[vector<16xi32>], vector<16xf32>,
          tpu.vector_store_idx %arg8[%parallel_loop3A_122, %parallel_loop3A_275, %parallel_loop3A_114], %parallel_loop3A_277 : memref<4x64x128xf32, #tpu.memory_space<vmem>>[vector<16xi32>, vector<16xi32>, vector<16xi32>], vector<16xf32>,
          %parallel_loop3A_278 = arith.constant 31 : i32
          %parallel_loop3A_279 = vector.broadcast %parallel_loop3A_278 : i32 to vector<16xi32>
          %parallel_loop3A_280 = arith.xori %iota3A, %parallel_loop3A_279 : vector<16xi32>
          %parallel_loop3A_281 = arith.addi %parallel_loop3A_121, %parallel_loop3A_280 : vector<16xi32>
          %parallel_loop3A_282 = tpu.vector_load_idx %arg5[%parallel_loop3A_281] : memref<10752xf32, #tpu.memory_space<vmem>>[vector<16xi32>], vector<16xf32>,
          tpu.vector_store_idx %arg8[%parallel_loop3A_122, %parallel_loop3A_280, %parallel_loop3A_114], %parallel_loop3A_282 : memref<4x64x128xf32, #tpu.memory_space<vmem>>[vector<16xi32>, vector<16xi32>, vector<16xi32>], vector<16xf32>,
          %parallel_loop3A_283 = arith.constant 32 : i32
          %parallel_loop3A_284 = vector.broadcast %parallel_loop3A_283 : i32 to vector<16xi32>
          %parallel_loop3A_285 = arith.xori %iota3A, %parallel_loop3A_284 : vector<16xi32>
          %parallel_loop3A_286 = arith.addi %parallel_loop3A_121, %parallel_loop3A_285 : vector<16xi32>
          %parallel_loop3A_287 = tpu.vector_load_idx %arg5[%parallel_loop3A_286] : memref<10752xf32, #tpu.memory_space<vmem>>[vector<16xi32>], vector<16xf32>,
          tpu.vector_store_idx %arg8[%parallel_loop3A_122, %parallel_loop3A_285, %parallel_loop3A_114], %parallel_loop3A_287 : memref<4x64x128xf32, #tpu.memory_space<vmem>>[vector<16xi32>, vector<16xi32>, vector<16xi32>], vector<16xf32>,
          %parallel_loop3A_288 = arith.constant 33 : i32
          %parallel_loop3A_289 = vector.broadcast %parallel_loop3A_288 : i32 to vector<16xi32>
          %parallel_loop3A_290 = arith.xori %iota3A, %parallel_loop3A_289 : vector<16xi32>
          %parallel_loop3A_291 = arith.addi %parallel_loop3A_121, %parallel_loop3A_290 : vector<16xi32>
          %parallel_loop3A_292 = tpu.vector_load_idx %arg5[%parallel_loop3A_291] : memref<10752xf32, #tpu.memory_space<vmem>>[vector<16xi32>], vector<16xf32>,
          tpu.vector_store_idx %arg8[%parallel_loop3A_122, %parallel_loop3A_290, %parallel_loop3A_114], %parallel_loop3A_292 : memref<4x64x128xf32, #tpu.memory_space<vmem>>[vector<16xi32>, vector<16xi32>, vector<16xi32>], vector<16xf32>,
          %parallel_loop3A_293 = arith.constant 34 : i32
          %parallel_loop3A_294 = vector.broadcast %parallel_loop3A_293 : i32 to vector<16xi32>
          %parallel_loop3A_295 = arith.xori %iota3A, %parallel_loop3A_294 : vector<16xi32>
          %parallel_loop3A_296 = arith.addi %parallel_loop3A_121, %parallel_loop3A_295 : vector<16xi32>
          %parallel_loop3A_297 = tpu.vector_load_idx %arg5[%parallel_loop3A_296] : memref<10752xf32, #tpu.memory_space<vmem>>[vector<16xi32>], vector<16xf32>,
          tpu.vector_store_idx %arg8[%parallel_loop3A_122, %parallel_loop3A_295, %parallel_loop3A_114], %parallel_loop3A_297 : memref<4x64x128xf32, #tpu.memory_space<vmem>>[vector<16xi32>, vector<16xi32>, vector<16xi32>], vector<16xf32>,
          %parallel_loop3A_298 = arith.constant 35 : i32
          %parallel_loop3A_299 = vector.broadcast %parallel_loop3A_298 : i32 to vector<16xi32>
          %parallel_loop3A_300 = arith.xori %iota3A, %parallel_loop3A_299 : vector<16xi32>
          %parallel_loop3A_301 = arith.addi %parallel_loop3A_121, %parallel_loop3A_300 : vector<16xi32>
          %parallel_loop3A_302 = tpu.vector_load_idx %arg5[%parallel_loop3A_301] : memref<10752xf32, #tpu.memory_space<vmem>>[vector<16xi32>], vector<16xf32>,
          tpu.vector_store_idx %arg8[%parallel_loop3A_122, %parallel_loop3A_300, %parallel_loop3A_114], %parallel_loop3A_302 : memref<4x64x128xf32, #tpu.memory_space<vmem>>[vector<16xi32>, vector<16xi32>, vector<16xi32>], vector<16xf32>,
          %parallel_loop3A_303 = arith.constant 36 : i32
          %parallel_loop3A_304 = vector.broadcast %parallel_loop3A_303 : i32 to vector<16xi32>
          %parallel_loop3A_305 = arith.xori %iota3A, %parallel_loop3A_304 : vector<16xi32>
          %parallel_loop3A_306 = arith.addi %parallel_loop3A_121, %parallel_loop3A_305 : vector<16xi32>
          %parallel_loop3A_307 = tpu.vector_load_idx %arg5[%parallel_loop3A_306] : memref<10752xf32, #tpu.memory_space<vmem>>[vector<16xi32>], vector<16xf32>,
          tpu.vector_store_idx %arg8[%parallel_loop3A_122, %parallel_loop3A_305, %parallel_loop3A_114], %parallel_loop3A_307 : memref<4x64x128xf32, #tpu.memory_space<vmem>>[vector<16xi32>, vector<16xi32>, vector<16xi32>], vector<16xf32>,
          %parallel_loop3A_308 = arith.constant 37 : i32
          %parallel_loop3A_309 = vector.broadcast %parallel_loop3A_308 : i32 to vector<16xi32>
          %parallel_loop3A_310 = arith.xori %iota3A, %parallel_loop3A_309 : vector<16xi32>
          %parallel_loop3A_311 = arith.addi %parallel_loop3A_121, %parallel_loop3A_310 : vector<16xi32>
          %parallel_loop3A_312 = tpu.vector_load_idx %arg5[%parallel_loop3A_311] : memref<10752xf32, #tpu.memory_space<vmem>>[vector<16xi32>], vector<16xf32>,
          tpu.vector_store_idx %arg8[%parallel_loop3A_122, %parallel_loop3A_310, %parallel_loop3A_114], %parallel_loop3A_312 : memref<4x64x128xf32, #tpu.memory_space<vmem>>[vector<16xi32>, vector<16xi32>, vector<16xi32>], vector<16xf32>,
          %parallel_loop3A_313 = arith.constant 38 : i32
          %parallel_loop3A_314 = vector.broadcast %parallel_loop3A_313 : i32 to vector<16xi32>
          %parallel_loop3A_315 = arith.xori %iota3A, %parallel_loop3A_314 : vector<16xi32>
          %parallel_loop3A_316 = arith.addi %parallel_loop3A_121, %parallel_loop3A_315 : vector<16xi32>
          %parallel_loop3A_317 = tpu.vector_load_idx %arg5[%parallel_loop3A_316] : memref<10752xf32, #tpu.memory_space<vmem>>[vector<16xi32>], vector<16xf32>,
          tpu.vector_store_idx %arg8[%parallel_loop3A_122, %parallel_loop3A_315, %parallel_loop3A_114], %parallel_loop3A_317 : memref<4x64x128xf32, #tpu.memory_space<vmem>>[vector<16xi32>, vector<16xi32>, vector<16xi32>], vector<16xf32>,
          %parallel_loop3A_318 = arith.constant 39 : i32
          %parallel_loop3A_319 = vector.broadcast %parallel_loop3A_318 : i32 to vector<16xi32>
          %parallel_loop3A_320 = arith.xori %iota3A, %parallel_loop3A_319 : vector<16xi32>
          %parallel_loop3A_321 = arith.addi %parallel_loop3A_121, %parallel_loop3A_320 : vector<16xi32>
          %parallel_loop3A_322 = tpu.vector_load_idx %arg5[%parallel_loop3A_321] : memref<10752xf32, #tpu.memory_space<vmem>>[vector<16xi32>], vector<16xf32>,
          tpu.vector_store_idx %arg8[%parallel_loop3A_122, %parallel_loop3A_320, %parallel_loop3A_114], %parallel_loop3A_322 : memref<4x64x128xf32, #tpu.memory_space<vmem>>[vector<16xi32>, vector<16xi32>, vector<16xi32>], vector<16xf32>,
          %parallel_loop3A_323 = arith.constant 40 : i32
          %parallel_loop3A_324 = vector.broadcast %parallel_loop3A_323 : i32 to vector<16xi32>
          %parallel_loop3A_325 = arith.xori %iota3A, %parallel_loop3A_324 : vector<16xi32>
          %parallel_loop3A_326 = arith.addi %parallel_loop3A_121, %parallel_loop3A_325 : vector<16xi32>
          %parallel_loop3A_327 = tpu.vector_load_idx %arg5[%parallel_loop3A_326] : memref<10752xf32, #tpu.memory_space<vmem>>[vector<16xi32>], vector<16xf32>,
          tpu.vector_store_idx %arg8[%parallel_loop3A_122, %parallel_loop3A_325, %parallel_loop3A_114], %parallel_loop3A_327 : memref<4x64x128xf32, #tpu.memory_space<vmem>>[vector<16xi32>, vector<16xi32>, vector<16xi32>], vector<16xf32>,
          %parallel_loop3A_328 = arith.constant 41 : i32
          %parallel_loop3A_329 = vector.broadcast %parallel_loop3A_328 : i32 to vector<16xi32>
          %parallel_loop3A_330 = arith.xori %iota3A, %parallel_loop3A_329 : vector<16xi32>
          %parallel_loop3A_331 = arith.addi %parallel_loop3A_121, %parallel_loop3A_330 : vector<16xi32>
          %parallel_loop3A_332 = tpu.vector_load_idx %arg5[%parallel_loop3A_331] : memref<10752xf32, #tpu.memory_space<vmem>>[vector<16xi32>], vector<16xf32>,
          tpu.vector_store_idx %arg8[%parallel_loop3A_122, %parallel_loop3A_330, %parallel_loop3A_114], %parallel_loop3A_332 : memref<4x64x128xf32, #tpu.memory_space<vmem>>[vector<16xi32>, vector<16xi32>, vector<16xi32>], vector<16xf32>,
          %parallel_loop3A_333 = arith.constant 42 : i32
          %parallel_loop3A_334 = vector.broadcast %parallel_loop3A_333 : i32 to vector<16xi32>
          %parallel_loop3A_335 = arith.xori %iota3A, %parallel_loop3A_334 : vector<16xi32>
          %parallel_loop3A_336 = arith.addi %parallel_loop3A_121, %parallel_loop3A_335 : vector<16xi32>
          %parallel_loop3A_337 = tpu.vector_load_idx %arg5[%parallel_loop3A_336] : memref<10752xf32, #tpu.memory_space<vmem>>[vector<16xi32>], vector<16xf32>,
          tpu.vector_store_idx %arg8[%parallel_loop3A_122, %parallel_loop3A_335, %parallel_loop3A_114], %parallel_loop3A_337 : memref<4x64x128xf32, #tpu.memory_space<vmem>>[vector<16xi32>, vector<16xi32>, vector<16xi32>], vector<16xf32>,
          %parallel_loop3A_338 = arith.constant 43 : i32
          %parallel_loop3A_339 = vector.broadcast %parallel_loop3A_338 : i32 to vector<16xi32>
          %parallel_loop3A_340 = arith.xori %iota3A, %parallel_loop3A_339 : vector<16xi32>
          %parallel_loop3A_341 = arith.addi %parallel_loop3A_121, %parallel_loop3A_340 : vector<16xi32>
          %parallel_loop3A_342 = tpu.vector_load_idx %arg5[%parallel_loop3A_341] : memref<10752xf32, #tpu.memory_space<vmem>>[vector<16xi32>], vector<16xf32>,
          tpu.vector_store_idx %arg8[%parallel_loop3A_122, %parallel_loop3A_340, %parallel_loop3A_114], %parallel_loop3A_342 : memref<4x64x128xf32, #tpu.memory_space<vmem>>[vector<16xi32>, vector<16xi32>, vector<16xi32>], vector<16xf32>,
          %parallel_loop3A_343 = arith.constant 44 : i32
          %parallel_loop3A_344 = vector.broadcast %parallel_loop3A_343 : i32 to vector<16xi32>
          %parallel_loop3A_345 = arith.xori %iota3A, %parallel_loop3A_344 : vector<16xi32>
          %parallel_loop3A_346 = arith.addi %parallel_loop3A_121, %parallel_loop3A_345 : vector<16xi32>
          %parallel_loop3A_347 = tpu.vector_load_idx %arg5[%parallel_loop3A_346] : memref<10752xf32, #tpu.memory_space<vmem>>[vector<16xi32>], vector<16xf32>,
          tpu.vector_store_idx %arg8[%parallel_loop3A_122, %parallel_loop3A_345, %parallel_loop3A_114], %parallel_loop3A_347 : memref<4x64x128xf32, #tpu.memory_space<vmem>>[vector<16xi32>, vector<16xi32>, vector<16xi32>], vector<16xf32>,
          %parallel_loop3A_348 = arith.constant 45 : i32
          %parallel_loop3A_349 = vector.broadcast %parallel_loop3A_348 : i32 to vector<16xi32>
          %parallel_loop3A_350 = arith.xori %iota3A, %parallel_loop3A_349 : vector<16xi32>
          %parallel_loop3A_351 = arith.addi %parallel_loop3A_121, %parallel_loop3A_350 : vector<16xi32>
          %parallel_loop3A_352 = tpu.vector_load_idx %arg5[%parallel_loop3A_351] : memref<10752xf32, #tpu.memory_space<vmem>>[vector<16xi32>], vector<16xf32>,
          tpu.vector_store_idx %arg8[%parallel_loop3A_122, %parallel_loop3A_350, %parallel_loop3A_114], %parallel_loop3A_352 : memref<4x64x128xf32, #tpu.memory_space<vmem>>[vector<16xi32>, vector<16xi32>, vector<16xi32>], vector<16xf32>,
          %parallel_loop3A_353 = arith.constant 46 : i32
          %parallel_loop3A_354 = vector.broadcast %parallel_loop3A_353 : i32 to vector<16xi32>
          %parallel_loop3A_355 = arith.xori %iota3A, %parallel_loop3A_354 : vector<16xi32>
          %parallel_loop3A_356 = arith.addi %parallel_loop3A_121, %parallel_loop3A_355 : vector<16xi32>
          %parallel_loop3A_357 = tpu.vector_load_idx %arg5[%parallel_loop3A_356] : memref<10752xf32, #tpu.memory_space<vmem>>[vector<16xi32>], vector<16xf32>,
          tpu.vector_store_idx %arg8[%parallel_loop3A_122, %parallel_loop3A_355, %parallel_loop3A_114], %parallel_loop3A_357 : memref<4x64x128xf32, #tpu.memory_space<vmem>>[vector<16xi32>, vector<16xi32>, vector<16xi32>], vector<16xf32>,
          %parallel_loop3A_358 = arith.constant 47 : i32
          %parallel_loop3A_359 = vector.broadcast %parallel_loop3A_358 : i32 to vector<16xi32>
          %parallel_loop3A_360 = arith.xori %iota3A, %parallel_loop3A_359 : vector<16xi32>
          %parallel_loop3A_361 = arith.addi %parallel_loop3A_121, %parallel_loop3A_360 : vector<16xi32>
          %parallel_loop3A_362 = tpu.vector_load_idx %arg5[%parallel_loop3A_361] : memref<10752xf32, #tpu.memory_space<vmem>>[vector<16xi32>], vector<16xf32>,
          tpu.vector_store_idx %arg8[%parallel_loop3A_122, %parallel_loop3A_360, %parallel_loop3A_114], %parallel_loop3A_362 : memref<4x64x128xf32, #tpu.memory_space<vmem>>[vector<16xi32>, vector<16xi32>, vector<16xi32>], vector<16xf32>,
          %parallel_loop3A_363 = arith.constant 48 : i32
          %parallel_loop3A_364 = vector.broadcast %parallel_loop3A_363 : i32 to vector<16xi32>
          %parallel_loop3A_365 = arith.xori %iota3A, %parallel_loop3A_364 : vector<16xi32>
          %parallel_loop3A_366 = arith.addi %parallel_loop3A_121, %parallel_loop3A_365 : vector<16xi32>
          %parallel_loop3A_367 = tpu.vector_load_idx %arg5[%parallel_loop3A_366] : memref<10752xf32, #tpu.memory_space<vmem>>[vector<16xi32>], vector<16xf32>,
          tpu.vector_store_idx %arg8[%parallel_loop3A_122, %parallel_loop3A_365, %parallel_loop3A_114], %parallel_loop3A_367 : memref<4x64x128xf32, #tpu.memory_space<vmem>>[vector<16xi32>, vector<16xi32>, vector<16xi32>], vector<16xf32>,
          %parallel_loop3A_368 = arith.constant 49 : i32
          %parallel_loop3A_369 = vector.broadcast %parallel_loop3A_368 : i32 to vector<16xi32>
          %parallel_loop3A_370 = arith.xori %iota3A, %parallel_loop3A_369 : vector<16xi32>
          %parallel_loop3A_371 = arith.addi %parallel_loop3A_121, %parallel_loop3A_370 : vector<16xi32>
          %parallel_loop3A_372 = tpu.vector_load_idx %arg5[%parallel_loop3A_371] : memref<10752xf32, #tpu.memory_space<vmem>>[vector<16xi32>], vector<16xf32>,
          tpu.vector_store_idx %arg8[%parallel_loop3A_122, %parallel_loop3A_370, %parallel_loop3A_114], %parallel_loop3A_372 : memref<4x64x128xf32, #tpu.memory_space<vmem>>[vector<16xi32>, vector<16xi32>, vector<16xi32>], vector<16xf32>,
          %parallel_loop3A_373 = arith.constant 50 : i32
          %parallel_loop3A_374 = vector.broadcast %parallel_loop3A_373 : i32 to vector<16xi32>
          %parallel_loop3A_375 = arith.xori %iota3A, %parallel_loop3A_374 : vector<16xi32>
          %parallel_loop3A_376 = arith.addi %parallel_loop3A_121, %parallel_loop3A_375 : vector<16xi32>
          %parallel_loop3A_377 = tpu.vector_load_idx %arg5[%parallel_loop3A_376] : memref<10752xf32, #tpu.memory_space<vmem>>[vector<16xi32>], vector<16xf32>,
          tpu.vector_store_idx %arg8[%parallel_loop3A_122, %parallel_loop3A_375, %parallel_loop3A_114], %parallel_loop3A_377 : memref<4x64x128xf32, #tpu.memory_space<vmem>>[vector<16xi32>, vector<16xi32>, vector<16xi32>], vector<16xf32>,
          %parallel_loop3A_378 = arith.constant 51 : i32
          %parallel_loop3A_379 = vector.broadcast %parallel_loop3A_378 : i32 to vector<16xi32>
          %parallel_loop3A_380 = arith.xori %iota3A, %parallel_loop3A_379 : vector<16xi32>
          %parallel_loop3A_381 = arith.addi %parallel_loop3A_121, %parallel_loop3A_380 : vector<16xi32>
          %parallel_loop3A_382 = tpu.vector_load_idx %arg5[%parallel_loop3A_381] : memref<10752xf32, #tpu.memory_space<vmem>>[vector<16xi32>], vector<16xf32>,
          tpu.vector_store_idx %arg8[%parallel_loop3A_122, %parallel_loop3A_380, %parallel_loop3A_114], %parallel_loop3A_382 : memref<4x64x128xf32, #tpu.memory_space<vmem>>[vector<16xi32>, vector<16xi32>, vector<16xi32>], vector<16xf32>,
          %parallel_loop3A_383 = arith.constant 52 : i32
          %parallel_loop3A_384 = vector.broadcast %parallel_loop3A_383 : i32 to vector<16xi32>
          %parallel_loop3A_385 = arith.xori %iota3A, %parallel_loop3A_384 : vector<16xi32>
          %parallel_loop3A_386 = arith.addi %parallel_loop3A_121, %parallel_loop3A_385 : vector<16xi32>
          %parallel_loop3A_387 = tpu.vector_load_idx %arg5[%parallel_loop3A_386] : memref<10752xf32, #tpu.memory_space<vmem>>[vector<16xi32>], vector<16xf32>,
          tpu.vector_store_idx %arg8[%parallel_loop3A_122, %parallel_loop3A_385, %parallel_loop3A_114], %parallel_loop3A_387 : memref<4x64x128xf32, #tpu.memory_space<vmem>>[vector<16xi32>, vector<16xi32>, vector<16xi32>], vector<16xf32>,
          %parallel_loop3A_388 = arith.constant 53 : i32
          %parallel_loop3A_389 = vector.broadcast %parallel_loop3A_388 : i32 to vector<16xi32>
          %parallel_loop3A_390 = arith.xori %iota3A, %parallel_loop3A_389 : vector<16xi32>
          %parallel_loop3A_391 = arith.addi %parallel_loop3A_121, %parallel_loop3A_390 : vector<16xi32>
          %parallel_loop3A_392 = tpu.vector_load_idx %arg5[%parallel_loop3A_391] : memref<10752xf32, #tpu.memory_space<vmem>>[vector<16xi32>], vector<16xf32>,
          tpu.vector_store_idx %arg8[%parallel_loop3A_122, %parallel_loop3A_390, %parallel_loop3A_114], %parallel_loop3A_392 : memref<4x64x128xf32, #tpu.memory_space<vmem>>[vector<16xi32>, vector<16xi32>, vector<16xi32>], vector<16xf32>,
          %parallel_loop3A_393 = arith.constant 54 : i32
          %parallel_loop3A_394 = vector.broadcast %parallel_loop3A_393 : i32 to vector<16xi32>
          %parallel_loop3A_395 = arith.xori %iota3A, %parallel_loop3A_394 : vector<16xi32>
          %parallel_loop3A_396 = arith.addi %parallel_loop3A_121, %parallel_loop3A_395 : vector<16xi32>
          %parallel_loop3A_397 = tpu.vector_load_idx %arg5[%parallel_loop3A_396] : memref<10752xf32, #tpu.memory_space<vmem>>[vector<16xi32>], vector<16xf32>,
          tpu.vector_store_idx %arg8[%parallel_loop3A_122, %parallel_loop3A_395, %parallel_loop3A_114], %parallel_loop3A_397 : memref<4x64x128xf32, #tpu.memory_space<vmem>>[vector<16xi32>, vector<16xi32>, vector<16xi32>], vector<16xf32>,
          %parallel_loop3A_398 = arith.constant 55 : i32
          %parallel_loop3A_399 = vector.broadcast %parallel_loop3A_398 : i32 to vector<16xi32>
          %parallel_loop3A_400 = arith.xori %iota3A, %parallel_loop3A_399 : vector<16xi32>
          %parallel_loop3A_401 = arith.addi %parallel_loop3A_121, %parallel_loop3A_400 : vector<16xi32>
          %parallel_loop3A_402 = tpu.vector_load_idx %arg5[%parallel_loop3A_401] : memref<10752xf32, #tpu.memory_space<vmem>>[vector<16xi32>], vector<16xf32>,
          tpu.vector_store_idx %arg8[%parallel_loop3A_122, %parallel_loop3A_400, %parallel_loop3A_114], %parallel_loop3A_402 : memref<4x64x128xf32, #tpu.memory_space<vmem>>[vector<16xi32>, vector<16xi32>, vector<16xi32>], vector<16xf32>,
          %parallel_loop3A_403 = arith.constant 56 : i32
          %parallel_loop3A_404 = vector.broadcast %parallel_loop3A_403 : i32 to vector<16xi32>
          %parallel_loop3A_405 = arith.xori %iota3A, %parallel_loop3A_404 : vector<16xi32>
          %parallel_loop3A_406 = arith.addi %parallel_loop3A_121, %parallel_loop3A_405 : vector<16xi32>
          %parallel_loop3A_407 = tpu.vector_load_idx %arg5[%parallel_loop3A_406] : memref<10752xf32, #tpu.memory_space<vmem>>[vector<16xi32>], vector<16xf32>,
          tpu.vector_store_idx %arg8[%parallel_loop3A_122, %parallel_loop3A_405, %parallel_loop3A_114], %parallel_loop3A_407 : memref<4x64x128xf32, #tpu.memory_space<vmem>>[vector<16xi32>, vector<16xi32>, vector<16xi32>], vector<16xf32>,
          %parallel_loop3A_408 = arith.constant 57 : i32
          %parallel_loop3A_409 = vector.broadcast %parallel_loop3A_408 : i32 to vector<16xi32>
          %parallel_loop3A_410 = arith.xori %iota3A, %parallel_loop3A_409 : vector<16xi32>
          %parallel_loop3A_411 = arith.addi %parallel_loop3A_121, %parallel_loop3A_410 : vector<16xi32>
          %parallel_loop3A_412 = tpu.vector_load_idx %arg5[%parallel_loop3A_411] : memref<10752xf32, #tpu.memory_space<vmem>>[vector<16xi32>], vector<16xf32>,
          tpu.vector_store_idx %arg8[%parallel_loop3A_122, %parallel_loop3A_410, %parallel_loop3A_114], %parallel_loop3A_412 : memref<4x64x128xf32, #tpu.memory_space<vmem>>[vector<16xi32>, vector<16xi32>, vector<16xi32>], vector<16xf32>,
          %parallel_loop3A_413 = arith.constant 58 : i32
          %parallel_loop3A_414 = vector.broadcast %parallel_loop3A_413 : i32 to vector<16xi32>
          %parallel_loop3A_415 = arith.xori %iota3A, %parallel_loop3A_414 : vector<16xi32>
          %parallel_loop3A_416 = arith.addi %parallel_loop3A_121, %parallel_loop3A_415 : vector<16xi32>
          %parallel_loop3A_417 = tpu.vector_load_idx %arg5[%parallel_loop3A_416] : memref<10752xf32, #tpu.memory_space<vmem>>[vector<16xi32>], vector<16xf32>,
          tpu.vector_store_idx %arg8[%parallel_loop3A_122, %parallel_loop3A_415, %parallel_loop3A_114], %parallel_loop3A_417 : memref<4x64x128xf32, #tpu.memory_space<vmem>>[vector<16xi32>, vector<16xi32>, vector<16xi32>], vector<16xf32>,
          %parallel_loop3A_418 = arith.constant 59 : i32
          %parallel_loop3A_419 = vector.broadcast %parallel_loop3A_418 : i32 to vector<16xi32>
          %parallel_loop3A_420 = arith.xori %iota3A, %parallel_loop3A_419 : vector<16xi32>
          %parallel_loop3A_421 = arith.addi %parallel_loop3A_121, %parallel_loop3A_420 : vector<16xi32>
          %parallel_loop3A_422 = tpu.vector_load_idx %arg5[%parallel_loop3A_421] : memref<10752xf32, #tpu.memory_space<vmem>>[vector<16xi32>], vector<16xf32>,
          tpu.vector_store_idx %arg8[%parallel_loop3A_122, %parallel_loop3A_420, %parallel_loop3A_114], %parallel_loop3A_422 : memref<4x64x128xf32, #tpu.memory_space<vmem>>[vector<16xi32>, vector<16xi32>, vector<16xi32>], vector<16xf32>,
          %parallel_loop3A_423 = arith.constant 60 : i32
          %parallel_loop3A_424 = vector.broadcast %parallel_loop3A_423 : i32 to vector<16xi32>
          %parallel_loop3A_425 = arith.xori %iota3A, %parallel_loop3A_424 : vector<16xi32>
          %parallel_loop3A_426 = arith.addi %parallel_loop3A_121, %parallel_loop3A_425 : vector<16xi32>
          %parallel_loop3A_427 = tpu.vector_load_idx %arg5[%parallel_loop3A_426] : memref<10752xf32, #tpu.memory_space<vmem>>[vector<16xi32>], vector<16xf32>,
          tpu.vector_store_idx %arg8[%parallel_loop3A_122, %parallel_loop3A_425, %parallel_loop3A_114], %parallel_loop3A_427 : memref<4x64x128xf32, #tpu.memory_space<vmem>>[vector<16xi32>, vector<16xi32>, vector<16xi32>], vector<16xf32>,
          %parallel_loop3A_428 = arith.constant 61 : i32
          %parallel_loop3A_429 = vector.broadcast %parallel_loop3A_428 : i32 to vector<16xi32>
          %parallel_loop3A_430 = arith.xori %iota3A, %parallel_loop3A_429 : vector<16xi32>
          %parallel_loop3A_431 = arith.addi %parallel_loop3A_121, %parallel_loop3A_430 : vector<16xi32>
          %parallel_loop3A_432 = tpu.vector_load_idx %arg5[%parallel_loop3A_431] : memref<10752xf32, #tpu.memory_space<vmem>>[vector<16xi32>], vector<16xf32>,
          tpu.vector_store_idx %arg8[%parallel_loop3A_122, %parallel_loop3A_430, %parallel_loop3A_114], %parallel_loop3A_432 : memref<4x64x128xf32, #tpu.memory_space<vmem>>[vector<16xi32>, vector<16xi32>, vector<16xi32>], vector<16xf32>,
          %parallel_loop3A_433 = arith.constant 62 : i32
          %parallel_loop3A_434 = vector.broadcast %parallel_loop3A_433 : i32 to vector<16xi32>
          %parallel_loop3A_435 = arith.xori %iota3A, %parallel_loop3A_434 : vector<16xi32>
          %parallel_loop3A_436 = arith.addi %parallel_loop3A_121, %parallel_loop3A_435 : vector<16xi32>
          %parallel_loop3A_437 = tpu.vector_load_idx %arg5[%parallel_loop3A_436] : memref<10752xf32, #tpu.memory_space<vmem>>[vector<16xi32>], vector<16xf32>,
          tpu.vector_store_idx %arg8[%parallel_loop3A_122, %parallel_loop3A_435, %parallel_loop3A_114], %parallel_loop3A_437 : memref<4x64x128xf32, #tpu.memory_space<vmem>>[vector<16xi32>, vector<16xi32>, vector<16xi32>], vector<16xf32>,
          %parallel_loop3A_438 = arith.constant 63 : i32
          %parallel_loop3A_439 = vector.broadcast %parallel_loop3A_438 : i32 to vector<16xi32>
          %parallel_loop3A_440 = arith.xori %iota3A, %parallel_loop3A_439 : vector<16xi32>
          %parallel_loop3A_441 = arith.addi %parallel_loop3A_121, %parallel_loop3A_440 : vector<16xi32>
          %parallel_loop3A_442 = tpu.vector_load_idx %arg5[%parallel_loop3A_441] : memref<10752xf32, #tpu.memory_space<vmem>>[vector<16xi32>], vector<16xf32>,
          tpu.vector_store_idx %arg8[%parallel_loop3A_122, %parallel_loop3A_440, %parallel_loop3A_114], %parallel_loop3A_442 : memref<4x64x128xf32, #tpu.memory_space<vmem>>[vector<16xi32>, vector<16xi32>, vector<16xi32>], vector<16xf32>,
        } {sc.loop_unroll_factor = 4 : i64, sc.parallel_access}
        %dma_start3A_66 = arith.constant 0 : i32
        %dma_start3A_67 = tpu.memref_slice %arg4[%mul3A_57, %dma_start3A_66, %mul3A_26] : memref<200x64x16384xf32, #tpu.memory_space<hbm>> -> memref<4x64x128xf32, #tpu.memory_space<hbm>>
        %dma_start3A_68 = arith.constant 0 : i32
        %dma_start3A_69 = tpu.memref_slice %arg4[%mul3A_57, %dma_start3A_68, %mul3A_26] : memref<200x64x16384xf32, #tpu.memory_space<hbm>> -> memref<4x64x128xf32, #tpu.memory_space<hbm>>
        tpu.enqueue_dma source(%arg8 : memref<4x64x128xf32, #tpu.memory_space<vmem>>) target(%dma_start3A_69 : memref<4x64x128xf32, #tpu.memory_space<hbm>>) target_semaphore(%arg10 : memref<!tpu.dma_semaphore, #tpu.memory_space<semaphore_mem>>)
      }
      %scan3A_32 = arith.constant 25 : i32
    }
    %scan3A_5 = arith.constant 4 : i32
    %dma_wait3A = arith.constant 0 : i32
    %dma_wait3A_6 = arith.constant 0 : i32
    %dma_wait3A_7 = arith.constant 0 : i32
    %dma_wait3A_8 = tpu.memref_slice %arg4[%dma_wait3A, %dma_wait3A_6, %dma_wait3A_7] : memref<200x64x16384xf32, #tpu.memory_space<hbm>> -> memref<4x64x128xf32, #tpu.memory_space<hbm>>
    %dma_wait3A_9 = arith.constant 0 : i32
    %dma_wait3A_10 = arith.constant 0 : i32
    %dma_wait3A_11 = arith.constant 0 : i32
    %dma_wait3A_12 = tpu.memref_slice %arg4[%dma_wait3A_9, %dma_wait3A_10, %dma_wait3A_11] : memref<200x64x16384xf32, #tpu.memory_space<hbm>> -> memref<4x64x128xf32, #tpu.memory_space<hbm>>
    tpu.wait_dma2 semaphore(%arg9 : memref<!tpu.dma_semaphore, #tpu.memory_space<semaphore_mem>>) src(%arg7 : memref<4x64x128xf32, #tpu.memory_space<vmem>>) dst(%dma_wait3A_12 : memref<4x64x128xf32, #tpu.memory_space<hbm>>)
    %dma_wait3A_13 = arith.constant 0 : i32
    %dma_wait3A_14 = arith.constant 0 : i32
    %dma_wait3A_15 = arith.constant 0 : i32
    %dma_wait3A_16 = tpu.memref_slice %arg4[%dma_wait3A_13, %dma_wait3A_14, %dma_wait3A_15] : memref<200x64x16384xf32, #tpu.memory_space<hbm>> -> memref<4x64x128xf32, #tpu.memory_space<hbm>>
    %dma_wait3A_17 = arith.constant 0 : i32
    %dma_wait3A_18 = arith.constant 0 : i32
    %dma_wait3A_19 = arith.constant 0 : i32
    %dma_wait3A_20 = tpu.memref_slice %arg4[%dma_wait3A_17, %dma_wait3A_18, %dma_wait3A_19] : memref<200x64x16384xf32, #tpu.memory_space<hbm>> -> memref<4x64x128xf32, #tpu.memory_space<hbm>>
    tpu.wait_dma2 semaphore(%arg10 : memref<!tpu.dma_semaphore, #tpu.memory_space<semaphore_mem>>) src(%arg8 : memref<4x64x128xf32, #tpu.memory_space<vmem>>) dst(%dma_wait3A_20 : memref<4x64x128xf32, #tpu.memory_space<hbm>>)
    return
  }
}

</mosaic_0001>

<sc_bundles>
// kernel: kernel.3.cloned.1.call-start
scs
__scs_entry_jumppad:
0x0: {  	(pc) =	sbr.rel $0x88, $3  }
0x1: {  	(tag) =	ssettag $0x0;
	lr =	simm.s32 $0x1  }
0x2: {  	[smem:$0x3F9F] =	sst lr;
	_ =	strace $0xD0000000  }
0x3: {  	_ = 	snop  }
0x4: {  	_ = 	snop  }
0x5: {  	_ = 	snop  }
0x6: {  	_ = 	snop  }
0x7: {  	_ = 	snop  }
__scs_overlays_trampoline_lowered:
0x8: {  	[smem:$0x3FAE] =	sst s0  }
0x9: {  	[smem:$0x3FAF] =	sst s1  }
0xa: {  	[smem:$0x3FB0] =	sst s2  }
0xb: {  	[smem:$0x3FB1] =	sst s3  }
0xc: {  	[smem:$0x3FB2] =	sst s4  }
0xd: {  	[smem:$0x3FB3] =	sst s5  }
0xe: {  	[smem:$0x3FB4] =	sst s6  }
0xf: {  	[smem:$0x3FB5] =	sst s7  }
0x10: {  	[smem:$0x3FB6] =	sst s8  }
0x11: {  	[smem:$0x3FB7] =	sst s9;
	s0 =	simm.s32 @!p0 $0x0  }
0x12: {  	s1 =	sld [smem:$0x3F9D];
	s0 =	simm.s32 @p0 $0x1  }
0x13: {  	[smem:$0x3FB8] =	sst s0;
	s0 =	simm.s32 @!p1 $0x0  }
0x14: {  	s2 =	sld [smem:$0x3F9C];
	s0 =	simm.s32 @p1 $0x1  }
0x15: {  	[smem:$0x3FB9] =	sst s0;
	s0 =	simm.s32 @!p2 $0x0  }
0x16: {  	s3 =	sld [smem:$0x3FDB];
	s0 =	simm.s32 @p2 $0x1  }
0x17: {  	s4 =	simm.s32 $0x1BF5;
	[smem:$0x3FBB] =	sst s0  }
0x18: {  	s0 =	sld [smem:$0x3F9E];
	_ =	swait.ge [sflag:s4], $0x0  }
0x19: {  	s7 =	sld [smem:$0x3F9F]  }
0x1a: {  	s8 =	sadd.s32 $0xFFFFE003, lr  }
0x1b: {  	s9 =	sadd.s32 $0xFFFFFEF7, lr;
	s5 =	simm.s32 $0xFFFFFFFF;
	p2 =	slt.u32 s8, $0xFFFFF086  }
0x1c: {  	p1 =	slt.u32 s9, $0xF7A;
	s5 =	simm.s32 @!p2 $0x0  }
0x1d: {  	s5 =	simm.s32 @p1 $0x1;
	p0 =	seq.s32 s7, s2  }
0x1e: {  	s7 =	smul.u32 @!p0 $0xF7A, s2;
	p2 =	seq.s32 @!p0 s5, $0x0  }
0x1f: {  	s9 =	smul.u32 $0xF7A, s1;
	s8 =	simm.s32 @!p0 $0x1BF5;
	p2 =	por !p2, p0  }
0x20: {  	[sflag:s8] =	ssyncset.s32 @!p0 $0xFFFFF086;
	s6 =	sadd.s32 @!p0 s3, s7;
	s7 =	simm.s32 @!p0 $0x108  }
0x21: {  	s3 =	sadd.s32 s3, s9;
	s6 =	sadd.s32 @!p0 $0x88, s6;
	s7 =	simm.s32 @p2 $0x1082  }
0x22: {  	[simem:s7], [sflag:s8] =	dma.local @!p0 [hbm:s6], $0xF7A  }
0x23: {  	s9 =	sor.u32 $0xD0000000, s2;
	s6 =	simm.s32 $0x108;
	_ =	swait.ge @!p0 [sflag:s8], $0x0  }
0x24: {  	s3 =	sadd.s32 $0x88, s3;
	s6 =	simm.s32 @!p1 $0x1082;
	[sflag:s4] =	ssyncset.s32 $0xFFFFF086  }
0x25: {  	[simem:s6], [sflag:s4] =	dma.local [hbm:s3], $0xF7A  }
0x26: {  	[smem:$0x3F9F] =	sst s1;
	(tag) =	ssettag s2;
	_ =	strace s9  }
0x27: {  	s1 =	sld [smem:$0x3FAF]  }
0x28: {  	s2 =	sld [smem:$0x3FB0]  }
0x29: {  	s4 =	sld [smem:$0x3FB2]  }
0x2a: {  	p0 =	seq.s32 s5, $0x0;
	s5 =	sld [smem:$0x3FB3]  }
0x2b: {  	s6 =	sld [smem:$0x3FB4]  }
0x2c: {  	s7 =	sld [smem:$0x3FB5]  }
0x2d: {  	s3 =	simm.s32 $0x108;
	s8 =	sld [smem:$0x3FB6]  }
0x2e: {  	s3 =	simm.s32 @!p0 $0x1082;
	s9 =	sld [smem:$0x3FB7]  }
0x2f: {  	lr =	sadd.s32 s0, s3;
	s0 =	sld [smem:$0x3FAE]  }
0x30: {  	s3 =	sld [smem:$0x3FB1]  }
0x31: {  	[smem:$0x3FBA] =	sst s10  }
0x32: {  	s10 =	sld [smem:$0x3FB8];
	_ =	sdelay $0x3  }
0x33: {  	p0 =	seq.s32 s10, $0x1;
	s10 =	sld [smem:$0x3FBA];
	_ =	sdelay $0x3  }
0x34: {  	[smem:$0x3FBA] =	sst s10  }
0x35: {  	s10 =	sld [smem:$0x3FB9];
	_ =	sdelay $0x3  }
0x36: {  	p1 =	seq.s32 s10, $0x1;
	s10 =	sld [smem:$0x3FBA];
	_ =	sdelay $0x3  }
0x37: {  	[smem:$0x3FBA] =	sst s10  }
0x38: {  	s10 =	sld [smem:$0x3FBB]  }
0x39: {  	_ = 	snop;
	(pc) =	sbr.ind lr, $3  }
0x3a: {  	_ = 	snop  }
0x3b: {  	_ = 	snop  }
0x3c: {  	p2 =	seq.s32 s10, $0x1;
	s10 =	sld [smem:$0x3FBA]  }
0x3d: {  	_ =	shalt  }
0x3e: {  	_ =	shalt  }
0x3f: {  	_ =	shalt  }
0x40: {  	_ =	shalt  }
0x41: {  	_ =	shalt  }
0x42: {  	_ =	shalt  }
0x43: {  	_ =	shalt  }
0x44: {  	_ =	shalt  }
0x45: {  	_ =	shalt  }
0x46: {  	_ =	shalt  }
0x47: {  	_ =	shalt  }
0x48: {  	_ =	shalt  }
0x49: {  	_ =	shalt  }
0x4a: {  	_ =	shalt  }
0x4b: {  	_ =	shalt  }
0x4c: {  	_ =	shalt  }
0x4d: {  	_ =	shalt  }
0x4e: {  	_ =	shalt  }
0x4f: {  	_ =	shalt  }
0x50: {  	_ =	shalt  }
0x51: {  	_ =	shalt  }
0x52: {  	_ =	shalt  }
0x53: {  	_ =	shalt  }
0x54: {  	_ =	shalt  }
0x55: {  	_ =	shalt  }
0x56: {  	_ =	shalt  }
0x57: {  	_ =	shalt  }
0x58: {  	_ =	shalt  }
0x59: {  	_ =	shalt  }
0x5a: {  	_ =	shalt  }
0x5b: {  	_ =	shalt  }
0x5c: {  	_ =	shalt  }
0x5d: {  	_ =	shalt  }
0x5e: {  	_ =	shalt  }
0x5f: {  	_ =	shalt  }
0x60: {  	_ =	shalt  }
0x61: {  	_ =	shalt  }
0x62: {  	_ =	shalt  }
0x63: {  	_ =	shalt  }
0x64: {  	_ =	shalt  }
0x65: {  	_ =	shalt  }
0x66: {  	_ =	shalt  }
0x67: {  	_ =	shalt  }
0x68: {  	_ =	shalt  }
0x69: {  	_ =	shalt  }
0x6a: {  	_ =	shalt  }
0x6b: {  	_ =	shalt  }
0x6c: {  	_ =	shalt  }
0x6d: {  	_ =	shalt  }
0x6e: {  	_ =	shalt  }
0x6f: {  	_ =	shalt  }
0x70: {  	_ =	shalt  }
0x71: {  	_ =	shalt  }
0x72: {  	_ =	shalt  }
0x73: {  	_ =	shalt  }
0x74: {  	_ =	shalt  }
0x75: {  	_ =	shalt  }
0x76: {  	_ =	shalt  }
0x77: {  	_ =	shalt  }
0x78: {  	_ =	shalt  }
0x79: {  	_ =	shalt  }
0x7a: {  	_ =	shalt  }
0x7b: {  	_ =	shalt  }
0x7c: {  	_ =	shalt  }
0x7d: {  	_ =	shalt  }
0x7e: {  	_ =	shalt  }
0x7f: {  	_ =	shalt  }
0x80: {  	_ =	shalt  }
0x81: {  	_ =	shalt  }
0x82: {  	_ =	shalt  }
0x83: {  	_ =	shalt  }
0x84: {  	_ =	shalt  }
0x85: {  	_ =	shalt  }
0x86: {  	_ =	shalt  }
0x87: {  	_ =	shalt  }
.Lfunc_end0:
.L_simem_size_0:
called_computation_lowered:
.L_overlay_start_0:
0x88: {  	s2 =	sld [smem:$0x3FD9]  }
0x89: {  	s3 =	sld [smem:$0x3FFE];
	_ =	sdelay $0x1  }
0x8a: {  	s1 =	srdreg.scid  }
0x8b: {  	s0 =	sand.u32 $0x1, s1  }
0x8c: {  	s17 =	sshll.u32 s0, $0xA;
	s2 =	sadd.s32 s3, s2  }
0x8d: {  	s2 =	sadd.s32 s2, s17  }
0x8e: {  	[smem:$0x3FC6] =	sst s2  }
0x8f: {  	_ = 	snop  }
0x90: {  	s2 =	sld [smem:$0x3FC9]  }
0x91: {  	s18 =	sld [smem:$0x3FD0];
	(tm) =	ssettm $0x1  }
0x92: {  	s4 =	sld [smem:$0x3FFB];
	_ =	sdelay $0x3  }
0x93: {  	_ =	strace s4  }
0x94: {  	s4 =	sld [smem:$0x3FFC];
	_ =	sdelay $0x3  }
0x95: {  	_ =	strace s4  }
0x96: {  	s4 =	sld [smem:$0x3FFD];
	_ =	sdelay $0x3  }
0x97: {  	_ =	strace s4  }
0x98: {  	_ =	strace $0x8FFFFFFF  }
0x99: {  	s19 =	sld [smem:$0x3FDB];
	_ =	sdelay $0x1  }
0x9a: {  	s5 =	simm.s32 $_scs_section_size  }
0x9b: {  	s6 =	simm.s32 $_size__tile_overlayer_lowered;
	s7 =	simm.s32 $_tile_overlayer_lowered  }
0x9c: {  	s22 =	simm.s32 $0x1BFF;
	s21 =	sshll.u32 s7, $0x1;
	s4 =	sadd.s32 s5, s19  }
0x9d: {  	s8 =	simm.s32 $0x0;
	s20 =	sshll.u32 s6, $0x1;
	s6 =	sadd.s32 s21, s4  }
0x9e: {  	[timem:s8], [sflag:s22] =	dma.local [hbm:s6], s20  }
0x9f: {  	_ =	swait.ge [sflag:s22], s20  }
0xa0: {  	s5 =	ssub.s32 $0x0, s20;
	[sflag:s22] =	ssyncset.done $0x0  }
0xa1: {  	[sflag:s22] =	ssyncadd.s32 s5;
	_ =	sdelay $0x1  }
0xa2: {  	s23 =	simm.s32 $0x1B8B  }
0xa3: {  	_ =	swait.ge [sflag:s23], $0x1  }
0xa4: {  	[sflag:s23] =	ssyncset.done $0x0  }
0xa5: {  	s25 =	simm.s32 $0x1B8E;
	s24 =	sld [smem:$0x3FFE];
	[sflag:s23] =	ssyncadd.s32 $0xFFFFFFFF  }
0xa6: {  	s26 =	simm.s32 $execute0_lowered;
	[smem:$0x3FD2] =	sst s25  }
0xa7: {  	s6 =	sshll.u32 s26, $0x1;
	_ =	strace $0x80000046;
	[dreg:$0x1] =	wrdreg $0xFFFFFFFF  }
0xa8: {  	s28 =	simm.s32 $_size_execute0_lowered;
	s4 =	sadd.s32 s4, s6;
	[dreg:$0x0] =	wrdreg $0x0  }
0xa9: {  	s6 =	sshll.u32 s28, $0x1;
	[dreg:$0x2] =	wrdreg s4  }
0xaa: {  	[dreg:$0x3] =	wrdreg s6  }
0xab: {  	[dreg:$0x4] =	wrdreg $0xC0  }
0xac: {  	_ =	task [dreg:s8], $0x5FFFF  }
0xad: {  	[dreg:$0x1] =	wrdreg $0xFFFFFFFF  }
0xae: {  	[dreg:$0x0] =	wrdreg $0x60  }
0xaf: {  	[dreg:$0x2] =	wrdreg s24  }
0xb0: {  	[dreg:$0x3] =	wrdreg s2  }
0xb1: {  	[dreg:$0x4] =	wrdreg s18  }
0xb2: {  	[dreg:$0x5] =	wrdreg $0x9  }
0xb3: {  	_ =	task.clear_ibuf [dreg:s8], $0x6FFFF;
	_ =	strace $0x90000046  }
0xb4: {  	s29 =	simm.s32 $0x9;
	_ =	strace $0x80000048  }
0xb5: {  	_ =	swait.ge [sflag:s29], $0x1  }
0xb6: {  	[sflag:s29] =	ssyncadd.s32 $0xFFFFFFFF  }
0xb7: {  	_ =	strace $0x90000048  }
0xb8: {  	_ =	sfence  }
0xb9: {  	s30 =	sld [smem:$0x0];
	_ =	sdelay $0x2  }
0xba: {  	s31 =	sshll.u32 s1, $0xD;
	s1 =	sshrl.u32 s1, $0x2  }
0xbb: {  	s3 =	sand.u32 $0x4000, s31;
	s1 =	sadd.s32 s1, s30  }
0xbc: {  	s0 =	sor.u32 s3, s0;
	s1 =	sshll.u32 s1, $0x11  }
0xbd: {  	s0 =	sor.u32 s1, s0  }
0xbe: {  	s0 =	sadd.s32 $0x8F2B, s0  }
0xbf: {  	[sflag:s0] =	ssyncadd.remote.s32 $0x1  }
0xc0: {  	_ =	sfence.sel $0xFFFF  }
0xc1: {  	[dreg:$0x0] =	wrdreg $0xFFFFFFFF;
	(pc) =	sbr.abs _section_cstart, $3  }
0xc2: {  	[dreg:$0x1] =	wrdreg $0xFFFFFFFF  }
0xc3: {  	_ =	task.clear_ibuf [dreg:s8], $0x2FFFF;
	_ =	strace $0x9FFFFFFF  }
0xc4: {  	(tm) =	ssettm $0x7FFFFFFF  }
0xc5: {  	_ =	shalt  }
tec
execute0_lowered:
.L_overlay_start_1:
0x0: {  	(tag) =	ssettag $0x1  }
0x1: {  	vm14 =	vcmask $0x300  }
0x2: {  	v0 =	vimm.s32 $0x700;
	vm13 =	vcmask $0x704;
	v1 =	vimm.s32 $0xEFCDAB89  }
0x3: {  	vm12 =	vcmask $0xB08;
	vm11 =	vcmask $0xF0C;
	v2 =	vimm.s32 $0x67452301  }
0x4: {  	vm10 =	vcmask $0x1310;
	vm8 =	vcmask $0x1714;
	vm9 =	vcmask $0x1B18  }
0x5: {  	vm6 =	vcmask $0x1F1C;
	vm7 =	vcmask $0x2320;
	vm4 =	vcmask $0x2724  }
0x6: {  	vm5 =	vcmask $0x2B28;
	v4 =	vimm.s32 $0x680;
	vm3 =	vcmask $0x2F2C  }
0x7: {  	vm1 =	vcmask $0x3330;
	vm2 =	vcmask $0x3734;
	v40 =	vimm.s32 $0xDCFE98BA  }
0x8: {  	v5 =	vimm.s32 $0x54761032;
	v7 =	vimm.s32 $0x600;
	vm0 =	vcmask $0x3B38  }
0x9: {  	v46 =	vimm.s32 $0xCDEF89AB;
	v47 =	vimm.s32 $0x45670123;
	v8 =	vimm.s32 $0x580  }
0xa: {  	v51 =	vimm.s32 $0xBA98FEDC;
	v18 =	vimm.s32 $0x480;
	v20 =	vimm.s32 $0x10325476  }
0xb: {  	v21 =	vimm.s32 $0x400;
	v35 =	vimm.s32 $0x89ABCDEF;
	v36 =	vimm.s32 $0x1234567  }
0xc: {  	v16 =	vimm.s32 $0x380;
	v56 =	vimm.s32 $0x1580;
	v57 =	vimm.s32 $0x1500  }
0xd: {  	v24 =	vimm.s32 $0x1100;
	v25 =	vimm.s32 $0x1080;
	v26 =	vimm.s32 $0x1F00  }
0xe: {  	v27 =	vimm.s32 $0x1E80;
	v28 =	vimm.s32 $0x1E00;
	v29 =	vimm.s32 $0x1D80  }
0xf: {  	v30 =	vimm.s32 $0x1D00;
	v31 =	vimm.s32 $0x1C80;
	v0 =	vsel vm14, $0x80, v0  }
0x10: {  	v1 =	vunpack.c.l.s4.s8 v1;
	v2 =	vunpack.c.l.s4.s8 v2;
	v4 =	vsel vm14, $0x100, v4  }
0x11: {  	v5 =	vunpack.c.l.s4.s8 v5;
	v42 =	vsel vm14, $0x180, v7;
	v7 =	vunpack.c.l.s4.s8 v47  }
0x12: {  	v8 =	vsel vm14, $0x200, v8;
	v16 =	vsel vm14, $0x400, v16;
	v24 =	vsel vm14, $0x1680, v24  }
0x13: {  	v25 =	vsel vm14, $0x1700, v25;
	v26 =	vsel vm14, $0x1880, v26;
	v27 =	vsel vm14, $0x1900, v27  }
0x14: {  	v28 =	vsel vm14, $0x1980, v28;
	v29 =	vsel vm14, $0x1A00, v29;
	v30 =	vsel vm14, $0x1A80, v30  }
0x15: {  	v31 =	vsel vm14, $0x1B00, v31;
	v0 =	vsel vm13, $0x0, v0;
	v4 =	vsel vm13, $0x180, v4  }
0x16: {  	v8 =	vsel vm13, $0x280, v8;
	v16 =	vsel vm13, $0x480, v16;
	v0 =	vsel vm12, $0x180, v0  }
0x17: {  	v8 =	vsel vm12, $0x300, v8;
	v37 =	vsel vm12, $0x500, v16;
	v16 =	vsel vm14, $0x1280, v57  }
0x18: {  	v57 =	vimm.s32 $0x1F1E1D1C;
	v0 =	vsel vm11, $0x100, v0;
	v8 =	vsel vm11, $0x380, v8  }
0x19: {  	v3 =	vsel vm10, $0x280, v0;
	v0 =	vunpack.c.0.s8.s32 v1;
	v1 =	vunpack.c.0.s8.s32 v2  }
0x1a: {  	v39 =	vsel vm11, $0x580, v37;
	v37 =	vimm.s32 $0x1980;
	v3 =	vsel vm8, $0x200, v3  }
0x1b: {  	v58 =	vsel vm13, $0x1200, v16;
	v2 =	vsel vm9, $0x380, v3;
	v3 =	vcombine.low v1, v0  }
0x1c: {  	v50 =	vsel vm10, $0x0, v8;
	v37 =	vsel vm14, $0x1E00, v37;
	v2 =	vsel vm6, $0x300, v2  }
0x1d: {  	v0 =	vand.u32 $0xF, v0;
	v2 =	vsel vm7, $0x480, v2;
	v3 =	vand.u32 $0xF, v3  }
0x1e: {  	v0 =	vcombine.low v0, v1;
	v2 =	vsel vm4, $0x400, v2;
	[tilespmem:$0x1F7D0] =	vst v3;
	v3 =	vsel vm12, $0x0, v4  }
0x1f: {  	v4 =	vunpack.c.l.s4.s8 v40;
	v40 =	vsel vm10, $0x600, v39;
	v2 =	vsel vm5, $0x580, v2  }
0x20: {  	v39 =	vimm.s32 $0x1880;
	v3 =	vsel vm11, $0x80, v3;
	v2 =	vsel vm3, $0x500, v2  }
0x21: {  	v39 =	vsel vm14, $0x1F00, v39;
	v3 =	vsel vm10, $0x300, v3;
	v2 =	vsel vm1, $0x680, v2  }
0x22: {  	v3 =	vsel vm8, $0x380, v3;
	v6 =	vsel vm2, $0x600, v2;
	v2 =	vunpack.c.0.s8.s32 v4  }
0x23: {  	v41 =	vsel vm9, $0x200, v3;
	v3 =	vunpack.c.0.s8.s32 v5;
	v5 =	vsel vm13, $0x100, v42  }
0x24: {  	v42 =	vimm.s32 $0x300;
	v4 =	vsel vm6, $0x280, v41;
	v5 =	vsel vm12, $0x80, v5  }
0x25: {  	v6 =	vsel vm0, $0x780, v6;
	v41 =	vimm.s32 $0x76543210;
	v4 =	vsel vm7, $0x500, v4  }
0x26: {  	v43 =	vcombine.low v3, v2;
	v5 =	vsel vm11, $0x0, v5;
	v2 =	vand.u32 $0xF, v2  }
0x27: {  	v4 =	vsel vm4, $0x580, v4;
	v5 =	vsel vm10, $0x380, v5;
	v2 =	vcombine.low v2, v3  }
0x28: {  	v3 =	vimm.s32 $0xC80;
	v4 =	vsel vm5, $0x400, v4;
	v44 =	vand.u32 $0xF, v43  }
0x29: {  	v5 =	vsel vm8, $0x300, v5;
	v43 =	vimm.s32 $0xFEDCBA98;
	v3 =	vsel vm14, $0xB00, v3  }
0x2a: {  	v4 =	vsel vm3, $0x480, v4;
	v5 =	vsel vm9, $0x280, v5;
	[tilespmem:$0x1F8B0] =	vst v2;
	v2 =	vimm.s32 $0x180  }
0x2b: {  	v45 =	vsel vm1, $0x700, v4;
	v4 =	vunpack.c.l.s4.s8 v46;
	v5 =	vsel vm6, $0x200, v5  }
0x2c: {  	v2 =	vsel vm14, $0x600, v2;
	v9 =	vsel vm7, $0x580, v5;
	v5 =	vunpack.c.0.s8.s32 v7  }
0x2d: {  	[tilespmem:$0x1F7E0] =	vst v6;
	v6 =	vsel vm2, $0x780, v45;
	v45 =	vimm.s32 $0x280;
	v2 =	vsel vm13, $0x680, v2  }
0x2e: {  	v4 =	vunpack.c.0.s8.s32 v4;
	v48 =	vsel vm4, $0x500, v9;
	v6 =	vsel vm0, $0x600, v6  }
0x2f: {  	v47 =	vsel vm14, $0x500, v45;
	v2 =	vsel vm12, $0x700, v2;
	v7 =	vsel vm5, $0x480, v48  }
0x30: {  	v48 =	vimm.s32 $0x200;
	v9 =	vcombine.low v5, v4;
	v7 =	vsel vm3, $0x400, v7  }
0x31: {  	v2 =	vsel vm11, $0x780, v2;
	v49 =	vsel vm1, $0x780, v7;
	v7 =	vsel vm8, $0x80, v50  }
0x32: {  	[tilespmem:$0x1F7F0] =	vst v6;
	v50 =	vimm.s32 $0xB80;
	v8 =	vand.u32 $0xF, v9;
	v6 =	vsel vm2, $0x700, v49  }
0x33: {  	v7 =	vsel vm9, $0x100, v7;
	v9 =	vimm.s32 $0x32107654;
	v49 =	vimm.s32 $0xC00  }
0x34: {  	[tilespmem:$0x1F9F0] =	vst v8;
	v6 =	vsel vm0, $0x680, v6;
	v7 =	vsel vm6, $0x180, v7;
	v8 =	vimm.s32 $0x500  }
0x35: {  	v9 =	vunpack.c.l.s4.s8 v9;
	[tilespmem:$0x1F800] =	vst v6;
	v6 =	vunpack.c.l.s4.s8 v51;
	v7 =	vsel vm7, $0x600, v7  }
0x36: {  	v8 =	vsel vm14, $0x280, v8;
	v51 =	vimm.s32 $0xB00;
	v7 =	vsel vm4, $0x680, v7  }
0x37: {  	v8 =	vsel vm13, $0x200, v8;
	v11 =	vunpack.c.0.s8.s32 v9;
	v9 =	vimm.s32 $0x23016745  }
0x38: {  	v10 =	vunpack.c.0.s8.s32 v6;
	v52 =	vsel vm5, $0x700, v7;
	v53 =	vsel vm12, $0x380, v8  }
0x39: {  	v8 =	vimm.s32 $0xAB89EFCD;
	v9 =	vunpack.c.l.s4.s8 v9;
	v6 =	vsel vm3, $0x780, v52  }
0x3a: {  	v7 =	vsel vm11, $0x300, v53;
	v8 =	vunpack.c.l.s4.s8 v8;
	v52 =	vimm.s32 $0xA80  }
0x3b: {  	v53 =	vimm.s32 $0x1700;
	v7 =	vsel vm10, $0x80, v7;
	v12 =	vcombine.low v11, v10  }
0x3c: {  	v13 =	vsel vm1, $0x400, v6;
	v55 =	vunpack.c.0.s8.s32 v9;
	v6 =	vsel vm14, $0xC80, v51  }
0x3d: {  	v7 =	vsel vm8, $0x0, v7;
	v54 =	vunpack.c.0.s8.s32 v8;
	v9 =	vsel vm2, $0x480, v13  }
0x3e: {  	v13 =	vunpack.c.l.s4.s8 v20;
	v20 =	vimm.s32 $0x1300;
	v14 =	vsel vm9, $0x180, v7  }
0x3f: {  	v63 =	vand.u32 $0xF, v12;
	v9 =	vsel vm0, $0x500, v9;
	v7 =	vsel vm14, $0xD00, v52  }
0x40: {  	v20 =	vsel vm14, $0x1480, v20;
	v8 =	vsel vm6, $0x100, v14;
	v17 =	vcombine.low v55, v54  }
0x41: {  	[tilespmem:$0x1F810] =	vst v9;
	v9 =	vsel vm14, $0x300, v18;
	v14 =	vsel vm14, $0x380, v21;
	v18 =	vimm.s32 $0x1400  }
0x42: {  	v21 =	vimm.s32 $0x1280;
	v45 =	vsel vm13, $0x1400, v20;
	v8 =	vsel vm7, $0x680, v8  }
0x43: {  	v9 =	vsel vm13, $0x380, v9;
	v14 =	vsel vm13, $0x300, v14;
	v18 =	vsel vm14, $0x1380, v18  }
0x44: {  	v21 =	vsel vm14, $0x1500, v21;
	v8 =	vsel vm4, $0x600, v8;
	v59 =	vand.u32 $0xF, v17  }
0x45: {  	v9 =	vsel vm12, $0x200, v9;
	v14 =	vsel vm12, $0x280, v14;
	v17 =	vimm.s32 $0x1480  }
0x46: {  	v8 =	vsel vm5, $0x780, v8;
	v9 =	vsel vm11, $0x280, v9;
	v14 =	vsel vm11, $0x200, v14  }
0x47: {  	v17 =	vsel vm14, $0x1300, v17;
	v8 =	vsel vm3, $0x700, v8;
	v9 =	vsel vm10, $0x100, v9  }
0x48: {  	v33 =	vsel vm10, $0x180, v14;
	v14 =	vunpack.c.l.s4.s8 v35;
	v35 =	vimm.s32 $0x1A80  }
0x49: {  	v19 =	vsel vm1, $0x480, v8;
	v8 =	vimm.s32 $0x98BADCFE;
	v15 =	vsel vm8, $0x180, v9  }
0x4a: {  	v9 =	vunpack.c.0.s8.s32 v13;
	v35 =	vsel vm14, $0x1D00, v35;
	v8 =	vunpack.c.l.s4.s8 v8  }
0x4b: {  	v22 =	vsel vm9, $0x0, v15;
	v12 =	vsel vm2, $0x400, v19;
	v15 =	vunpack.c.l.s4.s8 v36  }
0x4c: {  	v14 =	vunpack.c.0.s8.s32 v14;
	v19 =	vimm.s32 $0x1380;
	v36 =	vimm.s32 $0x1A00  }
0x4d: {  	v52 =	vsel vm13, $0x1D80, v35;
	v13 =	vsel vm6, $0x80, v22;
	v12 =	vsel vm0, $0x580, v12  }
0x4e: {  	v19 =	vsel vm14, $0x1400, v19;
	v22 =	vimm.s32 $0x1200;
	v36 =	vsel vm14, $0x1D80, v36  }
0x4f: {  	v8 =	vunpack.c.0.s8.s32 v8;
	v13 =	vsel vm7, $0x700, v13;
	v15 =	vunpack.c.0.s8.s32 v15  }
0x50: {  	v22 =	vsel vm14, $0x1580, v22;
	v32 =	vsel vm4, $0x780, v13;
	v13 =	vsel vm8, $0x100, v33  }
0x51: {  	[tilespmem:$0x1F820] =	vst v12;
	v33 =	vimm.s32 $0x1B80;
	v23 =	vcombine.low v9, v8;
	v12 =	vsel vm5, $0x600, v32  }
0x52: {  	v13 =	vsel vm9, $0x80, v13;
	v14 =	vcombine.low v15, v14;
	v15 =	vunpack.c.l.s4.s8 v43  }
0x53: {  	v32 =	vimm.s32 $0x1C00;
	v33 =	vsel vm14, $0x1C00, v33;
	v43 =	vsel vm13, $0x1300, v18  }
0x54: {  	v12 =	vsel vm3, $0x680, v12;
	v13 =	vsel vm6, $0x0, v13;
	v32 =	vsel vm14, $0x1B80, v32  }
0x55: {  	v34 =	vand.u32 $0xF, v23;
	v12 =	vsel vm1, $0x500, v12;
	v13 =	vsel vm7, $0x780, v13  }
0x56: {  	v14 =	vand.u32 $0xF, v14;
	v15 =	vunpack.c.0.s8.s32 v15;
	v23 =	vimm.s32 $0x1180  }
0x57: {  	v13 =	vsel vm4, $0x700, v13;
	v12 =	vsel vm2, $0x580, v12;
	[tilespmem:$0x1F850] =	vst v14;
	v14 =	vsel vm14, $0x480, v42  }
0x58: {  	[tilespmem:$0x1F830] =	vst v34;
	v23 =	vsel vm14, $0x1600, v23;
	v34 =	vimm.s32 $0x1B00;
	v42 =	vsel vm13, $0x1380, v17  }
0x59: {  	v17 =	vsel vm12, $0x1280, v43;
	v13 =	vsel vm5, $0x680, v13;
	v12 =	vsel vm0, $0x400, v12  }
0x5a: {  	v14 =	vsel vm13, $0x400, v14;
	v15 =	vand.u32 $0xF, v15;
	v34 =	vsel vm14, $0x1C80, v34  }
0x5b: {  	v16 =	vsel vm12, $0x1200, v42;
	v17 =	vsel vm11, $0x1200, v17;
	v13 =	vsel vm3, $0x600, v13  }
0x5c: {  	v14 =	vsel vm12, $0x580, v14;
	v51 =	vsel vm13, $0x1C00, v34;
	v34 =	vsel vm12, $0x1C00, v52  }
0x5d: {  	v16 =	vsel vm11, $0x1280, v16;
	v13 =	vsel vm1, $0x580, v13;
	v14 =	vsel vm11, $0x500, v14  }
0x5e: {  	v38 =	vsel vm2, $0x500, v13;
	v13 =	vunpack.c.l.s4.s8 v41;
	v14 =	vsel vm10, $0x680, v14  }
0x5f: {  	[tilespmem:$0x1F840] =	vst v12;
	v34 =	vsel vm11, $0x1C80, v34;
	v12 =	vsel vm0, $0x480, v38;
	v14 =	vsel vm8, $0x600, v14  }
0x60: {  	v38 =	vimm.s32 $0x1900;
	[tilespmem:$0x1F860] =	vst v12;
	v12 =	vsel vm8, $0x680, v40;
	v13 =	vunpack.c.0.s8.s32 v13  }
0x61: {  	[tilespmem:$0x1FB50] =	vst v44;
	v44 =	vsel vm9, $0x780, v14;
	v40 =	vimm.s32 $0x14151617;
	v12 =	vsel vm9, $0x700, v12  }
0x62: {  	v38 =	vsel vm14, $0x1E80, v38;
	v40 =	vunpack.c.0.s8.s32 v40;
	v12 =	vsel vm6, $0x780, v12  }
0x63: {  	v13 =	vcombine.low v15, v13;
	v15 =	vsel vm14, $0x1200, v56;
	v12 =	vsel vm7, $0x0, v12  }
0x64: {  	v56 =	vsel vm13, $0x1F80, v39;
	v39 =	vunpack.c.0.s8.s32 v57;
	v12 =	vsel vm4, $0x80, v12  }
0x65: {  	[tilespmem:$0x1F870] =	vst v13;
	v13 =	vsel vm6, $0x700, v44;
	v44 =	vsel vm13, $0x1480, v19;
	v12 =	vsel vm5, $0x100, v12  }
0x66: {  	v46 =	vsel vm7, $0x80, v13;
	v13 =	vsel vm13, $0x580, v47;
	v12 =	vsel vm3, $0x180, v12  }
0x67: {  	v19 =	vsel vm12, $0x1580, v45;
	v1 =	vsel vm12, $0x400, v13;
	v12 =	vsel vm1, $0x200, v12  }
0x68: {  	v47 =	vsel vm13, $0x1500, v22;
	v1 =	vsel vm11, $0x480, v1;
	v12 =	vsel vm2, $0x280, v12  }
0x69: {  	v18 =	vsel vm12, $0x1500, v44;
	v1 =	vsel vm10, $0x700, v1;
	v12 =	vsel vm0, $0x300, v12  }
0x6a: {  	v18 =	vsel vm11, $0x1580, v18;
	v1 =	vsel vm8, $0x780, v1;
	[tilespmem:$0x1F880] =	vst v12;
	v12 =	vsel vm4, $0x0, v46  }
0x6b: {  	[tilespmem:$0x1F890] =	vst v0;
	v46 =	vsel vm13, $0x1580, v21;
	v21 =	vsel vm12, $0x1480, v47;
	v0 =	vsel vm5, $0x180, v12  }
0x6c: {  	v12 =	vsel vm14, $0x580, v48;
	v48 =	vsel vm13, $0x1680, v23;
	v20 =	vsel vm12, $0x1400, v46  }
0x6d: {  	v41 =	vsel vm11, $0x1400, v21;
	v21 =	vsel vm10, $0x1180, v17;
	v0 =	vsel vm3, $0x100, v0  }
0x6e: {  	[tilespmem:$0x1F9A0] =	vst v40;
	v12 =	vsel vm13, $0x500, v12;
	v22 =	vsel vm12, $0x1700, v48;
	v40 =	vsel vm11, $0x1480, v20  }
0x6f: {  	v21 =	vsel vm8, $0x1100, v21;
	v0 =	vsel vm1, $0x280, v0;
	v42 =	vsel vm11, $0x1780, v22  }
0x70: {  	v21 =	vsel vm9, $0x1080, v21;
	v0 =	vsel vm2, $0x200, v0;
	v17 =	vsel vm10, $0x1400, v42  }
0x71: {  	v21 =	vsel vm6, $0x1000, v21;
	v0 =	vsel vm0, $0x380, v0;
	v17 =	vsel vm8, $0x1480, v17  }
0x72: {  	v21 =	vsel vm7, $0x1780, v21;
	[tilespmem:$0x1F8A0] =	vst v0;
	v0 =	vsel vm9, $0x600, v1;
	v1 =	vsel vm12, $0x480, v12  }
0x73: {  	v12 =	vsel vm14, $0x1080, v53;
	v53 =	vsel vm13, $0x1D00, v36;
	v17 =	vsel vm9, $0x1500, v17  }
0x74: {  	v21 =	vsel vm4, $0x1700, v21;
	v0 =	vsel vm6, $0x680, v0;
	v1 =	vsel vm11, $0x400, v1  }
0x75: {  	v35 =	vsel vm12, $0x1C80, v53;
	v17 =	vsel vm6, $0x1580, v17;
	v21 =	vsel vm5, $0x1680, v21  }
0x76: {  	v0 =	vsel vm7, $0x100, v0;
	v1 =	vsel vm10, $0x780, v1;
	v35 =	vsel vm11, $0x1C00, v35  }
0x77: {  	v17 =	vsel vm7, $0x1200, v17;
	v21 =	vsel vm3, $0x1600, v21;
	v0 =	vsel vm4, $0x180, v0  }
0x78: {  	v1 =	vsel vm8, $0x700, v1;
	v17 =	vsel vm4, $0x1280, v17;
	v21 =	vsel vm1, $0x1580, v21  }
0x79: {  	v0 =	vsel vm5, $0x0, v0;
	v1 =	vsel vm9, $0x680, v1;
	v17 =	vsel vm5, $0x1300, v17  }
0x7a: {  	v21 =	vsel vm2, $0x1500, v21;
	v0 =	vsel vm3, $0x80, v0;
	v1 =	vsel vm6, $0x600, v1  }
0x7b: {  	v17 =	vsel vm3, $0x1380, v17;
	v21 =	vsel vm0, $0x1480, v21;
	v0 =	vsel vm1, $0x300, v0  }
0x7c: {  	v1 =	vsel vm7, $0x180, v1;
	v17 =	vsel vm1, $0x1000, v17;
	v0 =	vsel vm2, $0x380, v0  }
0x7d: {  	v1 =	vsel vm4, $0x100, v1;
	v17 =	vsel vm2, $0x1080, v17;
	v0 =	vsel vm0, $0x200, v0  }
0x7e: {  	[tilespmem:$0x1F8C0] =	vst v0;
	v0 =	vsel vm5, $0x80, v1;
	v1 =	vsel vm10, $0x400, v2;
	v2 =	vand.u32 $0xF, v4  }
0x7f: {  	v4 =	vsel vm14, $0xB80, v49;
	v49 =	vsel vm13, $0x1600, v24;
	v24 =	vsel vm13, $0x1780, v25  }
0x80: {  	v25 =	vsel vm13, $0x1800, v26;
	v26 =	vsel vm13, $0x1980, v27;
	v27 =	vsel vm13, $0x1900, v28  }
0x81: {  	v28 =	vsel vm13, $0x1A80, v29;
	v29 =	vsel vm13, $0x1A00, v30;
	v30 =	vsel vm13, $0x1B80, v31  }
0x82: {  	v31 =	vsel vm13, $0x1B00, v32;
	v0 =	vsel vm3, $0x0, v0;
	v1 =	vsel vm8, $0x480, v1  }
0x83: {  	v2 =	vcombine.low v2, v5;
	v5 =	vsel vm14, $0xC00, v50;
	v50 =	vsel vm13, $0x1C80, v33  }
0x84: {  	v23 =	vsel vm12, $0x1780, v49;
	v24 =	vsel vm12, $0x1600, v24;
	v25 =	vsel vm12, $0x1980, v25  }
0x85: {  	v26 =	vsel vm12, $0x1800, v26;
	v27 =	vsel vm12, $0x1880, v27;
	v28 =	vsel vm12, $0x1B00, v28  }
0x86: {  	v29 =	vsel vm12, $0x1B80, v29;
	v30 =	vsel vm12, $0x1A00, v30;
	v31 =	vsel vm12, $0x1A80, v31  }
0x87: {  	v33 =	vsel vm12, $0x1D80, v51;
	v0 =	vsel vm1, $0x380, v0;
	v1 =	vsel vm9, $0x500, v1  }
0x88: {  	v32 =	vsel vm12, $0x1D00, v50;
	v43 =	vsel vm11, $0x1700, v23;
	v44 =	vsel vm11, $0x1680, v24  }
0x89: {  	v45 =	vsel vm11, $0x1900, v25;
	v46 =	vsel vm11, $0x1880, v26;
	v27 =	vsel vm11, $0x1800, v27  }
0x8a: {  	v28 =	vsel vm11, $0x1B80, v28;
	v29 =	vsel vm11, $0x1B00, v29;
	v0 =	vsel vm2, $0x300, v0  }
0x8b: {  	v30 =	vsel vm11, $0x1A80, v30;
	[tilespmem:$0x1F8D0] =	vst v2;
	v1 =	vsel vm6, $0x580, v1;
	v0 =	vsel vm0, $0x280, v0  }
0x8c: {  	v31 =	vsel vm11, $0x1A00, v31;
	v2 =	vimm.s32 $0x100;
	[tilespmem:$0x1F8E0] =	vst v0;
	v0 =	vsel vm7, $0x200, v1  }
0x8d: {  	v33 =	vsel vm11, $0x1D00, v33;
	v1 =	vsel vm14, $0x680, v2;
	v0 =	vsel vm4, $0x280, v0  }
0x8e: {  	v2 =	vand.u32 $0xF, v10;
	v1 =	vsel vm13, $0x600, v1;
	v0 =	vsel vm5, $0x300, v0  }
0x8f: {  	v2 =	vcombine.low v2, v11;
	v1 =	vsel vm12, $0x780, v1;
	v0 =	vsel vm3, $0x380, v0  }
0x90: {  	v23 =	vimm.s32 $0x17161514;
	v1 =	vsel vm11, $0x700, v1;
	v0 =	vsel vm1, $0x0, v0  }
0x91: {  	[tilespmem:$0x1F8F0] =	vst v2;
	v2 =	vimm.s32 $0x80;
	v1 =	vsel vm10, $0x480, v1;
	v0 =	vsel vm2, $0x80, v0  }
0x92: {  	v2 =	vsel vm14, $0x700, v2;
	v1 =	vsel vm8, $0x400, v1;
	v0 =	vsel vm0, $0x100, v0  }
0x93: {  	v32 =	vsel vm11, $0x1D80, v32;
	v2 =	vsel vm13, $0x780, v2;
	[tilespmem:$0x1F900] =	vst v0;
	v0 =	vsel vm9, $0x580, v1  }
0x94: {  	v42 =	vsel vm10, $0x1900, v30;
	v1 =	vsel vm12, $0x600, v2;
	v0 =	vsel vm6, $0x500, v0  }
0x95: {  	v2 =	vand.u32 $0xF, v54;
	v1 =	vsel vm11, $0x680, v1;
	v0 =	vsel vm7, $0x280, v0  }
0x96: {  	v2 =	vcombine.low v2, v55;
	v1 =	vsel vm10, $0x500, v1;
	v0 =	vsel vm4, $0x200, v0  }
0x97: {  	v10 =	vimm.s32 $0x900;
	v1 =	vsel vm8, $0x580, v1;
	v0 =	vsel vm5, $0x380, v0  }
0x98: {  	[tilespmem:$0x1F910] =	vst v2;
	v2 =	vimm.s32 $0xF00;
	v1 =	vsel vm9, $0x400, v1;
	v0 =	vsel vm3, $0x300, v0  }
0x99: {  	v2 =	vsel vm14, $0x880, v2;
	v1 =	vsel vm6, $0x480, v1;
	v0 =	vsel vm1, $0x80, v0  }
0x9a: {  	v2 =	vsel vm13, $0x800, v2;
	v1 =	vsel vm7, $0x300, v1;
	v0 =	vsel vm2, $0x0, v0  }
0x9b: {  	v2 =	vsel vm12, $0x980, v2;
	v1 =	vsel vm4, $0x380, v1;
	v0 =	vsel vm0, $0x180, v0  }
0x9c: {  	v10 =	vsel vm14, $0xE80, v10;
	v2 =	vsel vm11, $0x900, v2;
	[tilespmem:$0x1F920] =	vst v0;
	v0 =	vsel vm5, $0x200, v1  }
0x9d: {  	v11 =	vimm.s32 $0x880;
	v1 =	vsel vm10, $0xA80, v2;
	v0 =	vsel vm3, $0x280, v0  }
0x9e: {  	v11 =	vsel vm14, $0xF00, v11;
	v1 =	vsel vm8, $0xA00, v1;
	v0 =	vsel vm1, $0x100, v0  }
0x9f: {  	v2 =	vand.u32 $0xF, v8;
	v1 =	vsel vm9, $0xB80, v1;
	v0 =	vsel vm2, $0x180, v0  }
0xa0: {  	v2 =	vcombine.low v2, v9;
	v1 =	vsel vm6, $0xB00, v1;
	v0 =	vsel vm0, $0x0, v0  }
0xa1: {  	v54 =	vimm.s32 $0x1680;
	[tilespmem:$0x1F940] =	vst v0;
	v0 =	vsel vm7, $0xC80, v1;
	v1 =	vimm.s32 $0x1E1F1C1D  }
0xa2: {  	[tilespmem:$0x1F930] =	vst v2;
	v2 =	vimm.s32 $0x1A1B1819;
	v0 =	vsel vm4, $0xC00, v0;
	v1 =	vunpack.c.0.s8.s32 v1  }
0xa3: {  	v61 =	vunpack.c.0.s8.s32 v2;
	v2 =	vimm.s32 $0xE80;
	v0 =	vsel vm5, $0xD80, v0  }
0xa4: {  	[tilespmem:$0x1FED0] =	vst v1;
	v1 =	vsel vm14, $0x900, v2;
	v2 =	vimm.s32 $0x12131011;
	v0 =	vsel vm3, $0xD00, v0  }
0xa5: {  	v1 =	vsel vm13, $0x980, v1;
	v2 =	vunpack.c.0.s8.s32 v2;
	v0 =	vsel vm1, $0xE80, v0  }
0xa6: {  	v13 =	vsel vm14, $0x1100, v54;
	v1 =	vsel vm12, $0x800, v1;
	v0 =	vsel vm2, $0xE00, v0  }
0xa7: {  	v55 =	vimm.s32 $0x1600;
	[tilespmem:$0x1FEE0] =	vst v2;
	v1 =	vsel vm11, $0x880, v1;
	v0 =	vsel vm0, $0xF80, v0  }
0xa8: {  	v54 =	vsel vm13, $0x1E80, v37;
	v2 =	vimm.s32 $0x16171415;
	[tilespmem:$0x1F950] =	vst v0;
	v0 =	vsel vm10, $0xB00, v1  }
0xa9: {  	v2 =	vunpack.c.0.s8.s32 v2;
	v1 =	vimm.s32 $0x19181B1A;
	v0 =	vsel vm8, $0xB80, v0  }
0xaa: {  	v14 =	vsel vm14, $0x1180, v55;
	v1 =	vunpack.c.0.s8.s32 v1;
	v0 =	vsel vm9, $0xA00, v0  }
0xab: {  	v55 =	vsel vm13, $0x1E00, v38;
	[tilespmem:$0x1FEF0] =	vst v2;
	v2 =	vimm.s32 $0xE00;
	v0 =	vsel vm6, $0xA80, v0  }
0xac: {  	[tilespmem:$0x1FF00] =	vst v1;
	v1 =	vsel vm14, $0x980, v2;
	v2 =	vimm.s32 $0x1D1C1F1E;
	v0 =	vsel vm7, $0xD00, v0  }
0xad: {  	v1 =	vsel vm13, $0x900, v1;
	v2 =	vunpack.c.0.s8.s32 v2;
	v0 =	vsel vm4, $0xD80, v0  }
0xae: {  	v36 =	vsel vm12, $0x1F00, v54;
	v1 =	vsel vm12, $0x880, v1;
	v0 =	vsel vm5, $0xC00, v0  }
0xaf: {  	[tilespmem:$0x1FF10] =	vst v2;
	v2 =	vimm.s32 $0x11101312;
	v1 =	vsel vm11, $0x800, v1;
	v0 =	vsel vm3, $0xC80, v0  }
0xb0: {  	v62 =	vunpack.c.0.s8.s32 v2;
	v1 =	vsel vm10, $0xB80, v1;
	v0 =	vsel vm1, $0xF00, v0  }
0xb1: {  	v2 =	vimm.s32 $0x15141716;
	v1 =	vsel vm8, $0xB00, v1;
	v0 =	vsel vm2, $0xF80, v0  }
0xb2: {  	v60 =	vunpack.c.0.s8.s32 v2;
	v2 =	vimm.s32 $0x18191A1B;
	v0 =	vsel vm0, $0xE00, v0  }
0xb3: {  	v38 =	vsel vm12, $0x1E00, v56;
	v1 =	vsel vm9, $0xA80, v1;
	[tilespmem:$0x1F960] =	vst v0;
	v0 =	vunpack.c.0.s8.s32 v2  }
0xb4: {  	v37 =	vsel vm12, $0x1F80, v55;
	v36 =	vsel vm11, $0x1F80, v36;
	v1 =	vsel vm6, $0xA00, v1  }
0xb5: {  	v38 =	vsel vm11, $0x1E80, v38;
	[tilespmem:$0x1F970] =	vst v0;
	v0 =	vsel vm7, $0xD80, v1;
	v1 =	vimm.s32 $0x1C1D1E1F  }
0xb6: {  	v37 =	vsel vm11, $0x1F00, v37;
	v8 =	vimm.s32 $0xA00;
	v1 =	vunpack.c.0.s8.s32 v1  }
0xb7: {  	v9 =	vimm.s32 $0x980;
	v2 =	vimm.s32 $0xD80;
	v0 =	vsel vm4, $0xD00, v0  }
0xb8: {  	v0 =	vsel vm5, $0xC80, v0;
	[tilespmem:$0x1F980] =	vst v1;
	v1 =	vsel vm14, $0xA00, v2;
	v2 =	vimm.s32 $0x10111213  }
0xb9: {  	v0 =	vsel vm3, $0xC00, v0;
	v1 =	vsel vm13, $0xA80, v1;
	v2 =	vunpack.c.0.s8.s32 v2  }
0xba: {  	v8 =	vsel vm14, $0xD80, v8;
	v0 =	vsel vm1, $0xF80, v0;
	v1 =	vsel vm12, $0xB00, v1  }
0xbb: {  	v0 =	vsel vm2, $0xF00, v0;
	[tilespmem:$0x1F990] =	vst v2;
	v1 =	vsel vm11, $0xB80, v1;
	v2 =	vimm.s32 $0xD00  }
0xbc: {  	v0 =	vsel vm0, $0xE80, v0;
	v2 =	vsel vm14, $0xA80, v2;
	v1 =	vsel vm10, $0x800, v1  }
0xbd: {  	v9 =	vsel vm14, $0xE00, v9;
	[tilespmem:$0x1F9B0] =	vst v0;
	v0 =	vsel vm8, $0x880, v1;
	v1 =	vsel vm13, $0xA00, v2  }
0xbe: {  	v2 =	vsel vm13, $0xB80, v3;
	v3 =	vsel vm13, $0xB00, v4;
	v4 =	vsel vm13, $0xC80, v5  }
0xbf: {  	v5 =	vsel vm13, $0xC00, v6;
	v6 =	vsel vm13, $0xD80, v7;
	v7 =	vsel vm13, $0xD00, v8  }
0xc0: {  	v8 =	vsel vm13, $0xE80, v9;
	v9 =	vsel vm13, $0xE00, v10;
	v10 =	vsel vm13, $0xF80, v11  }
0xc1: {  	v11 =	vsel vm13, $0x1000, v12;
	v12 =	vsel vm13, $0x1180, v13;
	v13 =	vsel vm13, $0x1100, v14  }
0xc2: {  	v14 =	vsel vm13, $0x1280, v15;
	v15 =	vsel vm12, $0x1380, v58;
	v58 =	vimm.s32 $0x1B1A1918  }
0xc3: {  	v1 =	vsel vm12, $0xB80, v1;
	v0 =	vsel vm9, $0x900, v0;
	v2 =	vsel vm12, $0xA00, v2  }
0xc4: {  	v3 =	vsel vm12, $0xA80, v3;
	v4 =	vsel vm12, $0xD00, v4;
	v5 =	vsel vm12, $0xD80, v5  }
0xc5: {  	v6 =	vsel vm12, $0xC00, v6;
	v7 =	vsel vm12, $0xC80, v7;
	v8 =	vsel vm12, $0xF00, v8  }
0xc6: {  	v9 =	vsel vm12, $0xF80, v9;
	v10 =	vsel vm12, $0xE00, v10;
	v11 =	vsel vm12, $0x1180, v11  }
0xc7: {  	v12 =	vsel vm12, $0x1000, v12;
	v13 =	vsel vm12, $0x1080, v13;
	v14 =	vsel vm12, $0x1300, v14  }
0xc8: {  	[tilespmem:$0x1F9C0] =	vst v39;
	v39 =	vunpack.c.0.s8.s32 v58;
	v15 =	vsel vm11, $0x1300, v15;
	v1 =	vsel vm11, $0xB00, v1  }
0xc9: {  	v0 =	vsel vm6, $0x980, v0;
	v2 =	vsel vm11, $0xA80, v2;
	v3 =	vsel vm11, $0xA00, v3  }
0xca: {  	v4 =	vsel vm11, $0xD80, v4;
	v5 =	vsel vm11, $0xD00, v5;
	v6 =	vsel vm11, $0xC80, v6  }
0xcb: {  	v7 =	vsel vm11, $0xC00, v7;
	v8 =	vsel vm11, $0xF80, v8;
	v9 =	vsel vm11, $0xF00, v9  }
0xcc: {  	v10 =	vsel vm11, $0xE80, v10;
	v11 =	vsel vm11, $0x1100, v11;
	v12 =	vsel vm11, $0x1080, v12  }
0xcd: {  	v13 =	vsel vm11, $0x1000, v13;
	v14 =	vsel vm11, $0x1380, v14;
	v22 =	vsel vm10, $0x1080, v15  }
0xce: {  	v15 =	vsel vm10, $0x1480, v43;
	v1 =	vsel vm10, $0x880, v1;
	[tilespmem:$0x1F9D0] =	vst v39;
	v39 =	vsel vm11, $0x1500, v19  }
0xcf: {  	v19 =	vunpack.c.0.s8.s32 v23;
	v47 =	vsel vm7, $0xE00, v0;
	v49 =	vsel vm10, $0x900, v2  }
0xd0: {  	v50 =	vsel vm10, $0x980, v3;
	v51 =	vsel vm10, $0xE00, v4;
	v52 =	vsel vm10, $0xE80, v5  }
0xd1: {  	v53 =	vsel vm10, $0xF00, v6;
	v54 =	vsel vm10, $0xF80, v7;
	v55 =	vsel vm10, $0xC00, v8  }
0xd2: {  	v56 =	vsel vm10, $0xC80, v9;
	v57 =	vsel vm10, $0xD00, v10;
	v58 =	vsel vm10, $0x1280, v11  }
0xd3: {  	v25 =	vsel vm10, $0x1300, v12;
	v26 =	vsel vm10, $0x1380, v13;
	v24 =	vsel vm10, $0x1000, v14  }
0xd4: {  	v23 =	vsel vm10, $0x1100, v16;
	v16 =	vsel vm10, $0x1780, v41;
	v13 =	vsel vm10, $0x1500, v44  }
0xd5: {  	v10 =	vsel vm10, $0x1B80, v27;
	v11 =	vsel vm10, $0x1800, v28;
	v9 =	vsel vm10, $0x1880, v29  }
0xd6: {  	v8 =	vsel vm10, $0x1980, v31;
	v44 =	vsel vm10, $0x1E00, v32;
	v3 =	vsel vm10, $0x1F80, v35  }
0xd7: {  	v2 =	vsel vm10, $0x1C80, v37;
	v27 =	vimm.s32 $0x13121110;
	v22 =	vsel vm8, $0x1000, v22  }
0xd8: {  	v15 =	vsel vm8, $0x1400, v15;
	v7 =	vsel vm8, $0x1980, v42;
	v1 =	vsel vm8, $0x800, v1  }
0xd9: {  	v20 =	vsel vm10, $0x1680, v39;
	v39 =	vsel vm10, $0x1A80, v45;
	v45 =	vsel vm10, $0x1E80, v33  }
0xda: {  	v27 =	vunpack.c.0.s8.s32 v27;
	v29 =	vsel vm8, $0x980, v49;
	v25 =	vsel vm8, $0x1380, v25  }
0xdb: {  	v26 =	vsel vm8, $0x1300, v26;
	v24 =	vsel vm8, $0x1080, v24;
	v23 =	vsel vm8, $0x1180, v23  }
0xdc: {  	v22 =	vsel vm9, $0x1180, v22;
	v16 =	vsel vm8, $0x1700, v16;
	v15 =	vsel vm9, $0x1580, v15  }
0xdd: {  	v13 =	vsel vm8, $0x1580, v13;
	v10 =	vsel vm8, $0x1B00, v10;
	v11 =	vsel vm8, $0x1880, v11  }
0xde: {  	v9 =	vsel vm8, $0x1800, v9;
	v8 =	vsel vm8, $0x1900, v8;
	v7 =	vsel vm9, $0x1800, v7  }
0xdf: {  	v6 =	vsel vm8, $0x1E80, v44;
	v3 =	vsel vm8, $0x1F00, v3;
	v2 =	vsel vm8, $0x1C00, v2  }
0xe0: {  	v1 =	vsel vm9, $0x980, v1;
	[tilespmem:$0x1F9E0] =	vst v19;
	v19 =	vsel vm10, $0x1600, v18;
	v18 =	vsel vm10, $0x1700, v40  }
0xe1: {  	v40 =	vsel vm10, $0x1B00, v46;
	v46 =	vsel vm10, $0x1F00, v34;
	v29 =	vsel vm9, $0x800, v29  }
0xe2: {  	v25 =	vsel vm9, $0x1200, v25;
	v26 =	vsel vm9, $0x1280, v26;
	v24 =	vsel vm9, $0x1100, v24  }
0xe3: {  	v23 =	vsel vm9, $0x1000, v23;
	v20 =	vsel vm8, $0x1600, v20;
	v16 =	vsel vm9, $0x1680, v16  }
0xe4: {  	v14 =	vsel vm8, $0x1A00, v39;
	v13 =	vsel vm9, $0x1400, v13;
	v10 =	vsel vm9, $0x1A80, v10  }
0xe5: {  	v11 =	vsel vm9, $0x1900, v11;
	v9 =	vsel vm9, $0x1980, v9;
	v8 =	vsel vm9, $0x1880, v8  }
0xe6: {  	v6 =	vsel vm9, $0x1F00, v6;
	v4 =	vsel vm8, $0x1E00, v45;
	v3 =	vsel vm9, $0x1E80, v3  }
0xe7: {  	v2 =	vsel vm9, $0x1D80, v2;
	v22 =	vsel vm6, $0x1100, v22;
	v15 =	vsel vm6, $0x1500, v15  }
0xe8: {  	v7 =	vsel vm6, $0x1880, v7;
	v0 =	vsel vm6, $0x900, v1;
	v1 =	vsel vm10, $0x1C00, v36  }
0xe9: {  	[tilespmem:$0x1FA00] =	vst v27;
	v27 =	vsel vm4, $0xE80, v47;
	v29 =	vsel vm6, $0x880, v29;
	v19 =	vsel vm8, $0x1680, v19  }
0xea: {  	v20 =	vsel vm9, $0x1780, v20;
	v18 =	vsel vm8, $0x1780, v18;
	v14 =	vsel vm9, $0x1B80, v14  }
0xeb: {  	v12 =	vsel vm8, $0x1B80, v40;
	v5 =	vsel vm8, $0x1F80, v46;
	v4 =	vsel vm9, $0x1F80, v4  }
0xec: {  	v25 =	vsel vm6, $0x1280, v25;
	v26 =	vsel vm6, $0x1200, v26;
	v24 =	vsel vm6, $0x1180, v24  }
0xed: {  	v23 =	vsel vm6, $0x1080, v23;
	v22 =	vsel vm7, $0x1680, v22;
	v16 =	vsel vm6, $0x1600, v16  }
0xee: {  	v15 =	vsel vm7, $0x1280, v15;
	v13 =	vsel vm6, $0x1480, v13;
	v10 =	vsel vm6, $0x1A00, v10  }
0xef: {  	v11 =	vsel vm6, $0x1980, v11;
	v9 =	vsel vm6, $0x1900, v9;
	v8 =	vsel vm6, $0x1800, v8  }
0xf0: {  	v7 =	vsel vm7, $0x1F00, v7;
	v6 =	vsel vm6, $0x1F80, v6;
	v3 =	vsel vm6, $0x1E00, v3  }
0xf1: {  	v2 =	vsel vm6, $0x1D00, v2;
	v48 =	vsel vm7, $0xE80, v0;
	v0 =	vsel vm10, $0x1D00, v38  }
0xf2: {  	v27 =	vsel vm5, $0xF00, v27;
	v29 =	vsel vm7, $0xF00, v29;
	v19 =	vsel vm9, $0x1700, v19  }
0xf3: {  	v18 =	vsel vm9, $0x1600, v18;
	v12 =	vsel vm9, $0x1A00, v12;
	v5 =	vsel vm9, $0x1E00, v5  }
0xf4: {  	v1 =	vsel vm8, $0x1C80, v1;
	v25 =	vsel vm7, $0x1500, v25;
	v26 =	vsel vm7, $0x1580, v26  }
0xf5: {  	v24 =	vsel vm7, $0x1600, v24;
	v23 =	vsel vm7, $0x1700, v23;
	v20 =	vsel vm6, $0x1700, v20  }
0xf6: {  	v16 =	vsel vm7, $0x1180, v16;
	v14 =	vsel vm6, $0x1B00, v14;
	v13 =	vsel vm7, $0x1300, v13  }
0xf7: {  	v10 =	vsel vm7, $0x1D80, v10;
	v11 =	vsel vm7, $0x1E00, v11;
	v9 =	vsel vm7, $0x1E80, v9  }
0xf8: {  	v8 =	vsel vm7, $0x1F80, v8;
	v6 =	vsel vm7, $0x1800, v6;
	v4 =	vsel vm6, $0x1F00, v4  }
0xf9: {  	v3 =	vsel vm7, $0x1980, v3;
	v2 =	vsel vm7, $0x1A80, v2;
	v22 =	vsel vm4, $0x1600, v22  }
0xfa: {  	v15 =	vsel vm4, $0x1200, v15;
	v7 =	vsel vm4, $0x1F80, v7;
	v28 =	vsel vm4, $0xE00, v48  }
0xfb: {  	v27 =	vsel vm3, $0xF80, v27;
	v1 =	vsel vm9, $0x1D00, v1;
	v0 =	vsel vm8, $0x1D80, v0  }
0xfc: {  	v19 =	vsel vm6, $0x1780, v19;
	v20 =	vsel vm7, $0x1080, v20;
	v18 =	vsel vm6, $0x1680, v18  }
0xfd: {  	v14 =	vsel vm7, $0x1C80, v14;
	v12 =	vsel vm6, $0x1A80, v12;
	v28 =	vsel vm5, $0xF80, v28  }
0xfe: {  	v5 =	vsel vm6, $0x1E80, v5;
	v27 =	vsel vm1, $0xC00, v27;
	v28 =	vsel vm3, $0xF00, v28  }
0xff: {  	v4 =	vsel vm7, $0x1880, v4;
	v27 =	vsel vm2, $0xC80, v27;
	v28 =	vsel vm1, $0xC80, v28  }
0x100: {  	v25 =	vsel vm4, $0x1580, v25;
	v27 =	vsel vm0, $0xD00, v27;
	v28 =	vsel vm2, $0xC00, v28  }
0x101: {  	v26 =	vsel vm4, $0x1500, v26;
	v24 =	vsel vm4, $0x1680, v24;
	[tilespmem:$0x1FA10] =	vst v27;
	v27 =	vsel vm0, $0xD80, v28  }
0x102: {  	v23 =	vsel vm4, $0x1780, v23;
	v22 =	vsel vm5, $0x1780, v22;
	[tilespmem:$0x1FA20] =	vst v27;
	v27 =	vsel vm4, $0xF80, v29  }
0x103: {  	v16 =	vsel vm4, $0x1100, v16;
	v15 =	vsel vm5, $0x1380, v15;
	v27 =	vsel vm5, $0xE00, v27  }
0x104: {  	v13 =	vsel vm4, $0x1380, v13;
	v28 =	vsel vm8, $0x900, v50;
	v27 =	vsel vm3, $0xE80, v27  }
0x105: {  	v29 =	vsel vm8, $0xE80, v51;
	v28 =	vsel vm9, $0x880, v28;
	v27 =	vsel vm1, $0xD00, v27  }
0x106: {  	v29 =	vsel vm9, $0xF00, v29;
	v28 =	vsel vm6, $0x800, v28;
	v27 =	vsel vm2, $0xD80, v27  }
0x107: {  	v29 =	vsel vm6, $0xF80, v29;
	v28 =	vsel vm7, $0xF80, v28;
	v27 =	vsel vm0, $0xC00, v27  }
0x108: {  	v10 =	vsel vm4, $0x1D00, v10;
	v29 =	vsel vm7, $0x800, v29;
	[tilespmem:$0x1FA30] =	vst v27;
	v27 =	vsel vm4, $0xF00, v28  }
0x109: {  	v11 =	vsel vm4, $0x1E80, v11;
	v28 =	vsel vm4, $0x880, v29;
	v27 =	vsel vm5, $0xE80, v27  }
0x10a: {  	v9 =	vsel vm4, $0x1E00, v9;
	v28 =	vsel vm5, $0x900, v28;
	v27 =	vsel vm3, $0xE00, v27  }
0x10b: {  	v29 =	vsel vm8, $0xE00, v52;
	v28 =	vsel vm3, $0x980, v28;
	v27 =	vsel vm1, $0xD80, v27  }
0x10c: {  	v29 =	vsel vm9, $0xF80, v29;
	v28 =	vsel vm1, $0xA00, v28;
	v27 =	vsel vm2, $0xD00, v27  }
0x10d: {  	v29 =	vsel vm6, $0xF00, v29;
	v28 =	vsel vm2, $0xA80, v28;
	v27 =	vsel vm0, $0xC80, v27  }
0x10e: {  	v8 =	vsel vm4, $0x1F00, v8;
	v29 =	vsel vm7, $0x880, v29;
	[tilespmem:$0x1FA40] =	vst v27;
	v27 =	vsel vm0, $0xB00, v28  }
0x10f: {  	v7 =	vsel vm5, $0x1E00, v7;
	v6 =	vsel vm4, $0x1880, v6;
	[tilespmem:$0x1FA50] =	vst v27;
	v27 =	vsel vm4, $0x800, v29  }
0x110: {  	v3 =	vsel vm4, $0x1900, v3;
	v2 =	vsel vm4, $0x1A00, v2;
	v27 =	vsel vm5, $0x980, v27  }
0x111: {  	v0 =	vsel vm9, $0x1C00, v0;
	v28 =	vsel vm8, $0xF80, v53;
	v27 =	vsel vm3, $0x900, v27  }
0x112: {  	v29 =	vsel vm8, $0xF00, v54;
	v28 =	vsel vm9, $0xE00, v28;
	v27 =	vsel vm1, $0xA80, v27  }
0x113: {  	v29 =	vsel vm9, $0xE80, v29;
	v28 =	vsel vm6, $0xE80, v28;
	v27 =	vsel vm2, $0xA00, v27  }
0x114: {  	v29 =	vsel vm6, $0xE00, v29;
	v28 =	vsel vm7, $0x900, v28;
	v27 =	vsel vm0, $0xB80, v27  }
0x115: {  	v19 =	vsel vm7, $0x1000, v19;
	v29 =	vsel vm7, $0x980, v29;
	[tilespmem:$0x1FA60] =	vst v27;
	v27 =	vsel vm4, $0x980, v28  }
0x116: {  	v18 =	vsel vm7, $0x1100, v18;
	v28 =	vsel vm4, $0x900, v29;
	v27 =	vsel vm5, $0x800, v27  }
0x117: {  	v12 =	vsel vm7, $0x1D00, v12;
	v28 =	vsel vm5, $0x880, v28;
	v27 =	vsel vm3, $0x880, v27  }
0x118: {  	v29 =	vsel vm8, $0xC80, v55;
	v28 =	vsel vm3, $0x800, v28;
	v27 =	vsel vm1, $0xB00, v27  }
0x119: {  	v29 =	vsel vm9, $0xD00, v29;
	v28 =	vsel vm1, $0xB80, v28;
	v27 =	vsel vm2, $0xB80, v27  }
0x11a: {  	v29 =	vsel vm6, $0xD80, v29;
	v28 =	vsel vm2, $0xB00, v28;
	v27 =	vsel vm0, $0xA00, v27  }
0x11b: {  	v5 =	vsel vm7, $0x1900, v5;
	v29 =	vsel vm7, $0xA00, v29;
	[tilespmem:$0x1FA70] =	vst v27;
	v27 =	vsel vm0, $0xA80, v28  }
0x11c: {  	v1 =	vsel vm6, $0x1D80, v1;
	v25 =	vsel vm5, $0x1400, v25;
	[tilespmem:$0x1FA80] =	vst v27;
	v27 =	vsel vm4, $0xA80, v29  }
0x11d: {  	v26 =	vsel vm5, $0x1480, v26;
	v24 =	vsel vm5, $0x1700, v24;
	v27 =	vsel vm5, $0xB00, v27  }
0x11e: {  	v23 =	vsel vm5, $0x1600, v23;
	v28 =	vsel vm8, $0xC00, v56;
	v27 =	vsel vm3, $0xB80, v27  }
0x11f: {  	v29 =	vsel vm8, $0xD80, v57;
	v28 =	vsel vm9, $0xD80, v28;
	v27 =	vsel vm1, $0x800, v27  }
0x120: {  	v29 =	vsel vm9, $0xC00, v29;
	v28 =	vsel vm6, $0xD00, v28;
	v27 =	vsel vm2, $0x880, v27  }
0x121: {  	v29 =	vsel vm6, $0xC80, v29;
	v28 =	vsel vm7, $0xA80, v28;
	v27 =	vsel vm0, $0x900, v27  }
0x122: {  	v20 =	vsel vm4, $0x1000, v20;
	v29 =	vsel vm7, $0xB00, v29;
	[tilespmem:$0x1FA90] =	vst v27;
	v27 =	vsel vm4, $0xA00, v28  }
0x123: {  	v16 =	vsel vm5, $0x1080, v16;
	v28 =	vsel vm4, $0xB80, v29;
	v27 =	vsel vm5, $0xB80, v27  }
0x124: {  	v14 =	vsel vm4, $0x1C00, v14;
	v28 =	vsel vm5, $0xA00, v28;
	v27 =	vsel vm3, $0xB00, v27  }
0x125: {  	v29 =	vsel vm8, $0x1200, v58;
	v28 =	vsel vm3, $0xA80, v28;
	v27 =	vsel vm1, $0x880, v27  }
0x126: {  	v29 =	vsel vm9, $0x1380, v29;
	v28 =	vsel vm1, $0x900, v28;
	v27 =	vsel vm2, $0x800, v27  }
0x127: {  	v29 =	vsel vm6, $0x1300, v29;
	v28 =	vsel vm2, $0x980, v28;
	v27 =	vsel vm0, $0x980, v27  }
0x128: {  	v29 =	vsel vm7, $0x1480, v29;
	[tilespmem:$0x1FAA0] =	vst v27;
	v27 =	vsel vm0, $0x800, v28;
	v28 =	vimm.s32 $0x2A2B2829  }
0x129: {  	v13 =	vsel vm5, $0x1200, v13;
	[tilespmem:$0x1FAB0] =	vst v27;
	v27 =	vsel vm4, $0x1400, v29;
	v28 =	vunpack.c.0.s8.s32 v28  }
0x12a: {  	v2 =	vsel vm5, $0x1B80, v2;
	v29 =	vimm.s32 $0x2E2F2C2D;
	v27 =	vsel vm5, $0x1580, v27  }
0x12b: {  	v1 =	vsel vm7, $0x1A00, v1;
	[tilespmem:$0x1FAC0] =	vst v28;
	v28 =	vunpack.c.0.s8.s32 v29;
	v27 =	vsel vm3, $0x1500, v27  }
0x12c: {  	v0 =	vsel vm6, $0x1C80, v0;
	v25 =	vsel vm3, $0x1480, v25;
	v27 =	vsel vm1, $0x1680, v27  }
0x12d: {  	v26 =	vsel vm3, $0x1400, v26;
	[tilespmem:$0x1FAD0] =	vst v28;
	v28 =	vimm.s32 $0x22232021;
	v27 =	vsel vm2, $0x1600, v27  }
0x12e: {  	v0 =	vsel vm7, $0x1B00, v0;
	v28 =	vunpack.c.0.s8.s32 v28;
	v27 =	vsel vm0, $0x1780, v27  }
0x12f: {  	v1 =	vsel vm4, $0x1A80, v1;
	v25 =	vsel vm1, $0x1700, v25;
	v29 =	vimm.s32 $0x26272425;
	[tilespmem:$0x1FB00] =	vst v27  }
0x130: {  	v26 =	vsel vm1, $0x1780, v26;
	v27 =	vimm.s32 $0x29282B2A;
	[tilespmem:$0x1FAE0] =	vst v28;
	v28 =	vunpack.c.0.s8.s32 v29  }
0x131: {  	v0 =	vsel vm4, $0x1B80, v0;
	v25 =	vsel vm2, $0x1780, v25;
	v27 =	vunpack.c.0.s8.s32 v27  }
0x132: {  	v0 =	vsel vm5, $0x1A00, v0;
	v25 =	vsel vm0, $0x1600, v25;
	[tilespmem:$0x1FAF0] =	vst v28;
	v28 =	vimm.s32 $0x2D2C2F2E  }
0x133: {  	v0 =	vsel vm3, $0x1A80, v0;
	[tilespmem:$0x1FB10] =	vst v27;
	v27 =	vunpack.c.0.s8.s32 v28;
	v28 =	vimm.s32 $0x28292A2B  }
0x134: {  	v1 =	vsel vm5, $0x1B00, v1;
	[tilespmem:$0x1FB60] =	vst v25;
	v0 =	vsel vm1, $0x1900, v0;
	v25 =	vunpack.c.0.s8.s32 v28  }
0x135: {  	v26 =	vsel vm2, $0x1700, v26;
	v1 =	vsel vm3, $0x1B80, v1;
	v0 =	vsel vm2, $0x1980, v0  }
0x136: {  	[tilespmem:$0x1FB70] =	vst v25;
	v25 =	vsel vm0, $0x1680, v26;
	v26 =	vsel vm0, $0x1800, v0;
	v0 =	vimm.s32 $0x2C2D2E2F  }
0x137: {  	v2 =	vsel vm3, $0x1B00, v2;
	v1 =	vsel vm1, $0x1800, v1;
	v0 =	vunpack.c.0.s8.s32 v0  }
0x138: {  	v10 =	vsel vm5, $0x1C80, v10;
	v2 =	vsel vm1, $0x1880, v2;
	v1 =	vsel vm2, $0x1880, v1  }
0x139: {  	v2 =	vsel vm2, $0x1800, v2;
	v1 =	vsel vm0, $0x1900, v1;
	[tilespmem:$0x1FD10] =	vst v0;
	v0 =	vimm.s32 $0x20212223  }
0x13a: {  	v11 =	vsel vm5, $0x1F00, v11;
	[tilespmem:$0x1FCF0] =	vst v1;
	v1 =	vsel vm0, $0x1980, v2;
	v0 =	vunpack.c.0.s8.s32 v0  }
0x13b: {  	v9 =	vsel vm5, $0x1F80, v9;
	v8 =	vsel vm5, $0x1E80, v8;
	[tilespmem:$0x1FD00] =	vst v1;
	v1 =	vimm.s32 $0x24252627  }
0x13c: {  	v6 =	vsel vm5, $0x1900, v6;
	v4 =	vsel vm4, $0x1800, v4;
	[tilespmem:$0x1FD20] =	vst v0;
	v0 =	vunpack.c.0.s8.s32 v1  }
0x13d: {  	v3 =	vsel vm5, $0x1880, v3;
	v22 =	vsel vm3, $0x1700, v22;
	v15 =	vsel vm3, $0x1300, v15  }
0x13e: {  	v7 =	vsel vm3, $0x1E80, v7;
	v19 =	vsel vm4, $0x1080, v19;
	[tilespmem:$0x1FD30] =	vst v0;
	v0 =	vimm.s32 $0x2F2E2D2C  }
0x13f: {  	v20 =	vsel vm5, $0x1180, v20;
	v18 =	vsel vm4, $0x1180, v18;
	v0 =	vunpack.c.0.s8.s32 v0  }
0x140: {  	v12 =	vsel vm4, $0x1D80, v12;
	v4 =	vsel vm5, $0x1980, v4;
	v24 =	vsel vm3, $0x1780, v24  }
0x141: {  	v23 =	vsel vm3, $0x1680, v23;
	v16 =	vsel vm3, $0x1000, v16;
	[tilespmem:$0x1FD40] =	vst v0;
	v0 =	vimm.s32 $0x2B2A2928  }
0x142: {  	v13 =	vsel vm3, $0x1280, v13;
	v10 =	vsel vm3, $0x1C00, v10;
	v0 =	vunpack.c.0.s8.s32 v0  }
0x143: {  	v11 =	vsel vm3, $0x1F80, v11;
	v9 =	vsel vm3, $0x1F00, v9;
	v1 =	vimm.s32 $0x27262524  }
0x144: {  	v6 =	vsel vm3, $0x1980, v6;
	v22 =	vsel vm1, $0x1480, v22;
	[tilespmem:$0x1FD50] =	vst v0;
	v0 =	vunpack.c.0.s8.s32 v1  }
0x145: {  	[tilespmem:$0x1FBC0] =	vst v21;
	v3 =	vsel vm3, $0x1800, v3;
	v15 =	vsel vm1, $0x1080, v15;
	v22 =	vsel vm2, $0x1400, v22  }
0x146: {  	v15 =	vsel vm2, $0x1000, v15;
	v22 =	vsel vm0, $0x1580, v22;
	[tilespmem:$0x1FD60] =	vst v0;
	v0 =	vimm.s32 $0x23222120  }
0x147: {  	v7 =	vsel vm1, $0x1D00, v7;
	v15 =	vsel vm0, $0x1180, v15;
	[tilespmem:$0x1FBA0] =	vst v22;
	v0 =	vunpack.c.0.s8.s32 v0  }
0x148: {  	v19 =	vsel vm5, $0x1100, v19;
	v24 =	vsel vm1, $0x1400, v24;
	v7 =	vsel vm2, $0x1D80, v7;
	[tilespmem:$0x1FC20] =	vst v15  }
0x149: {  	v24 =	vsel vm2, $0x1480, v24;
	v7 =	vsel vm0, $0x1C00, v7;
	[tilespmem:$0x1FD70] =	vst v0;
	v0 =	vimm.s32 $0x3A3B3839  }
0x14a: {  	v16 =	vsel vm1, $0x1380, v16;
	v24 =	vsel vm0, $0x1500, v24;
	[tilespmem:$0x1FC90] =	vst v7;
	v0 =	vunpack.c.0.s8.s32 v0  }
0x14b: {  	v18 =	vsel vm5, $0x1000, v18;
	v16 =	vsel vm2, $0x1300, v16;
	[tilespmem:$0x1FB90] =	vst v24;
	v1 =	vimm.s32 $0x3E3F3C3D  }
0x14c: {  	v13 =	vsel vm1, $0x1100, v13;
	v16 =	vsel vm0, $0x1280, v16;
	[tilespmem:$0x1FD80] =	vst v0;
	v0 =	vunpack.c.0.s8.s32 v1  }
0x14d: {  	v12 =	vsel vm5, $0x1C00, v12;
	v10 =	vsel vm1, $0x1F80, v10;
	v13 =	vsel vm2, $0x1180, v13;
	[tilespmem:$0x1FC00] =	vst v16  }
0x14e: {  	v10 =	vsel vm2, $0x1F00, v10;
	v13 =	vsel vm0, $0x1000, v13;
	[tilespmem:$0x1FD90] =	vst v0;
	v0 =	vimm.s32 $0x32333031  }
0x14f: {  	v9 =	vsel vm1, $0x1C80, v9;
	v10 =	vsel vm0, $0x1E80, v10;
	[tilespmem:$0x1FC30] =	vst v13;
	v0 =	vunpack.c.0.s8.s32 v0  }
0x150: {  	v4 =	vsel vm3, $0x1900, v4;
	v6 =	vsel vm1, $0x1A00, v6;
	v9 =	vsel vm2, $0x1C00, v9;
	[tilespmem:$0x1FC60] =	vst v10  }
0x151: {  	v6 =	vsel vm2, $0x1A80, v6;
	v9 =	vsel vm0, $0x1D80, v9;
	[tilespmem:$0x1FDA0] =	vst v0;
	v0 =	vimm.s32 $0x36373435  }
0x152: {  	v3 =	vsel vm1, $0x1B80, v3;
	v6 =	vsel vm0, $0x1B00, v6;
	[tilespmem:$0x1FC80] =	vst v9;
	v0 =	vunpack.c.0.s8.s32 v0  }
0x153: {  	v11 =	vsel vm1, $0x1C00, v11;
	v3 =	vsel vm2, $0x1B00, v3;
	[tilespmem:$0x1FCB0] =	vst v6;
	v1 =	vimm.s32 $0x39383B3A  }
0x154: {  	v19 =	vsel vm3, $0x1180, v19;
	v3 =	vsel vm0, $0x1A80, v3;
	[tilespmem:$0x1FDB0] =	vst v0;
	v0 =	vunpack.c.0.s8.s32 v1  }
0x155: {  	v18 =	vsel vm3, $0x1080, v18;
	v11 =	vsel vm2, $0x1C80, v11;
	v4 =	vsel vm1, $0x1A80, v4;
	[tilespmem:$0x1FCE0] =	vst v3  }
0x156: {  	v4 =	vsel vm2, $0x1A00, v4;
	v10 =	vsel vm0, $0x1D00, v11;
	[tilespmem:$0x1FDC0] =	vst v0;
	v0 =	vimm.s32 $0x3D3C3F3E  }
0x157: {  	v19 =	vsel vm1, $0x1200, v19;
	v4 =	vsel vm0, $0x1B80, v4;
	[tilespmem:$0x1FC70] =	vst v10;
	v0 =	vunpack.c.0.s8.s32 v0  }
0x158: {  	v12 =	vsel vm3, $0x1C80, v12;
	v18 =	vsel vm1, $0x1300, v18;
	v19 =	vsel vm2, $0x1280, v19;
	[tilespmem:$0x1FCC0] =	vst v4  }
0x159: {  	v18 =	vsel vm2, $0x1380, v18;
	v19 =	vsel vm0, $0x1300, v19;
	[tilespmem:$0x1FDD0] =	vst v0;
	v0 =	vimm.s32 $0x31303332  }
0x15a: {  	v12 =	vsel vm1, $0x1F00, v12;
	v18 =	vsel vm0, $0x1200, v18;
	[tilespmem:$0x1FBD0] =	vst v19;
	v0 =	vunpack.c.0.s8.s32 v0  }
0x15b: {  	v20 =	vsel vm3, $0x1100, v20;
	v12 =	vsel vm2, $0x1F80, v12;
	[tilespmem:$0x1FBF0] =	vst v18;
	v1 =	vimm.s32 $0x35343736  }
0x15c: {  	v23 =	vsel vm1, $0x1500, v23;
	v12 =	vsel vm0, $0x1E00, v12;
	[tilespmem:$0x1FDE0] =	vst v0;
	v0 =	vunpack.c.0.s8.s32 v1  }
0x15d: {  	v14 =	vsel vm5, $0x1D80, v14;
	v23 =	vsel vm2, $0x1580, v23;
	v20 =	vsel vm1, $0x1280, v20;
	[tilespmem:$0x1FC50] =	vst v12  }
0x15e: {  	v20 =	vsel vm2, $0x1200, v20;
	v52 =	vsel vm0, $0x1400, v23;
	[tilespmem:$0x1FDF0] =	vst v0;
	v0 =	vimm.s32 $0x38393A3B  }
0x15f: {  	v14 =	vsel vm3, $0x1D00, v14;
	[tilespmem:$0x1FBB0] =	vst v52;
	v53 =	vsel vm0, $0x1380, v20;
	v0 =	vunpack.c.0.s8.s32 v0  }
0x160: {  	v5 =	vsel vm4, $0x1980, v5;
	v8 =	vsel vm3, $0x1E00, v8;
	v14 =	vsel vm1, $0x1E80, v14;
	[tilespmem:$0x1FBE0] =	vst v53  }
0x161: {  	v14 =	vsel vm2, $0x1E00, v14;
	v54 =	vsel vm0, $0x1100, v17;
	[tilespmem:$0x1FE00] =	vst v0;
	v0 =	vimm.s32 $0x3C3D3E3F  }
0x162: {  	v8 =	vsel vm1, $0x1D80, v8;
	[tilespmem:$0x1FC10] =	vst v54;
	v55 =	vsel vm0, $0x1F80, v14;
	v0 =	vunpack.c.0.s8.s32 v0  }
0x163: {  	v5 =	vsel vm5, $0x1800, v5;
	v8 =	vsel vm2, $0x1D00, v8;
	[tilespmem:$0x1FC40] =	vst v55;
	v1 =	vimm.s32 $0x30313233  }
0x164: {  	v5 =	vsel vm3, $0x1880, v5;
	v56 =	vsel vm0, $0x1C80, v8;
	[tilespmem:$0x1FE10] =	vst v0;
	v0 =	vunpack.c.0.s8.s32 v1  }
0x165: {  	v5 =	vsel vm1, $0x1B00, v5;
	[tilespmem:$0x1FCA0] =	vst v56  }
0x166: {  	v5 =	vsel vm2, $0x1B80, v5;
	[tilespmem:$0x1FE20] =	vst v0;
	v0 =	vimm.s32 $0x34353637  }
0x167: {  	v57 =	vsel vm0, $0x1A00, v5;
	[tilespmem:$0x1FB20] =	vst v27;
	v27 =	vimm.s32 $0x21202322;
	v0 =	vunpack.c.0.s8.s32 v0  }
0x168: {  	[tilespmem:$0x1FCD0] =	vst v57;
	v27 =	vunpack.c.0.s8.s32 v27  }
0x169: {  	[tilespmem:$0x1FE30] =	vst v0;
	v0 =	vimm.s32 $0x3F3E3D3C  }
0x16a: {  	[tilespmem:$0x1FB30] =	vst v27;
	v27 =	vimm.s32 $0x25242726;
	v0 =	vunpack.c.0.s8.s32 v0  }
0x16b: {  	s5 =	rddreg [dreg:$0x0];
	[tilespmem:$0x1FB80] =	vst v25;
	v27 =	vunpack.c.0.s8.s32 v27;
	v1 =	vimm.s32 $0x3B3A3938  }
0x16c: {  	s0 =	rddreg [dreg:$0x1];
	v11 =	vlaneseq.u32;
	[tilespmem:$0x1FE40] =	vst v0;
	v0 =	vunpack.c.0.s8.s32 v1  }
0x16d: {  	s2 =	rddreg [dreg:$0x2];
	s3 =	simm.s32 $0x0;
	v2 =	vmul.u32 $0xFFFFFFFF, v11;
	[tilespmem:$0x1FB40] =	vst v27  }
0x16e: {  	[smem:$0x7FF] =	sst s3;
	v30 =	vmov v59;
	v59 =	vld [tilespmem:$0x1FB50];
	[tilespmem:$0x1FE50] =	vst v0  }
0x16f: {  	s1 =	rddreg [dreg:$0x3];
	v43 =	vld [tilespmem:$0x1F9F0];
	_ =	strace $0x80000047;
	[tilespmem:$0x1FE80] =	vst v2  }
0x170: {  	v0 =	vimm.s32 $0x37363534;
	[tilespmem:$0x1FEC0] =	vst v61  }
0x171: {  	v0 =	vunpack.c.0.s8.s32 v0;
	[tilespmem:$0x1FF20] =	vst v62  }
0x172: {  	v27 =	vadd.s32 $0xF, v2;
	v1 =	vimm.s32 $0x33323130;
	[tilespmem:$0x1FF30] =	vst v60;
	v2 =	vld [tilespmem:$0x1FEE0]  }
0x173: {  	v3 =	vld [tilespmem:$0x1FEF0];
	[tilespmem:$0x1FE60] =	vst v0;
	v0 =	vunpack.c.0.s8.s32 v1  }
0x174: {  	[tilespmem:$0x1FFB0] =	vst v63  }
0x175: {  	[tilespmem:$0x1FE70] =	vst v0;
	v0 =	vmul.u32 $0xFFFFFF80, v11  }
0x176: {  	[tilespmem:$0x1FFC0] =	vst v30  }
0x177: {  	vm0 =	vcmask $0x1F10;
	v58 =	vld [tilespmem:$0x1FF10];
	[tilespmem:$0x1FE90] =	vst v0;
	v0 =	vadd.s32 $0x780, v0  }
0x178: {  	v2 =	vsel vm0, v3, v2;
	v3 =	vld [tilespmem:$0x1FF00];
	[tilespmem:$0x1FEA0] =	vst v0;
	v0 =	vor.u32 $0x10, v11  }
0x179: {  	[tilespmem:$0x1FEB0] =	vst v0;
	v0 =	vld [tilespmem:$0x1FED0]  }
0x17a: {  	[tilespmem:$0x1FFD0] =	vst v26;
	v1 =	vmul.u32 $0x80, v11  }
0x17b: {  	[tilespmem:$0x1FFF0] =	vst v27  }
0x17c: {  	[tilespmem:$0x1FFE0] =	vst v1  }
0x17d: {  	s4 =	srdreg.scid;
	s9 =	simm.s32 $0x400;
	[tilespmem:$0x1FF60] =	vst v2;
	v3 =	vsel vm0, v58, v3  }
0x17e: {  	s10 =	simm.s32 $0x20000;
	s11 =	simm.s32 $0x2A00;
	s12 =	simm.s32 $0x8E00;
	[tilespmem:$0x1FF80] =	vst v3;
	v0 =	vsel vm0, v0, v61  }
0x17f: {  	s13 =	simm.s32 $0x10E00;
	s14 =	simm.s32 $0x1;
	s6 =	sand.u32 $0x1, s4;
	v61 =	vsel vm0, v60, v62;
	v62 =	vor.u32 $0x800, v1;
	[tilespmem:$0x1FF50] =	vst v0;
	v0 =	vcombine.low v2, v0  }
0x180: {  	s15 =	simm.s32 $0x2;
	s16 =	simm.s32 $0x0;
	s7 =	ssub.s32 $0x2, s6;
	[tilespmem:$0x1FF40] =	vst v62  }
0x181: {  	s4 =	stileid.u32;
	s5 =	sadd.s32 $0x400, s5;
	s8 =	sshrl.u32 s7, $0x1;
	[tilespmem:$0x1FF70] =	vst v0;
	v0 =	vcombine.low v61, v3  }
0x182: {  	s31 =	sshll.u32 s4, $0x3;
	s6 =	sshll.u32 s6, $0x2;
	s7 =	ssub.s32 s7, s8;
	[tilespmem:$0x1FF90] =	vst v61  }
0x183: {  	s6 =	sor.u32 s6, s31;
	s8 =	simm.s32 $0x3;
	s7 =	smax.u32 s7, $0x1;
	v41 =	vmov v63;
	[tilespmem:$0x1FFA0] =	vst v0  }
.LBB2_1:
0x184: {  	[tilespmem:s3], [sflag:$0x3] =	stream.linear.gather [hbm4b:s5+s3], $0x2A00, $0x38;
	[tilespmem:$0x18E00] =	vst v63  }
0x185: {  	_ =	swait.ge [sflag:s8], $0x2A00  }
0x186: {  	[sflag:s8] =	ssyncset.done $0x0  }
0x187: {  	s17 =	simm.s32 $0x0;
	[sflag:s8] =	ssyncadd.s32 $0xFFFFD600  }
.LBB2_2:
0x188: {  	s18 =	sadd.s32 s6, s17  }
0x189: {  	s19 =	sshll.u32 s18, $0x7  }
0x18a: {  	s19 =	sadd.s32 s0, s19  }
0x18b: {  	[tilespmem:s11], [sflag:$0x3] =	stream.strided.gather [hbm4b:s19+s9], $0x6400, s10, s9, $0x38;
	[tilespmem:$0x18E00] =	vst v63  }
0x18c: {  	_ =	swait.ge [sflag:s8], $0x6400  }
0x18d: {  	s20 =	simm.s32 $0x0;
	[sflag:s8] =	ssyncset.done $0x0  }
0x18e: {  	s18 =	sshll.u32 s18, $0xA;
	s19 =	smul.u32 $0x32, s17;
	[sflag:s8] =	ssyncadd.s32 $0xFFFF9C00  }
.LBB2_3:
0x18f: {  	_ = 	snop  }
0x190: {  	s21 =	sor.u32 s19, s20  }
0x191: {  	p0 =	seq.s32 s21, $0x0  }
0x192: {  	s22 =	simm.s32 @!p0 $0x1  }
0x193: {  	_ =	swait.ge @!p0 [sflag:s22], $0x8000  }
0x194: {  	v14 =	vld [tilespmem:$0x1F7F0]  }
0x195: {  	v15 =	vld [tilespmem:$0x1F800]  }
0x196: {  	v16 =	vld [tilespmem:$0x1F810]  }
0x197: {  	v17 =	vld [tilespmem:$0x1F820]  }
0x198: {  	v25 =	vld [tilespmem:$0x1F830]  }
0x199: {  	v18 =	vld [tilespmem:$0x1F840]  }
0x19a: {  	v20 =	vld [tilespmem:$0x1F850]  }
0x19b: {  	s23 =	simm.s32 $0x0;
	[sflag:s22] =	ssyncset.done @!p0 $0x0;
	v19 =	vld [tilespmem:$0x1F860]  }
0x19c: {  	s21 =	sshll.u32 s20, $0x3;
	v61 =	vld [tilespmem:$0x1F8A0];
	[sflag:s22] =	ssyncadd.s32 @!p0 $0xFFFF8000;
	s22 =	simm.s32 $0xFFFFFFFC  }
.LBB2_4:
0x19d: {  	s22 =	sadd.s32 $0x4, s22  }
0x19e: {  	s24 =	sshrl.u32 s22, $0x3  }
0x19f: {  	s25 =	sadd.s32 s21, s24  }
0x1a0: {  	s25 =	sshll.u32 s25, $0x7  }
0x1a1: {  	s25 =	sand.u32 $0x3FFFFF80, s25  }
0x1a2: {  	s26 =	sand.u32 $0x40, s23;
	s25 =	sadd.s32 $0x2A00, s25  }
0x1a3: {  	s28 =	sor.u32 s26, s25  }
0x1a4: {  	v0 =	vld [tilespmem:s28+$0x0];
	_ =	sdelay $0x4  }
0x1a5: {  	v8 =	vshll.u32 v0, $0x6  }
0x1a6: {  	v0 =	vor.u32 v11, v8  }
0x1a7: {  	v24 =	vld [tilespmem:$0x1F7D0];
	_ =	sdelay $0x1  }
0x1a8: {  	s24 =	sshll.u32 s24, $0xD  }
0x1a9: {  	v4 =	vld [tilespmem:$0x1F7E0];
	v6 =	vor.u32 s26, v11;
	v1 =	vor.u32 s24, v1  }
0x1aa: {  	v2 =	vor.u32 v6, v1;
	v0 =	vld.idx.msk [tilespmem:v0+s3+$0x0], $0xffff  }
0x1ab: {  	v3 =	vor.u32 v24, v8;
	_ =	sdelay $0x3  }
0x1ac: {  	[tilespmem:v2+s12+$0x0] =	vst.idx.msk $0xffff, v0;
	v0 =	vor.u32 s24, v4  }
0x1ad: {  	v2 =	vld.idx.msk [tilespmem:v3+s3+$0x0], $0xffff;
	v3 =	vor.u32 v6, v0  }
0x1ae: {  	v4 =	vor.u32 v59, v8;
	_ =	sdelay $0x3  }
0x1af: {  	[tilespmem:v3+s12+$0x0] =	vst.idx.msk $0xffff, v2;
	v2 =	vor.u32 s24, v14  }
0x1b0: {  	v3 =	vld.idx.msk [tilespmem:v4+s3+$0x0], $0xffff;
	v4 =	vor.u32 v6, v2  }
0x1b1: {  	v5 =	vor.u32 v43, v8;
	_ =	sdelay $0x3  }
0x1b2: {  	[tilespmem:v4+s12+$0x0] =	vst.idx.msk $0xffff, v3;
	v3 =	vor.u32 s24, v15  }
0x1b3: {  	v4 =	vld.idx.msk [tilespmem:v5+s3+$0x0], $0xffff;
	v5 =	vor.u32 v6, v3  }
0x1b4: {  	v7 =	vor.u32 v41, v8;
	_ =	sdelay $0x3  }
0x1b5: {  	[tilespmem:v5+s12+$0x0] =	vst.idx.msk $0xffff, v4;
	v4 =	vor.u32 s24, v16  }
0x1b6: {  	v5 =	vld.idx.msk [tilespmem:v7+s3+$0x0], $0xffff;
	v7 =	vor.u32 v6, v4  }
0x1b7: {  	v9 =	vor.u32 v30, v8;
	_ =	sdelay $0x3  }
0x1b8: {  	[tilespmem:v7+s12+$0x0] =	vst.idx.msk $0xffff, v5;
	v5 =	vor.u32 s24, v17  }
0x1b9: {  	v7 =	vld.idx.msk [tilespmem:v9+s3+$0x0], $0xffff;
	v9 =	vor.u32 v6, v5  }
0x1ba: {  	v10 =	vor.u32 v25, v8;
	_ =	sdelay $0x3  }
0x1bb: {  	[tilespmem:v9+s12+$0x0] =	vst.idx.msk $0xffff, v7;
	v7 =	vor.u32 s24, v18  }
0x1bc: {  	v9 =	vld.idx.msk [tilespmem:v10+s3+$0x0], $0xffff;
	v10 =	vor.u32 v6, v7  }
0x1bd: {  	v12 =	vor.u32 v20, v8;
	_ =	sdelay $0x3  }
0x1be: {  	[tilespmem:v10+s12+$0x0] =	vst.idx.msk $0xffff, v9;
	v9 =	vor.u32 s24, v19  }
0x1bf: {  	v10 =	vld.idx.msk [tilespmem:v12+s3+$0x0], $0xffff;
	v12 =	vor.u32 v6, v9;
	_ =	sdelay $0x2  }
0x1c0: {  	s28 =	sor.u32 $0x10, s26  }
0x1c1: {  	s30 =	sor.u32 $0x20, s26;
	s29 =	sor.u32 s28, s25  }
0x1c2: {  	s31 =	sor.u32 s30, s25;
	s26 =	sor.u32 $0x30, s26;
	[tilespmem:v12+s12+$0x0] =	vst.idx.msk $0xffff, v10;
	v10 =	vld [tilespmem:s29+$0x0]  }
0x1c3: {  	s25 =	sor.u32 s26, s25;
	v12 =	vld [tilespmem:s31+$0x0]  }
0x1c4: {  	v13 =	vld [tilespmem:s25+$0x0];
	_ =	sdelay $0x2  }
0x1c5: {  	v22 =	vshll.u32 v10, $0x6  }
0x1c6: {  	v20 =	vshll.u32 v12, $0x6;
	v10 =	vor.u32 v11, v22  }
0x1c7: {  	v18 =	vshll.u32 v13, $0x6;
	v15 =	vor.u32 v11, v20  }
0x1c8: {  	v13 =	vor.u32 v11, v18;
	_ =	sdelay $0x1  }
0x1c9: {  	v12 =	vor.u32 s28, v11  }
0x1ca: {  	v14 =	vor.u32 s30, v11;
	v17 =	vor.u32 v1, v12;
	v10 =	vld.idx.msk [tilespmem:v10+s3+$0x0], $0xffff  }
0x1cb: {  	v21 =	vor.u32 v1, v14;
	v16 =	vor.u32 s26, v11;
	v19 =	vor.u32 v24, v22;
	v15 =	vld.idx.msk [tilespmem:v15+s3+$0x0], $0xffff  }
0x1cc: {  	v13 =	vld.idx.msk [tilespmem:v13+s3+$0x0], $0xffff;
	v23 =	vor.u32 v24, v20;
	v1 =	vor.u32 v1, v16  }
0x1cd: {  	v24 =	vor.u32 v24, v18;
	_ =	sdelay $0x1  }
0x1ce: {  	[tilespmem:v17+s12+$0x0] =	vst.idx.msk $0xffff, v10  }
0x1cf: {  	v17 =	vor.u32 v0, v12;
	[tilespmem:v21+s12+$0x0] =	vst.idx.msk $0xffff, v15;
	v10 =	vld.idx.msk [tilespmem:v19+s3+$0x0], $0xffff  }
0x1d0: {  	[tilespmem:v1+s12+$0x0] =	vst.idx.msk $0xffff, v13;
	v15 =	vor.u32 v59, v22;
	v21 =	vor.u32 v0, v14;
	v19 =	vld.idx.msk [tilespmem:v23+s3+$0x0], $0xffff  }
0x1d1: {  	v1 =	vor.u32 v59, v20;
	v13 =	vld.idx.msk [tilespmem:v24+s3+$0x0], $0xffff;
	v0 =	vor.u32 v0, v16  }
0x1d2: {  	v23 =	vor.u32 v59, v18;
	_ =	sdelay $0x1  }
0x1d3: {  	[tilespmem:v17+s12+$0x0] =	vst.idx.msk $0xffff, v10  }
0x1d4: {  	[tilespmem:v21+s12+$0x0] =	vst.idx.msk $0xffff, v19;
	v10 =	vld.idx.msk [tilespmem:v15+s3+$0x0], $0xffff;
	v15 =	vor.u32 v2, v12  }
0x1d5: {  	[tilespmem:v0+s12+$0x0] =	vst.idx.msk $0xffff, v13;
	v19 =	vor.u32 v2, v14;
	v1 =	vld.idx.msk [tilespmem:v1+s3+$0x0], $0xffff  }
0x1d6: {  	v17 =	vor.u32 v43, v22;
	v13 =	vld.idx.msk [tilespmem:v23+s3+$0x0], $0xffff;
	v2 =	vor.u32 v2, v16  }
0x1d7: {  	v21 =	vor.u32 v43, v18;
	_ =	sdelay $0x1  }
0x1d8: {  	v0 =	vor.u32 v43, v20;
	[tilespmem:v15+s12+$0x0] =	vst.idx.msk $0xffff, v10  }
0x1d9: {  	[tilespmem:v19+s12+$0x0] =	vst.idx.msk $0xffff, v1  }
0x1da: {  	v15 =	vor.u32 v3, v12;
	[tilespmem:v2+s12+$0x0] =	vst.idx.msk $0xffff, v13;
	v10 =	vld.idx.msk [tilespmem:v17+s3+$0x0], $0xffff  }
0x1db: {  	v1 =	vor.u32 v41, v22;
	v17 =	vor.u32 v3, v14;
	v13 =	vld.idx.msk [tilespmem:v21+s3+$0x0], $0xffff;
	v3 =	vor.u32 v3, v16  }
0x1dc: {  	v19 =	vor.u32 v41, v18  }
0x1dd: {  	v0 =	vld.idx.msk [tilespmem:v0+s3+$0x0], $0xffff;
	_ =	sdelay $0x1  }
0x1de: {  	v2 =	vor.u32 v41, v20;
	[tilespmem:v15+s12+$0x0] =	vst.idx.msk $0xffff, v10  }
0x1df: {  	v10 =	vor.u32 v4, v12;
	[tilespmem:v3+s12+$0x0] =	vst.idx.msk $0xffff, v13;
	v1 =	vld.idx.msk [tilespmem:v1+s3+$0x0], $0xffff  }
0x1e0: {  	v15 =	vor.u32 v4, v14;
	v4 =	vor.u32 v4, v16;
	v13 =	vld.idx.msk [tilespmem:v19+s3+$0x0], $0xffff  }
0x1e1: {  	[tilespmem:v17+s12+$0x0] =	vst.idx.msk $0xffff, v0;
	v17 =	vor.u32 v30, v18  }
0x1e2: {  	v0 =	vor.u32 v30, v22  }
0x1e3: {  	v2 =	vld.idx.msk [tilespmem:v2+s3+$0x0], $0xffff  }
0x1e4: {  	v3 =	vor.u32 v30, v20;
	[tilespmem:v10+s12+$0x0] =	vst.idx.msk $0xffff, v1  }
0x1e5: {  	[tilespmem:v4+s12+$0x0] =	vst.idx.msk $0xffff, v13  }
0x1e6: {  	v1 =	vor.u32 v5, v12;
	v10 =	vor.u32 v5, v14;
	v5 =	vor.u32 v5, v16;
	v13 =	vld.idx.msk [tilespmem:v17+s3+$0x0], $0xffff  }
0x1e7: {  	v0 =	vld.idx.msk [tilespmem:v0+s3+$0x0], $0xffff  }
0x1e8: {  	[tilespmem:v15+s12+$0x0] =	vst.idx.msk $0xffff, v2;
	v2 =	vor.u32 v25, v22  }
0x1e9: {  	v3 =	vld.idx.msk [tilespmem:v3+s3+$0x0], $0xffff  }
0x1ea: {  	v4 =	vor.u32 v25, v20  }
0x1eb: {  	v15 =	vor.u32 v25, v18;
	[tilespmem:v5+s12+$0x0] =	vst.idx.msk $0xffff, v13;
	v5 =	vld [tilespmem:$0x1F850]  }
0x1ec: {  	[tilespmem:v1+s12+$0x0] =	vst.idx.msk $0xffff, v0;
	v13 =	vld [tilespmem:$0x1F850]  }
0x1ed: {  	v0 =	vld.idx.msk [tilespmem:v2+s3+$0x0], $0xffff  }
0x1ee: {  	[tilespmem:v10+s12+$0x0] =	vst.idx.msk $0xffff, v3;
	v2 =	vld [tilespmem:$0x1F850]  }
0x1ef: {  	v1 =	vor.u32 v7, v12;
	v3 =	vld.idx.msk [tilespmem:v4+s3+$0x0], $0xffff  }
0x1f0: {  	v4 =	vor.u32 v7, v14;
	v10 =	vld.idx.msk [tilespmem:v15+s3+$0x0], $0xffff;
	v7 =	vor.u32 v7, v16  }
0x1f1: {  	v15 =	vld [tilespmem:$0x1F870];
	v13 =	vor.u32 v13, v18;
	_ =	sdelay $0x2  }
0x1f2: {  	v2 =	vor.u32 v2, v22;
	[tilespmem:v1+s12+$0x0] =	vst.idx.msk $0xffff, v0  }
0x1f3: {  	v5 =	vor.u32 v5, v20;
	[tilespmem:v7+s12+$0x0] =	vst.idx.msk $0xffff, v10  }
0x1f4: {  	v0 =	vor.u32 v15, v8;
	[tilespmem:v4+s12+$0x0] =	vst.idx.msk $0xffff, v3;
	v10 =	vld.idx.msk [tilespmem:v13+s3+$0x0], $0xffff  }
0x1f5: {  	v3 =	vor.u32 v15, v22;
	v7 =	vor.u32 v15, v20;
	v13 =	vor.u32 v15, v18;
	v15 =	vld [tilespmem:$0x1F880]  }
0x1f6: {  	v19 =	vld [tilespmem:$0x1F890]  }
0x1f7: {  	v1 =	vld.idx.msk [tilespmem:v2+s3+$0x0], $0xffff;
	v2 =	vor.u32 v9, v12  }
0x1f8: {  	v4 =	vld.idx.msk [tilespmem:v5+s3+$0x0], $0xffff;
	v5 =	vor.u32 v9, v14;
	_ =	sdelay $0x1  }
0x1f9: {  	v9 =	vor.u32 v9, v16;
	v15 =	vor.u32 s24, v15  }
0x1fa: {  	v0 =	vld.idx.msk [tilespmem:v0+s3+$0x0], $0xffff;
	v17 =	vor.u32 v6, v15  }
0x1fb: {  	[tilespmem:v2+s12+$0x0] =	vst.idx.msk $0xffff, v1;
	v1 =	vor.u32 v19, v8  }
0x1fc: {  	[tilespmem:v5+s12+$0x0] =	vst.idx.msk $0xffff, v4  }
0x1fd: {  	v5 =	vld.idx.msk [tilespmem:v7+s3+$0x0], $0xffff  }
0x1fe: {  	[tilespmem:v9+s12+$0x0] =	vst.idx.msk $0xffff, v10;
	v2 =	vld.idx.msk [tilespmem:v3+s3+$0x0], $0xffff  }
0x1ff: {  	v4 =	vor.u32 v19, v22;
	v10 =	vld.idx.msk [tilespmem:v13+s3+$0x0], $0xffff;
	[tilespmem:v17+s12+$0x0] =	vst.idx.msk $0xffff, v0;
	v0 =	vor.u32 s24, v61  }
0x200: {  	v7 =	vor.u32 v15, v14;
	v9 =	vor.u32 v19, v20;
	v1 =	vld.idx.msk [tilespmem:v1+s3+$0x0], $0xffff;
	v17 =	vor.u32 v6, v0  }
0x201: {  	v3 =	vor.u32 v15, v12;
	v13 =	vor.u32 v15, v16;
	v15 =	vor.u32 v19, v18;
	v19 =	vld [tilespmem:$0x1F8B0];
	_ =	sdelay $0x3  }
0x202: {  	[tilespmem:v17+s12+$0x0] =	vst.idx.msk $0xffff, v1;
	v1 =	vld [tilespmem:$0x1F8C0]  }
0x203: {  	[tilespmem:v3+s12+$0x0] =	vst.idx.msk $0xffff, v2;
	v2 =	vor.u32 v19, v8;
	_ =	sdelay $0x2  }
0x204: {  	[tilespmem:v13+s12+$0x0] =	vst.idx.msk $0xffff, v10;
	v3 =	vld.idx.msk [tilespmem:v4+s3+$0x0], $0xffff  }
0x205: {  	v13 =	vld.idx.msk [tilespmem:v15+s3+$0x0], $0xffff;
	v1 =	vor.u32 s24, v1  }
0x206: {  	[tilespmem:v7+s12+$0x0] =	vst.idx.msk $0xffff, v5;
	v5 =	vor.u32 v19, v22;
	v2 =	vld.idx.msk [tilespmem:v2+s3+$0x0], $0xffff;
	v17 =	vor.u32 v6, v1  }
0x207: {  	v10 =	vor.u32 v19, v20;
	v4 =	vor.u32 v0, v12;
	v15 =	vor.u32 v19, v18;
	v19 =	vld [tilespmem:$0x1F8D0];
	_ =	sdelay $0x2  }
0x208: {  	v7 =	vld.idx.msk [tilespmem:v9+s3+$0x0], $0xffff;
	v9 =	vor.u32 v0, v14;
	v0 =	vor.u32 v0, v16  }
0x209: {  	[tilespmem:v17+s12+$0x0] =	vst.idx.msk $0xffff, v2;
	v2 =	vld [tilespmem:$0x1F8E0]  }
0x20a: {  	[tilespmem:v4+s12+$0x0] =	vst.idx.msk $0xffff, v3;
	v3 =	vor.u32 v19, v8;
	_ =	sdelay $0x2  }
0x20b: {  	[tilespmem:v0+s12+$0x0] =	vst.idx.msk $0xffff, v13;
	v4 =	vld.idx.msk [tilespmem:v5+s3+$0x0], $0xffff  }
0x20c: {  	v13 =	vld.idx.msk [tilespmem:v15+s3+$0x0], $0xffff;
	v2 =	vor.u32 s24, v2  }
0x20d: {  	[tilespmem:v9+s12+$0x0] =	vst.idx.msk $0xffff, v7;
	v7 =	vor.u32 v19, v22;
	v3 =	vld.idx.msk [tilespmem:v3+s3+$0x0], $0xffff;
	v17 =	vor.u32 v6, v2  }
0x20e: {  	v0 =	vor.u32 v19, v20;
	v15 =	vor.u32 v19, v18;
	v19 =	vld [tilespmem:$0x1F8F0];
	v5 =	vor.u32 v1, v12;
	_ =	sdelay $0x2  }
0x20f: {  	v9 =	vld.idx.msk [tilespmem:v10+s3+$0x0], $0xffff;
	v10 =	vor.u32 v1, v14;
	v1 =	vor.u32 v1, v16  }
0x210: {  	[tilespmem:v17+s12+$0x0] =	vst.idx.msk $0xffff, v3;
	v3 =	vld [tilespmem:$0x1F900]  }
0x211: {  	[tilespmem:v5+s12+$0x0] =	vst.idx.msk $0xffff, v4;
	v4 =	vor.u32 v19, v8;
	_ =	sdelay $0x2  }
0x212: {  	[tilespmem:v1+s12+$0x0] =	vst.idx.msk $0xffff, v13;
	v5 =	vld.idx.msk [tilespmem:v7+s3+$0x0], $0xffff  }
0x213: {  	v13 =	vld.idx.msk [tilespmem:v15+s3+$0x0], $0xffff;
	v3 =	vor.u32 s24, v3  }
0x214: {  	[tilespmem:v10+s12+$0x0] =	vst.idx.msk $0xffff, v9;
	v9 =	vor.u32 v19, v22;
	v4 =	vld.idx.msk [tilespmem:v4+s3+$0x0], $0xffff;
	v17 =	vor.u32 v6, v3  }
0x215: {  	v1 =	vor.u32 v19, v20;
	v15 =	vor.u32 v19, v18;
	v19 =	vld [tilespmem:$0x1F910];
	v7 =	vor.u32 v2, v12;
	_ =	sdelay $0x2  }
0x216: {  	v10 =	vor.u32 v2, v14;
	v2 =	vor.u32 v2, v16  }
0x217: {  	[tilespmem:v17+s12+$0x0] =	vst.idx.msk $0xffff, v4;
	v4 =	vld [tilespmem:$0x1F920]  }
0x218: {  	v0 =	vld.idx.msk [tilespmem:v0+s3+$0x0], $0xffff;
	[tilespmem:v7+s12+$0x0] =	vst.idx.msk $0xffff, v5;
	v5 =	vor.u32 v19, v8;
	_ =	sdelay $0x2  }
0x219: {  	[tilespmem:v2+s12+$0x0] =	vst.idx.msk $0xffff, v13;
	v7 =	vld.idx.msk [tilespmem:v9+s3+$0x0], $0xffff  }
0x21a: {  	v13 =	vld.idx.msk [tilespmem:v15+s3+$0x0], $0xffff;
	v4 =	vor.u32 s24, v4  }
0x21b: {  	[tilespmem:v10+s12+$0x0] =	vst.idx.msk $0xffff, v0;
	v0 =	vor.u32 v19, v22;
	v5 =	vld.idx.msk [tilespmem:v5+s3+$0x0], $0xffff;
	v17 =	vor.u32 v6, v4  }
0x21c: {  	v2 =	vor.u32 v19, v20;
	v15 =	vor.u32 v19, v18;
	v19 =	vld [tilespmem:$0x1F930];
	v9 =	vor.u32 v3, v12;
	_ =	sdelay $0x3  }
0x21d: {  	[tilespmem:v17+s12+$0x0] =	vst.idx.msk $0xffff, v5;
	v5 =	vld [tilespmem:$0x1F940]  }
0x21e: {  	[tilespmem:v9+s12+$0x0] =	vst.idx.msk $0xffff, v7;
	v7 =	vor.u32 v19, v8;
	_ =	sdelay $0x3  }
0x21f: {  	v5 =	vor.u32 s24, v5  }
0x220: {  	v7 =	vld.idx.msk [tilespmem:v7+s3+$0x0], $0xffff;
	v17 =	vor.u32 v6, v5  }
0x221: {  	v0 =	vld.idx.msk [tilespmem:v0+s3+$0x0], $0xffff;
	v9 =	vor.u32 v4, v12  }
0x222: {  	v1 =	vld.idx.msk [tilespmem:v1+s3+$0x0], $0xffff;
	v10 =	vor.u32 v3, v14  }
0x223: {  	v3 =	vor.u32 v3, v16;
	_ =	sdelay $0x1  }
0x224: {  	[tilespmem:v17+s12+$0x0] =	vst.idx.msk $0xffff, v7;
	v7 =	vld [tilespmem:$0x1FEA0]  }
0x225: {  	[tilespmem:v9+s12+$0x0] =	vst.idx.msk $0xffff, v0;
	v0 =	vor.u32 v27, v8  }
0x226: {  	[tilespmem:v10+s12+$0x0] =	vst.idx.msk $0xffff, v1;
	v1 =	vor.u32 v19, v22  }
0x227: {  	[tilespmem:v3+s12+$0x0] =	vst.idx.msk $0xffff, v13;
	v2 =	vld.idx.msk [tilespmem:v2+s3+$0x0], $0xffff;
	v10 =	vor.u32 v4, v14  }
0x228: {  	v3 =	vor.u32 v19, v20;
	v13 =	vld.idx.msk [tilespmem:v15+s3+$0x0], $0xffff;
	v4 =	vor.u32 v4, v16  }
0x229: {  	v15 =	vor.u32 v19, v18;
	v19 =	vld [tilespmem:$0x1FEB0];
	v7 =	vor.u32 s24, v7  }
0x22a: {  	v0 =	vld.idx.msk [tilespmem:v0+s3+$0x0], $0xffff;
	v17 =	vor.u32 v6, v7  }
0x22b: {  	v1 =	vld.idx.msk [tilespmem:v1+s3+$0x0], $0xffff;
	v9 =	vor.u32 v5, v12  }
0x22c: {  	[tilespmem:v10+s12+$0x0] =	vst.idx.msk $0xffff, v2  }
0x22d: {  	v2 =	vor.u32 v27, v22;
	[tilespmem:v4+s12+$0x0] =	vst.idx.msk $0xffff, v13;
	v3 =	vld.idx.msk [tilespmem:v3+s3+$0x0], $0xffff;
	v10 =	vor.u32 v5, v14  }
0x22e: {  	v4 =	vor.u32 v27, v20;
	v13 =	vld.idx.msk [tilespmem:v15+s3+$0x0], $0xffff;
	v5 =	vor.u32 v5, v16  }
0x22f: {  	v15 =	vor.u32 v27, v18;
	[tilespmem:v17+s12+$0x0] =	vst.idx.msk $0xffff, v0;
	v0 =	vld [tilespmem:$0x1FF40]  }
0x230: {  	[tilespmem:v9+s12+$0x0] =	vst.idx.msk $0xffff, v1;
	v1 =	vor.u32 v19, v8;
	_ =	sdelay $0x1  }
0x231: {  	[tilespmem:v10+s12+$0x0] =	vst.idx.msk $0xffff, v3;
	v2 =	vld.idx.msk [tilespmem:v2+s3+$0x0], $0xffff  }
0x232: {  	[tilespmem:v5+s12+$0x0] =	vst.idx.msk $0xffff, v13;
	v4 =	vld.idx.msk [tilespmem:v4+s3+$0x0], $0xffff  }
0x233: {  	v13 =	vld.idx.msk [tilespmem:v15+s3+$0x0], $0xffff;
	v9 =	vor.u32 v7, v12;
	v0 =	vor.u32 s24, v0  }
0x234: {  	v3 =	vor.u32 v19, v22;
	v1 =	vld.idx.msk [tilespmem:v1+s3+$0x0], $0xffff;
	v17 =	vor.u32 v6, v0  }
0x235: {  	v5 =	vor.u32 v19, v20;
	v15 =	vor.u32 v19, v18;
	v19 =	vld [tilespmem:$0x1FF70];
	v10 =	vor.u32 v7, v14  }
0x236: {  	v35 =	vld [tilespmem:$0x1F980];
	v7 =	vor.u32 v7, v16  }
0x237: {  	v36 =	vld [tilespmem:$0x1F990]  }
0x238: {  	v23 =	vld [tilespmem:$0x1FFA0];
	[tilespmem:v9+s12+$0x0] =	vst.idx.msk $0xffff, v2  }
0x239: {  	[tilespmem:v17+s12+$0x0] =	vst.idx.msk $0xffff, v1;
	v1 =	vld [tilespmem:$0x1F950]  }
0x23a: {  	v2 =	vor.u32 v19, v8;
	[tilespmem:v10+s12+$0x0] =	vst.idx.msk $0xffff, v4;
	v3 =	vld.idx.msk [tilespmem:v3+s3+$0x0], $0xffff;
	v9 =	vor.u32 v0, v12  }
0x23b: {  	v4 =	vor.u32 v19, v22;
	[tilespmem:v7+s12+$0x0] =	vst.idx.msk $0xffff, v13;
	v5 =	vld.idx.msk [tilespmem:v5+s3+$0x0], $0xffff;
	v10 =	vor.u32 v0, v14  }
0x23c: {  	v13 =	vld.idx.msk [tilespmem:v15+s3+$0x0], $0xffff;
	v0 =	vor.u32 v0, v16  }
0x23d: {  	v37 =	vld [tilespmem:$0x1F9A0]  }
0x23e: {  	v30 =	vld [tilespmem:$0x1F970];
	v7 =	vor.u32 v19, v20;
	v1 =	vor.u32 s24, v1  }
0x23f: {  	v15 =	vor.u32 v19, v18;
	[tilespmem:v9+s12+$0x0] =	vst.idx.msk $0xffff, v3;
	v17 =	vld.idx.msk [tilespmem:v2+s3+$0x0], $0xffff;
	v19 =	vor.u32 v6, v1  }
0x240: {  	v3 =	vor.u32 v23, v8;
	[tilespmem:v10+s12+$0x0] =	vst.idx.msk $0xffff, v5;
	v4 =	vld.idx.msk [tilespmem:v4+s3+$0x0], $0xffff;
	v9 =	vor.u32 v1, v12  }
0x241: {  	v5 =	vor.u32 v23, v22;
	[tilespmem:v0+s12+$0x0] =	vst.idx.msk $0xffff, v13;
	v13 =	vld [tilespmem:$0x1F960];
	_ =	sdelay $0x1  }
0x242: {  	v7 =	vld.idx.msk [tilespmem:v7+s3+$0x0], $0xffff;
	v10 =	vor.u32 v1, v14  }
0x243: {  	v21 =	vor.u32 v23, v20;
	v0 =	vsel vm0, v35, v30;
	v15 =	vld.idx.msk [tilespmem:v15+s3+$0x0], $0xffff;
	[tilespmem:v19+s12+$0x0] =	vst.idx.msk $0xffff, v17  }
0x244: {  	v2 =	vsel vm0, v37, v36;
	v1 =	vor.u32 v1, v16;
	[tilespmem:v9+s12+$0x0] =	vst.idx.msk $0xffff, v4;
	v19 =	vld.idx.msk [tilespmem:v3+s3+$0x0], $0xffff  }
0x245: {  	v17 =	vor.u32 s24, v13;
	v13 =	vcombine.low v2, v0;
	v5 =	vld.idx.msk [tilespmem:v5+s3+$0x0], $0xffff  }
0x246: {  	v25 =	vor.u32 v17, v12;
	v38 =	vld [tilespmem:$0x1F9C0]  }
0x247: {  	[tilespmem:v10+s12+$0x0] =	vst.idx.msk $0xffff, v7;
	v39 =	vld [tilespmem:$0x1F9D0];
	v7 =	vor.u32 v13, v22  }
0x248: {  	v40 =	vld [tilespmem:$0x1F9E0]  }
0x249: {  	v24 =	vor.u32 v6, v17;
	[tilespmem:v1+s12+$0x0] =	vst.idx.msk $0xffff, v15;
	v10 =	vld.idx.msk [tilespmem:v21+s3+$0x0], $0xffff;
	v21 =	vor.u32 v17, v14  }
0x24a: {  	v9 =	vor.u32 v13, v8;
	v1 =	vor.u32 v13, v20;
	[tilespmem:$0x1F680] =	vst v13;
	v26 =	vor.u32 v13, v18;
	v13 =	vld [tilespmem:$0x1F9B0]  }
0x24b: {  	v62 =	vld [tilespmem:$0x1FA00];
	[tilespmem:v25+s12+$0x0] =	vst.idx.msk $0xffff, v5  }
0x24c: {  	v23 =	vor.u32 v23, v18;
	v25 =	vld.idx.msk [tilespmem:v7+s3+$0x0], $0xffff  }
0x24d: {  	v7 =	vld [tilespmem:$0x1FEC0]  }
0x24e: {  	[tilespmem:v21+s12+$0x0] =	vst.idx.msk $0xffff, v10;
	v10 =	vld [tilespmem:$0x1FED0]  }
0x24f: {  	v15 =	vld [tilespmem:$0x1FEF0];
	[tilespmem:v24+s12+$0x0] =	vst.idx.msk $0xffff, v19;
	v19 =	vor.u32 s24, v13  }
0x250: {  	v9 =	vld.idx.msk [tilespmem:v9+s3+$0x0], $0xffff;
	v24 =	vor.u32 v6, v19  }
0x251: {  	v23 =	vld.idx.msk [tilespmem:v23+s3+$0x0], $0xffff;
	v17 =	vor.u32 v17, v16  }
0x252: {  	v3 =	vsel vm0, v39, v38;
	v4 =	vsel vm0, v62, v40;
	v1 =	vld.idx.msk [tilespmem:v1+s3+$0x0], $0xffff;
	v28 =	vor.u32 v19, v14  }
0x253: {  	v13 =	vcombine.low v4, v3;
	v7 =	vsel vm0, v7, v10;
	v10 =	vld [tilespmem:$0x1FEE0];
	_ =	sdelay $0x1  }
0x254: {  	v27 =	vor.u32 v19, v12;
	v5 =	vor.u32 v13, v8;
	[tilespmem:v24+s12+$0x0] =	vst.idx.msk $0xffff, v9;
	v9 =	vld [tilespmem:$0x1FA10]  }
0x255: {  	[tilespmem:v17+s12+$0x0] =	vst.idx.msk $0xffff, v23;
	v21 =	vor.u32 v13, v22  }
0x256: {  	v23 =	vor.u32 v13, v20;
	[tilespmem:v28+s12+$0x0] =	vst.idx.msk $0xffff, v1;
	v1 =	vld [tilespmem:$0x1FF00]  }
0x257: {  	v10 =	vsel vm0, v10, v15;
	v15 =	vld [tilespmem:$0x1FF10]  }
0x258: {  	v26 =	vld.idx.msk [tilespmem:v26+s3+$0x0], $0xffff;
	v19 =	vor.u32 v19, v16  }
0x259: {  	v29 =	vor.u32 v13, v18;
	[tilespmem:v27+s12+$0x0] =	vst.idx.msk $0xffff, v25;
	v5 =	vld.idx.msk [tilespmem:v5+s3+$0x0], $0xffff;
	v9 =	vor.u32 s24, v9  }
0x25a: {  	v21 =	vld.idx.msk [tilespmem:v21+s3+$0x0], $0xffff;
	v31 =	vor.u32 v6, v9  }
0x25b: {  	v23 =	vld.idx.msk [tilespmem:v23+s3+$0x0], $0xffff  }
0x25c: {  	[tilespmem:$0x1F690] =	vst v13;
	v24 =	vsel vm0, v1, v15;
	v1 =	vld [tilespmem:$0x1FF20]  }
0x25d: {  	[tilespmem:v19+s12+$0x0] =	vst.idx.msk $0xffff, v26;
	v13 =	vcombine.low v10, v7;
	v27 =	vor.u32 v9, v12;
	v15 =	vld [tilespmem:$0x1FF30]  }
0x25e: {  	v29 =	vld.idx.msk [tilespmem:v29+s3+$0x0], $0xffff;
	v32 =	vor.u32 v9, v14  }
0x25f: {  	v9 =	vor.u32 v9, v16;
	v25 =	vor.u32 v13, v8;
	[tilespmem:v31+s12+$0x0] =	vst.idx.msk $0xffff, v5;
	v5 =	vld [tilespmem:$0x1FA20]  }
0x260: {  	v28 =	vor.u32 v13, v22  }
0x261: {  	[tilespmem:$0x1F6A0] =	vst v13  }
0x262: {  	v26 =	vor.u32 v13, v20;
	[tilespmem:v27+s12+$0x0] =	vst.idx.msk $0xffff, v21;
	v1 =	vsel vm0, v1, v15  }
0x263: {  	v33 =	vor.u32 v13, v18;
	[tilespmem:v32+s12+$0x0] =	vst.idx.msk $0xffff, v23;
	v13 =	vcombine.low v1, v24  }
0x264: {  	[tilespmem:v9+s12+$0x0] =	vst.idx.msk $0xffff, v29;
	v25 =	vld.idx.msk [tilespmem:v25+s3+$0x0], $0xffff;
	v5 =	vor.u32 s24, v5  }
0x265: {  	v28 =	vld.idx.msk [tilespmem:v28+s3+$0x0], $0xffff;
	v31 =	vor.u32 v6, v5;
	v27 =	vor.u32 v13, v8;
	v34 =	vor.u32 v5, v12  }
0x266: {  	v23 =	vor.u32 v13, v22;
	v9 =	vor.u32 v13, v20;
	[tilespmem:$0x1F6B0] =	vst v13;
	v43 =	vor.u32 v13, v18;
	v13 =	vld [tilespmem:$0x1FA30]  }
0x267: {  	v26 =	vld.idx.msk [tilespmem:v26+s3+$0x0], $0xffff;
	v63 =	vor.u32 v5, v14  }
0x268: {  	v29 =	vld.idx.msk [tilespmem:v33+s3+$0x0], $0xffff;
	v5 =	vor.u32 v5, v16;
	_ =	sdelay $0x1  }
0x269: {  	v42 =	vsel vm0, v36, v37;
	v21 =	vsel vm0, v30, v35;
	[tilespmem:v31+s12+$0x0] =	vst.idx.msk $0xffff, v25  }
0x26a: {  	v25 =	vor.u32 s24, v13;
	v13 =	vcombine.low v42, v21;
	[tilespmem:v34+s12+$0x0] =	vst.idx.msk $0xffff, v28  }
0x26b: {  	[tilespmem:v63+s12+$0x0] =	vst.idx.msk $0xffff, v26  }
0x26c: {  	[tilespmem:v5+s12+$0x0] =	vst.idx.msk $0xffff, v29;
	v27 =	vld.idx.msk [tilespmem:v27+s3+$0x0], $0xffff;
	v31 =	vor.u32 v6, v25;
	v28 =	vor.u32 v13, v8  }
0x26d: {  	v26 =	vor.u32 v13, v22;
	v5 =	vor.u32 v13, v20;
	[tilespmem:$0x1F6C0] =	vst v13;
	v48 =	vor.u32 v13, v18;
	v13 =	vld [tilespmem:$0x1FA40]  }
0x26e: {  	v9 =	vld.idx.msk [tilespmem:v9+s3+$0x0], $0xffff;
	v46 =	vor.u32 v25, v14  }
0x26f: {  	v45 =	vor.u32 v25, v12;
	v29 =	vld.idx.msk [tilespmem:v43+s3+$0x0], $0xffff;
	v25 =	vor.u32 v25, v16;
	_ =	sdelay $0x1  }
0x270: {  	v47 =	vsel vm0, v38, v39;
	v44 =	vld.idx.msk [tilespmem:v23+s3+$0x0], $0xffff;
	v23 =	vsel vm0, v40, v62  }
0x271: {  	[tilespmem:v31+s12+$0x0] =	vst.idx.msk $0xffff, v27;
	v27 =	vor.u32 s24, v13;
	v13 =	vcombine.low v47, v23  }
0x272: {  	[tilespmem:v46+s12+$0x0] =	vst.idx.msk $0xffff, v9  }
0x273: {  	[tilespmem:v25+s12+$0x0] =	vst.idx.msk $0xffff, v29;
	v28 =	vld.idx.msk [tilespmem:v28+s3+$0x0], $0xffff;
	v31 =	vor.u32 v6, v27;
	v49 =	vor.u32 v13, v8  }
0x274: {  	v9 =	vor.u32 v13, v22;
	v29 =	vor.u32 v13, v20;
	[tilespmem:$0x1F6D0] =	vst v13;
	v53 =	vor.u32 v13, v18;
	v13 =	vld [tilespmem:$0x1FA50];
	_ =	sdelay $0x3  }
0x275: {  	v15 =	vld [tilespmem:$0x1FF60];
	[tilespmem:v45+s12+$0x0] =	vst.idx.msk $0xffff, v44  }
0x276: {  	[tilespmem:v31+s12+$0x0] =	vst.idx.msk $0xffff, v28;
	v28 =	vor.u32 s24, v13;
	v13 =	vld [tilespmem:$0x1FF50]  }
0x277: {  	v26 =	vld.idx.msk [tilespmem:v26+s3+$0x0], $0xffff;
	v50 =	vor.u32 v27, v12  }
0x278: {  	v5 =	vld.idx.msk [tilespmem:v5+s3+$0x0], $0xffff;
	v51 =	vor.u32 v27, v14;
	_ =	sdelay $0x2  }
0x279: {  	v13 =	vcombine.low v13, v15  }
0x27a: {  	[tilespmem:v50+s12+$0x0] =	vst.idx.msk $0xffff, v26  }
0x27b: {  	[tilespmem:v51+s12+$0x0] =	vst.idx.msk $0xffff, v5;
	v31 =	vld.idx.msk [tilespmem:v49+s3+$0x0], $0xffff;
	v54 =	vor.u32 v6, v28;
	v26 =	vor.u32 v13, v8  }
0x27c: {  	v5 =	vor.u32 v13, v22;
	v57 =	vor.u32 v13, v20;
	[tilespmem:$0x1F6E0] =	vst v13;
	v58 =	vor.u32 v13, v18;
	v13 =	vld [tilespmem:$0x1FA60]  }
0x27d: {  	v52 =	vld.idx.msk [tilespmem:v48+s3+$0x0], $0xffff;
	v27 =	vor.u32 v27, v16;
	_ =	sdelay $0x1  }
0x27e: {  	v9 =	vld.idx.msk [tilespmem:v9+s3+$0x0], $0xffff  }
0x27f: {  	v15 =	vld [tilespmem:$0x1FF90]  }
0x280: {  	v55 =	vor.u32 v28, v12;
	[tilespmem:v54+s12+$0x0] =	vst.idx.msk $0xffff, v31;
	v31 =	vor.u32 s24, v13;
	v13 =	vld [tilespmem:$0x1FF80]  }
0x281: {  	[tilespmem:v27+s12+$0x0] =	vst.idx.msk $0xffff, v52;
	v29 =	vld.idx.msk [tilespmem:v29+s3+$0x0], $0xffff;
	v56 =	vor.u32 v28, v14  }
0x282: {  	v36 =	vld.idx.msk [tilespmem:v53+s3+$0x0], $0xffff;
	v28 =	vor.u32 v28, v16;
	_ =	sdelay $0x2  }
0x283: {  	[tilespmem:v55+s12+$0x0] =	vst.idx.msk $0xffff, v9;
	v13 =	vcombine.low v13, v15  }
0x284: {  	[tilespmem:v56+s12+$0x0] =	vst.idx.msk $0xffff, v29  }
0x285: {  	[tilespmem:v28+s12+$0x0] =	vst.idx.msk $0xffff, v36;
	v26 =	vld.idx.msk [tilespmem:v26+s3+$0x0], $0xffff;
	v59 =	vor.u32 v6, v31;
	v9 =	vor.u32 v13, v8  }
0x286: {  	v29 =	vor.u32 v13, v22;
	v28 =	vor.u32 v13, v20;
	[tilespmem:$0x1F6F0] =	vst v13;
	v62 =	vor.u32 v13, v18;
	v13 =	vld [tilespmem:$0x1FA70];
	_ =	sdelay $0x4  }
0x287: {  	[tilespmem:v59+s12+$0x0] =	vst.idx.msk $0xffff, v26;
	v26 =	vor.u32 s24, v13  }
0x288: {  	v13 =	vcombine.low v0, v2;
	v0 =	vld.idx.msk [tilespmem:v9+s3+$0x0], $0xffff;
	v2 =	vor.u32 v6, v26  }
0x289: {  	v5 =	vld.idx.msk [tilespmem:v5+s3+$0x0], $0xffff;
	v60 =	vor.u32 v31, v12;
	_ =	sdelay $0x2  }
0x28a: {  	v36 =	vld.idx.msk [tilespmem:v58+s3+$0x0], $0xffff;
	v61 =	vor.u32 v31, v14;
	v31 =	vor.u32 v31, v16  }
0x28b: {  	[tilespmem:v2+s12+$0x0] =	vst.idx.msk $0xffff, v0;
	v0 =	vld [tilespmem:$0x1FA80]  }
0x28c: {  	[tilespmem:v60+s12+$0x0] =	vst.idx.msk $0xffff, v5;
	v5 =	vor.u32 v13, v8;
	_ =	sdelay $0x2  }
0x28d: {  	[tilespmem:v31+s12+$0x0] =	vst.idx.msk $0xffff, v36  }
0x28e: {  	v63 =	vor.u32 v13, v22;
	v31 =	vor.u32 v13, v20;
	[tilespmem:$0x1F700] =	vst v13;
	v0 =	vor.u32 s24, v0  }
0x28f: {  	v42 =	vor.u32 v13, v18;
	v13 =	vcombine.low v3, v4;
	v2 =	vld.idx.msk [tilespmem:v5+s3+$0x0], $0xffff;
	v3 =	vor.u32 v6, v0;
	_ =	sdelay $0x1  }
0x290: {  	v35 =	vld.idx.msk [tilespmem:v57+s3+$0x0], $0xffff;
	_ =	sdelay $0x2  }
0x291: {  	[tilespmem:v3+s12+$0x0] =	vst.idx.msk $0xffff, v2;
	v2 =	vld [tilespmem:$0x1FA90]  }
0x292: {  	v9 =	vld.idx.msk [tilespmem:v29+s3+$0x0], $0xffff;
	v29 =	vor.u32 v26, v12;
	v4 =	vor.u32 v13, v8  }
0x293: {  	[tilespmem:v61+s12+$0x0] =	vst.idx.msk $0xffff, v35  }
0x294: {  	v28 =	vld.idx.msk [tilespmem:v28+s3+$0x0], $0xffff;
	v40 =	vor.u32 v26, v14  }
0x295: {  	v41 =	vld.idx.msk [tilespmem:v62+s3+$0x0], $0xffff;
	v26 =	vor.u32 v26, v16  }
0x296: {  	v2 =	vor.u32 s24, v2  }
0x297: {  	[tilespmem:v29+s12+$0x0] =	vst.idx.msk $0xffff, v9;
	v3 =	vld.idx.msk [tilespmem:v4+s3+$0x0], $0xffff;
	v4 =	vor.u32 v6, v2  }
0x298: {  	[tilespmem:$0x1F710] =	vst v13;
	v5 =	vld.idx.msk [tilespmem:v63+s3+$0x0], $0xffff;
	v9 =	vor.u32 v0, v12  }
0x299: {  	v44 =	vor.u32 v13, v18;
	[tilespmem:v40+s12+$0x0] =	vst.idx.msk $0xffff, v28  }
0x29a: {  	v28 =	vor.u32 v13, v22;
	[tilespmem:v26+s12+$0x0] =	vst.idx.msk $0xffff, v41;
	v29 =	vld.idx.msk [tilespmem:v31+s3+$0x0], $0xffff;
	v31 =	vor.u32 v0, v14  }
0x29b: {  	v26 =	vor.u32 v13, v20;
	v13 =	vcombine.low v7, v10;
	v43 =	vld.idx.msk [tilespmem:v42+s3+$0x0], $0xffff;
	v0 =	vor.u32 v0, v16  }
0x29c: {  	[tilespmem:v4+s12+$0x0] =	vst.idx.msk $0xffff, v3;
	v3 =	vld [tilespmem:$0x1FAA0]  }
0x29d: {  	[tilespmem:v9+s12+$0x0] =	vst.idx.msk $0xffff, v5;
	v5 =	vor.u32 v13, v8;
	_ =	sdelay $0x1  }
0x29e: {  	[tilespmem:v31+s12+$0x0] =	vst.idx.msk $0xffff, v29;
	v7 =	vld.idx.msk [tilespmem:v28+s3+$0x0], $0xffff;
	v9 =	vor.u32 v2, v12  }
0x29f: {  	v10 =	vor.u32 v13, v22;
	[tilespmem:v0+s12+$0x0] =	vst.idx.msk $0xffff, v43;
	v26 =	vld.idx.msk [tilespmem:v26+s3+$0x0], $0xffff;
	v28 =	vor.u32 v2, v14  }
0x2a0: {  	[tilespmem:$0x1F720] =	vst v13;
	v0 =	vor.u32 v13, v20;
	v29 =	vld.idx.msk [tilespmem:v44+s3+$0x0], $0xffff;
	v2 =	vor.u32 v2, v16;
	v3 =	vor.u32 s24, v3  }
0x2a1: {  	v31 =	vor.u32 v13, v18;
	v13 =	vcombine.low v24, v1;
	v1 =	vld.idx.msk [tilespmem:v5+s3+$0x0], $0xffff;
	v4 =	vor.u32 v6, v3;
	_ =	sdelay $0x1  }
0x2a2: {  	[tilespmem:v9+s12+$0x0] =	vst.idx.msk $0xffff, v7  }
0x2a3: {  	[tilespmem:v28+s12+$0x0] =	vst.idx.msk $0xffff, v26  }
0x2a4: {  	[tilespmem:v2+s12+$0x0] =	vst.idx.msk $0xffff, v29;
	v7 =	vld.idx.msk [tilespmem:v10+s3+$0x0], $0xffff  }
0x2a5: {  	v2 =	vor.u32 v13, v20;
	v9 =	vor.u32 v3, v12;
	[tilespmem:v4+s12+$0x0] =	vst.idx.msk $0xffff, v1;
	v1 =	vld [tilespmem:$0x1FAB0]  }
0x2a6: {  	[tilespmem:$0x1F730] =	vst v13;
	v28 =	vor.u32 v13, v18;
	v5 =	vor.u32 v13, v8;
	v10 =	vor.u32 v13, v22;
	v13 =	vld [tilespmem:$0x1FE80]  }
0x2a7: {  	v0 =	vld.idx.msk [tilespmem:v0+s3+$0x0], $0xffff;
	v24 =	vor.u32 v3, v14;
	_ =	sdelay $0x1  }
0x2a8: {  	v17 =	vld [tilespmem:$0x1FAD0]  }
0x2a9: {  	v19 =	vld [tilespmem:$0x1FAE0];
	[tilespmem:v9+s12+$0x0] =	vst.idx.msk $0xffff, v7;
	v1 =	vor.u32 s24, v1  }
0x2aa: {  	v15 =	vadd.s32 $0x1F, v13;
	v9 =	vld.idx.msk [tilespmem:v10+s3+$0x0], $0xffff;
	v10 =	vor.u32 v1, v12  }
0x2ab: {  	v32 =	vld [tilespmem:$0x1FE90];
	[tilespmem:v24+s12+$0x0] =	vst.idx.msk $0xffff, v0;
	v0 =	vor.u32 v15, v22  }
0x2ac: {  	v4 =	vld.idx.msk [tilespmem:v5+s3+$0x0], $0xffff;
	v5 =	vor.u32 v6, v1  }
0x2ad: {  	v30 =	vld [tilespmem:$0x1FB40];
	v7 =	vor.u32 v15, v8  }
0x2ae: {  	v26 =	vld.idx.msk [tilespmem:v31+s3+$0x0], $0xffff;
	v3 =	vor.u32 v3, v16  }
0x2af: {  	v21 =	vld [tilespmem:$0x1FAF0];
	[tilespmem:v10+s12+$0x0] =	vst.idx.msk $0xffff, v9  }
0x2b0: {  	v13 =	vadd.s32 $0xF80, v32;
	v10 =	vld.idx.msk [tilespmem:v0+s3+$0x0], $0xffff  }
0x2b1: {  	[tilespmem:v5+s12+$0x0] =	vst.idx.msk $0xffff, v4;
	v4 =	vor.u32 s24, v13;
	v0 =	vld [tilespmem:$0x1FFE0]  }
0x2b2: {  	v23 =	vor.u32 $0x20, v11;
	v5 =	vld.idx.msk [tilespmem:v7+s3+$0x0], $0xffff;
	v7 =	vor.u32 v6, v4  }
0x2b3: {  	[tilespmem:v3+s12+$0x0] =	vst.idx.msk $0xffff, v26;
	v2 =	vld.idx.msk [tilespmem:v2+s3+$0x0], $0xffff;
	v24 =	vor.u32 v1, v14;
	v9 =	vor.u32 v23, v8  }
0x2b4: {  	[tilespmem:$0x1F760] =	vst v23;
	v3 =	vor.u32 v15, v20;
	v26 =	vld.idx.msk [tilespmem:v28+s3+$0x0], $0xffff;
	v1 =	vor.u32 v1, v16  }
0x2b5: {  	v25 =	vld [tilespmem:$0x1FB20];
	[tilespmem:$0x1F740] =	vst v15;
	v28 =	vor.u32 v15, v18  }
0x2b6: {  	[tilespmem:$0x1F750] =	vst v13;
	v15 =	vld [tilespmem:$0x1FAC0];
	v29 =	vor.u32 v4, v12;
	v13 =	vor.u32 $0x1000, v0  }
0x2b7: {  	v27 =	vld [tilespmem:$0x1FB30];
	[tilespmem:v7+s12+$0x0] =	vst.idx.msk $0xffff, v5;
	v5 =	vor.u32 s24, v13  }
0x2b8: {  	[tilespmem:v24+s12+$0x0] =	vst.idx.msk $0xffff, v2;
	v7 =	vld.idx.msk [tilespmem:v9+s3+$0x0], $0xffff;
	v9 =	vor.u32 v6, v5  }
0x2b9: {  	v24 =	vor.u32 v23, v22;
	[tilespmem:v1+s12+$0x0] =	vst.idx.msk $0xffff, v26;
	v3 =	vld.idx.msk [tilespmem:v3+s3+$0x0], $0xffff;
	v31 =	vor.u32 v4, v14  }
0x2ba: {  	v1 =	vor.u32 v23, v20;
	v2 =	vsel vm0, v21, v19;
	v26 =	vld.idx.msk [tilespmem:v28+s3+$0x0], $0xffff;
	v4 =	vor.u32 v4, v16  }
0x2bb: {  	v28 =	vor.u32 v23, v18;
	v23 =	vld [tilespmem:$0x1FB10];
	v0 =	vsel vm0, v17, v15;
	[tilespmem:v29+s12+$0x0] =	vst.idx.msk $0xffff, v10  }
0x2bc: {  	v54 =	vld [tilespmem:$0x1FB70];
	[tilespmem:$0x1F770] =	vst v13;
	v13 =	vcombine.low v2, v0  }
0x2bd: {  	[tilespmem:v9+s12+$0x0] =	vst.idx.msk $0xffff, v7;
	v7 =	vld [tilespmem:$0x1FB00]  }
0x2be: {  	v55 =	vld [tilespmem:$0x1FD10];
	[tilespmem:v31+s12+$0x0] =	vst.idx.msk $0xffff, v3;
	v10 =	vor.u32 v13, v8  }
0x2bf: {  	v56 =	vld [tilespmem:$0x1FD20];
	[tilespmem:v4+s12+$0x0] =	vst.idx.msk $0xffff, v26  }
0x2c0: {  	v3 =	vsel vm0, v25, v23;
	v4 =	vsel vm0, v30, v27;
	v24 =	vld.idx.msk [tilespmem:v24+s3+$0x0], $0xffff;
	v29 =	vor.u32 v5, v12  }
0x2c1: {  	v1 =	vld.idx.msk [tilespmem:v1+s3+$0x0], $0xffff;
	v45 =	vor.u32 v5, v14;
	v31 =	vor.u32 v13, v22;
	v26 =	vor.u32 v13, v20  }
0x2c2: {  	v57 =	vld [tilespmem:$0x1FD30];
	[tilespmem:$0x1F780] =	vst v13;
	v46 =	vor.u32 v13, v18;
	v13 =	vcombine.low v4, v3;
	v7 =	vor.u32 s24, v7  }
0x2c3: {  	v9 =	vld.idx.msk [tilespmem:v10+s3+$0x0], $0xffff;
	v47 =	vor.u32 v6, v7  }
0x2c4: {  	v28 =	vld.idx.msk [tilespmem:v28+s3+$0x0], $0xffff;
	v5 =	vor.u32 v5, v16;
	[tilespmem:$0x1F790] =	vst v13  }
0x2c5: {  	v58 =	vld [tilespmem:$0x1FD40];
	v50 =	vor.u32 v13, v18;
	[tilespmem:v29+s12+$0x0] =	vst.idx.msk $0xffff, v24  }
0x2c6: {  	v24 =	vor.u32 v13, v8;
	[tilespmem:v45+s12+$0x0] =	vst.idx.msk $0xffff, v1;
	v1 =	vor.u32 v13, v22;
	v29 =	vld.idx.msk [tilespmem:v31+s3+$0x0], $0xffff  }
0x2c7: {  	v26 =	vld.idx.msk [tilespmem:v26+s3+$0x0], $0xffff;
	v10 =	vsel vm0, v57, v56;
	v31 =	vor.u32 v7, v12;
	v48 =	vor.u32 v7, v14  }
0x2c8: {  	v49 =	vor.u32 v7, v16;
	v7 =	vsel vm0, v55, v54;
	[tilespmem:v47+s12+$0x0] =	vst.idx.msk $0xffff, v9;
	v9 =	vld [tilespmem:$0x1FB60]  }
0x2c9: {  	v59 =	vld [tilespmem:$0x1FD50];
	[tilespmem:v5+s12+$0x0] =	vst.idx.msk $0xffff, v28;
	v5 =	vor.u32 v13, v20;
	v13 =	vcombine.low v10, v7  }
0x2ca: {  	v60 =	vld [tilespmem:$0x1FD60]  }
0x2cb: {  	v28 =	vld.idx.msk [tilespmem:v46+s3+$0x0], $0xffff;
	[tilespmem:$0x1F7A0] =	vst v13  }
0x2cc: {  	v61 =	vld [tilespmem:$0x1FD70];
	v53 =	vor.u32 v13, v20;
	v45 =	vor.u32 v13, v18;
	[tilespmem:v31+s12+$0x0] =	vst.idx.msk $0xffff, v29  }
0x2cd: {  	v29 =	vor.u32 v13, v8;
	[tilespmem:v48+s12+$0x0] =	vst.idx.msk $0xffff, v26;
	v26 =	vor.u32 v13, v22;
	v13 =	vld [tilespmem:$0x1FB80];
	v9 =	vor.u32 s24, v9  }
0x2ce: {  	v35 =	vld.idx.msk [tilespmem:v24+s3+$0x0], $0xffff;
	v51 =	vor.u32 v6, v9  }
0x2cf: {  	v1 =	vld.idx.msk [tilespmem:v1+s3+$0x0], $0xffff  }
0x2d0: {  	[tilespmem:v49+s12+$0x0] =	vst.idx.msk $0xffff, v28;
	v5 =	vld.idx.msk [tilespmem:v5+s3+$0x0], $0xffff;
	v31 =	vor.u32 v9, v12  }
0x2d1: {  	v28 =	vsel vm0, v61, v60;
	v36 =	vld.idx.msk [tilespmem:v50+s3+$0x0], $0xffff;
	v52 =	vor.u32 v9, v14  }
0x2d2: {  	v24 =	vsel vm0, v59, v58;
	v46 =	vor.u32 s24, v13;
	v13 =	vld [tilespmem:$0x1FB90];
	v9 =	vor.u32 v9, v16  }
0x2d3: {  	v63 =	vcombine.low v28, v24;
	[tilespmem:v51+s12+$0x0] =	vst.idx.msk $0xffff, v35  }
0x2d4: {  	v48 =	vor.u32 v6, v46;
	v41 =	vld.idx.msk [tilespmem:v29+s3+$0x0], $0xffff  }
0x2d5: {  	[tilespmem:v31+s12+$0x0] =	vst.idx.msk $0xffff, v1;
	v1 =	vor.u32 v63, v8  }
0x2d6: {  	v49 =	vor.u32 v46, v12;
	[tilespmem:v52+s12+$0x0] =	vst.idx.msk $0xffff, v5;
	v31 =	vld.idx.msk [tilespmem:v26+s3+$0x0], $0xffff  }
0x2d7: {  	v47 =	vor.u32 v46, v14;
	v44 =	vor.u32 s24, v13;
	v13 =	vld [tilespmem:$0x1FBA0];
	v5 =	vor.u32 v63, v22;
	[tilespmem:v9+s12+$0x0] =	vst.idx.msk $0xffff, v36  }
0x2d8: {  	v9 =	vor.u32 v63, v20;
	v33 =	vld.idx.msk [tilespmem:v53+s3+$0x0], $0xffff;
	v26 =	vsel vm0, v15, v17;
	v29 =	vsel vm0, v19, v21  }
0x2d9: {  	v35 =	vor.u32 v46, v16;
	v36 =	vld.idx.msk [tilespmem:v45+s3+$0x0], $0xffff;
	v62 =	vcombine.low v29, v26;
	[tilespmem:v48+s12+$0x0] =	vst.idx.msk $0xffff, v41  }
0x2da: {  	v38 =	vor.u32 v63, v18;
	v51 =	vor.u32 v6, v44;
	v50 =	vld.idx.msk [tilespmem:v1+s3+$0x0], $0xffff  }
0x2db: {  	v52 =	vor.u32 v62, v8;
	[tilespmem:v49+s12+$0x0] =	vst.idx.msk $0xffff, v31  }
0x2dc: {  	v53 =	vor.u32 v44, v12;
	v5 =	vld.idx.msk [tilespmem:v5+s3+$0x0], $0xffff  }
0x2dd: {  	v45 =	vor.u32 v44, v14;
	[tilespmem:v47+s12+$0x0] =	vst.idx.msk $0xffff, v33;
	v41 =	vor.u32 v44, v16;
	v44 =	vor.u32 s24, v13;
	v13 =	vld [tilespmem:$0x1FBB0]  }
0x2de: {  	[tilespmem:v35+s12+$0x0] =	vst.idx.msk $0xffff, v36;
	v31 =	vsel vm0, v23, v25;
	v9 =	vld.idx.msk [tilespmem:v9+s3+$0x0], $0xffff;
	v1 =	vsel vm0, v27, v30  }
0x2df: {  	v36 =	vld.idx.msk [tilespmem:v38+s3+$0x0], $0xffff;
	v38 =	vcombine.low v1, v31;
	[tilespmem:v51+s12+$0x0] =	vst.idx.msk $0xffff, v50  }
0x2e0: {  	v46 =	vor.u32 v62, v20;
	v51 =	vld.idx.msk [tilespmem:v52+s3+$0x0], $0xffff;
	v52 =	vor.u32 v6, v44  }
0x2e1: {  	[tilespmem:v53+s12+$0x0] =	vst.idx.msk $0xffff, v5;
	v5 =	vor.u32 v38, v8  }
0x2e2: {  	v33 =	vor.u32 v62, v22;
	_ =	sdelay $0x1  }
0x2e3: {  	v47 =	vor.u32 v62, v18;
	[tilespmem:v45+s12+$0x0] =	vst.idx.msk $0xffff, v9  }
0x2e4: {  	v34 =	vld.idx.msk [tilespmem:v46+s3+$0x0], $0xffff;
	v46 =	vsel vm0, v56, v57;
	v57 =	vor.u32 s24, v13;
	[tilespmem:v52+s12+$0x0] =	vst.idx.msk $0xffff, v51  }
0x2e5: {  	v52 =	vor.u32 v6, v57;
	v5 =	vld.idx.msk [tilespmem:v5+s3+$0x0], $0xffff  }
0x2e6: {  	v53 =	vor.u32 v44, v12;
	v33 =	vld.idx.msk [tilespmem:v33+s3+$0x0], $0xffff  }
0x2e7: {  	v9 =	vor.u32 v38, v22;
	[tilespmem:v41+s12+$0x0] =	vst.idx.msk $0xffff, v36  }
0x2e8: {  	v43 =	vor.u32 v44, v16;
	v45 =	vsel vm0, v54, v55;
	v41 =	vld.idx.msk [tilespmem:v47+s3+$0x0], $0xffff  }
0x2e9: {  	v47 =	vor.u32 v38, v18;
	v37 =	vcombine.low v46, v45  }
0x2ea: {  	[tilespmem:v52+s12+$0x0] =	vst.idx.msk $0xffff, v5;
	v5 =	vld [tilespmem:$0x1FBC0]  }
0x2eb: {  	v45 =	vor.u32 v37, v8;
	[tilespmem:v53+s12+$0x0] =	vst.idx.msk $0xffff, v33  }
0x2ec: {  	v53 =	vor.u32 v57, v12;
	v9 =	vld.idx.msk [tilespmem:v9+s3+$0x0], $0xffff  }
0x2ed: {  	[tilespmem:v43+s12+$0x0] =	vst.idx.msk $0xffff, v41  }
0x2ee: {  	v43 =	vld.idx.msk [tilespmem:v47+s3+$0x0], $0xffff;
	v47 =	vsel vm0, v60, v61;
	v60 =	vsel vm0, v58, v59  }
0x2ef: {  	v13 =	vld [tilespmem:$0x1FBD0];
	v39 =	vcombine.low v60, v47;
	v5 =	vor.u32 s24, v5  }
0x2f0: {  	v33 =	vld.idx.msk [tilespmem:v45+s3+$0x0], $0xffff;
	v45 =	vor.u32 v6, v5  }
0x2f1: {  	[tilespmem:v53+s12+$0x0] =	vst.idx.msk $0xffff, v9;
	v9 =	vor.u32 v39, v8;
	_ =	sdelay $0x3  }
0x2f2: {  	v50 =	vor.u32 s24, v13;
	[tilespmem:v45+s12+$0x0] =	vst.idx.msk $0xffff, v33  }
0x2f3: {  	v40 =	vcombine.low v0, v2;
	v2 =	vor.u32 v6, v50;
	v0 =	vld.idx.msk [tilespmem:v9+s3+$0x0], $0xffff;
	_ =	sdelay $0x4  }
0x2f4: {  	[tilespmem:v2+s12+$0x0] =	vst.idx.msk $0xffff, v0;
	v0 =	vld [tilespmem:$0x1FBE0]  }
0x2f5: {  	v9 =	vor.u32 v40, v8;
	_ =	sdelay $0x3  }
0x2f6: {  	v35 =	vor.u32 v44, v14;
	v46 =	vor.u32 v37, v22;
	v0 =	vor.u32 s24, v0  }
0x2f7: {  	v42 =	vcombine.low v3, v4;
	v2 =	vld.idx.msk [tilespmem:v9+s3+$0x0], $0xffff;
	v3 =	vor.u32 v6, v0  }
0x2f8: {  	v36 =	vor.u32 v38, v20;
	_ =	sdelay $0x2  }
0x2f9: {  	[tilespmem:v35+s12+$0x0] =	vst.idx.msk $0xffff, v34;
	v34 =	vld.idx.msk [tilespmem:v46+s3+$0x0], $0xffff;
	v46 =	vor.u32 v5, v12  }
0x2fa: {  	v47 =	vor.u32 v39, v22;
	[tilespmem:v3+s12+$0x0] =	vst.idx.msk $0xffff, v2;
	v2 =	vld [tilespmem:$0x1FBF0]  }
0x2fb: {  	v4 =	vor.u32 v42, v8;
	v35 =	vld.idx.msk [tilespmem:v36+s3+$0x0], $0xffff;
	v36 =	vor.u32 v57, v14  }
0x2fc: {  	v41 =	vor.u32 v37, v20  }
0x2fd: {  	v44 =	vor.u32 v57, v16  }
0x2fe: {  	v61 =	vor.u32 v37, v18;
	[tilespmem:v46+s12+$0x0] =	vst.idx.msk $0xffff, v34  }
0x2ff: {  	v51 =	vor.u32 v50, v12;
	v34 =	vld.idx.msk [tilespmem:v47+s3+$0x0], $0xffff;
	v2 =	vor.u32 s24, v2  }
0x300: {  	[tilespmem:v36+s12+$0x0] =	vst.idx.msk $0xffff, v35;
	v3 =	vld.idx.msk [tilespmem:v4+s3+$0x0], $0xffff;
	v4 =	vor.u32 v6, v2  }
0x301: {  	v57 =	vor.u32 v40, v22;
	v36 =	vld.idx.msk [tilespmem:v41+s3+$0x0], $0xffff;
	v48 =	vor.u32 v5, v14  }
0x302: {  	v49 =	vor.u32 v39, v20;
	[tilespmem:v44+s12+$0x0] =	vst.idx.msk $0xffff, v43  }
0x303: {  	v54 =	vld.idx.msk [tilespmem:v61+s3+$0x0], $0xffff;
	v5 =	vor.u32 v5, v16  }
0x304: {  	v44 =	vcombine.low v7, v10;
	[tilespmem:v51+s12+$0x0] =	vst.idx.msk $0xffff, v34  }
0x305: {  	[tilespmem:v4+s12+$0x0] =	vst.idx.msk $0xffff, v3;
	v3 =	vld [tilespmem:$0x1FC00]  }
0x306: {  	v7 =	vor.u32 v44, v8;
	[tilespmem:v48+s12+$0x0] =	vst.idx.msk $0xffff, v36;
	v9 =	vld.idx.msk [tilespmem:v57+s3+$0x0], $0xffff;
	v60 =	vor.u32 v0, v12  }
0x307: {  	v58 =	vor.u32 v50, v14;
	v61 =	vor.u32 v42, v22;
	v41 =	vld.idx.msk [tilespmem:v49+s3+$0x0], $0xffff  }
0x308: {  	[tilespmem:v5+s12+$0x0] =	vst.idx.msk $0xffff, v54;
	v5 =	vor.u32 v40, v20  }
0x309: {  	v55 =	vor.u32 v39, v18  }
0x30a: {  	v3 =	vor.u32 s24, v3  }
0x30b: {  	[tilespmem:v60+s12+$0x0] =	vst.idx.msk $0xffff, v9;
	v4 =	vld.idx.msk [tilespmem:v7+s3+$0x0], $0xffff;
	v7 =	vor.u32 v6, v3  }
0x30c: {  	[tilespmem:v58+s12+$0x0] =	vst.idx.msk $0xffff, v41;
	v9 =	vld.idx.msk [tilespmem:v61+s3+$0x0], $0xffff;
	v10 =	vor.u32 v2, v12  }
0x30d: {  	v5 =	vld.idx.msk [tilespmem:v5+s3+$0x0], $0xffff;
	v48 =	vor.u32 v0, v14  }
0x30e: {  	v33 =	vor.u32 v50, v16;
	v54 =	vld.idx.msk [tilespmem:v55+s3+$0x0], $0xffff  }
0x30f: {  	v59 =	vor.u32 v40, v18;
	v45 =	vcombine.low v24, v28  }
0x310: {  	[tilespmem:v7+s12+$0x0] =	vst.idx.msk $0xffff, v4;
	v4 =	vld [tilespmem:$0x1FC10]  }
0x311: {  	[tilespmem:v10+s12+$0x0] =	vst.idx.msk $0xffff, v9;
	v9 =	vor.u32 v45, v8  }
0x312: {  	[tilespmem:v48+s12+$0x0] =	vst.idx.msk $0xffff, v5;
	v5 =	vor.u32 v44, v22  }
0x313: {  	v49 =	vor.u32 v42, v20;
	[tilespmem:v33+s12+$0x0] =	vst.idx.msk $0xffff, v54  }
0x314: {  	v50 =	vld.idx.msk [tilespmem:v59+s3+$0x0], $0xffff;
	v0 =	vor.u32 v0, v16  }
0x315: {  	v51 =	vor.u32 v42, v18;
	v4 =	vor.u32 s24, v4  }
0x316: {  	v7 =	vld.idx.msk [tilespmem:v9+s3+$0x0], $0xffff;
	v9 =	vor.u32 v6, v4  }
0x317: {  	v5 =	vld.idx.msk [tilespmem:v5+s3+$0x0], $0xffff;
	v10 =	vor.u32 v3, v12  }
0x318: {  	v33 =	vld.idx.msk [tilespmem:v49+s3+$0x0], $0xffff;
	v52 =	vor.u32 v2, v14  }
0x319: {  	[tilespmem:v0+s12+$0x0] =	vst.idx.msk $0xffff, v50;
	v0 =	vor.u32 v44, v20  }
0x31a: {  	v46 =	vcombine.low v26, v29;
	v53 =	vld.idx.msk [tilespmem:v51+s3+$0x0], $0xffff;
	v2 =	vor.u32 v2, v16  }
0x31b: {  	v54 =	vor.u32 v44, v18;
	[tilespmem:v9+s12+$0x0] =	vst.idx.msk $0xffff, v7;
	v7 =	vld [tilespmem:$0x1FC20]  }
0x31c: {  	[tilespmem:v10+s12+$0x0] =	vst.idx.msk $0xffff, v5;
	v5 =	vor.u32 v46, v8  }
0x31d: {  	v24 =	vor.u32 v45, v22;
	[tilespmem:v52+s12+$0x0] =	vst.idx.msk $0xffff, v33  }
0x31e: {  	v0 =	vld.idx.msk [tilespmem:v0+s3+$0x0], $0xffff;
	v28 =	vor.u32 v3, v14  }
0x31f: {  	[tilespmem:v2+s12+$0x0] =	vst.idx.msk $0xffff, v53  }
0x320: {  	v2 =	vor.u32 v45, v20;
	v55 =	vld.idx.msk [tilespmem:v54+s3+$0x0], $0xffff;
	v3 =	vor.u32 v3, v16;
	v7 =	vor.u32 s24, v7  }
0x321: {  	v47 =	vcombine.low v31, v1;
	v1 =	vld.idx.msk [tilespmem:v5+s3+$0x0], $0xffff;
	v5 =	vor.u32 v6, v7  }
0x322: {  	v10 =	vld.idx.msk [tilespmem:v24+s3+$0x0], $0xffff;
	v24 =	vor.u32 v4, v12  }
0x323: {  	v15 =	vld [tilespmem:$0x1FD80];
	[tilespmem:v28+s12+$0x0] =	vst.idx.msk $0xffff, v0;
	v0 =	vor.u32 v46, v22  }
0x324: {  	v17 =	vld [tilespmem:$0x1FD90]  }
0x325: {  	v56 =	vor.u32 v45, v18;
	[tilespmem:v3+s12+$0x0] =	vst.idx.msk $0xffff, v55;
	v2 =	vld.idx.msk [tilespmem:v2+s3+$0x0], $0xffff;
	v26 =	vor.u32 v4, v14  }
0x326: {  	v3 =	vor.u32 v46, v20;
	[tilespmem:v5+s12+$0x0] =	vst.idx.msk $0xffff, v1;
	v1 =	vld [tilespmem:$0x1FC30]  }
0x327: {  	v13 =	vld [tilespmem:$0x1FE80];
	[tilespmem:v24+s12+$0x0] =	vst.idx.msk $0xffff, v10;
	v9 =	vor.u32 v47, v8  }
0x328: {  	v0 =	vld.idx.msk [tilespmem:v0+s3+$0x0], $0xffff;
	v10 =	vor.u32 v7, v12  }
0x329: {  	v19 =	vld [tilespmem:$0x1FDA0]  }
0x32a: {  	v28 =	vld.idx.msk [tilespmem:v56+s3+$0x0], $0xffff;
	v4 =	vor.u32 v4, v16;
	[tilespmem:v26+s12+$0x0] =	vst.idx.msk $0xffff, v2;
	v2 =	vor.u32 v47, v22  }
0x32b: {  	v3 =	vld.idx.msk [tilespmem:v3+s3+$0x0], $0xffff;
	v24 =	vor.u32 v7, v14;
	v1 =	vor.u32 s24, v1  }
0x32c: {  	v29 =	vor.u32 v46, v18;
	v58 =	vadd.s32 $0x2F, v13;
	v5 =	vld.idx.msk [tilespmem:v9+s3+$0x0], $0xffff;
	v9 =	vor.u32 v6, v1  }
0x32d: {  	v21 =	vld [tilespmem:$0x1FDB0];
	[tilespmem:v10+s12+$0x0] =	vst.idx.msk $0xffff, v0;
	v0 =	vor.u32 v58, v8  }
0x32e: {  	v23 =	vld [tilespmem:$0x1FDC0]  }
0x32f: {  	[tilespmem:v4+s12+$0x0] =	vst.idx.msk $0xffff, v28;
	v4 =	vor.u32 v47, v20;
	v2 =	vld.idx.msk [tilespmem:v2+s3+$0x0], $0xffff;
	v10 =	vor.u32 v1, v12  }
0x330: {  	v25 =	vld [tilespmem:$0x1FDD0];
	v13 =	vadd.s32 $0x1780, v32;
	[tilespmem:v24+s12+$0x0] =	vst.idx.msk $0xffff, v3  }
0x331: {  	v26 =	vld.idx.msk [tilespmem:v29+s3+$0x0], $0xffff;
	v7 =	vor.u32 v7, v16;
	v3 =	vor.u32 v58, v22;
	[tilespmem:v9+s12+$0x0] =	vst.idx.msk $0xffff, v5  }
0x332: {  	v28 =	vor.u32 v47, v18;
	v5 =	vor.u32 s24, v13;
	v9 =	vld.idx.msk [tilespmem:v0+s3+$0x0], $0xffff  }
0x333: {  	v60 =	vor.u32 $0x30, v11;
	v29 =	vor.u32 v6, v5;
	v0 =	vld [tilespmem:$0x1FFE0]  }
0x334: {  	v4 =	vld.idx.msk [tilespmem:v4+s3+$0x0], $0xffff;
	v24 =	vor.u32 v1, v14;
	[tilespmem:v10+s12+$0x0] =	vst.idx.msk $0xffff, v2;
	v10 =	vor.u32 v60, v8  }
0x335: {  	v27 =	vld [tilespmem:$0x1FDE0]  }
0x336: {  	[tilespmem:v7+s12+$0x0] =	vst.idx.msk $0xffff, v26;
	v3 =	vld.idx.msk [tilespmem:v3+s3+$0x0], $0xffff;
	v31 =	vor.u32 v5, v12  }
0x337: {  	v7 =	vor.u32 v58, v20;
	v26 =	vld.idx.msk [tilespmem:v28+s3+$0x0], $0xffff;
	v28 =	vor.u32 v58, v18;
	v1 =	vor.u32 v1, v16  }
0x338: {  	v32 =	vld [tilespmem:$0x1FDF0];
	v2 =	vsel vm0, v21, v19;
	v11 =	vor.u32 $0x1800, v0;
	v0 =	vsel vm0, v17, v15;
	[tilespmem:v29+s12+$0x0] =	vst.idx.msk $0xffff, v9  }
0x339: {  	[tilespmem:v24+s12+$0x0] =	vst.idx.msk $0xffff, v4;
	v9 =	vor.u32 s24, v11;
	v49 =	vcombine.low v2, v0;
	v29 =	vld.idx.msk [tilespmem:v10+s3+$0x0], $0xffff  }
0x33a: {  	[tilespmem:$0x1F7C0] =	vst v11;
	v11 =	vld [tilespmem:$0x1FC40];
	v57 =	vor.u32 v6, v9  }
0x33b: {  	v48 =	vld [tilespmem:$0x1FE00];
	[tilespmem:v31+s12+$0x0] =	vst.idx.msk $0xffff, v3;
	v3 =	vor.u32 v49, v8  }
0x33c: {  	v4 =	vor.u32 v60, v22;
	[tilespmem:v1+s12+$0x0] =	vst.idx.msk $0xffff, v26;
	v7 =	vld.idx.msk [tilespmem:v7+s3+$0x0], $0xffff;
	v24 =	vor.u32 v5, v14  }
0x33d: {  	v26 =	vld.idx.msk [tilespmem:v28+s3+$0x0], $0xffff;
	v5 =	vor.u32 v5, v16  }
0x33e: {  	v51 =	vld [tilespmem:$0x1FE10];
	v1 =	vor.u32 v60, v20  }
0x33f: {  	v52 =	vld [tilespmem:$0x1FE20];
	v28 =	vor.u32 v60, v18;
	[tilespmem:v57+s12+$0x0] =	vst.idx.msk $0xffff, v29;
	v29 =	vor.u32 s24, v11  }
0x340: {  	v3 =	vld.idx.msk [tilespmem:v3+s3+$0x0], $0xffff;
	v61 =	vor.u32 v6, v29  }
0x341: {  	[tilespmem:v24+s12+$0x0] =	vst.idx.msk $0xffff, v7;
	v31 =	vld.idx.msk [tilespmem:v4+s3+$0x0], $0xffff;
	v59 =	vor.u32 v9, v12  }
0x342: {  	v53 =	vld [tilespmem:$0x1FE30];
	[tilespmem:v5+s12+$0x0] =	vst.idx.msk $0xffff, v26;
	v7 =	vor.u32 v49, v22  }
0x343: {  	v1 =	vld.idx.msk [tilespmem:v1+s3+$0x0], $0xffff;
	v4 =	vsel vm0, v25, v23;
	v10 =	vsel vm0, v32, v27;
	v24 =	vor.u32 v9, v14  }
0x344: {  	v26 =	vld.idx.msk [tilespmem:v28+s3+$0x0], $0xffff;
	v9 =	vor.u32 v9, v16;
	v50 =	vcombine.low v10, v4;
	v5 =	vor.u32 v49, v20  }
0x345: {  	v28 =	vor.u32 v49, v18;
	[tilespmem:v61+s12+$0x0] =	vst.idx.msk $0xffff, v3;
	v3 =	vld [tilespmem:$0x1FC50]  }
0x346: {  	[tilespmem:v59+s12+$0x0] =	vst.idx.msk $0xffff, v31;
	v31 =	vor.u32 v50, v8  }
0x347: {  	[tilespmem:$0x1F7B0] =	vst v13;
	v7 =	vld.idx.msk [tilespmem:v7+s3+$0x0], $0xffff;
	v56 =	vor.u32 v29, v12  }
0x348: {  	v13 =	vld [tilespmem:$0x1FC60];
	[tilespmem:v24+s12+$0x0] =	vst.idx.msk $0xffff, v1  }
0x349: {  	v36 =	vsel vm0, v53, v52;
	[tilespmem:v9+s12+$0x0] =	vst.idx.msk $0xffff, v26;
	v24 =	vsel vm0, v51, v48;
	v5 =	vld.idx.msk [tilespmem:v5+s3+$0x0], $0xffff  }
0x34a: {  	v57 =	vor.u32 v29, v14;
	v26 =	vld.idx.msk [tilespmem:v28+s3+$0x0], $0xffff;
	v28 =	vcombine.low v36, v24;
	v3 =	vor.u32 s24, v3  }
0x34b: {  	v1 =	vor.u32 v50, v22;
	v31 =	vld.idx.msk [tilespmem:v31+s3+$0x0], $0xffff;
	v33 =	vor.u32 v6, v3  }
0x34c: {  	v54 =	vld [tilespmem:$0x1FE40];
	[tilespmem:v56+s12+$0x0] =	vst.idx.msk $0xffff, v7;
	v7 =	vor.u32 v28, v8  }
0x34d: {  	v55 =	vld [tilespmem:$0x1FE50];
	v9 =	vor.u32 v50, v20  }
0x34e: {  	v56 =	vld [tilespmem:$0x1FE60]  }
0x34f: {  	v29 =	vor.u32 v29, v16;
	[tilespmem:v57+s12+$0x0] =	vst.idx.msk $0xffff, v5;
	v57 =	vld [tilespmem:$0x1FE70]  }
0x350: {  	v1 =	vld.idx.msk [tilespmem:v1+s3+$0x0], $0xffff;
	v34 =	vor.u32 v3, v12;
	[tilespmem:v33+s12+$0x0] =	vst.idx.msk $0xffff, v31;
	v31 =	vor.u32 s24, v13  }
0x351: {  	v7 =	vld.idx.msk [tilespmem:v7+s3+$0x0], $0xffff;
	v33 =	vor.u32 v6, v31  }
0x352: {  	v5 =	vor.u32 v28, v22;
	v9 =	vld.idx.msk [tilespmem:v9+s3+$0x0], $0xffff;
	v35 =	vor.u32 v3, v14  }
0x353: {  	v59 =	vor.u32 v50, v18  }
0x354: {  	[tilespmem:v29+s12+$0x0] =	vst.idx.msk $0xffff, v26;
	v26 =	vsel vm0, v55, v54;
	v41 =	vsel vm0, v57, v56  }
0x355: {  	v29 =	vcombine.low v41, v26;
	[tilespmem:v34+s12+$0x0] =	vst.idx.msk $0xffff, v1  }
0x356: {  	[tilespmem:v33+s12+$0x0] =	vst.idx.msk $0xffff, v7;
	v7 =	vld [tilespmem:$0x1FC70]  }
0x357: {  	[tilespmem:v35+s12+$0x0] =	vst.idx.msk $0xffff, v9;
	v9 =	vor.u32 v29, v8;
	v5 =	vld.idx.msk [tilespmem:v5+s3+$0x0], $0xffff;
	v34 =	vor.u32 v31, v12  }
0x358: {  	v43 =	vor.u32 v28, v20;
	v11 =	vld.idx.msk [tilespmem:v59+s3+$0x0], $0xffff;
	v3 =	vor.u32 v3, v16;
	_ =	sdelay $0x2  }
0x359: {  	v7 =	vor.u32 s24, v7  }
0x35a: {  	[tilespmem:v34+s12+$0x0] =	vst.idx.msk $0xffff, v5;
	v34 =	vld.idx.msk [tilespmem:v9+s3+$0x0], $0xffff;
	v13 =	vor.u32 v6, v7  }
0x35b: {  	[tilespmem:v3+s12+$0x0] =	vst.idx.msk $0xffff, v11;
	v3 =	vor.u32 v29, v22;
	v11 =	vld.idx.msk [tilespmem:v43+s3+$0x0], $0xffff;
	v35 =	vor.u32 v31, v14;
	_ =	sdelay $0x1  }
0x35c: {  	v1 =	vsel vm0, v19, v21;
	v43 =	vsel vm0, v15, v17  }
0x35d: {  	v61 =	vor.u32 v28, v18;
	v33 =	vcombine.low v1, v43  }
0x35e: {  	[tilespmem:v13+s12+$0x0] =	vst.idx.msk $0xffff, v34;
	v13 =	vld [tilespmem:$0x1FC80]  }
0x35f: {  	[tilespmem:v35+s12+$0x0] =	vst.idx.msk $0xffff, v11;
	v3 =	vld.idx.msk [tilespmem:v3+s3+$0x0], $0xffff;
	v11 =	vor.u32 v33, v8;
	v35 =	vor.u32 v7, v12;
	_ =	sdelay $0x2  }
0x360: {  	v59 =	vld.idx.msk [tilespmem:v61+s3+$0x0], $0xffff;
	v31 =	vor.u32 v31, v16;
	v61 =	vor.u32 v29, v20  }
0x361: {  	v30 =	vor.u32 v29, v18;
	v13 =	vor.u32 s24, v13  }
0x362: {  	[tilespmem:v35+s12+$0x0] =	vst.idx.msk $0xffff, v3;
	v3 =	vld.idx.msk [tilespmem:v11+s3+$0x0], $0xffff;
	v11 =	vor.u32 v6, v13;
	_ =	sdelay $0x2  }
0x363: {  	[tilespmem:v31+s12+$0x0] =	vst.idx.msk $0xffff, v59;
	v5 =	vsel vm0, v23, v25;
	v31 =	vld.idx.msk [tilespmem:v61+s3+$0x0], $0xffff;
	v9 =	vsel vm0, v27, v32  }
0x364: {  	v30 =	vld.idx.msk [tilespmem:v30+s3+$0x0], $0xffff;
	v59 =	vor.u32 v33, v22;
	v61 =	vor.u32 v7, v14;
	v34 =	vcombine.low v9, v5  }
0x365: {  	v15 =	vor.u32 v33, v20;
	v7 =	vor.u32 v7, v16;
	[tilespmem:v11+s12+$0x0] =	vst.idx.msk $0xffff, v3;
	v11 =	vld [tilespmem:$0x1FC90]  }
0x366: {  	v35 =	vor.u32 v34, v8;
	_ =	sdelay $0x1  }
0x367: {  	v19 =	vsel vm0, v48, v51;
	v17 =	vor.u32 v33, v18  }
0x368: {  	v21 =	vsel vm0, v52, v53;
	[tilespmem:v61+s12+$0x0] =	vst.idx.msk $0xffff, v31;
	v31 =	vld.idx.msk [tilespmem:v59+s3+$0x0], $0xffff;
	v59 =	vor.u32 v13, v12  }
0x369: {  	[tilespmem:v7+s12+$0x0] =	vst.idx.msk $0xffff, v30;
	v7 =	vld.idx.msk [tilespmem:v15+s3+$0x0], $0xffff;
	v15 =	vor.u32 v34, v22;
	v11 =	vor.u32 s24, v11  }
0x36a: {  	v3 =	vcombine.low v21, v19;
	v19 =	vld.idx.msk [tilespmem:v35+s3+$0x0], $0xffff;
	v21 =	vor.u32 v6, v11  }
0x36b: {  	v30 =	vor.u32 v13, v14  }
0x36c: {  	v17 =	vld.idx.msk [tilespmem:v17+s3+$0x0], $0xffff;
	v61 =	vor.u32 v34, v20;
	v13 =	vor.u32 v13, v16  }
0x36d: {  	[tilespmem:v59+s12+$0x0] =	vst.idx.msk $0xffff, v31  }
0x36e: {  	v15 =	vld.idx.msk [tilespmem:v15+s3+$0x0], $0xffff  }
0x36f: {  	v31 =	vor.u32 v11, v12;
	[tilespmem:v21+s12+$0x0] =	vst.idx.msk $0xffff, v19;
	v19 =	vld [tilespmem:$0x1FCA0]  }
0x370: {  	[tilespmem:v30+s12+$0x0] =	vst.idx.msk $0xffff, v7;
	v30 =	vor.u32 v3, v8  }
0x371: {  	[tilespmem:v13+s12+$0x0] =	vst.idx.msk $0xffff, v17;
	v13 =	vld.idx.msk [tilespmem:v61+s3+$0x0], $0xffff;
	v17 =	vor.u32 v3, v22;
	v48 =	vor.u32 v11, v14;
	_ =	sdelay $0x1  }
0x372: {  	v52 =	vsel vm0, v54, v55;
	v23 =	vor.u32 v34, v18;
	v7 =	vsel vm0, v56, v57  }
0x373: {  	v7 =	vcombine.low v52, v7;
	[tilespmem:v31+s12+$0x0] =	vst.idx.msk $0xffff, v15;
	v31 =	vcombine.low v0, v2;
	v0 =	vld [tilespmem:$0x1FCB0];
	v19 =	vor.u32 s24, v19  }
0x374: {  	v15 =	vld.idx.msk [tilespmem:v30+s3+$0x0], $0xffff;
	v21 =	vor.u32 v6, v19  }
0x375: {  	[tilespmem:v48+s12+$0x0] =	vst.idx.msk $0xffff, v13;
	v13 =	vld.idx.msk [tilespmem:v17+s3+$0x0], $0xffff;
	v17 =	vor.u32 v7, v8;
	v30 =	vor.u32 v19, v12;
	_ =	sdelay $0x2  }
0x376: {  	v23 =	vld.idx.msk [tilespmem:v23+s3+$0x0], $0xffff  }
0x377: {  	v51 =	vor.u32 v3, v20;
	v11 =	vor.u32 v11, v16;
	v0 =	vor.u32 s24, v0;
	[tilespmem:v21+s12+$0x0] =	vst.idx.msk $0xffff, v15  }
0x378: {  	[tilespmem:v30+s12+$0x0] =	vst.idx.msk $0xffff, v13;
	v13 =	vor.u32 v6, v0;
	v2 =	vld.idx.msk [tilespmem:v17+s3+$0x0], $0xffff;
	_ =	sdelay $0x3  }
0x379: {  	v25 =	vor.u32 v3, v18;
	[tilespmem:v11+s12+$0x0] =	vst.idx.msk $0xffff, v23;
	v11 =	vld.idx.msk [tilespmem:v51+s3+$0x0], $0xffff  }
0x37a: {  	v23 =	vor.u32 v7, v22;
	v53 =	vor.u32 v19, v14;
	[tilespmem:v13+s12+$0x0] =	vst.idx.msk $0xffff, v2;
	v2 =	vld [tilespmem:$0x1FCC0]  }
0x37b: {  	v15 =	vor.u32 v31, v8;
	_ =	sdelay $0x2  }
0x37c: {  	v54 =	vor.u32 v7, v20;
	v61 =	vor.u32 v7, v18;
	v25 =	vld.idx.msk [tilespmem:v25+s3+$0x0], $0xffff;
	v19 =	vor.u32 v19, v16  }
0x37d: {  	[tilespmem:v53+s12+$0x0] =	vst.idx.msk $0xffff, v11;
	v11 =	vld.idx.msk [tilespmem:v23+s3+$0x0], $0xffff;
	v17 =	vor.u32 v0, v12;
	v2 =	vor.u32 s24, v2  }
0x37e: {  	v35 =	vcombine.low v4, v10;
	v4 =	vld.idx.msk [tilespmem:v15+s3+$0x0], $0xffff;
	v10 =	vor.u32 v6, v2  }
0x37f: {  	v21 =	vor.u32 v31, v22;
	_ =	sdelay $0x1  }
0x380: {  	[tilespmem:v19+s12+$0x0] =	vst.idx.msk $0xffff, v25;
	v19 =	vld.idx.msk [tilespmem:v54+s3+$0x0], $0xffff;
	v23 =	vor.u32 v0, v14  }
0x381: {  	v30 =	vor.u32 v31, v20;
	v25 =	vld.idx.msk [tilespmem:v61+s3+$0x0], $0xffff;
	v0 =	vor.u32 v0, v16;
	[tilespmem:v17+s12+$0x0] =	vst.idx.msk $0xffff, v11  }
0x382: {  	v55 =	vor.u32 v31, v18;
	[tilespmem:v10+s12+$0x0] =	vst.idx.msk $0xffff, v4;
	v4 =	vld [tilespmem:$0x1FCD0]  }
0x383: {  	v13 =	vor.u32 v35, v8;
	v11 =	vld.idx.msk [tilespmem:v21+s3+$0x0], $0xffff;
	v15 =	vor.u32 v2, v12;
	_ =	sdelay $0x1  }
0x384: {  	[tilespmem:v23+s12+$0x0] =	vst.idx.msk $0xffff, v19  }
0x385: {  	[tilespmem:v0+s12+$0x0] =	vst.idx.msk $0xffff, v25;
	v17 =	vor.u32 v35, v22;
	v0 =	vld.idx.msk [tilespmem:v30+s3+$0x0], $0xffff;
	v19 =	vor.u32 v2, v14  }
0x386: {  	v23 =	vor.u32 v35, v20;
	v21 =	vld.idx.msk [tilespmem:v55+s3+$0x0], $0xffff;
	v2 =	vor.u32 v2, v16;
	v4 =	vor.u32 s24, v4  }
0x387: {  	[tilespmem:v15+s12+$0x0] =	vst.idx.msk $0xffff, v11;
	v10 =	vld.idx.msk [tilespmem:v13+s3+$0x0], $0xffff;
	v11 =	vor.u32 v6, v4;
	_ =	sdelay $0x1  }
0x388: {  	v25 =	vor.u32 v35, v18  }
0x389: {  	v36 =	vcombine.low v24, v36;
	[tilespmem:v19+s12+$0x0] =	vst.idx.msk $0xffff, v0;
	v13 =	vld.idx.msk [tilespmem:v17+s3+$0x0], $0xffff  }
0x38a: {  	[tilespmem:v2+s12+$0x0] =	vst.idx.msk $0xffff, v21;
	v2 =	vld.idx.msk [tilespmem:v23+s3+$0x0], $0xffff;
	v21 =	vor.u32 v4, v14  }
0x38b: {  	v15 =	vor.u32 v36, v8;
	v17 =	vor.u32 v4, v12;
	[tilespmem:v11+s12+$0x0] =	vst.idx.msk $0xffff, v10;
	v10 =	vld [tilespmem:$0x1FCE0]  }
0x38c: {  	v19 =	vor.u32 v36, v22  }
0x38d: {  	v24 =	vor.u32 v36, v20;
	v23 =	vld.idx.msk [tilespmem:v25+s3+$0x0], $0xffff;
	v4 =	vor.u32 v4, v16;
	_ =	sdelay $0x1  }
0x38e: {  	v25 =	vor.u32 v36, v18;
	[tilespmem:v21+s12+$0x0] =	vst.idx.msk $0xffff, v2;
	v2 =	vcombine.low v43, v1;
	v1 =	vld [tilespmem:$0x1FCF0]  }
0x38f: {  	[tilespmem:v17+s12+$0x0] =	vst.idx.msk $0xffff, v13;
	v11 =	vld.idx.msk [tilespmem:v15+s3+$0x0], $0xffff;
	v10 =	vor.u32 s24, v10  }
0x390: {  	v0 =	vcombine.low v26, v41;
	v15 =	vld.idx.msk [tilespmem:v19+s3+$0x0], $0xffff;
	v19 =	vor.u32 v10, v12  }
0x391: {  	[tilespmem:v4+s12+$0x0] =	vst.idx.msk $0xffff, v23;
	v4 =	vld.idx.msk [tilespmem:v24+s3+$0x0], $0xffff;
	v23 =	vor.u32 v10, v14  }
0x392: {  	v21 =	vor.u32 v0, v22;
	v13 =	vor.u32 v6, v10  }
0x393: {  	v24 =	vld.idx.msk [tilespmem:v25+s3+$0x0], $0xffff;
	v25 =	vor.u32 v0, v20;
	v10 =	vor.u32 v10, v16  }
0x394: {  	v17 =	vor.u32 v0, v8  }
0x395: {  	v27 =	vld [tilespmem:$0x1FFF0];
	v26 =	vor.u32 v0, v18;
	[tilespmem:v19+s12+$0x0] =	vst.idx.msk $0xffff, v15  }
0x396: {  	v1 =	vor.u32 s24, v1;
	[tilespmem:v23+s12+$0x0] =	vst.idx.msk $0xffff, v4;
	v4 =	vcombine.low v5, v9;
	v5 =	vld [tilespmem:$0x1FD00]  }
0x397: {  	[tilespmem:v13+s12+$0x0] =	vst.idx.msk $0xffff, v11;
	v19 =	vor.u32 v1, v12;
	v15 =	vld.idx.msk [tilespmem:v21+s3+$0x0], $0xffff  }
0x398: {  	[tilespmem:v10+s12+$0x0] =	vst.idx.msk $0xffff, v24;
	v23 =	vor.u32 v1, v14;
	v10 =	vld.idx.msk [tilespmem:v25+s3+$0x0], $0xffff;
	v21 =	vor.u32 v2, v22  }
0x399: {  	v13 =	vor.u32 v6, v1;
	v11 =	vld.idx.msk [tilespmem:v17+s3+$0x0], $0xffff  }
0x39a: {  	v1 =	vor.u32 v1, v16;
	v17 =	vor.u32 v2, v8;
	v24 =	vld.idx.msk [tilespmem:v26+s3+$0x0], $0xffff  }
0x39b: {  	v59 =	vld [tilespmem:$0x1FB50];
	v26 =	vor.u32 v2, v18  }
0x39c: {  	v61 =	vld [tilespmem:$0x1F8A0];
	v5 =	vor.u32 s24, v5;
	[tilespmem:v19+s12+$0x0] =	vst.idx.msk $0xffff, v15  }
0x39d: {  	[tilespmem:v23+s12+$0x0] =	vst.idx.msk $0xffff, v10;
	v15 =	vor.u32 v5, v12;
	v10 =	vld.idx.msk [tilespmem:v21+s3+$0x0], $0xffff  }
0x39e: {  	v30 =	vld [tilespmem:$0x1FFC0];
	v25 =	vor.u32 v2, v20;
	[tilespmem:v13+s12+$0x0] =	vst.idx.msk $0xffff, v11  }
0x39f: {  	[tilespmem:v1+s12+$0x0] =	vst.idx.msk $0xffff, v24;
	v9 =	vld.idx.msk [tilespmem:v17+s3+$0x0], $0xffff  }
0x3a0: {  	v11 =	vor.u32 v6, v5;
	v21 =	vld.idx.msk [tilespmem:v26+s3+$0x0], $0xffff  }
0x3a1: {  	v13 =	vor.u32 v4, v8;
	v26 =	vld [tilespmem:$0x1FFD0]  }
0x3a2: {  	v17 =	vor.u32 v4, v22;
	[tilespmem:v15+s12+$0x0] =	vst.idx.msk $0xffff, v10;
	v10 =	vld [tilespmem:$0x1FE80]  }
0x3a3: {  	v19 =	vor.u32 v5, v14;
	v1 =	vld.idx.msk [tilespmem:v25+s3+$0x0], $0xffff  }
0x3a4: {  	v41 =	vld [tilespmem:$0x1FFB0];
	v5 =	vor.u32 v5, v16;
	v23 =	vor.u32 v4, v20  }
0x3a5: {  	v43 =	vld [tilespmem:$0x1F9F0];
	[tilespmem:v11+s12+$0x0] =	vst.idx.msk $0xffff, v9  }
0x3a6: {  	v24 =	vor.u32 v4, v18;
	v9 =	vor.u32 s24, v26;
	v11 =	vld.idx.msk [tilespmem:v13+s3+$0x0], $0xffff  }
0x3a7: {  	v15 =	vld.idx.msk [tilespmem:v17+s3+$0x0], $0xffff;
	v17 =	vor.u32 v9, v12;
	v10 =	vadd.s32 $0x3F, v10  }
0x3a8: {  	[tilespmem:v19+s12+$0x0] =	vst.idx.msk $0xffff, v1;
	v13 =	vor.u32 v6, v9;
	v1 =	vor.u32 v10, v8;
	v8 =	vld [tilespmem:$0x1FE90]  }
0x3a9: {  	[tilespmem:v5+s12+$0x0] =	vst.idx.msk $0xffff, v21;
	v19 =	vld.idx.msk [tilespmem:v23+s3+$0x0], $0xffff;
	v21 =	vor.u32 v9, v14  }
0x3aa: {  	v25 =	vld [tilespmem:$0x1F830]  }
0x3ab: {  	v5 =	vor.u32 v10, v22;
	v22 =	vld.idx.msk [tilespmem:v24+s3+$0x0], $0xffff  }
0x3ac: {  	v9 =	vor.u32 v9, v16;
	v20 =	vor.u32 v10, v20;
	[tilespmem:v17+s12+$0x0] =	vst.idx.msk $0xffff, v15;
	v17 =	vld [tilespmem:$0x1F820]  }
0x3ad: {  	v18 =	vor.u32 v10, v18;
	[tilespmem:v13+s12+$0x0] =	vst.idx.msk $0xffff, v11;
	v15 =	vld [tilespmem:$0x1F800];
	v8 =	vadd.s32 $0x1F80, v8  }
0x3ae: {  	[tilespmem:v21+s12+$0x0] =	vst.idx.msk $0xffff, v19;
	v19 =	vld [tilespmem:$0x1F860];
	v11 =	vor.u32 s24, v8  }
0x3af: {  	v1 =	vld.idx.msk [tilespmem:v1+s3+$0x0], $0xffff;
	v6 =	vor.u32 v6, v11  }
0x3b0: {  	v5 =	vld.idx.msk [tilespmem:v5+s3+$0x0], $0xffff;
	v12 =	vor.u32 v11, v12  }
0x3b1: {  	[tilespmem:v9+s12+$0x0] =	vst.idx.msk $0xffff, v22;
	v9 =	vld.idx.msk [tilespmem:v20+s3+$0x0], $0xffff;
	v13 =	vor.u32 v11, v14  }
0x3b2: {  	p1 =	slt.u32 s22, $0x1C;
	v11 =	vor.u32 v11, v16;
	v14 =	vld.idx.msk [tilespmem:v18+s3+$0x0], $0xffff  }
.Ltmp0:
0x3b3: {  	v20 =	vld [tilespmem:$0x1F850];
	(pc) =	sbr.rel @p1 .LBB2_4-.Ltmp0, $4  }
0x3b4: {  	v16 =	vld [tilespmem:$0x1F810];
	[tilespmem:v6+s12+$0x0] =	vst.idx.msk $0xffff, v1  }
0x3b5: {  	v18 =	vld [tilespmem:$0x1F840];
	[tilespmem:v12+s12+$0x0] =	vst.idx.msk $0xffff, v5  }
0x3b6: {  	v1 =	vld [tilespmem:$0x1FFE0];
	[tilespmem:v13+s12+$0x0] =	vst.idx.msk $0xffff, v9  }
0x3b7: {  	s23 =	sadd.s32 $0x40, s23;
	[tilespmem:v11+s12+$0x0] =	vst.idx.msk $0xffff, v14;
	v14 =	vld [tilespmem:$0x1F7F0];
	v11 =	vlaneseq.u32  }
0x3b8: {  	s22 =	sshll.u32 s20, $0x17  }
0x3b9: {  	s22 =	sadd.s32 s18, s22  }
0x3ba: {  	s22 =	sshrl.u32 s22, $0x3  }
0x3bb: {  	s22 =	sadd.s32 s2, s22  }
0x3bc: {  	[hbm4b:s22+s9] =	stream.strided.scatter [tilespmem:s12], [sflag:$0x1], $0x8000, s10, s9, $0x38;
	[tilespmem:$0x18E00] =	vst v63  }
0x3bd: {  	s22 =	simm.s32 @!p0 $0x2  }
0x3be: {  	_ =	swait.ge @!p0 [sflag:s22], $0x8000  }
0x3bf: {  	v32 =	vld [tilespmem:$0x1F710]  }
0x3c0: {  	v51 =	vld [tilespmem:$0x1F720]  }
0x3c1: {  	v52 =	vld [tilespmem:$0x1F730]  }
0x3c2: {  	v53 =	vld [tilespmem:$0x1F740]  }
0x3c3: {  	v54 =	vld [tilespmem:$0x1F760]  }
0x3c4: {  	v55 =	vld [tilespmem:$0x1F780]  }
0x3c5: {  	v56 =	vld [tilespmem:$0x1F790]  }
0x3c6: {  	s21 =	sor.u32 $0x4, s21;
	[sflag:s22] =	ssyncset.done @!p0 $0x0;
	v57 =	vld [tilespmem:$0x1F7A0]  }
0x3c7: {  	s23 =	simm.s32 $0x0;
	v48 =	vmov v62;
	v62 =	vld [tilespmem:$0x1F700];
	[sflag:s22] =	ssyncadd.s32 @!p0 $0xFFFF8000;
	s22 =	simm.s32 $0xFFFFFFFC  }
.LBB2_6:
0x3c8: {  	s22 =	sadd.s32 $0x4, s22  }
0x3c9: {  	s24 =	sshrl.u32 s22, $0x3  }
0x3ca: {  	s25 =	sadd.s32 s21, s24  }
0x3cb: {  	s25 =	sshll.u32 s25, $0x7  }
0x3cc: {  	s25 =	sand.u32 $0x3FFFFF80, s25  }
0x3cd: {  	s26 =	sand.u32 $0x40, s23;
	s25 =	sadd.s32 $0x2A00, s25  }
0x3ce: {  	s28 =	sor.u32 s26, s25  }
0x3cf: {  	v1 =	vld [tilespmem:s28+$0x0];
	_ =	sdelay $0x4  }
0x3d0: {  	v5 =	vld [tilespmem:$0x1FFE0];
	v12 =	vshll.u32 v1, $0x6  }
0x3d1: {  	v1 =	vor.u32 v11, v12;
	_ =	sdelay $0x2  }
0x3d2: {  	s24 =	sshll.u32 s24, $0xD  }
0x3d3: {  	v6 =	vor.u32 s26, v11;
	v5 =	vor.u32 s24, v5  }
0x3d4: {  	v9 =	vor.u32 v6, v5;
	v1 =	vld.idx.msk [tilespmem:v1+s3+$0x0], $0xffff  }
0x3d5: {  	v61 =	vld [tilespmem:$0x1F7D0];
	_ =	sdelay $0x3  }
0x3d6: {  	[tilespmem:v9+s13+$0x0] =	vst.idx.msk $0xffff, v1;
	v1 =	vld [tilespmem:$0x1F7E0]  }
0x3d7: {  	v11 =	vor.u32 v61, v12;
	_ =	sdelay $0x3  }
0x3d8: {  	v1 =	vor.u32 s24, v1  }
0x3d9: {  	v9 =	vld.idx.msk [tilespmem:v11+s3+$0x0], $0xffff;
	v11 =	vor.u32 v6, v1  }
0x3da: {  	v13 =	vor.u32 v59, v12;
	_ =	sdelay $0x3  }
0x3db: {  	[tilespmem:v11+s13+$0x0] =	vst.idx.msk $0xffff, v9;
	v9 =	vor.u32 s24, v14  }
0x3dc: {  	v11 =	vld.idx.msk [tilespmem:v13+s3+$0x0], $0xffff;
	v13 =	vor.u32 v6, v9  }
0x3dd: {  	v14 =	vor.u32 v43, v12;
	_ =	sdelay $0x3  }
0x3de: {  	[tilespmem:v13+s13+$0x0] =	vst.idx.msk $0xffff, v11;
	v11 =	vor.u32 s24, v15  }
0x3df: {  	v13 =	vld.idx.msk [tilespmem:v14+s3+$0x0], $0xffff;
	v14 =	vor.u32 v6, v11  }
0x3e0: {  	v15 =	vor.u32 v41, v12;
	_ =	sdelay $0x3  }
0x3e1: {  	[tilespmem:v14+s13+$0x0] =	vst.idx.msk $0xffff, v13;
	v13 =	vor.u32 s24, v16  }
0x3e2: {  	v14 =	vld.idx.msk [tilespmem:v15+s3+$0x0], $0xffff;
	v15 =	vor.u32 v6, v13  }
0x3e3: {  	v16 =	vor.u32 v30, v12;
	_ =	sdelay $0x3  }
0x3e4: {  	[tilespmem:v15+s13+$0x0] =	vst.idx.msk $0xffff, v14;
	v15 =	vor.u32 s24, v17  }
0x3e5: {  	v14 =	vld.idx.msk [tilespmem:v16+s3+$0x0], $0xffff;
	v16 =	vor.u32 v6, v15  }
0x3e6: {  	v17 =	vor.u32 v25, v12;
	_ =	sdelay $0x3  }
0x3e7: {  	v19 =	vor.u32 s24, v18;
	[tilespmem:v16+s13+$0x0] =	vst.idx.msk $0xffff, v14  }
0x3e8: {  	v16 =	vor.u32 v6, v19;
	v14 =	vld.idx.msk [tilespmem:v17+s3+$0x0], $0xffff;
	_ =	sdelay $0x4  }
0x3e9: {  	[tilespmem:v16+s13+$0x0] =	vst.idx.msk $0xffff, v14;
	v14 =	vld [tilespmem:$0x1F860]  }
0x3ea: {  	v17 =	vor.u32 v20, v12;
	_ =	sdelay $0x3  }
0x3eb: {  	v21 =	vor.u32 s24, v14  }
0x3ec: {  	v14 =	vld.idx.msk [tilespmem:v17+s3+$0x0], $0xffff;
	v16 =	vor.u32 v6, v21;
	_ =	sdelay $0x2  }
0x3ed: {  	s28 =	sor.u32 $0x10, s26  }
0x3ee: {  	s30 =	sor.u32 $0x20, s26;
	s29 =	sor.u32 s28, s25  }
0x3ef: {  	s31 =	sor.u32 s30, s25;
	[tilespmem:v16+s13+$0x0] =	vst.idx.msk $0xffff, v14;
	v14 =	vld [tilespmem:s29+$0x0]  }
0x3f0: {  	s26 =	sor.u32 $0x30, s26;
	v16 =	vld [tilespmem:s31+$0x0]  }
0x3f1: {  	s25 =	sor.u32 s26, s25  }
0x3f2: {  	v17 =	vld [tilespmem:s25+$0x0];
	_ =	sdelay $0x1  }
0x3f3: {  	v27 =	vlaneseq.u32;
	v24 =	vshll.u32 v14, $0x6  }
0x3f4: {  	v22 =	vshll.u32 v16, $0x6;
	v18 =	vor.u32 v27, v24  }
0x3f5: {  	v23 =	vor.u32 v27, v22  }
0x3f6: {  	v20 =	vshll.u32 v17, $0x6  }
0x3f7: {  	v17 =	vor.u32 v27, v20  }
0x3f8: {  	v14 =	vor.u32 s28, v27  }
0x3f9: {  	v16 =	vor.u32 s30, v27;
	v26 =	vor.u32 v5, v14;
	v25 =	vld.idx.msk [tilespmem:v18+s3+$0x0], $0xffff  }
0x3fa: {  	v41 =	vor.u32 v5, v16;
	v23 =	vld.idx.msk [tilespmem:v23+s3+$0x0], $0xffff  }
0x3fb: {  	v30 =	vor.u32 v61, v24;
	v18 =	vor.u32 s26, v27  }
0x3fc: {  	v17 =	vld.idx.msk [tilespmem:v17+s3+$0x0], $0xffff;
	v5 =	vor.u32 v5, v18  }
0x3fd: {  	v43 =	vor.u32 v61, v22;
	v61 =	vor.u32 v61, v20  }
0x3fe: {  	v59 =	vld [tilespmem:$0x1FB50];
	[tilespmem:v26+s13+$0x0] =	vst.idx.msk $0xffff, v25  }
0x3ff: {  	[tilespmem:v41+s13+$0x0] =	vst.idx.msk $0xffff, v23;
	v23 =	vld [tilespmem:$0x1FB50]  }
0x400: {  	v26 =	vor.u32 v1, v14;
	v25 =	vld.idx.msk [tilespmem:v30+s3+$0x0], $0xffff  }
0x401: {  	[tilespmem:v5+s13+$0x0] =	vst.idx.msk $0xffff, v17;
	v5 =	vld [tilespmem:$0x1FB50]  }
0x402: {  	v41 =	vor.u32 v1, v16;
	v1 =	vor.u32 v1, v18;
	v17 =	vld.idx.msk [tilespmem:v61+s3+$0x0], $0xffff  }
0x403: {  	v30 =	vld.idx.msk [tilespmem:v43+s3+$0x0], $0xffff;
	v61 =	vor.u32 v59, v20  }
0x404: {  	v43 =	vld [tilespmem:$0x1F9F0];
	v23 =	vor.u32 v23, v24  }
0x405: {  	[tilespmem:v26+s13+$0x0] =	vst.idx.msk $0xffff, v25;
	v26 =	vld [tilespmem:$0x1F9F0]  }
0x406: {  	v5 =	vor.u32 v5, v22  }
0x407: {  	v25 =	vor.u32 v9, v14;
	[tilespmem:v1+s13+$0x0] =	vst.idx.msk $0xffff, v17;
	v1 =	vld [tilespmem:$0x1F9F0]  }
0x408: {  	[tilespmem:v41+s13+$0x0] =	vst.idx.msk $0xffff, v30;
	v30 =	vor.u32 v9, v16;
	v9 =	vor.u32 v9, v18;
	v17 =	vld.idx.msk [tilespmem:v61+s3+$0x0], $0xffff  }
0x409: {  	v61 =	vor.u32 v43, v20;
	v23 =	vld.idx.msk [tilespmem:v23+s3+$0x0], $0xffff  }
0x40a: {  	v26 =	vor.u32 v26, v24  }
0x40b: {  	v5 =	vld.idx.msk [tilespmem:v5+s3+$0x0], $0xffff  }
0x40c: {  	v41 =	vld [tilespmem:$0x1FFB0];
	v1 =	vor.u32 v1, v22  }
0x40d: {  	[tilespmem:v9+s13+$0x0] =	vst.idx.msk $0xffff, v17;
	v9 =	vld [tilespmem:$0x1FFB0]  }
0x40e: {  	v17 =	vld.idx.msk [tilespmem:v61+s3+$0x0], $0xffff;
	[tilespmem:v25+s13+$0x0] =	vst.idx.msk $0xffff, v23  }
0x40f: {  	v25 =	vor.u32 v11, v14;
	v23 =	vld.idx.msk [tilespmem:v26+s3+$0x0], $0xffff  }
0x410: {  	[tilespmem:v30+s13+$0x0] =	vst.idx.msk $0xffff, v5;
	v5 =	vld [tilespmem:$0x1FFB0];
	v26 =	vor.u32 v11, v16;
	v11 =	vor.u32 v11, v18  }
0x411: {  	v1 =	vld.idx.msk [tilespmem:v1+s3+$0x0], $0xffff  }
0x412: {  	v30 =	vor.u32 v41, v20;
	_ =	sdelay $0x1  }
0x413: {  	v9 =	vor.u32 v9, v22  }
0x414: {  	[tilespmem:v11+s13+$0x0] =	vst.idx.msk $0xffff, v17;
	v11 =	vld [tilespmem:$0x1FFC0]  }
0x415: {  	v5 =	vor.u32 v5, v24;
	[tilespmem:v26+s13+$0x0] =	vst.idx.msk $0xffff, v1;
	v1 =	vld [tilespmem:$0x1FFC0]  }
0x416: {  	[tilespmem:v25+s13+$0x0] =	vst.idx.msk $0xffff, v23;
	v17 =	vld.idx.msk [tilespmem:v30+s3+$0x0], $0xffff  }
0x417: {  	v23 =	vor.u32 v13, v14;
	v25 =	vor.u32 v13, v16;
	v13 =	vor.u32 v13, v18;
	v30 =	vld [tilespmem:$0x1FFC0]  }
0x418: {  	v9 =	vld.idx.msk [tilespmem:v9+s3+$0x0], $0xffff;
	_ =	sdelay $0x1  }
0x419: {  	v5 =	vld.idx.msk [tilespmem:v5+s3+$0x0], $0xffff;
	v11 =	vor.u32 v11, v22;
	_ =	sdelay $0x1  }
0x41a: {  	v1 =	vor.u32 v1, v24;
	[tilespmem:v13+s13+$0x0] =	vst.idx.msk $0xffff, v17;
	v13 =	vld [tilespmem:$0x1F830]  }
0x41b: {  	v26 =	vor.u32 v30, v20;
	[tilespmem:v25+s13+$0x0] =	vst.idx.msk $0xffff, v9;
	v9 =	vld [tilespmem:$0x1F830]  }
0x41c: {  	v25 =	vld [tilespmem:$0x1F830]  }
0x41d: {  	[tilespmem:v23+s13+$0x0] =	vst.idx.msk $0xffff, v5;
	v11 =	vld.idx.msk [tilespmem:v11+s3+$0x0], $0xffff;
	v23 =	vor.u32 v15, v16;
	_ =	sdelay $0x1  }
0x41e: {  	v5 =	vor.u32 v15, v14;
	v1 =	vld.idx.msk [tilespmem:v1+s3+$0x0], $0xffff;
	v13 =	vor.u32 v13, v22  }
0x41f: {  	v15 =	vor.u32 v15, v18;
	v17 =	vld.idx.msk [tilespmem:v26+s3+$0x0], $0xffff;
	v9 =	vor.u32 v9, v24  }
0x420: {  	v25 =	vor.u32 v25, v20  }
0x421: {  	[tilespmem:v23+s13+$0x0] =	vst.idx.msk $0xffff, v11;
	v23 =	vld [tilespmem:$0x1F850];
	_ =	sdelay $0x1  }
0x422: {  	[tilespmem:v5+s13+$0x0] =	vst.idx.msk $0xffff, v1;
	v11 =	vld.idx.msk [tilespmem:v13+s3+$0x0], $0xffff  }
0x423: {  	v13 =	vor.u32 v19, v16;
	[tilespmem:v15+s13+$0x0] =	vst.idx.msk $0xffff, v17;
	v1 =	vld.idx.msk [tilespmem:v9+s3+$0x0], $0xffff  }
0x424: {  	v5 =	vor.u32 v19, v14;
	v19 =	vor.u32 v19, v18;
	v17 =	vld.idx.msk [tilespmem:v25+s3+$0x0], $0xffff  }
0x425: {  	v25 =	vld [tilespmem:$0x1F870];
	v23 =	vor.u32 v23, v20;
	_ =	sdelay $0x2  }
0x426: {  	v9 =	vld [tilespmem:$0x1F850];
	[tilespmem:v13+s13+$0x0] =	vst.idx.msk $0xffff, v11  }
0x427: {  	v15 =	vld [tilespmem:$0x1F850];
	[tilespmem:v19+s13+$0x0] =	vst.idx.msk $0xffff, v17  }
0x428: {  	[tilespmem:v5+s13+$0x0] =	vst.idx.msk $0xffff, v1;
	v1 =	vor.u32 v25, v12;
	v19 =	vld.idx.msk [tilespmem:v23+s3+$0x0], $0xffff  }
0x429: {  	v11 =	vor.u32 v25, v24;
	v17 =	vor.u32 v25, v22;
	v23 =	vor.u32 v25, v20;
	v25 =	vld [tilespmem:$0x1F880];
	_ =	sdelay $0x1  }
0x42a: {  	v9 =	vor.u32 v9, v24  }
0x42b: {  	v15 =	vor.u32 v15, v22;
	_ =	sdelay $0x1  }
0x42c: {  	v61 =	vld [tilespmem:$0x1F890];
	v25 =	vor.u32 s24, v25  }
0x42d: {  	v1 =	vld.idx.msk [tilespmem:v1+s3+$0x0], $0xffff;
	v26 =	vor.u32 v6, v25  }
0x42e: {  	v5 =	vld.idx.msk [tilespmem:v9+s3+$0x0], $0xffff;
	v9 =	vor.u32 v21, v14  }
0x42f: {  	v13 =	vld.idx.msk [tilespmem:v15+s3+$0x0], $0xffff;
	v15 =	vor.u32 v21, v16;
	_ =	sdelay $0x1  }
0x430: {  	v21 =	vor.u32 v21, v18  }
0x431: {  	[tilespmem:v26+s13+$0x0] =	vst.idx.msk $0xffff, v1;
	v1 =	vld [tilespmem:$0x1F8A0]  }
0x432: {  	[tilespmem:v9+s13+$0x0] =	vst.idx.msk $0xffff, v5;
	v5 =	vor.u32 v61, v12  }
0x433: {  	[tilespmem:v15+s13+$0x0] =	vst.idx.msk $0xffff, v13  }
0x434: {  	v15 =	vld.idx.msk [tilespmem:v17+s3+$0x0], $0xffff  }
0x435: {  	[tilespmem:v21+s13+$0x0] =	vst.idx.msk $0xffff, v19;
	v9 =	vld.idx.msk [tilespmem:v11+s3+$0x0], $0xffff  }
0x436: {  	v13 =	vor.u32 v61, v24;
	v21 =	vld.idx.msk [tilespmem:v23+s3+$0x0], $0xffff;
	v1 =	vor.u32 s24, v1  }
0x437: {  	v17 =	vor.u32 v25, v16;
	v19 =	vor.u32 v61, v22;
	v5 =	vld.idx.msk [tilespmem:v5+s3+$0x0], $0xffff;
	v26 =	vor.u32 v6, v1  }
0x438: {  	v11 =	vor.u32 v25, v14;
	v23 =	vor.u32 v25, v18;
	v25 =	vor.u32 v61, v20;
	v61 =	vld [tilespmem:$0x1F8B0];
	_ =	sdelay $0x3  }
0x439: {  	[tilespmem:v26+s13+$0x0] =	vst.idx.msk $0xffff, v5;
	v5 =	vld [tilespmem:$0x1F8C0]  }
0x43a: {  	[tilespmem:v11+s13+$0x0] =	vst.idx.msk $0xffff, v9;
	v9 =	vor.u32 v61, v12;
	_ =	sdelay $0x2  }
0x43b: {  	[tilespmem:v23+s13+$0x0] =	vst.idx.msk $0xffff, v21;
	v11 =	vld.idx.msk [tilespmem:v13+s3+$0x0], $0xffff  }
0x43c: {  	v23 =	vld.idx.msk [tilespmem:v25+s3+$0x0], $0xffff;
	v5 =	vor.u32 s24, v5  }
0x43d: {  	[tilespmem:v17+s13+$0x0] =	vst.idx.msk $0xffff, v15;
	v15 =	vor.u32 v61, v24;
	v9 =	vld.idx.msk [tilespmem:v9+s3+$0x0], $0xffff;
	v26 =	vor.u32 v6, v5  }
0x43e: {  	v21 =	vor.u32 v61, v22;
	v25 =	vor.u32 v61, v20;
	v61 =	vld [tilespmem:$0x1F8D0];
	v13 =	vor.u32 v1, v14;
	_ =	sdelay $0x1  }
0x43f: {  	v17 =	vld.idx.msk [tilespmem:v19+s3+$0x0], $0xffff;
	v19 =	vor.u32 v1, v16  }
0x440: {  	v1 =	vor.u32 v1, v18  }
0x441: {  	[tilespmem:v26+s13+$0x0] =	vst.idx.msk $0xffff, v9;
	v9 =	vld [tilespmem:$0x1F8E0]  }
0x442: {  	[tilespmem:v13+s13+$0x0] =	vst.idx.msk $0xffff, v11;
	v11 =	vor.u32 v61, v12  }
0x443: {  	v27 =	vld [tilespmem:$0x1FFF0]  }
0x444: {  	[tilespmem:v19+s13+$0x0] =	vst.idx.msk $0xffff, v17;
	v13 =	vld.idx.msk [tilespmem:v15+s3+$0x0], $0xffff  }
0x445: {  	[tilespmem:v1+s13+$0x0] =	vst.idx.msk $0xffff, v23;
	v19 =	vld.idx.msk [tilespmem:v21+s3+$0x0], $0xffff  }
0x446: {  	v23 =	vld.idx.msk [tilespmem:v25+s3+$0x0], $0xffff;
	v9 =	vor.u32 s24, v9  }
0x447: {  	v17 =	vor.u32 v61, v24;
	v11 =	vld.idx.msk [tilespmem:v11+s3+$0x0], $0xffff;
	v26 =	vor.u32 v6, v9  }
0x448: {  	v1 =	vor.u32 v61, v22;
	v25 =	vor.u32 v61, v20;
	v15 =	vor.u32 v5, v14;
	v61 =	vld [tilespmem:$0x1F8F0];
	_ =	sdelay $0x2  }
0x449: {  	v21 =	vor.u32 v5, v16;
	v5 =	vor.u32 v5, v18  }
0x44a: {  	[tilespmem:v26+s13+$0x0] =	vst.idx.msk $0xffff, v11;
	v11 =	vld [tilespmem:$0x1F900]  }
0x44b: {  	[tilespmem:v15+s13+$0x0] =	vst.idx.msk $0xffff, v13;
	v13 =	vor.u32 v61, v12;
	_ =	sdelay $0x2  }
0x44c: {  	[tilespmem:v5+s13+$0x0] =	vst.idx.msk $0xffff, v23;
	v15 =	vld.idx.msk [tilespmem:v17+s3+$0x0], $0xffff  }
0x44d: {  	v23 =	vld.idx.msk [tilespmem:v25+s3+$0x0], $0xffff;
	v11 =	vor.u32 s24, v11  }
0x44e: {  	[tilespmem:v21+s13+$0x0] =	vst.idx.msk $0xffff, v19;
	v17 =	vor.u32 v9, v14;
	v13 =	vld.idx.msk [tilespmem:v13+s3+$0x0], $0xffff;
	v26 =	vor.u32 v6, v11  }
0x44f: {  	v19 =	vor.u32 v61, v24;
	v5 =	vor.u32 v61, v22;
	v25 =	vor.u32 v61, v20;
	v61 =	vld [tilespmem:$0x1F910];
	_ =	sdelay $0x2  }
0x450: {  	v21 =	vor.u32 v9, v16;
	v9 =	vor.u32 v9, v18  }
0x451: {  	[tilespmem:v26+s13+$0x0] =	vst.idx.msk $0xffff, v13;
	v13 =	vld [tilespmem:$0x1F920]  }
0x452: {  	v1 =	vld.idx.msk [tilespmem:v1+s3+$0x0], $0xffff;
	[tilespmem:v17+s13+$0x0] =	vst.idx.msk $0xffff, v15;
	v15 =	vor.u32 v61, v12;
	_ =	sdelay $0x2  }
0x453: {  	[tilespmem:v9+s13+$0x0] =	vst.idx.msk $0xffff, v23;
	v17 =	vld.idx.msk [tilespmem:v19+s3+$0x0], $0xffff  }
0x454: {  	v23 =	vld.idx.msk [tilespmem:v25+s3+$0x0], $0xffff;
	v13 =	vor.u32 s24, v13  }
0x455: {  	[tilespmem:v21+s13+$0x0] =	vst.idx.msk $0xffff, v1;
	v1 =	vor.u32 v61, v24;
	v15 =	vld.idx.msk [tilespmem:v15+s3+$0x0], $0xffff;
	v26 =	vor.u32 v6, v13  }
0x456: {  	v9 =	vor.u32 v61, v22;
	v25 =	vor.u32 v61, v20;
	v61 =	vld [tilespmem:$0x1F930];
	v19 =	vor.u32 v11, v14;
	_ =	sdelay $0x3  }
0x457: {  	[tilespmem:v26+s13+$0x0] =	vst.idx.msk $0xffff, v15;
	v15 =	vld [tilespmem:$0x1F940]  }
0x458: {  	[tilespmem:v19+s13+$0x0] =	vst.idx.msk $0xffff, v17;
	v17 =	vor.u32 v61, v12;
	_ =	sdelay $0x3  }
0x459: {  	v15 =	vor.u32 s24, v15  }
0x45a: {  	v17 =	vld.idx.msk [tilespmem:v17+s3+$0x0], $0xffff;
	v26 =	vor.u32 v6, v15  }
0x45b: {  	v1 =	vld.idx.msk [tilespmem:v1+s3+$0x0], $0xffff;
	v19 =	vor.u32 v13, v14  }
0x45c: {  	v5 =	vld.idx.msk [tilespmem:v5+s3+$0x0], $0xffff;
	v21 =	vor.u32 v11, v16  }
0x45d: {  	v11 =	vor.u32 v11, v18;
	_ =	sdelay $0x1  }
0x45e: {  	[tilespmem:v26+s13+$0x0] =	vst.idx.msk $0xffff, v17;
	v17 =	vld [tilespmem:$0x1FEA0]  }
0x45f: {  	[tilespmem:v19+s13+$0x0] =	vst.idx.msk $0xffff, v1;
	v1 =	vor.u32 v27, v12  }
0x460: {  	[tilespmem:v21+s13+$0x0] =	vst.idx.msk $0xffff, v5;
	v5 =	vor.u32 v61, v24  }
0x461: {  	[tilespmem:v11+s13+$0x0] =	vst.idx.msk $0xffff, v23;
	v9 =	vld.idx.msk [tilespmem:v9+s3+$0x0], $0xffff;
	v21 =	vor.u32 v13, v16  }
0x462: {  	v23 =	vld.idx.msk [tilespmem:v25+s3+$0x0], $0xffff;
	v13 =	vor.u32 v13, v18  }
0x463: {  	v11 =	vor.u32 v61, v22;
	v25 =	vor.u32 v61, v20;
	v61 =	vld [tilespmem:$0x1FEB0];
	v17 =	vor.u32 s24, v17  }
0x464: {  	v1 =	vld.idx.msk [tilespmem:v1+s3+$0x0], $0xffff;
	v26 =	vor.u32 v6, v17  }
0x465: {  	v5 =	vld.idx.msk [tilespmem:v5+s3+$0x0], $0xffff;
	v19 =	vor.u32 v15, v14  }
0x466: {  	[tilespmem:v21+s13+$0x0] =	vst.idx.msk $0xffff, v9  }
0x467: {  	[tilespmem:v13+s13+$0x0] =	vst.idx.msk $0xffff, v23  }
0x468: {  	v9 =	vor.u32 v27, v24;
	v23 =	vld.idx.msk [tilespmem:v25+s3+$0x0], $0xffff;
	v21 =	vor.u32 v15, v16;
	v15 =	vor.u32 v15, v18  }
0x469: {  	v25 =	vor.u32 v27, v20;
	[tilespmem:v26+s13+$0x0] =	vst.idx.msk $0xffff, v1;
	v1 =	vld [tilespmem:$0x1FF40]  }
0x46a: {  	v11 =	vld.idx.msk [tilespmem:v11+s3+$0x0], $0xffff;
	[tilespmem:v19+s13+$0x0] =	vst.idx.msk $0xffff, v5;
	v5 =	vor.u32 v61, v12;
	_ =	sdelay $0x2  }
0x46b: {  	[tilespmem:v15+s13+$0x0] =	vst.idx.msk $0xffff, v23;
	v9 =	vld.idx.msk [tilespmem:v9+s3+$0x0], $0xffff  }
0x46c: {  	v13 =	vor.u32 v27, v22;
	v23 =	vld.idx.msk [tilespmem:v25+s3+$0x0], $0xffff;
	v1 =	vor.u32 s24, v1  }
0x46d: {  	[tilespmem:v21+s13+$0x0] =	vst.idx.msk $0xffff, v11;
	v11 =	vor.u32 v61, v24;
	v5 =	vld.idx.msk [tilespmem:v5+s3+$0x0], $0xffff;
	v26 =	vor.u32 v6, v1  }
0x46e: {  	v15 =	vor.u32 v61, v22;
	v25 =	vor.u32 v61, v20;
	v61 =	vld [tilespmem:$0x1FF70];
	v19 =	vor.u32 v17, v14;
	_ =	sdelay $0x2  }
0x46f: {  	v21 =	vor.u32 v17, v16;
	v17 =	vor.u32 v17, v18  }
0x470: {  	[tilespmem:v26+s13+$0x0] =	vst.idx.msk $0xffff, v5;
	v5 =	vld [tilespmem:$0x1F950]  }
0x471: {  	v13 =	vld.idx.msk [tilespmem:v13+s3+$0x0], $0xffff;
	[tilespmem:v19+s13+$0x0] =	vst.idx.msk $0xffff, v9;
	v9 =	vor.u32 v61, v12;
	_ =	sdelay $0x2  }
0x472: {  	[tilespmem:v17+s13+$0x0] =	vst.idx.msk $0xffff, v23;
	v11 =	vld.idx.msk [tilespmem:v11+s3+$0x0], $0xffff  }
0x473: {  	v23 =	vld.idx.msk [tilespmem:v25+s3+$0x0], $0xffff;
	v5 =	vor.u32 s24, v5  }
0x474: {  	[tilespmem:v21+s13+$0x0] =	vst.idx.msk $0xffff, v13;
	v13 =	vor.u32 v61, v24;
	v9 =	vld.idx.msk [tilespmem:v9+s3+$0x0], $0xffff;
	v26 =	vor.u32 v6, v5  }
0x475: {  	v17 =	vor.u32 v61, v22;
	v25 =	vor.u32 v61, v20;
	v61 =	vld [tilespmem:$0x1FFA0];
	v19 =	vor.u32 v1, v14;
	_ =	sdelay $0x2  }
0x476: {  	v21 =	vor.u32 v1, v16;
	v1 =	vor.u32 v1, v18  }
0x477: {  	[tilespmem:v26+s13+$0x0] =	vst.idx.msk $0xffff, v9;
	v9 =	vld [tilespmem:$0x1F960]  }
0x478: {  	v15 =	vld.idx.msk [tilespmem:v15+s3+$0x0], $0xffff;
	[tilespmem:v19+s13+$0x0] =	vst.idx.msk $0xffff, v11;
	v11 =	vor.u32 v61, v12;
	_ =	sdelay $0x2  }
0x479: {  	[tilespmem:v1+s13+$0x0] =	vst.idx.msk $0xffff, v23;
	v13 =	vld.idx.msk [tilespmem:v13+s3+$0x0], $0xffff  }
0x47a: {  	v23 =	vld.idx.msk [tilespmem:v25+s3+$0x0], $0xffff;
	v9 =	vor.u32 s24, v9  }
0x47b: {  	[tilespmem:v21+s13+$0x0] =	vst.idx.msk $0xffff, v15;
	v15 =	vor.u32 v61, v24;
	v11 =	vld.idx.msk [tilespmem:v11+s3+$0x0], $0xffff;
	v26 =	vor.u32 v6, v9  }
0x47c: {  	v1 =	vor.u32 v61, v22;
	v25 =	vor.u32 v61, v20;
	v61 =	vld [tilespmem:$0x1F680];
	v19 =	vor.u32 v5, v14;
	_ =	sdelay $0x2  }
0x47d: {  	v21 =	vor.u32 v5, v16;
	v5 =	vor.u32 v5, v18  }
0x47e: {  	[tilespmem:v26+s13+$0x0] =	vst.idx.msk $0xffff, v11;
	v11 =	vld [tilespmem:$0x1F9B0]  }
0x47f: {  	v17 =	vld.idx.msk [tilespmem:v17+s3+$0x0], $0xffff;
	[tilespmem:v19+s13+$0x0] =	vst.idx.msk $0xffff, v13;
	v13 =	vor.u32 v61, v12;
	_ =	sdelay $0x2  }
0x480: {  	[tilespmem:v5+s13+$0x0] =	vst.idx.msk $0xffff, v23;
	v15 =	vld.idx.msk [tilespmem:v15+s3+$0x0], $0xffff  }
0x481: {  	v23 =	vld.idx.msk [tilespmem:v25+s3+$0x0], $0xffff;
	v11 =	vor.u32 s24, v11  }
0x482: {  	[tilespmem:v21+s13+$0x0] =	vst.idx.msk $0xffff, v17;
	v17 =	vor.u32 v61, v24;
	v13 =	vld.idx.msk [tilespmem:v13+s3+$0x0], $0xffff;
	v26 =	vor.u32 v6, v11  }
0x483: {  	v5 =	vor.u32 v61, v22;
	v25 =	vor.u32 v61, v20;
	v61 =	vld [tilespmem:$0x1F690];
	v19 =	vor.u32 v9, v14;
	_ =	sdelay $0x2  }
0x484: {  	v21 =	vor.u32 v9, v16;
	v9 =	vor.u32 v9, v18  }
0x485: {  	[tilespmem:v26+s13+$0x0] =	vst.idx.msk $0xffff, v13;
	v13 =	vld [tilespmem:$0x1FA10]  }
0x486: {  	v1 =	vld.idx.msk [tilespmem:v1+s3+$0x0], $0xffff;
	[tilespmem:v19+s13+$0x0] =	vst.idx.msk $0xffff, v15;
	v15 =	vor.u32 v61, v12;
	_ =	sdelay $0x2  }
0x487: {  	[tilespmem:v9+s13+$0x0] =	vst.idx.msk $0xffff, v23;
	v17 =	vld.idx.msk [tilespmem:v17+s3+$0x0], $0xffff  }
0x488: {  	v23 =	vld.idx.msk [tilespmem:v25+s3+$0x0], $0xffff;
	v13 =	vor.u32 s24, v13  }
0x489: {  	[tilespmem:v21+s13+$0x0] =	vst.idx.msk $0xffff, v1;
	v1 =	vor.u32 v61, v24;
	v15 =	vld.idx.msk [tilespmem:v15+s3+$0x0], $0xffff;
	v26 =	vor.u32 v6, v13  }
0x48a: {  	v9 =	vor.u32 v61, v22;
	v25 =	vor.u32 v61, v20;
	v61 =	vld [tilespmem:$0x1F6A0];
	v19 =	vor.u32 v11, v14;
	_ =	sdelay $0x2  }
0x48b: {  	v21 =	vor.u32 v11, v16;
	v11 =	vor.u32 v11, v18  }
0x48c: {  	[tilespmem:v26+s13+$0x0] =	vst.idx.msk $0xffff, v15;
	v15 =	vld [tilespmem:$0x1FA20]  }
0x48d: {  	v5 =	vld.idx.msk [tilespmem:v5+s3+$0x0], $0xffff;
	[tilespmem:v19+s13+$0x0] =	vst.idx.msk $0xffff, v17;
	v17 =	vor.u32 v61, v12;
	_ =	sdelay $0x2  }
0x48e: {  	[tilespmem:v11+s13+$0x0] =	vst.idx.msk $0xffff, v23;
	v1 =	vld.idx.msk [tilespmem:v1+s3+$0x0], $0xffff  }
0x48f: {  	v23 =	vld.idx.msk [tilespmem:v25+s3+$0x0], $0xffff;
	v15 =	vor.u32 s24, v15  }
0x490: {  	[tilespmem:v21+s13+$0x0] =	vst.idx.msk $0xffff, v5;
	v5 =	vor.u32 v61, v24;
	v17 =	vld.idx.msk [tilespmem:v17+s3+$0x0], $0xffff;
	v26 =	vor.u32 v6, v15  }
0x491: {  	v11 =	vor.u32 v61, v22;
	v25 =	vor.u32 v61, v20;
	v61 =	vld [tilespmem:$0x1F6B0];
	v19 =	vor.u32 v13, v14;
	_ =	sdelay $0x2  }
0x492: {  	v21 =	vor.u32 v13, v16;
	v13 =	vor.u32 v13, v18  }
0x493: {  	[tilespmem:v26+s13+$0x0] =	vst.idx.msk $0xffff, v17;
	v17 =	vld [tilespmem:$0x1FA30]  }
0x494: {  	v9 =	vld.idx.msk [tilespmem:v9+s3+$0x0], $0xffff;
	[tilespmem:v19+s13+$0x0] =	vst.idx.msk $0xffff, v1;
	v1 =	vor.u32 v61, v12;
	_ =	sdelay $0x2  }
0x495: {  	[tilespmem:v13+s13+$0x0] =	vst.idx.msk $0xffff, v23;
	v5 =	vld.idx.msk [tilespmem:v5+s3+$0x0], $0xffff  }
0x496: {  	v23 =	vld.idx.msk [tilespmem:v25+s3+$0x0], $0xffff;
	v17 =	vor.u32 s24, v17  }
0x497: {  	[tilespmem:v21+s13+$0x0] =	vst.idx.msk $0xffff, v9;
	v9 =	vor.u32 v61, v24;
	v1 =	vld.idx.msk [tilespmem:v1+s3+$0x0], $0xffff;
	v26 =	vor.u32 v6, v17  }
0x498: {  	v13 =	vor.u32 v61, v22;
	v25 =	vor.u32 v61, v20;
	v61 =	vld [tilespmem:$0x1F6C0];
	v19 =	vor.u32 v15, v14;
	_ =	sdelay $0x2  }
0x499: {  	v21 =	vor.u32 v15, v16;
	v15 =	vor.u32 v15, v18  }
0x49a: {  	[tilespmem:v26+s13+$0x0] =	vst.idx.msk $0xffff, v1;
	v1 =	vld [tilespmem:$0x1FA40]  }
0x49b: {  	v11 =	vld.idx.msk [tilespmem:v11+s3+$0x0], $0xffff;
	[tilespmem:v19+s13+$0x0] =	vst.idx.msk $0xffff, v5;
	v5 =	vor.u32 v61, v12;
	_ =	sdelay $0x2  }
0x49c: {  	[tilespmem:v15+s13+$0x0] =	vst.idx.msk $0xffff, v23;
	v9 =	vld.idx.msk [tilespmem:v9+s3+$0x0], $0xffff  }
0x49d: {  	v23 =	vld.idx.msk [tilespmem:v25+s3+$0x0], $0xffff;
	v1 =	vor.u32 s24, v1  }
0x49e: {  	[tilespmem:v21+s13+$0x0] =	vst.idx.msk $0xffff, v11;
	v11 =	vor.u32 v61, v24;
	v5 =	vld.idx.msk [tilespmem:v5+s3+$0x0], $0xffff;
	v26 =	vor.u32 v6, v1  }
0x49f: {  	v15 =	vor.u32 v61, v22;
	v25 =	vor.u32 v61, v20;
	v61 =	vld [tilespmem:$0x1F6D0];
	v19 =	vor.u32 v17, v14;
	_ =	sdelay $0x2  }
0x4a0: {  	v21 =	vor.u32 v17, v16;
	v17 =	vor.u32 v17, v18  }
0x4a1: {  	[tilespmem:v26+s13+$0x0] =	vst.idx.msk $0xffff, v5;
	v5 =	vld [tilespmem:$0x1FA50]  }
0x4a2: {  	v13 =	vld.idx.msk [tilespmem:v13+s3+$0x0], $0xffff;
	[tilespmem:v19+s13+$0x0] =	vst.idx.msk $0xffff, v9;
	v9 =	vor.u32 v61, v12;
	_ =	sdelay $0x2  }
0x4a3: {  	[tilespmem:v17+s13+$0x0] =	vst.idx.msk $0xffff, v23;
	v11 =	vld.idx.msk [tilespmem:v11+s3+$0x0], $0xffff  }
0x4a4: {  	v23 =	vld.idx.msk [tilespmem:v25+s3+$0x0], $0xffff;
	v5 =	vor.u32 s24, v5  }
0x4a5: {  	[tilespmem:v21+s13+$0x0] =	vst.idx.msk $0xffff, v13;
	v13 =	vor.u32 v61, v24;
	v9 =	vld.idx.msk [tilespmem:v9+s3+$0x0], $0xffff;
	v26 =	vor.u32 v6, v5  }
0x4a6: {  	v17 =	vor.u32 v61, v22;
	v25 =	vor.u32 v61, v20;
	v61 =	vld [tilespmem:$0x1F6E0];
	v19 =	vor.u32 v1, v14;
	_ =	sdelay $0x2  }
0x4a7: {  	v21 =	vor.u32 v1, v16;
	v1 =	vor.u32 v1, v18  }
0x4a8: {  	[tilespmem:v26+s13+$0x0] =	vst.idx.msk $0xffff, v9;
	v9 =	vld [tilespmem:$0x1FA60]  }
0x4a9: {  	v15 =	vld.idx.msk [tilespmem:v15+s3+$0x0], $0xffff;
	[tilespmem:v19+s13+$0x0] =	vst.idx.msk $0xffff, v11;
	v11 =	vor.u32 v61, v12;
	_ =	sdelay $0x2  }
0x4aa: {  	[tilespmem:v1+s13+$0x0] =	vst.idx.msk $0xffff, v23;
	v13 =	vld.idx.msk [tilespmem:v13+s3+$0x0], $0xffff  }
0x4ab: {  	v23 =	vld.idx.msk [tilespmem:v25+s3+$0x0], $0xffff;
	v9 =	vor.u32 s24, v9  }
0x4ac: {  	[tilespmem:v21+s13+$0x0] =	vst.idx.msk $0xffff, v15;
	v15 =	vor.u32 v61, v24;
	v11 =	vld.idx.msk [tilespmem:v11+s3+$0x0], $0xffff;
	v26 =	vor.u32 v6, v9  }
0x4ad: {  	v1 =	vor.u32 v61, v22;
	v25 =	vor.u32 v61, v20;
	v61 =	vld [tilespmem:$0x1F6F0];
	v19 =	vor.u32 v5, v14;
	_ =	sdelay $0x3  }
0x4ae: {  	[tilespmem:v26+s13+$0x0] =	vst.idx.msk $0xffff, v11;
	v11 =	vld [tilespmem:$0x1FA70]  }
0x4af: {  	[tilespmem:v19+s13+$0x0] =	vst.idx.msk $0xffff, v13;
	v13 =	vor.u32 v61, v12;
	_ =	sdelay $0x3  }
0x4b0: {  	v11 =	vor.u32 s24, v11  }
0x4b1: {  	v13 =	vld.idx.msk [tilespmem:v13+s3+$0x0], $0xffff;
	v26 =	vor.u32 v6, v11  }
0x4b2: {  	v15 =	vld.idx.msk [tilespmem:v15+s3+$0x0], $0xffff;
	v19 =	vor.u32 v9, v14  }
0x4b3: {  	v17 =	vld.idx.msk [tilespmem:v17+s3+$0x0], $0xffff;
	v21 =	vor.u32 v5, v16;
	_ =	sdelay $0x2  }
0x4b4: {  	[tilespmem:v26+s13+$0x0] =	vst.idx.msk $0xffff, v13;
	v13 =	vld [tilespmem:$0x1FA80]  }
0x4b5: {  	[tilespmem:v19+s13+$0x0] =	vst.idx.msk $0xffff, v15;
	v15 =	vor.u32 v62, v12  }
0x4b6: {  	[tilespmem:v21+s13+$0x0] =	vst.idx.msk $0xffff, v17;
	v17 =	vor.u32 v61, v24;
	_ =	sdelay $0x2  }
0x4b7: {  	v13 =	vor.u32 s24, v13  }
0x4b8: {  	v15 =	vld.idx.msk [tilespmem:v15+s3+$0x0], $0xffff;
	v26 =	vor.u32 v6, v13  }
0x4b9: {  	v17 =	vld.idx.msk [tilespmem:v17+s3+$0x0], $0xffff;
	v19 =	vor.u32 v11, v14  }
0x4ba: {  	v1 =	vld.idx.msk [tilespmem:v1+s3+$0x0], $0xffff;
	v21 =	vor.u32 v9, v16  }
0x4bb: {  	v5 =	vor.u32 v5, v18;
	_ =	sdelay $0x1  }
0x4bc: {  	[tilespmem:v26+s13+$0x0] =	vst.idx.msk $0xffff, v15;
	v15 =	vld [tilespmem:$0x1FA90]  }
0x4bd: {  	[tilespmem:v19+s13+$0x0] =	vst.idx.msk $0xffff, v17;
	v17 =	vor.u32 v32, v12  }
0x4be: {  	[tilespmem:v21+s13+$0x0] =	vst.idx.msk $0xffff, v1;
	v1 =	vor.u32 v62, v24  }
0x4bf: {  	[tilespmem:v5+s13+$0x0] =	vst.idx.msk $0xffff, v23;
	v5 =	vor.u32 v61, v22;
	_ =	sdelay $0x1  }
0x4c0: {  	v15 =	vor.u32 s24, v15  }
0x4c1: {  	v17 =	vld.idx.msk [tilespmem:v17+s3+$0x0], $0xffff;
	v26 =	vor.u32 v6, v15  }
0x4c2: {  	v1 =	vld.idx.msk [tilespmem:v1+s3+$0x0], $0xffff;
	v19 =	vor.u32 v13, v14  }
0x4c3: {  	v5 =	vld.idx.msk [tilespmem:v5+s3+$0x0], $0xffff;
	v21 =	vor.u32 v11, v16  }
0x4c4: {  	v23 =	vld.idx.msk [tilespmem:v25+s3+$0x0], $0xffff;
	v9 =	vor.u32 v9, v18;
	_ =	sdelay $0x1  }
0x4c5: {  	[tilespmem:v26+s13+$0x0] =	vst.idx.msk $0xffff, v17;
	v17 =	vld [tilespmem:$0x1FAA0]  }
0x4c6: {  	[tilespmem:v19+s13+$0x0] =	vst.idx.msk $0xffff, v1;
	v1 =	vor.u32 v51, v12  }
0x4c7: {  	[tilespmem:v21+s13+$0x0] =	vst.idx.msk $0xffff, v5;
	v5 =	vor.u32 v32, v24  }
0x4c8: {  	[tilespmem:v9+s13+$0x0] =	vst.idx.msk $0xffff, v23;
	v9 =	vor.u32 v62, v22  }
0x4c9: {  	v25 =	vor.u32 v61, v20  }
0x4ca: {  	v17 =	vor.u32 s24, v17  }
0x4cb: {  	v1 =	vld.idx.msk [tilespmem:v1+s3+$0x0], $0xffff;
	v26 =	vor.u32 v6, v17  }
0x4cc: {  	v5 =	vld.idx.msk [tilespmem:v5+s3+$0x0], $0xffff;
	v19 =	vor.u32 v15, v14  }
0x4cd: {  	v9 =	vld.idx.msk [tilespmem:v9+s3+$0x0], $0xffff;
	v21 =	vor.u32 v13, v16  }
0x4ce: {  	v23 =	vld.idx.msk [tilespmem:v25+s3+$0x0], $0xffff;
	v11 =	vor.u32 v11, v18;
	_ =	sdelay $0x1  }
0x4cf: {  	[tilespmem:v26+s13+$0x0] =	vst.idx.msk $0xffff, v1;
	v1 =	vld [tilespmem:$0x1FAB0]  }
0x4d0: {  	[tilespmem:v19+s13+$0x0] =	vst.idx.msk $0xffff, v5;
	v5 =	vor.u32 v52, v12  }
0x4d1: {  	[tilespmem:v21+s13+$0x0] =	vst.idx.msk $0xffff, v9;
	v9 =	vor.u32 v51, v24  }
0x4d2: {  	[tilespmem:v11+s13+$0x0] =	vst.idx.msk $0xffff, v23;
	v11 =	vor.u32 v32, v22  }
0x4d3: {  	v25 =	vor.u32 v62, v20  }
0x4d4: {  	v1 =	vor.u32 s24, v1  }
0x4d5: {  	v5 =	vld.idx.msk [tilespmem:v5+s3+$0x0], $0xffff;
	v26 =	vor.u32 v6, v1  }
0x4d6: {  	v9 =	vld.idx.msk [tilespmem:v9+s3+$0x0], $0xffff;
	v19 =	vor.u32 v17, v14  }
0x4d7: {  	v11 =	vld.idx.msk [tilespmem:v11+s3+$0x0], $0xffff;
	v21 =	vor.u32 v15, v16  }
0x4d8: {  	v23 =	vld.idx.msk [tilespmem:v25+s3+$0x0], $0xffff;
	v13 =	vor.u32 v13, v18;
	_ =	sdelay $0x1  }
0x4d9: {  	[tilespmem:v26+s13+$0x0] =	vst.idx.msk $0xffff, v5;
	v5 =	vld [tilespmem:$0x1F750]  }
0x4da: {  	[tilespmem:v19+s13+$0x0] =	vst.idx.msk $0xffff, v9;
	v9 =	vor.u32 v53, v12  }
0x4db: {  	[tilespmem:v21+s13+$0x0] =	vst.idx.msk $0xffff, v11;
	v11 =	vor.u32 v52, v24  }
0x4dc: {  	[tilespmem:v13+s13+$0x0] =	vst.idx.msk $0xffff, v23;
	v13 =	vor.u32 v51, v22  }
0x4dd: {  	v25 =	vor.u32 v32, v20  }
0x4de: {  	v5 =	vor.u32 s24, v5  }
0x4df: {  	v9 =	vld.idx.msk [tilespmem:v9+s3+$0x0], $0xffff;
	v26 =	vor.u32 v6, v5  }
0x4e0: {  	v11 =	vld.idx.msk [tilespmem:v11+s3+$0x0], $0xffff;
	v19 =	vor.u32 v1, v14  }
0x4e1: {  	v13 =	vld.idx.msk [tilespmem:v13+s3+$0x0], $0xffff;
	v21 =	vor.u32 v17, v16  }
0x4e2: {  	v23 =	vld.idx.msk [tilespmem:v25+s3+$0x0], $0xffff;
	v15 =	vor.u32 v15, v18;
	_ =	sdelay $0x1  }
0x4e3: {  	[tilespmem:v26+s13+$0x0] =	vst.idx.msk $0xffff, v9;
	v9 =	vld [tilespmem:$0x1F770]  }
0x4e4: {  	[tilespmem:v19+s13+$0x0] =	vst.idx.msk $0xffff, v11;
	v11 =	vor.u32 v54, v12  }
0x4e5: {  	[tilespmem:v21+s13+$0x0] =	vst.idx.msk $0xffff, v13;
	v13 =	vor.u32 v53, v24  }
0x4e6: {  	[tilespmem:v15+s13+$0x0] =	vst.idx.msk $0xffff, v23;
	v15 =	vor.u32 v52, v22  }
0x4e7: {  	v25 =	vor.u32 v51, v20  }
0x4e8: {  	v9 =	vor.u32 s24, v9  }
0x4e9: {  	v11 =	vld.idx.msk [tilespmem:v11+s3+$0x0], $0xffff;
	v26 =	vor.u32 v6, v9  }
0x4ea: {  	v13 =	vld.idx.msk [tilespmem:v13+s3+$0x0], $0xffff;
	v19 =	vor.u32 v5, v14  }
0x4eb: {  	v15 =	vld.idx.msk [tilespmem:v15+s3+$0x0], $0xffff;
	v21 =	vor.u32 v1, v16  }
0x4ec: {  	v23 =	vld.idx.msk [tilespmem:v25+s3+$0x0], $0xffff;
	v17 =	vor.u32 v17, v18;
	_ =	sdelay $0x1  }
0x4ed: {  	[tilespmem:v26+s13+$0x0] =	vst.idx.msk $0xffff, v11;
	v11 =	vld [tilespmem:$0x1FB00]  }
0x4ee: {  	[tilespmem:v19+s13+$0x0] =	vst.idx.msk $0xffff, v13;
	v13 =	vor.u32 v55, v12  }
0x4ef: {  	[tilespmem:v21+s13+$0x0] =	vst.idx.msk $0xffff, v15;
	v15 =	vor.u32 v54, v24  }
0x4f0: {  	[tilespmem:v17+s13+$0x0] =	vst.idx.msk $0xffff, v23;
	v17 =	vor.u32 v53, v22  }
0x4f1: {  	v25 =	vor.u32 v52, v20  }
0x4f2: {  	v11 =	vor.u32 s24, v11  }
0x4f3: {  	v13 =	vld.idx.msk [tilespmem:v13+s3+$0x0], $0xffff;
	v26 =	vor.u32 v6, v11  }
0x4f4: {  	v15 =	vld.idx.msk [tilespmem:v15+s3+$0x0], $0xffff;
	v19 =	vor.u32 v9, v14  }
0x4f5: {  	v17 =	vld.idx.msk [tilespmem:v17+s3+$0x0], $0xffff;
	v21 =	vor.u32 v5, v16  }
0x4f6: {  	v23 =	vld.idx.msk [tilespmem:v25+s3+$0x0], $0xffff;
	v1 =	vor.u32 v1, v18;
	_ =	sdelay $0x1  }
0x4f7: {  	[tilespmem:v26+s13+$0x0] =	vst.idx.msk $0xffff, v13;
	v13 =	vld [tilespmem:$0x1FB60]  }
0x4f8: {  	[tilespmem:v19+s13+$0x0] =	vst.idx.msk $0xffff, v15;
	v15 =	vor.u32 v56, v12  }
0x4f9: {  	[tilespmem:v21+s13+$0x0] =	vst.idx.msk $0xffff, v17;
	v17 =	vor.u32 v55, v24  }
0x4fa: {  	[tilespmem:v1+s13+$0x0] =	vst.idx.msk $0xffff, v23;
	v1 =	vor.u32 v54, v22  }
0x4fb: {  	v25 =	vor.u32 v53, v20  }
0x4fc: {  	v13 =	vor.u32 s24, v13  }
0x4fd: {  	v15 =	vld.idx.msk [tilespmem:v15+s3+$0x0], $0xffff;
	v26 =	vor.u32 v6, v13  }
0x4fe: {  	v17 =	vld.idx.msk [tilespmem:v17+s3+$0x0], $0xffff;
	v19 =	vor.u32 v11, v14  }
0x4ff: {  	v1 =	vld.idx.msk [tilespmem:v1+s3+$0x0], $0xffff;
	v21 =	vor.u32 v9, v16  }
0x500: {  	v23 =	vld.idx.msk [tilespmem:v25+s3+$0x0], $0xffff;
	v5 =	vor.u32 v5, v18;
	_ =	sdelay $0x1  }
0x501: {  	[tilespmem:v26+s13+$0x0] =	vst.idx.msk $0xffff, v15;
	v15 =	vld [tilespmem:$0x1FB80]  }
0x502: {  	[tilespmem:v19+s13+$0x0] =	vst.idx.msk $0xffff, v17;
	v17 =	vor.u32 v57, v12  }
0x503: {  	[tilespmem:v21+s13+$0x0] =	vst.idx.msk $0xffff, v1;
	v1 =	vor.u32 v56, v24  }
0x504: {  	[tilespmem:v5+s13+$0x0] =	vst.idx.msk $0xffff, v23;
	v5 =	vor.u32 v55, v22  }
0x505: {  	v25 =	vor.u32 v54, v20  }
0x506: {  	v15 =	vor.u32 s24, v15  }
0x507: {  	v17 =	vld.idx.msk [tilespmem:v17+s3+$0x0], $0xffff;
	v26 =	vor.u32 v6, v15  }
0x508: {  	v1 =	vld.idx.msk [tilespmem:v1+s3+$0x0], $0xffff;
	v19 =	vor.u32 v13, v14  }
0x509: {  	v5 =	vld.idx.msk [tilespmem:v5+s3+$0x0], $0xffff;
	v21 =	vor.u32 v11, v16  }
0x50a: {  	v23 =	vld.idx.msk [tilespmem:v25+s3+$0x0], $0xffff;
	v9 =	vor.u32 v9, v18;
	_ =	sdelay $0x1  }
0x50b: {  	[tilespmem:v26+s13+$0x0] =	vst.idx.msk $0xffff, v17;
	v17 =	vld [tilespmem:$0x1FB90]  }
0x50c: {  	[tilespmem:v19+s13+$0x0] =	vst.idx.msk $0xffff, v1;
	v1 =	vor.u32 v63, v12  }
0x50d: {  	[tilespmem:v21+s13+$0x0] =	vst.idx.msk $0xffff, v5;
	v5 =	vor.u32 v57, v24  }
0x50e: {  	[tilespmem:v9+s13+$0x0] =	vst.idx.msk $0xffff, v23;
	v9 =	vor.u32 v56, v22  }
0x50f: {  	v25 =	vor.u32 v55, v20  }
0x510: {  	v17 =	vor.u32 s24, v17  }
0x511: {  	v1 =	vld.idx.msk [tilespmem:v1+s3+$0x0], $0xffff;
	v26 =	vor.u32 v6, v17  }
0x512: {  	v5 =	vld.idx.msk [tilespmem:v5+s3+$0x0], $0xffff;
	v19 =	vor.u32 v15, v14  }
0x513: {  	v9 =	vld.idx.msk [tilespmem:v9+s3+$0x0], $0xffff;
	v21 =	vor.u32 v13, v16  }
0x514: {  	v23 =	vld.idx.msk [tilespmem:v25+s3+$0x0], $0xffff;
	v11 =	vor.u32 v11, v18;
	_ =	sdelay $0x1  }
0x515: {  	[tilespmem:v26+s13+$0x0] =	vst.idx.msk $0xffff, v1;
	v1 =	vld [tilespmem:$0x1FBA0]  }
0x516: {  	[tilespmem:v19+s13+$0x0] =	vst.idx.msk $0xffff, v5;
	v5 =	vor.u32 v48, v12  }
0x517: {  	[tilespmem:v21+s13+$0x0] =	vst.idx.msk $0xffff, v9;
	v9 =	vor.u32 v63, v24  }
0x518: {  	[tilespmem:v11+s13+$0x0] =	vst.idx.msk $0xffff, v23;
	v11 =	vor.u32 v57, v22  }
0x519: {  	v25 =	vor.u32 v56, v20  }
0x51a: {  	v1 =	vor.u32 s24, v1  }
0x51b: {  	v5 =	vld.idx.msk [tilespmem:v5+s3+$0x0], $0xffff;
	v26 =	vor.u32 v6, v1  }
0x51c: {  	v9 =	vld.idx.msk [tilespmem:v9+s3+$0x0], $0xffff;
	v19 =	vor.u32 v17, v14  }
0x51d: {  	v11 =	vld.idx.msk [tilespmem:v11+s3+$0x0], $0xffff;
	v21 =	vor.u32 v15, v16  }
0x51e: {  	v23 =	vld.idx.msk [tilespmem:v25+s3+$0x0], $0xffff;
	v13 =	vor.u32 v13, v18;
	_ =	sdelay $0x1  }
0x51f: {  	[tilespmem:v26+s13+$0x0] =	vst.idx.msk $0xffff, v5;
	v5 =	vld [tilespmem:$0x1FBB0]  }
0x520: {  	[tilespmem:v19+s13+$0x0] =	vst.idx.msk $0xffff, v9;
	v9 =	vor.u32 v38, v12  }
0x521: {  	[tilespmem:v21+s13+$0x0] =	vst.idx.msk $0xffff, v11;
	v11 =	vor.u32 v48, v24  }
0x522: {  	[tilespmem:v13+s13+$0x0] =	vst.idx.msk $0xffff, v23;
	v13 =	vor.u32 v63, v22  }
0x523: {  	v25 =	vor.u32 v57, v20  }
0x524: {  	v5 =	vor.u32 s24, v5  }
0x525: {  	v9 =	vld.idx.msk [tilespmem:v9+s3+$0x0], $0xffff;
	v26 =	vor.u32 v6, v5  }
0x526: {  	v11 =	vld.idx.msk [tilespmem:v11+s3+$0x0], $0xffff;
	v19 =	vor.u32 v1, v14  }
0x527: {  	v13 =	vld.idx.msk [tilespmem:v13+s3+$0x0], $0xffff;
	v21 =	vor.u32 v17, v16  }
0x528: {  	v23 =	vld.idx.msk [tilespmem:v25+s3+$0x0], $0xffff;
	v15 =	vor.u32 v15, v18;
	_ =	sdelay $0x1  }
0x529: {  	[tilespmem:v26+s13+$0x0] =	vst.idx.msk $0xffff, v9;
	v9 =	vld [tilespmem:$0x1FBC0]  }
0x52a: {  	[tilespmem:v19+s13+$0x0] =	vst.idx.msk $0xffff, v11;
	v11 =	vor.u32 v37, v12  }
0x52b: {  	[tilespmem:v21+s13+$0x0] =	vst.idx.msk $0xffff, v13;
	v13 =	vor.u32 v38, v24  }
0x52c: {  	[tilespmem:v15+s13+$0x0] =	vst.idx.msk $0xffff, v23;
	v15 =	vor.u32 v48, v22  }
0x52d: {  	v25 =	vor.u32 v63, v20  }
0x52e: {  	v9 =	vor.u32 s24, v9  }
0x52f: {  	v11 =	vld.idx.msk [tilespmem:v11+s3+$0x0], $0xffff;
	v26 =	vor.u32 v6, v9  }
0x530: {  	v13 =	vld.idx.msk [tilespmem:v13+s3+$0x0], $0xffff;
	v19 =	vor.u32 v5, v14  }
0x531: {  	v15 =	vld.idx.msk [tilespmem:v15+s3+$0x0], $0xffff;
	v21 =	vor.u32 v1, v16  }
0x532: {  	v23 =	vld.idx.msk [tilespmem:v25+s3+$0x0], $0xffff;
	v17 =	vor.u32 v17, v18;
	_ =	sdelay $0x1  }
0x533: {  	[tilespmem:v26+s13+$0x0] =	vst.idx.msk $0xffff, v11;
	v11 =	vld [tilespmem:$0x1FBD0]  }
0x534: {  	[tilespmem:v19+s13+$0x0] =	vst.idx.msk $0xffff, v13;
	v13 =	vor.u32 v39, v12  }
0x535: {  	[tilespmem:v21+s13+$0x0] =	vst.idx.msk $0xffff, v15;
	v15 =	vor.u32 v37, v24  }
0x536: {  	[tilespmem:v17+s13+$0x0] =	vst.idx.msk $0xffff, v23;
	v17 =	vor.u32 v38, v22  }
0x537: {  	v25 =	vor.u32 v48, v20  }
0x538: {  	v11 =	vor.u32 s24, v11  }
0x539: {  	v13 =	vld.idx.msk [tilespmem:v13+s3+$0x0], $0xffff;
	v26 =	vor.u32 v6, v11  }
0x53a: {  	v15 =	vld.idx.msk [tilespmem:v15+s3+$0x0], $0xffff;
	v19 =	vor.u32 v9, v14  }
0x53b: {  	v17 =	vld.idx.msk [tilespmem:v17+s3+$0x0], $0xffff;
	v21 =	vor.u32 v5, v16  }
0x53c: {  	v23 =	vld.idx.msk [tilespmem:v25+s3+$0x0], $0xffff;
	v1 =	vor.u32 v1, v18;
	_ =	sdelay $0x1  }
0x53d: {  	[tilespmem:v26+s13+$0x0] =	vst.idx.msk $0xffff, v13;
	v13 =	vld [tilespmem:$0x1FBE0]  }
0x53e: {  	[tilespmem:v19+s13+$0x0] =	vst.idx.msk $0xffff, v15;
	v15 =	vor.u32 v40, v12  }
0x53f: {  	[tilespmem:v21+s13+$0x0] =	vst.idx.msk $0xffff, v17;
	v17 =	vor.u32 v39, v24  }
0x540: {  	[tilespmem:v1+s13+$0x0] =	vst.idx.msk $0xffff, v23;
	v1 =	vor.u32 v37, v22  }
0x541: {  	v25 =	vor.u32 v38, v20  }
0x542: {  	v13 =	vor.u32 s24, v13  }
0x543: {  	v15 =	vld.idx.msk [tilespmem:v15+s3+$0x0], $0xffff;
	v26 =	vor.u32 v6, v13  }
0x544: {  	v17 =	vld.idx.msk [tilespmem:v17+s3+$0x0], $0xffff;
	v19 =	vor.u32 v11, v14  }
0x545: {  	v1 =	vld.idx.msk [tilespmem:v1+s3+$0x0], $0xffff;
	v21 =	vor.u32 v9, v16  }
0x546: {  	v23 =	vld.idx.msk [tilespmem:v25+s3+$0x0], $0xffff;
	v5 =	vor.u32 v5, v18;
	_ =	sdelay $0x1  }
0x547: {  	[tilespmem:v26+s13+$0x0] =	vst.idx.msk $0xffff, v15;
	v15 =	vld [tilespmem:$0x1FBF0]  }
0x548: {  	[tilespmem:v19+s13+$0x0] =	vst.idx.msk $0xffff, v17;
	v17 =	vor.u32 v42, v12  }
0x549: {  	[tilespmem:v21+s13+$0x0] =	vst.idx.msk $0xffff, v1;
	v1 =	vor.u32 v40, v24  }
0x54a: {  	[tilespmem:v5+s13+$0x0] =	vst.idx.msk $0xffff, v23;
	v5 =	vor.u32 v39, v22  }
0x54b: {  	v25 =	vor.u32 v37, v20  }
0x54c: {  	v15 =	vor.u32 s24, v15  }
0x54d: {  	v17 =	vld.idx.msk [tilespmem:v17+s3+$0x0], $0xffff;
	v26 =	vor.u32 v6, v15  }
0x54e: {  	v1 =	vld.idx.msk [tilespmem:v1+s3+$0x0], $0xffff;
	v19 =	vor.u32 v13, v14  }
0x54f: {  	v5 =	vld.idx.msk [tilespmem:v5+s3+$0x0], $0xffff;
	v21 =	vor.u32 v11, v16  }
0x550: {  	v23 =	vld.idx.msk [tilespmem:v25+s3+$0x0], $0xffff;
	v9 =	vor.u32 v9, v18;
	_ =	sdelay $0x1  }
0x551: {  	[tilespmem:v26+s13+$0x0] =	vst.idx.msk $0xffff, v17;
	v17 =	vld [tilespmem:$0x1FC00]  }
0x552: {  	[tilespmem:v19+s13+$0x0] =	vst.idx.msk $0xffff, v1;
	v1 =	vor.u32 v44, v12  }
0x553: {  	[tilespmem:v21+s13+$0x0] =	vst.idx.msk $0xffff, v5;
	v5 =	vor.u32 v42, v24  }
0x554: {  	[tilespmem:v9+s13+$0x0] =	vst.idx.msk $0xffff, v23;
	v9 =	vor.u32 v40, v22  }
0x555: {  	v25 =	vor.u32 v39, v20  }
0x556: {  	v17 =	vor.u32 s24, v17  }
0x557: {  	v1 =	vld.idx.msk [tilespmem:v1+s3+$0x0], $0xffff;
	v26 =	vor.u32 v6, v17  }
0x558: {  	v5 =	vld.idx.msk [tilespmem:v5+s3+$0x0], $0xffff;
	v19 =	vor.u32 v15, v14  }
0x559: {  	v9 =	vld.idx.msk [tilespmem:v9+s3+$0x0], $0xffff;
	v21 =	vor.u32 v13, v16  }
0x55a: {  	v23 =	vld.idx.msk [tilespmem:v25+s3+$0x0], $0xffff;
	v11 =	vor.u32 v11, v18;
	_ =	sdelay $0x1  }
0x55b: {  	[tilespmem:v26+s13+$0x0] =	vst.idx.msk $0xffff, v1;
	v1 =	vld [tilespmem:$0x1FC10]  }
0x55c: {  	[tilespmem:v19+s13+$0x0] =	vst.idx.msk $0xffff, v5;
	v5 =	vor.u32 v45, v12  }
0x55d: {  	[tilespmem:v21+s13+$0x0] =	vst.idx.msk $0xffff, v9;
	v9 =	vor.u32 v44, v24  }
0x55e: {  	[tilespmem:v11+s13+$0x0] =	vst.idx.msk $0xffff, v23;
	v11 =	vor.u32 v42, v22  }
0x55f: {  	v25 =	vor.u32 v40, v20  }
0x560: {  	v1 =	vor.u32 s24, v1  }
0x561: {  	v5 =	vld.idx.msk [tilespmem:v5+s3+$0x0], $0xffff;
	v26 =	vor.u32 v6, v1  }
0x562: {  	v9 =	vld.idx.msk [tilespmem:v9+s3+$0x0], $0xffff;
	v19 =	vor.u32 v17, v14  }
0x563: {  	v11 =	vld.idx.msk [tilespmem:v11+s3+$0x0], $0xffff;
	v21 =	vor.u32 v15, v16  }
0x564: {  	v23 =	vld.idx.msk [tilespmem:v25+s3+$0x0], $0xffff;
	v13 =	vor.u32 v13, v18;
	_ =	sdelay $0x1  }
0x565: {  	[tilespmem:v26+s13+$0x0] =	vst.idx.msk $0xffff, v5;
	v5 =	vld [tilespmem:$0x1FC20]  }
0x566: {  	[tilespmem:v19+s13+$0x0] =	vst.idx.msk $0xffff, v9;
	v9 =	vor.u32 v46, v12  }
0x567: {  	[tilespmem:v21+s13+$0x0] =	vst.idx.msk $0xffff, v11;
	v11 =	vor.u32 v45, v24  }
0x568: {  	[tilespmem:v13+s13+$0x0] =	vst.idx.msk $0xffff, v23;
	v13 =	vor.u32 v44, v22  }
0x569: {  	v25 =	vor.u32 v42, v20  }
0x56a: {  	v5 =	vor.u32 s24, v5  }
0x56b: {  	v9 =	vld.idx.msk [tilespmem:v9+s3+$0x0], $0xffff;
	v26 =	vor.u32 v6, v5  }
0x56c: {  	v11 =	vld.idx.msk [tilespmem:v11+s3+$0x0], $0xffff;
	v19 =	vor.u32 v1, v14  }
0x56d: {  	v13 =	vld.idx.msk [tilespmem:v13+s3+$0x0], $0xffff;
	v21 =	vor.u32 v17, v16  }
0x56e: {  	v23 =	vld.idx.msk [tilespmem:v25+s3+$0x0], $0xffff;
	v15 =	vor.u32 v15, v18;
	_ =	sdelay $0x1  }
0x56f: {  	[tilespmem:v26+s13+$0x0] =	vst.idx.msk $0xffff, v9;
	v9 =	vld [tilespmem:$0x1FC30]  }
0x570: {  	[tilespmem:v19+s13+$0x0] =	vst.idx.msk $0xffff, v11;
	v11 =	vor.u32 v47, v12  }
0x571: {  	[tilespmem:v21+s13+$0x0] =	vst.idx.msk $0xffff, v13;
	v13 =	vor.u32 v46, v24  }
0x572: {  	[tilespmem:v15+s13+$0x0] =	vst.idx.msk $0xffff, v23;
	v15 =	vor.u32 v45, v22  }
0x573: {  	v25 =	vor.u32 v44, v20  }
0x574: {  	v9 =	vor.u32 s24, v9  }
0x575: {  	v11 =	vld.idx.msk [tilespmem:v11+s3+$0x0], $0xffff;
	v26 =	vor.u32 v6, v9  }
0x576: {  	v13 =	vld.idx.msk [tilespmem:v13+s3+$0x0], $0xffff;
	v19 =	vor.u32 v5, v14  }
0x577: {  	v15 =	vld.idx.msk [tilespmem:v15+s3+$0x0], $0xffff;
	v21 =	vor.u32 v1, v16  }
0x578: {  	v23 =	vld.idx.msk [tilespmem:v25+s3+$0x0], $0xffff;
	v17 =	vor.u32 v17, v18;
	_ =	sdelay $0x1  }
0x579: {  	[tilespmem:v26+s13+$0x0] =	vst.idx.msk $0xffff, v11;
	v11 =	vld [tilespmem:$0x1F7B0]  }
0x57a: {  	[tilespmem:v19+s13+$0x0] =	vst.idx.msk $0xffff, v13;
	v13 =	vor.u32 v58, v12  }
0x57b: {  	[tilespmem:v21+s13+$0x0] =	vst.idx.msk $0xffff, v15;
	v15 =	vor.u32 v47, v24  }
0x57c: {  	[tilespmem:v17+s13+$0x0] =	vst.idx.msk $0xffff, v23;
	v17 =	vor.u32 v46, v22  }
0x57d: {  	v25 =	vor.u32 v45, v20  }
0x57e: {  	v11 =	vor.u32 s24, v11  }
0x57f: {  	v13 =	vld.idx.msk [tilespmem:v13+s3+$0x0], $0xffff;
	v26 =	vor.u32 v6, v11  }
0x580: {  	v15 =	vld.idx.msk [tilespmem:v15+s3+$0x0], $0xffff;
	v19 =	vor.u32 v9, v14  }
0x581: {  	v17 =	vld.idx.msk [tilespmem:v17+s3+$0x0], $0xffff;
	v21 =	vor.u32 v5, v16  }
0x582: {  	v23 =	vld.idx.msk [tilespmem:v25+s3+$0x0], $0xffff;
	v1 =	vor.u32 v1, v18;
	_ =	sdelay $0x1  }
0x583: {  	[tilespmem:v26+s13+$0x0] =	vst.idx.msk $0xffff, v13;
	v13 =	vld [tilespmem:$0x1F7C0]  }
0x584: {  	[tilespmem:v19+s13+$0x0] =	vst.idx.msk $0xffff, v15;
	v15 =	vor.u32 v60, v12  }
0x585: {  	[tilespmem:v21+s13+$0x0] =	vst.idx.msk $0xffff, v17;
	v17 =	vor.u32 v58, v24  }
0x586: {  	[tilespmem:v1+s13+$0x0] =	vst.idx.msk $0xffff, v23;
	v1 =	vor.u32 v47, v22  }
0x587: {  	v25 =	vor.u32 v46, v20  }
0x588: {  	v13 =	vor.u32 s24, v13  }
0x589: {  	v15 =	vld.idx.msk [tilespmem:v15+s3+$0x0], $0xffff;
	v26 =	vor.u32 v6, v13  }
0x58a: {  	v17 =	vld.idx.msk [tilespmem:v17+s3+$0x0], $0xffff;
	v19 =	vor.u32 v11, v14  }
0x58b: {  	v1 =	vld.idx.msk [tilespmem:v1+s3+$0x0], $0xffff;
	v21 =	vor.u32 v9, v16  }
0x58c: {  	v23 =	vld.idx.msk [tilespmem:v25+s3+$0x0], $0xffff;
	v5 =	vor.u32 v5, v18;
	_ =	sdelay $0x1  }
0x58d: {  	[tilespmem:v26+s13+$0x0] =	vst.idx.msk $0xffff, v15;
	v15 =	vld [tilespmem:$0x1FC40]  }
0x58e: {  	[tilespmem:v19+s13+$0x0] =	vst.idx.msk $0xffff, v17;
	v17 =	vor.u32 v49, v12  }
0x58f: {  	[tilespmem:v21+s13+$0x0] =	vst.idx.msk $0xffff, v1;
	v1 =	vor.u32 v60, v24  }
0x590: {  	[tilespmem:v5+s13+$0x0] =	vst.idx.msk $0xffff, v23;
	v5 =	vor.u32 v58, v22  }
0x591: {  	v25 =	vor.u32 v47, v20  }
0x592: {  	v15 =	vor.u32 s24, v15  }
0x593: {  	v17 =	vld.idx.msk [tilespmem:v17+s3+$0x0], $0xffff;
	v26 =	vor.u32 v6, v15  }
0x594: {  	v1 =	vld.idx.msk [tilespmem:v1+s3+$0x0], $0xffff;
	v19 =	vor.u32 v13, v14  }
0x595: {  	v5 =	vld.idx.msk [tilespmem:v5+s3+$0x0], $0xffff;
	v21 =	vor.u32 v11, v16  }
0x596: {  	v23 =	vld.idx.msk [tilespmem:v25+s3+$0x0], $0xffff;
	v9 =	vor.u32 v9, v18;
	_ =	sdelay $0x1  }
0x597: {  	[tilespmem:v26+s13+$0x0] =	vst.idx.msk $0xffff, v17;
	v17 =	vld [tilespmem:$0x1FC50]  }
0x598: {  	[tilespmem:v19+s13+$0x0] =	vst.idx.msk $0xffff, v1;
	v1 =	vor.u32 v50, v12  }
0x599: {  	[tilespmem:v21+s13+$0x0] =	vst.idx.msk $0xffff, v5;
	v5 =	vor.u32 v49, v24  }
0x59a: {  	[tilespmem:v9+s13+$0x0] =	vst.idx.msk $0xffff, v23;
	v9 =	vor.u32 v60, v22  }
0x59b: {  	v25 =	vor.u32 v58, v20  }
0x59c: {  	v17 =	vor.u32 s24, v17  }
0x59d: {  	v1 =	vld.idx.msk [tilespmem:v1+s3+$0x0], $0xffff;
	v26 =	vor.u32 v6, v17  }
0x59e: {  	v5 =	vld.idx.msk [tilespmem:v5+s3+$0x0], $0xffff;
	v19 =	vor.u32 v15, v14  }
0x59f: {  	v9 =	vld.idx.msk [tilespmem:v9+s3+$0x0], $0xffff;
	v21 =	vor.u32 v13, v16  }
0x5a0: {  	v23 =	vld.idx.msk [tilespmem:v25+s3+$0x0], $0xffff;
	v11 =	vor.u32 v11, v18;
	_ =	sdelay $0x1  }
0x5a1: {  	[tilespmem:v26+s13+$0x0] =	vst.idx.msk $0xffff, v1;
	v1 =	vld [tilespmem:$0x1FC60]  }
0x5a2: {  	[tilespmem:v19+s13+$0x0] =	vst.idx.msk $0xffff, v5;
	v5 =	vor.u32 v28, v12  }
0x5a3: {  	[tilespmem:v21+s13+$0x0] =	vst.idx.msk $0xffff, v9;
	v9 =	vor.u32 v50, v24  }
0x5a4: {  	[tilespmem:v11+s13+$0x0] =	vst.idx.msk $0xffff, v23;
	v11 =	vor.u32 v49, v22  }
0x5a5: {  	v25 =	vor.u32 v60, v20  }
0x5a6: {  	v1 =	vor.u32 s24, v1  }
0x5a7: {  	v5 =	vld.idx.msk [tilespmem:v5+s3+$0x0], $0xffff;
	v26 =	vor.u32 v6, v1  }
0x5a8: {  	v9 =	vld.idx.msk [tilespmem:v9+s3+$0x0], $0xffff;
	v19 =	vor.u32 v17, v14  }
0x5a9: {  	v11 =	vld.idx.msk [tilespmem:v11+s3+$0x0], $0xffff;
	v21 =	vor.u32 v15, v16  }
0x5aa: {  	v23 =	vld.idx.msk [tilespmem:v25+s3+$0x0], $0xffff;
	v13 =	vor.u32 v13, v18;
	_ =	sdelay $0x1  }
0x5ab: {  	[tilespmem:v26+s13+$0x0] =	vst.idx.msk $0xffff, v5;
	v5 =	vld [tilespmem:$0x1FC70]  }
0x5ac: {  	[tilespmem:v19+s13+$0x0] =	vst.idx.msk $0xffff, v9;
	v9 =	vor.u32 v29, v12  }
0x5ad: {  	[tilespmem:v21+s13+$0x0] =	vst.idx.msk $0xffff, v11;
	v11 =	vor.u32 v28, v24  }
0x5ae: {  	[tilespmem:v13+s13+$0x0] =	vst.idx.msk $0xffff, v23;
	v13 =	vor.u32 v50, v22  }
0x5af: {  	v25 =	vor.u32 v49, v20  }
0x5b0: {  	v5 =	vor.u32 s24, v5  }
0x5b1: {  	v9 =	vld.idx.msk [tilespmem:v9+s3+$0x0], $0xffff;
	v26 =	vor.u32 v6, v5  }
0x5b2: {  	v11 =	vld.idx.msk [tilespmem:v11+s3+$0x0], $0xffff;
	v19 =	vor.u32 v1, v14  }
0x5b3: {  	v13 =	vld.idx.msk [tilespmem:v13+s3+$0x0], $0xffff;
	v21 =	vor.u32 v17, v16  }
0x5b4: {  	v23 =	vld.idx.msk [tilespmem:v25+s3+$0x0], $0xffff;
	v15 =	vor.u32 v15, v18;
	_ =	sdelay $0x1  }
0x5b5: {  	[tilespmem:v26+s13+$0x0] =	vst.idx.msk $0xffff, v9;
	v9 =	vld [tilespmem:$0x1FC80]  }
0x5b6: {  	[tilespmem:v19+s13+$0x0] =	vst.idx.msk $0xffff, v11;
	v11 =	vor.u32 v33, v12  }
0x5b7: {  	[tilespmem:v21+s13+$0x0] =	vst.idx.msk $0xffff, v13;
	v13 =	vor.u32 v29, v24  }
0x5b8: {  	[tilespmem:v15+s13+$0x0] =	vst.idx.msk $0xffff, v23;
	v15 =	vor.u32 v28, v22  }
0x5b9: {  	v25 =	vor.u32 v50, v20  }
0x5ba: {  	v9 =	vor.u32 s24, v9  }
0x5bb: {  	v11 =	vld.idx.msk [tilespmem:v11+s3+$0x0], $0xffff;
	v26 =	vor.u32 v6, v9  }
0x5bc: {  	v13 =	vld.idx.msk [tilespmem:v13+s3+$0x0], $0xffff;
	v19 =	vor.u32 v5, v14  }
0x5bd: {  	v15 =	vld.idx.msk [tilespmem:v15+s3+$0x0], $0xffff;
	v21 =	vor.u32 v1, v16  }
0x5be: {  	v23 =	vld.idx.msk [tilespmem:v25+s3+$0x0], $0xffff;
	v17 =	vor.u32 v17, v18;
	_ =	sdelay $0x1  }
0x5bf: {  	[tilespmem:v26+s13+$0x0] =	vst.idx.msk $0xffff, v11;
	v11 =	vld [tilespmem:$0x1FC90]  }
0x5c0: {  	[tilespmem:v19+s13+$0x0] =	vst.idx.msk $0xffff, v13;
	v13 =	vor.u32 v34, v12  }
0x5c1: {  	[tilespmem:v21+s13+$0x0] =	vst.idx.msk $0xffff, v15;
	v15 =	vor.u32 v33, v24  }
0x5c2: {  	[tilespmem:v17+s13+$0x0] =	vst.idx.msk $0xffff, v23;
	v17 =	vor.u32 v29, v22  }
0x5c3: {  	v25 =	vor.u32 v28, v20  }
0x5c4: {  	v11 =	vor.u32 s24, v11  }
0x5c5: {  	v13 =	vld.idx.msk [tilespmem:v13+s3+$0x0], $0xffff;
	v26 =	vor.u32 v6, v11  }
0x5c6: {  	v15 =	vld.idx.msk [tilespmem:v15+s3+$0x0], $0xffff;
	v19 =	vor.u32 v9, v14  }
0x5c7: {  	v17 =	vld.idx.msk [tilespmem:v17+s3+$0x0], $0xffff;
	v21 =	vor.u32 v5, v16  }
0x5c8: {  	v23 =	vld.idx.msk [tilespmem:v25+s3+$0x0], $0xffff;
	v1 =	vor.u32 v1, v18;
	_ =	sdelay $0x1  }
0x5c9: {  	[tilespmem:v26+s13+$0x0] =	vst.idx.msk $0xffff, v13;
	v13 =	vld [tilespmem:$0x1FCA0]  }
0x5ca: {  	[tilespmem:v19+s13+$0x0] =	vst.idx.msk $0xffff, v15;
	v15 =	vor.u32 v3, v12  }
0x5cb: {  	[tilespmem:v21+s13+$0x0] =	vst.idx.msk $0xffff, v17;
	v17 =	vor.u32 v34, v24  }
0x5cc: {  	[tilespmem:v1+s13+$0x0] =	vst.idx.msk $0xffff, v23;
	v1 =	vor.u32 v33, v22  }
0x5cd: {  	v25 =	vor.u32 v29, v20  }
0x5ce: {  	v13 =	vor.u32 s24, v13  }
0x5cf: {  	v15 =	vld.idx.msk [tilespmem:v15+s3+$0x0], $0xffff;
	v26 =	vor.u32 v6, v13  }
0x5d0: {  	v17 =	vld.idx.msk [tilespmem:v17+s3+$0x0], $0xffff;
	v19 =	vor.u32 v11, v14  }
0x5d1: {  	v1 =	vld.idx.msk [tilespmem:v1+s3+$0x0], $0xffff;
	v21 =	vor.u32 v9, v16  }
0x5d2: {  	v23 =	vld.idx.msk [tilespmem:v25+s3+$0x0], $0xffff;
	v5 =	vor.u32 v5, v18;
	_ =	sdelay $0x1  }
0x5d3: {  	[tilespmem:v26+s13+$0x0] =	vst.idx.msk $0xffff, v15;
	v15 =	vld [tilespmem:$0x1FCB0]  }
0x5d4: {  	[tilespmem:v19+s13+$0x0] =	vst.idx.msk $0xffff, v17;
	v17 =	vor.u32 v7, v12  }
0x5d5: {  	[tilespmem:v21+s13+$0x0] =	vst.idx.msk $0xffff, v1;
	v1 =	vor.u32 v3, v24  }
0x5d6: {  	[tilespmem:v5+s13+$0x0] =	vst.idx.msk $0xffff, v23;
	v5 =	vor.u32 v34, v22  }
0x5d7: {  	v25 =	vor.u32 v33, v20  }
0x5d8: {  	v15 =	vor.u32 s24, v15  }
0x5d9: {  	v17 =	vld.idx.msk [tilespmem:v17+s3+$0x0], $0xffff;
	v26 =	vor.u32 v6, v15  }
0x5da: {  	v1 =	vld.idx.msk [tilespmem:v1+s3+$0x0], $0xffff;
	v19 =	vor.u32 v13, v14  }
0x5db: {  	v5 =	vld.idx.msk [tilespmem:v5+s3+$0x0], $0xffff;
	v21 =	vor.u32 v11, v16  }
0x5dc: {  	v23 =	vld.idx.msk [tilespmem:v25+s3+$0x0], $0xffff;
	v9 =	vor.u32 v9, v18;
	_ =	sdelay $0x1  }
0x5dd: {  	[tilespmem:v26+s13+$0x0] =	vst.idx.msk $0xffff, v17;
	v17 =	vld [tilespmem:$0x1FCC0]  }
0x5de: {  	[tilespmem:v19+s13+$0x0] =	vst.idx.msk $0xffff, v1;
	v1 =	vor.u32 v31, v12  }
0x5df: {  	[tilespmem:v21+s13+$0x0] =	vst.idx.msk $0xffff, v5;
	v5 =	vor.u32 v7, v24  }
0x5e0: {  	[tilespmem:v9+s13+$0x0] =	vst.idx.msk $0xffff, v23;
	v9 =	vor.u32 v3, v22  }
0x5e1: {  	v25 =	vor.u32 v34, v20  }
0x5e2: {  	v17 =	vor.u32 s24, v17  }
0x5e3: {  	v1 =	vld.idx.msk [tilespmem:v1+s3+$0x0], $0xffff;
	v26 =	vor.u32 v6, v17  }
0x5e4: {  	v5 =	vld.idx.msk [tilespmem:v5+s3+$0x0], $0xffff;
	v19 =	vor.u32 v15, v14  }
0x5e5: {  	v9 =	vld.idx.msk [tilespmem:v9+s3+$0x0], $0xffff;
	v21 =	vor.u32 v13, v16  }
0x5e6: {  	v23 =	vld.idx.msk [tilespmem:v25+s3+$0x0], $0xffff;
	v11 =	vor.u32 v11, v18;
	_ =	sdelay $0x1  }
0x5e7: {  	[tilespmem:v26+s13+$0x0] =	vst.idx.msk $0xffff, v1;
	v1 =	vld [tilespmem:$0x1FCD0]  }
0x5e8: {  	[tilespmem:v19+s13+$0x0] =	vst.idx.msk $0xffff, v5;
	v5 =	vor.u32 v35, v12  }
0x5e9: {  	[tilespmem:v21+s13+$0x0] =	vst.idx.msk $0xffff, v9;
	v9 =	vor.u32 v31, v24  }
0x5ea: {  	[tilespmem:v11+s13+$0x0] =	vst.idx.msk $0xffff, v23;
	v11 =	vor.u32 v7, v22  }
0x5eb: {  	v25 =	vor.u32 v3, v20  }
0x5ec: {  	v1 =	vor.u32 s24, v1  }
0x5ed: {  	v5 =	vld.idx.msk [tilespmem:v5+s3+$0x0], $0xffff;
	v26 =	vor.u32 v6, v1  }
0x5ee: {  	v9 =	vld.idx.msk [tilespmem:v9+s3+$0x0], $0xffff;
	v19 =	vor.u32 v17, v14  }
0x5ef: {  	v11 =	vld.idx.msk [tilespmem:v11+s3+$0x0], $0xffff;
	v21 =	vor.u32 v15, v16  }
0x5f0: {  	v23 =	vld.idx.msk [tilespmem:v25+s3+$0x0], $0xffff;
	v13 =	vor.u32 v13, v18  }
0x5f1: {  	v25 =	vor.u32 v7, v20  }
0x5f2: {  	[tilespmem:v26+s13+$0x0] =	vst.idx.msk $0xffff, v5;
	v5 =	vld [tilespmem:$0x1FCE0]  }
0x5f3: {  	[tilespmem:v19+s13+$0x0] =	vst.idx.msk $0xffff, v9;
	v9 =	vor.u32 v36, v12  }
0x5f4: {  	[tilespmem:v21+s13+$0x0] =	vst.idx.msk $0xffff, v11;
	v11 =	vor.u32 v35, v24  }
0x5f5: {  	[tilespmem:v13+s13+$0x0] =	vst.idx.msk $0xffff, v23;
	v13 =	vor.u32 v31, v22  }
0x5f6: {  	v23 =	vld.idx.msk [tilespmem:v25+s3+$0x0], $0xffff;
	v15 =	vor.u32 v15, v18  }
0x5f7: {  	v25 =	vor.u32 v31, v20;
	v5 =	vor.u32 s24, v5  }
0x5f8: {  	v9 =	vld.idx.msk [tilespmem:v9+s3+$0x0], $0xffff;
	v26 =	vor.u32 v6, v5  }
0x5f9: {  	v11 =	vld.idx.msk [tilespmem:v11+s3+$0x0], $0xffff;
	v19 =	vor.u32 v1, v14  }
0x5fa: {  	v13 =	vld.idx.msk [tilespmem:v13+s3+$0x0], $0xffff;
	v21 =	vor.u32 v17, v16  }
0x5fb: {  	[tilespmem:v15+s13+$0x0] =	vst.idx.msk $0xffff, v23  }
0x5fc: {  	v15 =	vor.u32 v35, v22;
	v23 =	vld.idx.msk [tilespmem:v25+s3+$0x0], $0xffff;
	v17 =	vor.u32 v17, v18  }
0x5fd: {  	v25 =	vor.u32 v35, v20;
	[tilespmem:v26+s13+$0x0] =	vst.idx.msk $0xffff, v9;
	v9 =	vld [tilespmem:$0x1FCF0]  }
0x5fe: {  	[tilespmem:v19+s13+$0x0] =	vst.idx.msk $0xffff, v11;
	v11 =	vor.u32 v0, v12  }
0x5ff: {  	[tilespmem:v21+s13+$0x0] =	vst.idx.msk $0xffff, v13;
	v13 =	vor.u32 v36, v24;
	_ =	sdelay $0x1  }
0x600: {  	[tilespmem:v17+s13+$0x0] =	vst.idx.msk $0xffff, v23;
	v15 =	vld.idx.msk [tilespmem:v15+s3+$0x0], $0xffff;
	v21 =	vor.u32 v1, v16  }
0x601: {  	v23 =	vld.idx.msk [tilespmem:v25+s3+$0x0], $0xffff;
	v1 =	vor.u32 v1, v18;
	v9 =	vor.u32 s24, v9  }
0x602: {  	v11 =	vld.idx.msk [tilespmem:v11+s3+$0x0], $0xffff;
	v26 =	vor.u32 v6, v9  }
0x603: {  	v17 =	vor.u32 v36, v22;
	v13 =	vld.idx.msk [tilespmem:v13+s3+$0x0], $0xffff;
	v19 =	vor.u32 v5, v14  }
0x604: {  	v25 =	vor.u32 v36, v20  }
0x605: {  	[tilespmem:v21+s13+$0x0] =	vst.idx.msk $0xffff, v15  }
0x606: {  	[tilespmem:v1+s13+$0x0] =	vst.idx.msk $0xffff, v23  }
0x607: {  	v15 =	vor.u32 v0, v24;
	[tilespmem:v26+s13+$0x0] =	vst.idx.msk $0xffff, v11;
	v11 =	vld [tilespmem:$0x1FD00]  }
0x608: {  	v17 =	vld.idx.msk [tilespmem:v17+s3+$0x0], $0xffff;
	v21 =	vor.u32 v5, v16;
	[tilespmem:v19+s13+$0x0] =	vst.idx.msk $0xffff, v13;
	v13 =	vor.u32 v2, v12  }
0x609: {  	v1 =	vor.u32 v0, v22;
	v23 =	vld.idx.msk [tilespmem:v25+s3+$0x0], $0xffff;
	v5 =	vor.u32 v5, v18  }
0x60a: {  	v25 =	vor.u32 v0, v20;
	_ =	sdelay $0x1  }
0x60b: {  	v15 =	vld.idx.msk [tilespmem:v15+s3+$0x0], $0xffff;
	v19 =	vor.u32 v9, v14;
	v11 =	vor.u32 s24, v11  }
0x60c: {  	[tilespmem:v21+s13+$0x0] =	vst.idx.msk $0xffff, v17;
	v13 =	vld.idx.msk [tilespmem:v13+s3+$0x0], $0xffff;
	v26 =	vor.u32 v6, v11  }
0x60d: {  	v17 =	vor.u32 v2, v24;
	[tilespmem:v5+s13+$0x0] =	vst.idx.msk $0xffff, v23;
	v1 =	vld.idx.msk [tilespmem:v1+s3+$0x0], $0xffff;
	v21 =	vor.u32 v9, v16  }
0x60e: {  	v5 =	vor.u32 v2, v22;
	v23 =	vld.idx.msk [tilespmem:v25+s3+$0x0], $0xffff;
	v9 =	vor.u32 v9, v18  }
0x60f: {  	v25 =	vor.u32 v2, v20  }
0x610: {  	[tilespmem:v19+s13+$0x0] =	vst.idx.msk $0xffff, v15  }
0x611: {  	[tilespmem:v26+s13+$0x0] =	vst.idx.msk $0xffff, v13;
	v26 =	vld [tilespmem:$0x1FFD0]  }
0x612: {  	v15 =	vor.u32 v4, v12;
	[tilespmem:v21+s13+$0x0] =	vst.idx.msk $0xffff, v1;
	v17 =	vld.idx.msk [tilespmem:v17+s3+$0x0], $0xffff;
	v19 =	vor.u32 v11, v14  }
0x613: {  	v1 =	vor.u32 v4, v24;
	[tilespmem:v9+s13+$0x0] =	vst.idx.msk $0xffff, v23;
	v5 =	vld.idx.msk [tilespmem:v5+s3+$0x0], $0xffff;
	v21 =	vor.u32 v11, v16  }
0x614: {  	v9 =	vor.u32 v4, v22;
	v23 =	vld.idx.msk [tilespmem:v25+s3+$0x0], $0xffff;
	v11 =	vor.u32 v11, v18  }
0x615: {  	v25 =	vor.u32 v4, v20  }
0x616: {  	v13 =	vor.u32 s24, v26  }
0x617: {  	[tilespmem:v19+s13+$0x0] =	vst.idx.msk $0xffff, v17;
	v15 =	vld.idx.msk [tilespmem:v15+s3+$0x0], $0xffff;
	v17 =	vor.u32 v6, v13  }
0x618: {  	[tilespmem:v21+s13+$0x0] =	vst.idx.msk $0xffff, v5;
	v5 =	vor.u32 v10, v12;
	v1 =	vld.idx.msk [tilespmem:v1+s3+$0x0], $0xffff;
	v12 =	vor.u32 v13, v14  }
0x619: {  	[tilespmem:v11+s13+$0x0] =	vst.idx.msk $0xffff, v23;
	v11 =	vor.u32 v10, v24;
	v9 =	vld.idx.msk [tilespmem:v9+s3+$0x0], $0xffff;
	v19 =	vor.u32 v13, v16  }
0x61a: {  	v21 =	vor.u32 v10, v22;
	v22 =	vld.idx.msk [tilespmem:v25+s3+$0x0], $0xffff  }
0x61b: {  	v25 =	vld [tilespmem:$0x1F830];
	v13 =	vor.u32 v13, v18  }
0x61c: {  	v20 =	vor.u32 v10, v20;
	[tilespmem:v17+s13+$0x0] =	vst.idx.msk $0xffff, v15;
	v17 =	vld [tilespmem:$0x1F820]  }
0x61d: {  	v15 =	vor.u32 s24, v8;
	[tilespmem:v12+s13+$0x0] =	vst.idx.msk $0xffff, v1;
	v1 =	vld.idx.msk [tilespmem:v5+s3+$0x0], $0xffff  }
0x61e: {  	[tilespmem:v19+s13+$0x0] =	vst.idx.msk $0xffff, v9;
	v5 =	vor.u32 v6, v15;
	v6 =	vld.idx.msk [tilespmem:v11+s3+$0x0], $0xffff  }
0x61f: {  	v9 =	vor.u32 v15, v14;
	v11 =	vld.idx.msk [tilespmem:v21+s3+$0x0], $0xffff  }
0x620: {  	[tilespmem:v13+s13+$0x0] =	vst.idx.msk $0xffff, v22;
	v12 =	vor.u32 v15, v16;
	v16 =	vld [tilespmem:$0x1F810]  }
0x621: {  	p0 =	slt.u32 s22, $0x1C;
	v13 =	vor.u32 v15, v18;
	v14 =	vld.idx.msk [tilespmem:v20+s3+$0x0], $0xffff  }
.Ltmp1:
0x622: {  	v18 =	vld [tilespmem:$0x1F840];
	(pc) =	sbr.rel @p0 .LBB2_6-.Ltmp1, $4  }
0x623: {  	v15 =	vld [tilespmem:$0x1F800];
	[tilespmem:v5+s13+$0x0] =	vst.idx.msk $0xffff, v1  }
0x624: {  	v20 =	vld [tilespmem:$0x1F850];
	[tilespmem:v9+s13+$0x0] =	vst.idx.msk $0xffff, v6  }
0x625: {  	v1 =	vld [tilespmem:$0x1FFE0];
	[tilespmem:v12+s13+$0x0] =	vst.idx.msk $0xffff, v11  }
0x626: {  	s23 =	sadd.s32 $0x40, s23;
	v11 =	vlaneseq.u32;
	[tilespmem:v13+s13+$0x0] =	vst.idx.msk $0xffff, v14;
	v14 =	vld [tilespmem:$0x1F7F0]  }
0x627: {  	s20 =	sadd.s32 $0x1, s20  }
0x628: {  	p0 =	sne.s32 s20, $0x19  }
.Ltmp2:
0x629: {  	s21 =	sshll.u32 s21, $0x14;
	(pc) =	sbr.rel @p0 .LBB2_3-.Ltmp2, $4  }
0x62a: {  	s21 =	sadd.s32 s18, s21  }
0x62b: {  	s21 =	sshrl.u32 s21, $0x3  }
0x62c: {  	s21 =	sadd.s32 s2, s21  }
0x62d: {  	[hbm4b:s21+s9] =	stream.strided.scatter [tilespmem:s13], [sflag:$0x2], $0x8000, s10, s9, $0x38;
	[tilespmem:$0x18E00] =	vst v63  }
0x62e: {  	s17 =	sadd.s32 $0x1, s17  }
0x62f: {  	p0 =	sne.s32 s17, $0x4  }
.Ltmp3:
0x630: {  	_ = 	snop;
	(pc) =	sbr.rel @p0 .LBB2_2-.Ltmp3, $1  }
0x631: {  	_ =	sdelay $0x3  }
0x632: {  	s16 =	sadd.s32 $0x1, s16  }
0x633: {  	_ =	swait.ge [sflag:s14], $0x8000;
	p0 =	sne.s32 s16, s7  }
.Ltmp4:
0x634: {  	[sflag:s14] =	ssyncset.done $0x0;
	(pc) =	sbr.rel @p0 .LBB2_1-.Ltmp4, $4  }
0x635: {  	[sflag:s14] =	ssyncadd.s32 $0xFFFF8000  }
0x636: {  	_ =	swait.ge [sflag:s15], $0x8000  }
0x637: {  	[sflag:s15] =	ssyncset.done $0x0  }
0x638: {  	[sflag:s15] =	ssyncadd.s32 $0xFFFF8000  }
0x639: {  	_ =	sfence.sel $0x180000  }
0x63a: {  	[bflag:$0x0] =	sbarrier.arrive $0xFFFF  }
0x63b: {  	p0 =	sne.s32 s4, $0x0;
	_ =	strace $0x90000047  }
0x63c: {  	s0 =	sadd.s32 @!p0 $0x100000, s1;
	[bflag:$0x2] =	sbarrier.arrive $0xFFFF  }
0x63d: {  	[sflag:s0] =	ssyncadd.tile.s32 @!p0 $0x1;
	_ =	shalt  }
.Lfunc_end2:
_tile_overlayer_lowered:
.L_overlay_start_2:
0x63e: {  	(tag) =	ssettag $0x2  }
0x63f: {  	s0 =	rddreg [dreg:$0x0];
	s2 =	stileid.u32  }
0x640: {  	s1 =	rddreg [dreg:$0x1];
	p0 =	sne.s32 s2, $0x0  }
0x641: {  	s3 =	rddreg [dreg:$0x2];
	[bflag:$0x3] =	sbarrier.arrive $0xFFFF;
	s2 =	simm.s32 @!p0 $0x1C03  }
0x642: {  	[timem:s3], [sflag:s2] =	dma.local @!p0 [hbm:s0], s1  }
0x643: {  	s0 =	simm.s32 @!p0 $0x3  }
0x644: {  	_ =	swait.ge @!p0 [sflag:s0], s1  }
0x645: {  	s1 =	ssub.s32 @!p0 $0x0, s1;
	[sflag:s0] =	ssyncset.done @!p0 $0x0  }
0x646: {  	[sflag:s0] =	ssyncadd.s32 @!p0 s1  }
0x647: {  	[bflag:$0x3] =	sbarrier.arrive $0xFFFF  }
0x648: {  	_ =	shalt  }

</sc_bundles>
